<compile_context>
chip_gen: v7x
topology: tpu7x:2x2x1
jax: 0.10.2.dev20260603
libtpu: 0.0.44.dev20260713+nightly
codegen_flags: <defaults>
</compile_context>

<pallas_src>
import dataclasses
import functools

import jax
import jax.numpy as jnp
from jax import lax
from jax.experimental import pallas as pl
from jax.experimental.pallas import tpu as pltpu
from jax.experimental.pallas import tpu_sc as plsc

_NC = 2
_NS = 16
_NW = _NC * _NS
_L = 16


def _tree_sum(vals):
    while len(vals) > 1:
        nxt = [a + b for a, b in zip(vals[::2], vals[1::2])]
        if len(vals) % 2:
            nxt.append(vals[-1])
        vals = nxt
    return vals[0]


@functools.partial(jax.jit, static_argnames=("total_chunks", "c_nodes", "s"))
def _sc_mean_gather(idx, table_p, *, total_chunks, c_nodes, s):
    rows = c_nodes * s
    _, d = table_p.shape
    b_out = total_chunks * c_nodes
    nbuf = 2
    t_max = -(-total_chunks // _NW)
    t_max += (-t_max) % nbuf
    scale = jnp.float32(1.0 / (float(s) + 1e-15))

    mesh = plsc.VectorSubcoreMesh(core_axis_name="c", subcore_axis_name="s",
                                  num_cores=_NC, num_subcores=_NS)

    cp = pltpu.CompilerParams()
    if "needs_layout_passes" in pltpu.CompilerParams.__dataclass_fields__:
        cp = dataclasses.replace(cp, needs_layout_passes=False)
    cp = dataclasses.replace(cp, use_tc_tiling_on_sc=False)

    @functools.partial(
        pl.kernel,
        out_type=jax.ShapeDtypeStruct((b_out, d), jnp.float32),
        mesh=mesh,
        compiler_params=cp,
        scratch_types=(
            [pltpu.VMEM((t_max * rows,), jnp.int32)]
            + [pltpu.VMEM((rows, d), jnp.bfloat16) for _ in range(nbuf)]
            + [pltpu.VMEM((c_nodes, d), jnp.float32) for _ in range(nbuf)]
            + [pltpu.SemaphoreType.DMA for _ in range(2 * nbuf)]
        ),
    )
    def k(idx_hbm, table_hbm, out_hbm, idx_v, *bufs):
        rows_v = bufs[:nbuf]
        out_v = bufs[nbuf:2 * nbuf]
        gsem = bufs[2 * nbuf:3 * nbuf]
        osem = bufs[3 * nbuf:4 * nbuf]

        iota2 = lax.iota(jnp.int32, _L) * 2
        wid = lax.axis_index("c") * _NS + lax.axis_index("s")
        start_w = (wid * total_chunks) // _NW
        n_w = ((wid + 1) * total_chunks) // _NW - start_w
        nm1 = n_w - 1

        pltpu.sync_copy(idx_hbm.at[pl.ds(start_w * rows, t_max * rows)],
                        idx_v)

        def gather(step_lc, b):
            return pltpu.make_async_copy(
                table_hbm.at[idx_v.at[pl.ds(step_lc * rows, rows)]],
                rows_v[b], gsem[b])

        def out_store(step_lc, b):
            return pltpu.make_async_copy(
                out_v[b],
                out_hbm.at[pl.ds((start_w + step_lc) * c_nodes, c_nodes)],
                osem[b])

        for b in range(nbuf):
            gather(lax.min(jnp.int32(b), nm1), b).start()

        @pl.loop(0, t_max // nbuf)
        def _steps(t):
            for b in range(nbuf):
                i = nbuf * t + b
                lc = lax.min(i, nm1)
                gather(lc, b).wait()

                @pl.when(t >= 1)
                def _():
                    out_store(lax.min(i - nbuf, nm1), b).wait()

                rv, ov = rows_v[b], out_v[b]
                for n in range(c_nodes):
                    for c in range(d // (2 * _L)):
                        sl = pl.ds(c * 2 * _L, 2 * _L)
                        terms = [rv[n * s + kk, sl] for kk in range(s)]
                        ev_f, od_f = plsc.unpack(
                            _tree_sum(terms), format=plsc.PackFormat.INTERLEAVED)
                        plsc.store_scatter(ov.at[n], [iota2 + (c * 2 * _L)],
                                           ev_f * scale)
                        plsc.store_scatter(ov.at[n], [iota2 + (c * 2 * _L + 1)],
                                           od_f * scale)

                out_store(lc, b).start()
                gather(lax.min(i + nbuf, nm1), b).start()

        for b in range(nbuf):
            gather(nm1, b).wait()
            out_store(nm1, b).wait()

    return k(idx, table_p)


def kernel(nodes, to_neighs, table):
    b, s = to_neighs.shape
    v, d = table.shape
    c_nodes = 8
    total_chunks = -(-b // c_nodes)
    idx = to_neighs.reshape(-1)
    if total_chunks * c_nodes != b:
        idx = jnp.pad(idx, (0, (total_chunks * c_nodes - b) * s))
    t_max = -(-total_chunks // _NW)
    t_max += (-t_max) % 2
    needed = (((_NW - 1) * total_chunks) // _NW + t_max) * c_nodes * s
    if needed > idx.shape[0]:
        idx = jnp.pad(idx, (0, needed - idx.shape[0]))
    table_p = table.astype(jnp.bfloat16)
    out = _sc_mean_gather(idx, table_p, total_chunks=total_chunks,
                          c_nodes=c_nodes, s=s)
    return out[:b] if total_chunks * c_nodes != b else out

# --- scband reference (transcript-rebuilt; emitter-appended) ---
"""Pipeline reference for scband-mean-aggregator-61899068670273 (READ-ONLY COPY).

The authoritative reference and input builder live on the scoring server;
editing this copy changes nothing except your own understanding.
"""

import jax, jax.numpy as jnp
import numpy as np

B = 50000   # batch of nodes
S = 10      # num_sample neighbors per node
V = 100000  # total nodes in graph (feature table rows)
D = 128     # d_feat


def setup_inputs(seed: int = 0) -> dict:
    key = jax.random.key(seed)
    k1, k2, k3 = jax.random.split(key, 3)
    nodes = jax.random.randint(k1, (B,), 0, V, dtype=jnp.int32)
    # to_neighs: fixed-size sampled neighbor sets (num_sample=10 per node)
    to_neighs = jax.random.randint(k2, (B, S), 0, V, dtype=jnp.int32)
    # 'features' callable materialized as an embedding table parameter
    table = jax.random.normal(k3, (V, D), dtype=jnp.float32)
    return {"nodes": nodes, "to_neighs": to_neighs, "table": table}


def reference(nodes, to_neighs, table):
    # samp_neighs -> gather neighbor features (sampling already materialized in to_neighs)
    # gcn=False so self-loops are not added; nodes unused in aggregation math
    feats = jnp.take(table, to_neighs, axis=0)          # [B, S, D], features(unique_nodes) gather
    embed_matrix = feats                                 # init_transform = identity
    # mask.mm(embed_matrix): each row of mask has S ones divided by num_neigh + 1e-15
    num_neigh = jnp.float32(S)
    to_feats = jnp.sum(embed_matrix, axis=1) / (num_neigh + 1e-15)  # [B, D]
    return to_feats

if __name__ == "__main__":
    import jax
    _d = setup_inputs()
    print(jax.jit(kernel)(*tuple(_d.values())))

</pallas_src>

<mosaic_0001>
#map = affine_map<(d0, d1) -> (0)>
#map1 = affine_map<(d0, d1) -> (0, 0)>
module attributes {stable_mosaic.version = 14 : i64} {
  func.func @_rewritten_body(%arg0: i32, %arg1: i32, %arg2: memref<500000xi32, #tpu.memory_space<hbm>>, %arg3: memref<100000x128xbf16, #tpu.memory_space<hbm>>, %arg4: memref<1xf32, #tpu.memory_space<hbm>>, %arg5: memref<50000x128xf32, #tpu.memory_space<hbm>>, %arg6: memref<15680xi32, #tpu.memory_space<vmem>>, %arg7: memref<80x128xbf16, #tpu.memory_space<vmem>>, %arg8: memref<80x128xbf16, #tpu.memory_space<vmem>>, %arg9: memref<8x128xf32, #tpu.memory_space<vmem>>, %arg10: memref<8x128xf32, #tpu.memory_space<vmem>>, %arg11: memref<!tpu.dma_semaphore, #tpu.memory_space<semaphore_mem>>, %arg12: memref<!tpu.dma_semaphore, #tpu.memory_space<semaphore_mem>>, %arg13: memref<!tpu.dma_semaphore, #tpu.memory_space<semaphore_mem>>, %arg14: memref<!tpu.dma_semaphore, #tpu.memory_space<semaphore_mem>>) attributes {dimension_semantics = [#tpu.dimension_semantics<core_parallel>, #tpu.dimension_semantics<subcore_parallel>], iteration_bounds = array<i64: 2, 16>, scalar_prefetch = 0 : i64, scratch_operands = 9 : i64, tpu.core_type = #tpu.core_type<sc_vector_subcore>, window_params = [{transform_indices = #map}, {transform_indices = #map1}, {transform_indices = #map}, {transform_indices = #map1}]} {
    %empty_ref3A = memref.alloca() : memref<16xf32, #tpu.memory_space<vmem>>
    "tpu.region"() ({
      %run_scoped3A = tpu.sem_alloc : memref<!tpu.dma_semaphore, #tpu.memory_space<semaphore_mem>>
      %dma_start3A_99 = arith.constant 0 : i32
      %dma_start3A_100 = tpu.memref_slice %empty_ref3A[%dma_start3A_99] : memref<16xf32, #tpu.memory_space<vmem>> -> memref<1xf32, #tpu.memory_space<vmem>>
      %dma_start3A_101 = arith.constant 0 : i32
      %dma_start3A_102 = tpu.memref_slice %empty_ref3A[%dma_start3A_101] : memref<16xf32, #tpu.memory_space<vmem>> -> memref<1xf32, #tpu.memory_space<vmem>>
      tpu.enqueue_dma source(%arg4 : memref<1xf32, #tpu.memory_space<hbm>>) target(%dma_start3A_102 : memref<1xf32, #tpu.memory_space<vmem>>) target_semaphore(%run_scoped3A : memref<!tpu.dma_semaphore, #tpu.memory_space<semaphore_mem>>)
      %dma_wait3A_103 = arith.constant 0 : i32
      %dma_wait3A_104 = tpu.memref_slice %empty_ref3A[%dma_wait3A_103] : memref<16xf32, #tpu.memory_space<vmem>> -> memref<1xf32, #tpu.memory_space<vmem>>
      %dma_wait3A_105 = arith.constant 0 : i32
      %dma_wait3A_106 = tpu.memref_slice %empty_ref3A[%dma_wait3A_105] : memref<16xf32, #tpu.memory_space<vmem>> -> memref<1xf32, #tpu.memory_space<vmem>>
      tpu.wait_dma2 semaphore(%run_scoped3A : memref<!tpu.dma_semaphore, #tpu.memory_space<semaphore_mem>>) src(%arg4 : memref<1xf32, #tpu.memory_space<hbm>>) dst(%dma_wait3A_106 : memref<1xf32, #tpu.memory_space<vmem>>)
      tpu.yield
    }) : () -> ()
    %get3A = arith.constant 0 : index
    %get3A_0 = tpu.vector_load %empty_ref3A[%get3A] {strides = array<i32>} : memref<16xf32, #tpu.memory_space<vmem>>, vector<16xf32>,
    %slice3A = vector.extract_strided_slice %get3A_0 {offsets = [0], sizes = [1], strides = [1]} : vector<16xf32> to vector<1xf32>
    %squeeze3A = vector.extract %slice3A[0] : f32 from vector<1xf32>
    %iota3A = tpu.iota {dimensions = array<i32: 0>} : vector<16xi32>
    %mul3A = arith.constant 2 : i32
    %mul3A_1 = vector.broadcast %mul3A : i32 to vector<16xi32>
    %mul3A_2 = arith.muli %iota3A, %mul3A_1 : vector<16xi32>
    %mul3A_3 = arith.constant 16 : i32
    %mul3A_4 = arith.muli %arg0, %mul3A_3 : i32
    %add3A = arith.addi %mul3A_4, %arg1 : i32
    %mul3A_5 = arith.constant 6250 : i32
    %mul3A_6 = arith.muli %add3A, %mul3A_5 : i32
    %jit3A = arith.constant 32 : i32
    %div3A = arith.divsi %mul3A_6, %jit3A : i32
    %sign3A = arith.constant 0 : i32
    %sign3A_7 = arith.cmpi sgt, %mul3A_6, %sign3A : i32
    %sign3A_8 = arith.extui %sign3A_7 : i1 to i32
    %sign3A_9 = arith.constant 0 : i32
    %sign3A_10 = arith.cmpi slt, %mul3A_6, %sign3A_9 : i32
    %sign3A_11 = arith.extui %sign3A_10 : i1 to i32
    %sign3A_12 = arith.subi %sign3A_8, %sign3A_11 : i32
    %sign3A_13 = arith.constant 0 : i32
    %sign3A_14 = arith.cmpi sgt, %jit3A, %sign3A_13 : i32
    %sign3A_15 = arith.extui %sign3A_14 : i1 to i32
    %sign3A_16 = arith.constant 0 : i32
    %sign3A_17 = arith.cmpi slt, %jit3A, %sign3A_16 : i32
    %sign3A_18 = arith.extui %sign3A_17 : i1 to i32
    %sign3A_19 = arith.subi %sign3A_15, %sign3A_18 : i32
    %ne3A = arith.cmpi ne, %sign3A_12, %sign3A_19 : i32
    %rem3A = arith.remsi %mul3A_6, %jit3A : i32
    %ne3A_20 = arith.constant 0 : i32
    %ne3A_21 = arith.cmpi ne, %rem3A, %ne3A_20 : i32
    %and3A = arith.andi %ne3A, %ne3A_21 : i1
    %sub3A = arith.constant 1 : i32
    %sub3A_22 = arith.subi %div3A, %sub3A : i32
    %select_n3A = arith.select %and3A, %sub3A_22, %div3A : i32
    %add3A_23 = arith.constant 1 : i32
    %add3A_24 = arith.addi %add3A, %add3A_23 : i32
    %mul3A_25 = arith.constant 6250 : i32
    %mul3A_26 = arith.muli %add3A_24, %mul3A_25 : i32
    %jit3A_27 = arith.constant 32 : i32
    %div3A_28 = arith.divsi %mul3A_26, %jit3A_27 : i32
    %sign3A_29 = arith.constant 0 : i32
    %sign3A_30 = arith.cmpi sgt, %mul3A_26, %sign3A_29 : i32
    %sign3A_31 = arith.extui %sign3A_30 : i1 to i32
    %sign3A_32 = arith.constant 0 : i32
    %sign3A_33 = arith.cmpi slt, %mul3A_26, %sign3A_32 : i32
    %sign3A_34 = arith.extui %sign3A_33 : i1 to i32
    %sign3A_35 = arith.subi %sign3A_31, %sign3A_34 : i32
    %sign3A_36 = arith.constant 0 : i32
    %sign3A_37 = arith.cmpi sgt, %jit3A_27, %sign3A_36 : i32
    %sign3A_38 = arith.extui %sign3A_37 : i1 to i32
    %sign3A_39 = arith.constant 0 : i32
    %sign3A_40 = arith.cmpi slt, %jit3A_27, %sign3A_39 : i32
    %sign3A_41 = arith.extui %sign3A_40 : i1 to i32
    %sign3A_42 = arith.subi %sign3A_38, %sign3A_41 : i32
    %ne3A_43 = arith.cmpi ne, %sign3A_35, %sign3A_42 : i32
    %rem3A_44 = arith.remsi %mul3A_26, %jit3A_27 : i32
    %ne3A_45 = arith.constant 0 : i32
    %ne3A_46 = arith.cmpi ne, %rem3A_44, %ne3A_45 : i32
    %and3A_47 = arith.andi %ne3A_43, %ne3A_46 : i1
    %sub3A_48 = arith.constant 1 : i32
    %sub3A_49 = arith.subi %div3A_28, %sub3A_48 : i32
    %select_n3A_50 = arith.select %and3A_47, %sub3A_49, %div3A_28 : i32
    %sub3A_51 = arith.subi %select_n3A_50, %select_n3A : i32
    %sub3A_52 = arith.constant 1 : i32
    %sub3A_53 = arith.subi %sub3A_51, %sub3A_52 : i32
    %mul3A_54 = arith.constant 80 : i32
    %mul3A_55 = arith.muli %select_n3A, %mul3A_54 : i32
    "tpu.region"() ({
      %run_scoped3A = tpu.sem_alloc : memref<!tpu.dma_semaphore, #tpu.memory_space<semaphore_mem>>
      %dma_start3A_99 = tpu.memref_slice %arg2[%mul3A_55] : memref<500000xi32, #tpu.memory_space<hbm>> -> memref<15680xi32, #tpu.memory_space<hbm>>
      %dma_start3A_100 = tpu.memref_slice %arg2[%mul3A_55] : memref<500000xi32, #tpu.memory_space<hbm>> -> memref<15680xi32, #tpu.memory_space<hbm>>
      tpu.enqueue_dma source(%dma_start3A_100 : memref<15680xi32, #tpu.memory_space<hbm>>) target(%arg6 : memref<15680xi32, #tpu.memory_space<vmem>>) target_semaphore(%run_scoped3A : memref<!tpu.dma_semaphore, #tpu.memory_space<semaphore_mem>>)
      %dma_wait3A_101 = tpu.memref_slice %arg2[%mul3A_55] : memref<500000xi32, #tpu.memory_space<hbm>> -> memref<15680xi32, #tpu.memory_space<hbm>>
      %dma_wait3A_102 = tpu.memref_slice %arg2[%mul3A_55] : memref<500000xi32, #tpu.memory_space<hbm>> -> memref<15680xi32, #tpu.memory_space<hbm>>
      tpu.wait_dma2 semaphore(%run_scoped3A : memref<!tpu.dma_semaphore, #tpu.memory_space<semaphore_mem>>) src(%dma_wait3A_102 : memref<15680xi32, #tpu.memory_space<hbm>>) dst(%arg6 : memref<15680xi32, #tpu.memory_space<vmem>>)
      tpu.yield
    }) : () -> ()
    %min3A = arith.constant 0 : i32
    %min3A_56 = arith.minsi %min3A, %sub3A_53 : i32
    %mul3A_57 = arith.constant 80 : i32
    %mul3A_58 = arith.muli %min3A_56, %mul3A_57 : i32
    %dma_start3A = tpu.memref_slice %arg6[%mul3A_58] : memref<15680xi32, #tpu.memory_space<vmem>> -> memref<80xi32, #tpu.memory_space<vmem>>
    %dma_start3A_59 = arith.constant 0 : i32
    %dma_start3A_60 = arith.constant 0 : i32
    %dma_start3A_61 = tpu.memref_slice %arg3[%dma_start3A_59, %dma_start3A_60] : memref<100000x128xbf16, #tpu.memory_space<hbm>> -> memref<100000x128xbf16, #tpu.memory_space<hbm>>
    tpu.enqueue_indirect_dma source(%dma_start3A_61 : memref<100000x128xbf16, #tpu.memory_space<hbm>>) target(%arg7 : memref<80x128xbf16, #tpu.memory_space<vmem>>) offsets(%dma_start3A : memref<80xi32, #tpu.memory_space<vmem>>) semaphore(%arg11 : memref<!tpu.dma_semaphore, #tpu.memory_space<semaphore_mem>>)
    %min3A_62 = arith.constant 1 : i32
    %min3A_63 = arith.minsi %min3A_62, %sub3A_53 : i32
    %mul3A_64 = arith.constant 80 : i32
    %mul3A_65 = arith.muli %min3A_63, %mul3A_64 : i32
    %dma_start3A_66 = tpu.memref_slice %arg6[%mul3A_65] : memref<15680xi32, #tpu.memory_space<vmem>> -> memref<80xi32, #tpu.memory_space<vmem>>
    %dma_start3A_67 = arith.constant 0 : i32
    %dma_start3A_68 = arith.constant 0 : i32
    %dma_start3A_69 = tpu.memref_slice %arg3[%dma_start3A_67, %dma_start3A_68] : memref<100000x128xbf16, #tpu.memory_space<hbm>> -> memref<100000x128xbf16, #tpu.memory_space<hbm>>
    tpu.enqueue_indirect_dma source(%dma_start3A_69 : memref<100000x128xbf16, #tpu.memory_space<hbm>>) target(%arg8 : memref<80x128xbf16, #tpu.memory_space<vmem>>) offsets(%dma_start3A_66 : memref<80xi32, #tpu.memory_space<vmem>>) semaphore(%arg12 : memref<!tpu.dma_semaphore, #tpu.memory_space<semaphore_mem>>)
    %scan3A = arith.constant 0 : i32
    %scan3A_70 = arith.constant 98 : i32
    %scan3A_71 = arith.addi %scan3A, %scan3A_70 : i32
    %scan3A_72 = arith.constant 1 : i32
    scf.for %scan3A_99 = %scan3A to %scan3A_71 step %scan3A_72  : i32 {
      %mul3A_100 = arith.constant 1 : i32
      %mul3A_101 = arith.muli %scan3A_99, %mul3A_100 : i32
      %add3A_102 = arith.constant 0 : i32
      %add3A_103 = arith.addi %add3A_102, %mul3A_101 : i32
      %mul3A_104 = arith.constant 2 : i32
      %mul3A_105 = arith.muli %mul3A_104, %add3A_103 : i32
      %add3A_106 = arith.constant 0 : i32
      %add3A_107 = arith.addi %mul3A_105, %add3A_106 : i32
      %min3A_108 = arith.minsi %add3A_107, %sub3A_53 : i32
      %mul3A_109 = arith.constant 80 : i32
      %mul3A_110 = arith.muli %min3A_108, %mul3A_109 : i32
      %dma_wait3A_111 = tpu.memref_slice %arg6[%mul3A_110] : memref<15680xi32, #tpu.memory_space<vmem>> -> memref<80xi32, #tpu.memory_space<vmem>>
      %dma_wait3A_112 = arith.constant 0 : i32
      %dma_wait3A_113 = arith.constant 0 : i32
      %dma_wait3A_114 = tpu.memref_slice %arg3[%dma_wait3A_112, %dma_wait3A_113] : memref<100000x128xbf16, #tpu.memory_space<hbm>> -> memref<100000x128xbf16, #tpu.memory_space<hbm>>
      tpu.wait_indirect_dma semaphore(%arg11 : memref<!tpu.dma_semaphore, #tpu.memory_space<semaphore_mem>>) src(%dma_wait3A_114 : memref<100000x128xbf16, #tpu.memory_space<hbm>>) dst(%arg7 : memref<80x128xbf16, #tpu.memory_space<vmem>>)
      %ge3A = arith.constant 1 : i32
      %ge3A_115 = arith.cmpi sge, %add3A_103, %ge3A : i32
      %convert_element_type3A = arith.extui %ge3A_115 : i1 to i32
      %cond3A = arith.constant 0 : i32
      %cond3A_116 = arith.cmpi ne, %convert_element_type3A, %cond3A : i32
      scf.if %cond3A_116 {
        %sub3A_4579 = arith.constant 2 : i32
        %sub3A_4580 = arith.subi %add3A_107, %sub3A_4579 : i32
        %min3A_4581 = arith.minsi %sub3A_4580, %sub3A_53 : i32
        %add3A_4582 = arith.addi %select_n3A, %min3A_4581 : i32
        %mul3A_4583 = arith.constant 8 : i32
        %mul3A_4584 = arith.muli %add3A_4582, %mul3A_4583 : i32
        %dma_wait3A_4585 = arith.constant 0 : i32
        %dma_wait3A_4586 = tpu.memref_slice %arg5[%mul3A_4584, %dma_wait3A_4585] : memref<50000x128xf32, #tpu.memory_space<hbm>> -> memref<8x128xf32, #tpu.memory_space<hbm>>
        %dma_wait3A_4587 = arith.constant 0 : i32
        %dma_wait3A_4588 = tpu.memref_slice %arg5[%mul3A_4584, %dma_wait3A_4587] : memref<50000x128xf32, #tpu.memory_space<hbm>> -> memref<8x128xf32, #tpu.memory_space<hbm>>
        tpu.wait_dma2 semaphore(%arg13 : memref<!tpu.dma_semaphore, #tpu.memory_space<semaphore_mem>>) src(%arg9 : memref<8x128xf32, #tpu.memory_space<vmem>>) dst(%dma_wait3A_4588 : memref<8x128xf32, #tpu.memory_space<hbm>>)
      } else {
      }
      %get3A_117 = arith.constant 0 : i32
      %get3A_118 = arith.index_cast %get3A_117 : i32 to index
      %get3A_119 = arith.constant 0 : index
      %get3A_120 = tpu.vector_load %arg7[%get3A_118, %get3A_119] {strides = array<i32>} : memref<80x128xbf16, #tpu.memory_space<vmem>>, vector<32xbf16>,
      %get3A_121 = arith.constant 1 : i32
      %get3A_122 = arith.index_cast %get3A_121 : i32 to index
      %get3A_123 = arith.constant 0 : index
      %get3A_124 = tpu.vector_load %arg7[%get3A_122, %get3A_123] {strides = array<i32>} : memref<80x128xbf16, #tpu.memory_space<vmem>>, vector<32xbf16>,
      %get3A_125 = arith.constant 2 : i32
      %get3A_126 = arith.index_cast %get3A_125 : i32 to index
      %get3A_127 = arith.constant 0 : index
      %get3A_128 = tpu.vector_load %arg7[%get3A_126, %get3A_127] {strides = array<i32>} : memref<80x128xbf16, #tpu.memory_space<vmem>>, vector<32xbf16>,
      %get3A_129 = arith.constant 3 : i32
      %get3A_130 = arith.index_cast %get3A_129 : i32 to index
      %get3A_131 = arith.constant 0 : index
      %get3A_132 = tpu.vector_load %arg7[%get3A_130, %get3A_131] {strides = array<i32>} : memref<80x128xbf16, #tpu.memory_space<vmem>>, vector<32xbf16>,
      %get3A_133 = arith.constant 4 : i32
      %get3A_134 = arith.index_cast %get3A_133 : i32 to index
      %get3A_135 = arith.constant 0 : index
      %get3A_136 = tpu.vector_load %arg7[%get3A_134, %get3A_135] {strides = array<i32>} : memref<80x128xbf16, #tpu.memory_space<vmem>>, vector<32xbf16>,
      %get3A_137 = arith.constant 5 : i32
      %get3A_138 = arith.index_cast %get3A_137 : i32 to index
      %get3A_139 = arith.constant 0 : index
      %get3A_140 = tpu.vector_load %arg7[%get3A_138, %get3A_139] {strides = array<i32>} : memref<80x128xbf16, #tpu.memory_space<vmem>>, vector<32xbf16>,
      %get3A_141 = arith.constant 6 : i32
      %get3A_142 = arith.index_cast %get3A_141 : i32 to index
      %get3A_143 = arith.constant 0 : index
      %get3A_144 = tpu.vector_load %arg7[%get3A_142, %get3A_143] {strides = array<i32>} : memref<80x128xbf16, #tpu.memory_space<vmem>>, vector<32xbf16>,
      %get3A_145 = arith.constant 7 : i32
      %get3A_146 = arith.index_cast %get3A_145 : i32 to index
      %get3A_147 = arith.constant 0 : index
      %get3A_148 = tpu.vector_load %arg7[%get3A_146, %get3A_147] {strides = array<i32>} : memref<80x128xbf16, #tpu.memory_space<vmem>>, vector<32xbf16>,
      %get3A_149 = arith.constant 8 : i32
      %get3A_150 = arith.index_cast %get3A_149 : i32 to index
      %get3A_151 = arith.constant 0 : index
      %get3A_152 = tpu.vector_load %arg7[%get3A_150, %get3A_151] {strides = array<i32>} : memref<80x128xbf16, #tpu.memory_space<vmem>>, vector<32xbf16>,
      %get3A_153 = arith.constant 9 : i32
      %get3A_154 = arith.index_cast %get3A_153 : i32 to index
      %get3A_155 = arith.constant 0 : index
      %get3A_156 = tpu.vector_load %arg7[%get3A_154, %get3A_155] {strides = array<i32>} : memref<80x128xbf16, #tpu.memory_space<vmem>>, vector<32xbf16>,
      %add3A_157 = arith.addf %get3A_120, %get3A_124 : vector<32xbf16>
      %add3A_158 = arith.addf %get3A_128, %get3A_132 : vector<32xbf16>
      %add3A_159 = arith.addf %get3A_136, %get3A_140 : vector<32xbf16>
      %add3A_160 = arith.addf %get3A_144, %get3A_148 : vector<32xbf16>
      %add3A_161 = arith.addf %get3A_152, %get3A_156 : vector<32xbf16>
      %add3A_162 = arith.addf %add3A_157, %add3A_158 : vector<32xbf16>
      %add3A_163 = arith.addf %add3A_159, %add3A_160 : vector<32xbf16>
      %add3A_164 = arith.addf %add3A_162, %add3A_163 : vector<32xbf16>
      %add3A_165 = arith.addf %add3A_164, %add3A_161 : vector<32xbf16>
      %unpack3A = tpu.unpack_subelements %add3A_165, 0 {pack_format = #tpu.pack_format<interleaved>} : vector<32xbf16> -> vector<16xf32>
      %unpack3A_166 = tpu.unpack_subelements %add3A_165, 1 {pack_format = #tpu.pack_format<interleaved>} : vector<32xbf16> -> vector<16xf32>
      %add3A_167 = arith.constant 0 : i32
      %add3A_168 = vector.broadcast %add3A_167 : i32 to vector<16xi32>
      %add3A_169 = arith.addi %mul3A_2, %add3A_168 : vector<16xi32>
      %mul3A_170 = vector.broadcast %squeeze3A : f32 to vector<16xf32>
      %mul3A_171 = arith.mulf %unpack3A, %mul3A_170 : vector<16xf32>
      %scatter3A = arith.constant 0 : i32
      %scatter3A_172 = arith.constant 0 : i32
      %scatter3A_173 = tpu.memref_slice %arg9[%scatter3A, %scatter3A_172] : memref<8x128xf32, #tpu.memory_space<vmem>> -> memref<1x128xf32, #tpu.memory_space<vmem>>
      %scatter3A_174 = tpu.memref_squeeze %scatter3A_173 : memref<1x128xf32, #tpu.memory_space<vmem>> -> memref<128xf32, #tpu.memory_space<vmem>>
      tpu.vector_store_idx %scatter3A_174[%add3A_169], %mul3A_171 : memref<128xf32, #tpu.memory_space<vmem>>[vector<16xi32>], vector<16xf32>,
      %add3A_175 = arith.constant 1 : i32
      %add3A_176 = vector.broadcast %add3A_175 : i32 to vector<16xi32>
      %add3A_177 = arith.addi %mul3A_2, %add3A_176 : vector<16xi32>
      %mul3A_178 = vector.broadcast %squeeze3A : f32 to vector<16xf32>
      %mul3A_179 = arith.mulf %unpack3A_166, %mul3A_178 : vector<16xf32>
      %scatter3A_180 = arith.constant 0 : i32
      %scatter3A_181 = arith.constant 0 : i32
      %scatter3A_182 = tpu.memref_slice %arg9[%scatter3A_180, %scatter3A_181] : memref<8x128xf32, #tpu.memory_space<vmem>> -> memref<1x128xf32, #tpu.memory_space<vmem>>
      %scatter3A_183 = tpu.memref_squeeze %scatter3A_182 : memref<1x128xf32, #tpu.memory_space<vmem>> -> memref<128xf32, #tpu.memory_space<vmem>>
      tpu.vector_store_idx %scatter3A_183[%add3A_177], %mul3A_179 : memref<128xf32, #tpu.memory_space<vmem>>[vector<16xi32>], vector<16xf32>,
      %get3A_184 = arith.constant 0 : i32
      %get3A_185 = arith.index_cast %get3A_184 : i32 to index
      %get3A_186 = arith.constant 32 : index
      %get3A_187 = tpu.vector_load %arg7[%get3A_185, %get3A_186] {strides = array<i32>} : memref<80x128xbf16, #tpu.memory_space<vmem>>, vector<32xbf16>,
      %get3A_188 = arith.constant 1 : i32
      %get3A_189 = arith.index_cast %get3A_188 : i32 to index
      %get3A_190 = arith.constant 32 : index
      %get3A_191 = tpu.vector_load %arg7[%get3A_189, %get3A_190] {strides = array<i32>} : memref<80x128xbf16, #tpu.memory_space<vmem>>, vector<32xbf16>,
      %get3A_192 = arith.constant 2 : i32
      %get3A_193 = arith.index_cast %get3A_192 : i32 to index
      %get3A_194 = arith.constant 32 : index
      %get3A_195 = tpu.vector_load %arg7[%get3A_193, %get3A_194] {strides = array<i32>} : memref<80x128xbf16, #tpu.memory_space<vmem>>, vector<32xbf16>,
      %get3A_196 = arith.constant 3 : i32
      %get3A_197 = arith.index_cast %get3A_196 : i32 to index
      %get3A_198 = arith.constant 32 : index
      %get3A_199 = tpu.vector_load %arg7[%get3A_197, %get3A_198] {strides = array<i32>} : memref<80x128xbf16, #tpu.memory_space<vmem>>, vector<32xbf16>,
      %get3A_200 = arith.constant 4 : i32
      %get3A_201 = arith.index_cast %get3A_200 : i32 to index
      %get3A_202 = arith.constant 32 : index
      %get3A_203 = tpu.vector_load %arg7[%get3A_201, %get3A_202] {strides = array<i32>} : memref<80x128xbf16, #tpu.memory_space<vmem>>, vector<32xbf16>,
      %get3A_204 = arith.constant 5 : i32
      %get3A_205 = arith.index_cast %get3A_204 : i32 to index
      %get3A_206 = arith.constant 32 : index
      %get3A_207 = tpu.vector_load %arg7[%get3A_205, %get3A_206] {strides = array<i32>} : memref<80x128xbf16, #tpu.memory_space<vmem>>, vector<32xbf16>,
      %get3A_208 = arith.constant 6 : i32
      %get3A_209 = arith.index_cast %get3A_208 : i32 to index
      %get3A_210 = arith.constant 32 : index
      %get3A_211 = tpu.vector_load %arg7[%get3A_209, %get3A_210] {strides = array<i32>} : memref<80x128xbf16, #tpu.memory_space<vmem>>, vector<32xbf16>,
      %get3A_212 = arith.constant 7 : i32
      %get3A_213 = arith.index_cast %get3A_212 : i32 to index
      %get3A_214 = arith.constant 32 : index
      %get3A_215 = tpu.vector_load %arg7[%get3A_213, %get3A_214] {strides = array<i32>} : memref<80x128xbf16, #tpu.memory_space<vmem>>, vector<32xbf16>,
      %get3A_216 = arith.constant 8 : i32
      %get3A_217 = arith.index_cast %get3A_216 : i32 to index
      %get3A_218 = arith.constant 32 : index
      %get3A_219 = tpu.vector_load %arg7[%get3A_217, %get3A_218] {strides = array<i32>} : memref<80x128xbf16, #tpu.memory_space<vmem>>, vector<32xbf16>,
      %get3A_220 = arith.constant 9 : i32
      %get3A_221 = arith.index_cast %get3A_220 : i32 to index
      %get3A_222 = arith.constant 32 : index
      %get3A_223 = tpu.vector_load %arg7[%get3A_221, %get3A_222] {strides = array<i32>} : memref<80x128xbf16, #tpu.memory_space<vmem>>, vector<32xbf16>,
      %add3A_224 = arith.addf %get3A_187, %get3A_191 : vector<32xbf16>
      %add3A_225 = arith.addf %get3A_195, %get3A_199 : vector<32xbf16>
      %add3A_226 = arith.addf %get3A_203, %get3A_207 : vector<32xbf16>
      %add3A_227 = arith.addf %get3A_211, %get3A_215 : vector<32xbf16>
      %add3A_228 = arith.addf %get3A_219, %get3A_223 : vector<32xbf16>
      %add3A_229 = arith.addf %add3A_224, %add3A_225 : vector<32xbf16>
      %add3A_230 = arith.addf %add3A_226, %add3A_227 : vector<32xbf16>
      %add3A_231 = arith.addf %add3A_229, %add3A_230 : vector<32xbf16>
      %add3A_232 = arith.addf %add3A_231, %add3A_228 : vector<32xbf16>
      %unpack3A_233 = tpu.unpack_subelements %add3A_232, 0 {pack_format = #tpu.pack_format<interleaved>} : vector<32xbf16> -> vector<16xf32>
      %unpack3A_234 = tpu.unpack_subelements %add3A_232, 1 {pack_format = #tpu.pack_format<interleaved>} : vector<32xbf16> -> vector<16xf32>
      %add3A_235 = arith.constant 32 : i32
      %add3A_236 = vector.broadcast %add3A_235 : i32 to vector<16xi32>
      %add3A_237 = arith.addi %mul3A_2, %add3A_236 : vector<16xi32>
      %mul3A_238 = vector.broadcast %squeeze3A : f32 to vector<16xf32>
      %mul3A_239 = arith.mulf %unpack3A_233, %mul3A_238 : vector<16xf32>
      %scatter3A_240 = arith.constant 0 : i32
      %scatter3A_241 = arith.constant 0 : i32
      %scatter3A_242 = tpu.memref_slice %arg9[%scatter3A_240, %scatter3A_241] : memref<8x128xf32, #tpu.memory_space<vmem>> -> memref<1x128xf32, #tpu.memory_space<vmem>>
      %scatter3A_243 = tpu.memref_squeeze %scatter3A_242 : memref<1x128xf32, #tpu.memory_space<vmem>> -> memref<128xf32, #tpu.memory_space<vmem>>
      tpu.vector_store_idx %scatter3A_243[%add3A_237], %mul3A_239 : memref<128xf32, #tpu.memory_space<vmem>>[vector<16xi32>], vector<16xf32>,
      %add3A_244 = arith.constant 33 : i32
      %add3A_245 = vector.broadcast %add3A_244 : i32 to vector<16xi32>
      %add3A_246 = arith.addi %mul3A_2, %add3A_245 : vector<16xi32>
      %mul3A_247 = vector.broadcast %squeeze3A : f32 to vector<16xf32>
      %mul3A_248 = arith.mulf %unpack3A_234, %mul3A_247 : vector<16xf32>
      %scatter3A_249 = arith.constant 0 : i32
      %scatter3A_250 = arith.constant 0 : i32
      %scatter3A_251 = tpu.memref_slice %arg9[%scatter3A_249, %scatter3A_250] : memref<8x128xf32, #tpu.memory_space<vmem>> -> memref<1x128xf32, #tpu.memory_space<vmem>>
      %scatter3A_252 = tpu.memref_squeeze %scatter3A_251 : memref<1x128xf32, #tpu.memory_space<vmem>> -> memref<128xf32, #tpu.memory_space<vmem>>
      tpu.vector_store_idx %scatter3A_252[%add3A_246], %mul3A_248 : memref<128xf32, #tpu.memory_space<vmem>>[vector<16xi32>], vector<16xf32>,
      %get3A_253 = arith.constant 0 : i32
      %get3A_254 = arith.index_cast %get3A_253 : i32 to index
      %get3A_255 = arith.constant 64 : index
      %get3A_256 = tpu.vector_load %arg7[%get3A_254, %get3A_255] {strides = array<i32>} : memref<80x128xbf16, #tpu.memory_space<vmem>>, vector<32xbf16>,
      %get3A_257 = arith.constant 1 : i32
      %get3A_258 = arith.index_cast %get3A_257 : i32 to index
      %get3A_259 = arith.constant 64 : index
      %get3A_260 = tpu.vector_load %arg7[%get3A_258, %get3A_259] {strides = array<i32>} : memref<80x128xbf16, #tpu.memory_space<vmem>>, vector<32xbf16>,
      %get3A_261 = arith.constant 2 : i32
      %get3A_262 = arith.index_cast %get3A_261 : i32 to index
      %get3A_263 = arith.constant 64 : index
      %get3A_264 = tpu.vector_load %arg7[%get3A_262, %get3A_263] {strides = array<i32>} : memref<80x128xbf16, #tpu.memory_space<vmem>>, vector<32xbf16>,
      %get3A_265 = arith.constant 3 : i32
      %get3A_266 = arith.index_cast %get3A_265 : i32 to index
      %get3A_267 = arith.constant 64 : index
      %get3A_268 = tpu.vector_load %arg7[%get3A_266, %get3A_267] {strides = array<i32>} : memref<80x128xbf16, #tpu.memory_space<vmem>>, vector<32xbf16>,
      %get3A_269 = arith.constant 4 : i32
      %get3A_270 = arith.index_cast %get3A_269 : i32 to index
      %get3A_271 = arith.constant 64 : index
      %get3A_272 = tpu.vector_load %arg7[%get3A_270, %get3A_271] {strides = array<i32>} : memref<80x128xbf16, #tpu.memory_space<vmem>>, vector<32xbf16>,
      %get3A_273 = arith.constant 5 : i32
      %get3A_274 = arith.index_cast %get3A_273 : i32 to index
      %get3A_275 = arith.constant 64 : index
      %get3A_276 = tpu.vector_load %arg7[%get3A_274, %get3A_275] {strides = array<i32>} : memref<80x128xbf16, #tpu.memory_space<vmem>>, vector<32xbf16>,
      %get3A_277 = arith.constant 6 : i32
      %get3A_278 = arith.index_cast %get3A_277 : i32 to index
      %get3A_279 = arith.constant 64 : index
      %get3A_280 = tpu.vector_load %arg7[%get3A_278, %get3A_279] {strides = array<i32>} : memref<80x128xbf16, #tpu.memory_space<vmem>>, vector<32xbf16>,
      %get3A_281 = arith.constant 7 : i32
      %get3A_282 = arith.index_cast %get3A_281 : i32 to index
      %get3A_283 = arith.constant 64 : index
      %get3A_284 = tpu.vector_load %arg7[%get3A_282, %get3A_283] {strides = array<i32>} : memref<80x128xbf16, #tpu.memory_space<vmem>>, vector<32xbf16>,
      %get3A_285 = arith.constant 8 : i32
      %get3A_286 = arith.index_cast %get3A_285 : i32 to index
      %get3A_287 = arith.constant 64 : index
      %get3A_288 = tpu.vector_load %arg7[%get3A_286, %get3A_287] {strides = array<i32>} : memref<80x128xbf16, #tpu.memory_space<vmem>>, vector<32xbf16>,
      %get3A_289 = arith.constant 9 : i32
      %get3A_290 = arith.index_cast %get3A_289 : i32 to index
      %get3A_291 = arith.constant 64 : index
      %get3A_292 = tpu.vector_load %arg7[%get3A_290, %get3A_291] {strides = array<i32>} : memref<80x128xbf16, #tpu.memory_space<vmem>>, vector<32xbf16>,
      %add3A_293 = arith.addf %get3A_256, %get3A_260 : vector<32xbf16>
      %add3A_294 = arith.addf %get3A_264, %get3A_268 : vector<32xbf16>
      %add3A_295 = arith.addf %get3A_272, %get3A_276 : vector<32xbf16>
      %add3A_296 = arith.addf %get3A_280, %get3A_284 : vector<32xbf16>
      %add3A_297 = arith.addf %get3A_288, %get3A_292 : vector<32xbf16>
      %add3A_298 = arith.addf %add3A_293, %add3A_294 : vector<32xbf16>
      %add3A_299 = arith.addf %add3A_295, %add3A_296 : vector<32xbf16>
      %add3A_300 = arith.addf %add3A_298, %add3A_299 : vector<32xbf16>
      %add3A_301 = arith.addf %add3A_300, %add3A_297 : vector<32xbf16>
      %unpack3A_302 = tpu.unpack_subelements %add3A_301, 0 {pack_format = #tpu.pack_format<interleaved>} : vector<32xbf16> -> vector<16xf32>
      %unpack3A_303 = tpu.unpack_subelements %add3A_301, 1 {pack_format = #tpu.pack_format<interleaved>} : vector<32xbf16> -> vector<16xf32>
      %add3A_304 = arith.constant 64 : i32
      %add3A_305 = vector.broadcast %add3A_304 : i32 to vector<16xi32>
      %add3A_306 = arith.addi %mul3A_2, %add3A_305 : vector<16xi32>
      %mul3A_307 = vector.broadcast %squeeze3A : f32 to vector<16xf32>
      %mul3A_308 = arith.mulf %unpack3A_302, %mul3A_307 : vector<16xf32>
      %scatter3A_309 = arith.constant 0 : i32
      %scatter3A_310 = arith.constant 0 : i32
      %scatter3A_311 = tpu.memref_slice %arg9[%scatter3A_309, %scatter3A_310] : memref<8x128xf32, #tpu.memory_space<vmem>> -> memref<1x128xf32, #tpu.memory_space<vmem>>
      %scatter3A_312 = tpu.memref_squeeze %scatter3A_311 : memref<1x128xf32, #tpu.memory_space<vmem>> -> memref<128xf32, #tpu.memory_space<vmem>>
      tpu.vector_store_idx %scatter3A_312[%add3A_306], %mul3A_308 : memref<128xf32, #tpu.memory_space<vmem>>[vector<16xi32>], vector<16xf32>,
      %add3A_313 = arith.constant 65 : i32
      %add3A_314 = vector.broadcast %add3A_313 : i32 to vector<16xi32>
      %add3A_315 = arith.addi %mul3A_2, %add3A_314 : vector<16xi32>
      %mul3A_316 = vector.broadcast %squeeze3A : f32 to vector<16xf32>
      %mul3A_317 = arith.mulf %unpack3A_303, %mul3A_316 : vector<16xf32>
      %scatter3A_318 = arith.constant 0 : i32
      %scatter3A_319 = arith.constant 0 : i32
      %scatter3A_320 = tpu.memref_slice %arg9[%scatter3A_318, %scatter3A_319] : memref<8x128xf32, #tpu.memory_space<vmem>> -> memref<1x128xf32, #tpu.memory_space<vmem>>
      %scatter3A_321 = tpu.memref_squeeze %scatter3A_320 : memref<1x128xf32, #tpu.memory_space<vmem>> -> memref<128xf32, #tpu.memory_space<vmem>>
      tpu.vector_store_idx %scatter3A_321[%add3A_315], %mul3A_317 : memref<128xf32, #tpu.memory_space<vmem>>[vector<16xi32>], vector<16xf32>,
      %get3A_322 = arith.constant 0 : i32
      %get3A_323 = arith.index_cast %get3A_322 : i32 to index
      %get3A_324 = arith.constant 96 : index
      %get3A_325 = tpu.vector_load %arg7[%get3A_323, %get3A_324] {strides = array<i32>} : memref<80x128xbf16, #tpu.memory_space<vmem>>, vector<32xbf16>,
      %get3A_326 = arith.constant 1 : i32
      %get3A_327 = arith.index_cast %get3A_326 : i32 to index
      %get3A_328 = arith.constant 96 : index
      %get3A_329 = tpu.vector_load %arg7[%get3A_327, %get3A_328] {strides = array<i32>} : memref<80x128xbf16, #tpu.memory_space<vmem>>, vector<32xbf16>,
      %get3A_330 = arith.constant 2 : i32
      %get3A_331 = arith.index_cast %get3A_330 : i32 to index
      %get3A_332 = arith.constant 96 : index
      %get3A_333 = tpu.vector_load %arg7[%get3A_331, %get3A_332] {strides = array<i32>} : memref<80x128xbf16, #tpu.memory_space<vmem>>, vector<32xbf16>,
      %get3A_334 = arith.constant 3 : i32
      %get3A_335 = arith.index_cast %get3A_334 : i32 to index
      %get3A_336 = arith.constant 96 : index
      %get3A_337 = tpu.vector_load %arg7[%get3A_335, %get3A_336] {strides = array<i32>} : memref<80x128xbf16, #tpu.memory_space<vmem>>, vector<32xbf16>,
      %get3A_338 = arith.constant 4 : i32
      %get3A_339 = arith.index_cast %get3A_338 : i32 to index
      %get3A_340 = arith.constant 96 : index
      %get3A_341 = tpu.vector_load %arg7[%get3A_339, %get3A_340] {strides = array<i32>} : memref<80x128xbf16, #tpu.memory_space<vmem>>, vector<32xbf16>,
      %get3A_342 = arith.constant 5 : i32
      %get3A_343 = arith.index_cast %get3A_342 : i32 to index
      %get3A_344 = arith.constant 96 : index
      %get3A_345 = tpu.vector_load %arg7[%get3A_343, %get3A_344] {strides = array<i32>} : memref<80x128xbf16, #tpu.memory_space<vmem>>, vector<32xbf16>,
      %get3A_346 = arith.constant 6 : i32
      %get3A_347 = arith.index_cast %get3A_346 : i32 to index
      %get3A_348 = arith.constant 96 : index
      %get3A_349 = tpu.vector_load %arg7[%get3A_347, %get3A_348] {strides = array<i32>} : memref<80x128xbf16, #tpu.memory_space<vmem>>, vector<32xbf16>,
      %get3A_350 = arith.constant 7 : i32
      %get3A_351 = arith.index_cast %get3A_350 : i32 to index
      %get3A_352 = arith.constant 96 : index
      %get3A_353 = tpu.vector_load %arg7[%get3A_351, %get3A_352] {strides = array<i32>} : memref<80x128xbf16, #tpu.memory_space<vmem>>, vector<32xbf16>,
      %get3A_354 = arith.constant 8 : i32
      %get3A_355 = arith.index_cast %get3A_354 : i32 to index
      %get3A_356 = arith.constant 96 : index
      %get3A_357 = tpu.vector_load %arg7[%get3A_355, %get3A_356] {strides = array<i32>} : memref<80x128xbf16, #tpu.memory_space<vmem>>, vector<32xbf16>,
      %get3A_358 = arith.constant 9 : i32
      %get3A_359 = arith.index_cast %get3A_358 : i32 to index
      %get3A_360 = arith.constant 96 : index
      %get3A_361 = tpu.vector_load %arg7[%get3A_359, %get3A_360] {strides = array<i32>} : memref<80x128xbf16, #tpu.memory_space<vmem>>, vector<32xbf16>,
      %add3A_362 = arith.addf %get3A_325, %get3A_329 : vector<32xbf16>
      %add3A_363 = arith.addf %get3A_333, %get3A_337 : vector<32xbf16>
      %add3A_364 = arith.addf %get3A_341, %get3A_345 : vector<32xbf16>
      %add3A_365 = arith.addf %get3A_349, %get3A_353 : vector<32xbf16>
      %add3A_366 = arith.addf %get3A_357, %get3A_361 : vector<32xbf16>
      %add3A_367 = arith.addf %add3A_362, %add3A_363 : vector<32xbf16>
      %add3A_368 = arith.addf %add3A_364, %add3A_365 : vector<32xbf16>
      %add3A_369 = arith.addf %add3A_367, %add3A_368 : vector<32xbf16>
      %add3A_370 = arith.addf %add3A_369, %add3A_366 : vector<32xbf16>
      %unpack3A_371 = tpu.unpack_subelements %add3A_370, 0 {pack_format = #tpu.pack_format<interleaved>} : vector<32xbf16> -> vector<16xf32>
      %unpack3A_372 = tpu.unpack_subelements %add3A_370, 1 {pack_format = #tpu.pack_format<interleaved>} : vector<32xbf16> -> vector<16xf32>
      %add3A_373 = arith.constant 96 : i32
      %add3A_374 = vector.broadcast %add3A_373 : i32 to vector<16xi32>
      %add3A_375 = arith.addi %mul3A_2, %add3A_374 : vector<16xi32>
      %mul3A_376 = vector.broadcast %squeeze3A : f32 to vector<16xf32>
      %mul3A_377 = arith.mulf %unpack3A_371, %mul3A_376 : vector<16xf32>
      %scatter3A_378 = arith.constant 0 : i32
      %scatter3A_379 = arith.constant 0 : i32
      %scatter3A_380 = tpu.memref_slice %arg9[%scatter3A_378, %scatter3A_379] : memref<8x128xf32, #tpu.memory_space<vmem>> -> memref<1x128xf32, #tpu.memory_space<vmem>>
      %scatter3A_381 = tpu.memref_squeeze %scatter3A_380 : memref<1x128xf32, #tpu.memory_space<vmem>> -> memref<128xf32, #tpu.memory_space<vmem>>
      tpu.vector_store_idx %scatter3A_381[%add3A_375], %mul3A_377 : memref<128xf32, #tpu.memory_space<vmem>>[vector<16xi32>], vector<16xf32>,
      %add3A_382 = arith.constant 97 : i32
      %add3A_383 = vector.broadcast %add3A_382 : i32 to vector<16xi32>
      %add3A_384 = arith.addi %mul3A_2, %add3A_383 : vector<16xi32>
      %mul3A_385 = vector.broadcast %squeeze3A : f32 to vector<16xf32>
      %mul3A_386 = arith.mulf %unpack3A_372, %mul3A_385 : vector<16xf32>
      %scatter3A_387 = arith.constant 0 : i32
      %scatter3A_388 = arith.constant 0 : i32
      %scatter3A_389 = tpu.memref_slice %arg9[%scatter3A_387, %scatter3A_388] : memref<8x128xf32, #tpu.memory_space<vmem>> -> memref<1x128xf32, #tpu.memory_space<vmem>>
      %scatter3A_390 = tpu.memref_squeeze %scatter3A_389 : memref<1x128xf32, #tpu.memory_space<vmem>> -> memref<128xf32, #tpu.memory_space<vmem>>
      tpu.vector_store_idx %scatter3A_390[%add3A_384], %mul3A_386 : memref<128xf32, #tpu.memory_space<vmem>>[vector<16xi32>], vector<16xf32>,
      %get3A_391 = arith.constant 10 : i32
      %get3A_392 = arith.index_cast %get3A_391 : i32 to index
      %get3A_393 = arith.constant 0 : index
      %get3A_394 = tpu.vector_load %arg7[%get3A_392, %get3A_393] {strides = array<i32>} : memref<80x128xbf16, #tpu.memory_space<vmem>>, vector<32xbf16>,
      %get3A_395 = arith.constant 11 : i32
      %get3A_396 = arith.index_cast %get3A_395 : i32 to index
      %get3A_397 = arith.constant 0 : index
      %get3A_398 = tpu.vector_load %arg7[%get3A_396, %get3A_397] {strides = array<i32>} : memref<80x128xbf16, #tpu.memory_space<vmem>>, vector<32xbf16>,
      %get3A_399 = arith.constant 12 : i32
      %get3A_400 = arith.index_cast %get3A_399 : i32 to index
      %get3A_401 = arith.constant 0 : index
      %get3A_402 = tpu.vector_load %arg7[%get3A_400, %get3A_401] {strides = array<i32>} : memref<80x128xbf16, #tpu.memory_space<vmem>>, vector<32xbf16>,
      %get3A_403 = arith.constant 13 : i32
      %get3A_404 = arith.index_cast %get3A_403 : i32 to index
      %get3A_405 = arith.constant 0 : index
      %get3A_406 = tpu.vector_load %arg7[%get3A_404, %get3A_405] {strides = array<i32>} : memref<80x128xbf16, #tpu.memory_space<vmem>>, vector<32xbf16>,
      %get3A_407 = arith.constant 14 : i32
      %get3A_408 = arith.index_cast %get3A_407 : i32 to index
      %get3A_409 = arith.constant 0 : index
      %get3A_410 = tpu.vector_load %arg7[%get3A_408, %get3A_409] {strides = array<i32>} : memref<80x128xbf16, #tpu.memory_space<vmem>>, vector<32xbf16>,
      %get3A_411 = arith.constant 15 : i32
      %get3A_412 = arith.index_cast %get3A_411 : i32 to index
      %get3A_413 = arith.constant 0 : index
      %get3A_414 = tpu.vector_load %arg7[%get3A_412, %get3A_413] {strides = array<i32>} : memref<80x128xbf16, #tpu.memory_space<vmem>>, vector<32xbf16>,
      %get3A_415 = arith.constant 16 : i32
      %get3A_416 = arith.index_cast %get3A_415 : i32 to index
      %get3A_417 = arith.constant 0 : index
      %get3A_418 = tpu.vector_load %arg7[%get3A_416, %get3A_417] {strides = array<i32>} : memref<80x128xbf16, #tpu.memory_space<vmem>>, vector<32xbf16>,
      %get3A_419 = arith.constant 17 : i32
      %get3A_420 = arith.index_cast %get3A_419 : i32 to index
      %get3A_421 = arith.constant 0 : index
      %get3A_422 = tpu.vector_load %arg7[%get3A_420, %get3A_421] {strides = array<i32>} : memref<80x128xbf16, #tpu.memory_space<vmem>>, vector<32xbf16>,
      %get3A_423 = arith.constant 18 : i32
      %get3A_424 = arith.index_cast %get3A_423 : i32 to index
      %get3A_425 = arith.constant 0 : index
      %get3A_426 = tpu.vector_load %arg7[%get3A_424, %get3A_425] {strides = array<i32>} : memref<80x128xbf16, #tpu.memory_space<vmem>>, vector<32xbf16>,
      %get3A_427 = arith.constant 19 : i32
      %get3A_428 = arith.index_cast %get3A_427 : i32 to index
      %get3A_429 = arith.constant 0 : index
      %get3A_430 = tpu.vector_load %arg7[%get3A_428, %get3A_429] {strides = array<i32>} : memref<80x128xbf16, #tpu.memory_space<vmem>>, vector<32xbf16>,
      %add3A_431 = arith.addf %get3A_394, %get3A_398 : vector<32xbf16>
      %add3A_432 = arith.addf %get3A_402, %get3A_406 : vector<32xbf16>
      %add3A_433 = arith.addf %get3A_410, %get3A_414 : vector<32xbf16>
      %add3A_434 = arith.addf %get3A_418, %get3A_422 : vector<32xbf16>
      %add3A_435 = arith.addf %get3A_426, %get3A_430 : vector<32xbf16>
      %add3A_436 = arith.addf %add3A_431, %add3A_432 : vector<32xbf16>
      %add3A_437 = arith.addf %add3A_433, %add3A_434 : vector<32xbf16>
      %add3A_438 = arith.addf %add3A_436, %add3A_437 : vector<32xbf16>
      %add3A_439 = arith.addf %add3A_438, %add3A_435 : vector<32xbf16>
      %unpack3A_440 = tpu.unpack_subelements %add3A_439, 0 {pack_format = #tpu.pack_format<interleaved>} : vector<32xbf16> -> vector<16xf32>
      %unpack3A_441 = tpu.unpack_subelements %add3A_439, 1 {pack_format = #tpu.pack_format<interleaved>} : vector<32xbf16> -> vector<16xf32>
      %add3A_442 = arith.constant 0 : i32
      %add3A_443 = vector.broadcast %add3A_442 : i32 to vector<16xi32>
      %add3A_444 = arith.addi %mul3A_2, %add3A_443 : vector<16xi32>
      %mul3A_445 = vector.broadcast %squeeze3A : f32 to vector<16xf32>
      %mul3A_446 = arith.mulf %unpack3A_440, %mul3A_445 : vector<16xf32>
      %scatter3A_447 = arith.constant 1 : i32
      %scatter3A_448 = arith.constant 0 : i32
      %scatter3A_449 = tpu.memref_slice %arg9[%scatter3A_447, %scatter3A_448] : memref<8x128xf32, #tpu.memory_space<vmem>> -> memref<1x128xf32, #tpu.memory_space<vmem>>
      %scatter3A_450 = tpu.memref_squeeze %scatter3A_449 : memref<1x128xf32, #tpu.memory_space<vmem>> -> memref<128xf32, #tpu.memory_space<vmem>>
      tpu.vector_store_idx %scatter3A_450[%add3A_444], %mul3A_446 : memref<128xf32, #tpu.memory_space<vmem>>[vector<16xi32>], vector<16xf32>,
      %add3A_451 = arith.constant 1 : i32
      %add3A_452 = vector.broadcast %add3A_451 : i32 to vector<16xi32>
      %add3A_453 = arith.addi %mul3A_2, %add3A_452 : vector<16xi32>
      %mul3A_454 = vector.broadcast %squeeze3A : f32 to vector<16xf32>
      %mul3A_455 = arith.mulf %unpack3A_441, %mul3A_454 : vector<16xf32>
      %scatter3A_456 = arith.constant 1 : i32
      %scatter3A_457 = arith.constant 0 : i32
      %scatter3A_458 = tpu.memref_slice %arg9[%scatter3A_456, %scatter3A_457] : memref<8x128xf32, #tpu.memory_space<vmem>> -> memref<1x128xf32, #tpu.memory_space<vmem>>
      %scatter3A_459 = tpu.memref_squeeze %scatter3A_458 : memref<1x128xf32, #tpu.memory_space<vmem>> -> memref<128xf32, #tpu.memory_space<vmem>>
      tpu.vector_store_idx %scatter3A_459[%add3A_453], %mul3A_455 : memref<128xf32, #tpu.memory_space<vmem>>[vector<16xi32>], vector<16xf32>,
      %get3A_460 = arith.constant 10 : i32
      %get3A_461 = arith.index_cast %get3A_460 : i32 to index
      %get3A_462 = arith.constant 32 : index
      %get3A_463 = tpu.vector_load %arg7[%get3A_461, %get3A_462] {strides = array<i32>} : memref<80x128xbf16, #tpu.memory_space<vmem>>, vector<32xbf16>,
      %get3A_464 = arith.constant 11 : i32
      %get3A_465 = arith.index_cast %get3A_464 : i32 to index
      %get3A_466 = arith.constant 32 : index
      %get3A_467 = tpu.vector_load %arg7[%get3A_465, %get3A_466] {strides = array<i32>} : memref<80x128xbf16, #tpu.memory_space<vmem>>, vector<32xbf16>,
      %get3A_468 = arith.constant 12 : i32
      %get3A_469 = arith.index_cast %get3A_468 : i32 to index
      %get3A_470 = arith.constant 32 : index
      %get3A_471 = tpu.vector_load %arg7[%get3A_469, %get3A_470] {strides = array<i32>} : memref<80x128xbf16, #tpu.memory_space<vmem>>, vector<32xbf16>,
      %get3A_472 = arith.constant 13 : i32
      %get3A_473 = arith.index_cast %get3A_472 : i32 to index
      %get3A_474 = arith.constant 32 : index
      %get3A_475 = tpu.vector_load %arg7[%get3A_473, %get3A_474] {strides = array<i32>} : memref<80x128xbf16, #tpu.memory_space<vmem>>, vector<32xbf16>,
      %get3A_476 = arith.constant 14 : i32
      %get3A_477 = arith.index_cast %get3A_476 : i32 to index
      %get3A_478 = arith.constant 32 : index
      %get3A_479 = tpu.vector_load %arg7[%get3A_477, %get3A_478] {strides = array<i32>} : memref<80x128xbf16, #tpu.memory_space<vmem>>, vector<32xbf16>,
      %get3A_480 = arith.constant 15 : i32
      %get3A_481 = arith.index_cast %get3A_480 : i32 to index
      %get3A_482 = arith.constant 32 : index
      %get3A_483 = tpu.vector_load %arg7[%get3A_481, %get3A_482] {strides = array<i32>} : memref<80x128xbf16, #tpu.memory_space<vmem>>, vector<32xbf16>,
      %get3A_484 = arith.constant 16 : i32
      %get3A_485 = arith.index_cast %get3A_484 : i32 to index
      %get3A_486 = arith.constant 32 : index
      %get3A_487 = tpu.vector_load %arg7[%get3A_485, %get3A_486] {strides = array<i32>} : memref<80x128xbf16, #tpu.memory_space<vmem>>, vector<32xbf16>,
      %get3A_488 = arith.constant 17 : i32
      %get3A_489 = arith.index_cast %get3A_488 : i32 to index
      %get3A_490 = arith.constant 32 : index
      %get3A_491 = tpu.vector_load %arg7[%get3A_489, %get3A_490] {strides = array<i32>} : memref<80x128xbf16, #tpu.memory_space<vmem>>, vector<32xbf16>,
      %get3A_492 = arith.constant 18 : i32
      %get3A_493 = arith.index_cast %get3A_492 : i32 to index
      %get3A_494 = arith.constant 32 : index
      %get3A_495 = tpu.vector_load %arg7[%get3A_493, %get3A_494] {strides = array<i32>} : memref<80x128xbf16, #tpu.memory_space<vmem>>, vector<32xbf16>,
      %get3A_496 = arith.constant 19 : i32
      %get3A_497 = arith.index_cast %get3A_496 : i32 to index
      %get3A_498 = arith.constant 32 : index
      %get3A_499 = tpu.vector_load %arg7[%get3A_497, %get3A_498] {strides = array<i32>} : memref<80x128xbf16, #tpu.memory_space<vmem>>, vector<32xbf16>,
      %add3A_500 = arith.addf %get3A_463, %get3A_467 : vector<32xbf16>
      %add3A_501 = arith.addf %get3A_471, %get3A_475 : vector<32xbf16>
      %add3A_502 = arith.addf %get3A_479, %get3A_483 : vector<32xbf16>
      %add3A_503 = arith.addf %get3A_487, %get3A_491 : vector<32xbf16>
      %add3A_504 = arith.addf %get3A_495, %get3A_499 : vector<32xbf16>
      %add3A_505 = arith.addf %add3A_500, %add3A_501 : vector<32xbf16>
      %add3A_506 = arith.addf %add3A_502, %add3A_503 : vector<32xbf16>
      %add3A_507 = arith.addf %add3A_505, %add3A_506 : vector<32xbf16>
      %add3A_508 = arith.addf %add3A_507, %add3A_504 : vector<32xbf16>
      %unpack3A_509 = tpu.unpack_subelements %add3A_508, 0 {pack_format = #tpu.pack_format<interleaved>} : vector<32xbf16> -> vector<16xf32>
      %unpack3A_510 = tpu.unpack_subelements %add3A_508, 1 {pack_format = #tpu.pack_format<interleaved>} : vector<32xbf16> -> vector<16xf32>
      %add3A_511 = arith.constant 32 : i32
      %add3A_512 = vector.broadcast %add3A_511 : i32 to vector<16xi32>
      %add3A_513 = arith.addi %mul3A_2, %add3A_512 : vector<16xi32>
      %mul3A_514 = vector.broadcast %squeeze3A : f32 to vector<16xf32>
      %mul3A_515 = arith.mulf %unpack3A_509, %mul3A_514 : vector<16xf32>
      %scatter3A_516 = arith.constant 1 : i32
      %scatter3A_517 = arith.constant 0 : i32
      %scatter3A_518 = tpu.memref_slice %arg9[%scatter3A_516, %scatter3A_517] : memref<8x128xf32, #tpu.memory_space<vmem>> -> memref<1x128xf32, #tpu.memory_space<vmem>>
      %scatter3A_519 = tpu.memref_squeeze %scatter3A_518 : memref<1x128xf32, #tpu.memory_space<vmem>> -> memref<128xf32, #tpu.memory_space<vmem>>
      tpu.vector_store_idx %scatter3A_519[%add3A_513], %mul3A_515 : memref<128xf32, #tpu.memory_space<vmem>>[vector<16xi32>], vector<16xf32>,
      %add3A_520 = arith.constant 33 : i32
      %add3A_521 = vector.broadcast %add3A_520 : i32 to vector<16xi32>
      %add3A_522 = arith.addi %mul3A_2, %add3A_521 : vector<16xi32>
      %mul3A_523 = vector.broadcast %squeeze3A : f32 to vector<16xf32>
      %mul3A_524 = arith.mulf %unpack3A_510, %mul3A_523 : vector<16xf32>
      %scatter3A_525 = arith.constant 1 : i32
      %scatter3A_526 = arith.constant 0 : i32
      %scatter3A_527 = tpu.memref_slice %arg9[%scatter3A_525, %scatter3A_526] : memref<8x128xf32, #tpu.memory_space<vmem>> -> memref<1x128xf32, #tpu.memory_space<vmem>>
      %scatter3A_528 = tpu.memref_squeeze %scatter3A_527 : memref<1x128xf32, #tpu.memory_space<vmem>> -> memref<128xf32, #tpu.memory_space<vmem>>
      tpu.vector_store_idx %scatter3A_528[%add3A_522], %mul3A_524 : memref<128xf32, #tpu.memory_space<vmem>>[vector<16xi32>], vector<16xf32>,
      %get3A_529 = arith.constant 10 : i32
      %get3A_530 = arith.index_cast %get3A_529 : i32 to index
      %get3A_531 = arith.constant 64 : index
      %get3A_532 = tpu.vector_load %arg7[%get3A_530, %get3A_531] {strides = array<i32>} : memref<80x128xbf16, #tpu.memory_space<vmem>>, vector<32xbf16>,
      %get3A_533 = arith.constant 11 : i32
      %get3A_534 = arith.index_cast %get3A_533 : i32 to index
      %get3A_535 = arith.constant 64 : index
      %get3A_536 = tpu.vector_load %arg7[%get3A_534, %get3A_535] {strides = array<i32>} : memref<80x128xbf16, #tpu.memory_space<vmem>>, vector<32xbf16>,
      %get3A_537 = arith.constant 12 : i32
      %get3A_538 = arith.index_cast %get3A_537 : i32 to index
      %get3A_539 = arith.constant 64 : index
      %get3A_540 = tpu.vector_load %arg7[%get3A_538, %get3A_539] {strides = array<i32>} : memref<80x128xbf16, #tpu.memory_space<vmem>>, vector<32xbf16>,
      %get3A_541 = arith.constant 13 : i32
      %get3A_542 = arith.index_cast %get3A_541 : i32 to index
      %get3A_543 = arith.constant 64 : index
      %get3A_544 = tpu.vector_load %arg7[%get3A_542, %get3A_543] {strides = array<i32>} : memref<80x128xbf16, #tpu.memory_space<vmem>>, vector<32xbf16>,
      %get3A_545 = arith.constant 14 : i32
      %get3A_546 = arith.index_cast %get3A_545 : i32 to index
      %get3A_547 = arith.constant 64 : index
      %get3A_548 = tpu.vector_load %arg7[%get3A_546, %get3A_547] {strides = array<i32>} : memref<80x128xbf16, #tpu.memory_space<vmem>>, vector<32xbf16>,
      %get3A_549 = arith.constant 15 : i32
      %get3A_550 = arith.index_cast %get3A_549 : i32 to index
      %get3A_551 = arith.constant 64 : index
      %get3A_552 = tpu.vector_load %arg7[%get3A_550, %get3A_551] {strides = array<i32>} : memref<80x128xbf16, #tpu.memory_space<vmem>>, vector<32xbf16>,
      %get3A_553 = arith.constant 16 : i32
      %get3A_554 = arith.index_cast %get3A_553 : i32 to index
      %get3A_555 = arith.constant 64 : index
      %get3A_556 = tpu.vector_load %arg7[%get3A_554, %get3A_555] {strides = array<i32>} : memref<80x128xbf16, #tpu.memory_space<vmem>>, vector<32xbf16>,
      %get3A_557 = arith.constant 17 : i32
      %get3A_558 = arith.index_cast %get3A_557 : i32 to index
      %get3A_559 = arith.constant 64 : index
      %get3A_560 = tpu.vector_load %arg7[%get3A_558, %get3A_559] {strides = array<i32>} : memref<80x128xbf16, #tpu.memory_space<vmem>>, vector<32xbf16>,
      %get3A_561 = arith.constant 18 : i32
      %get3A_562 = arith.index_cast %get3A_561 : i32 to index
      %get3A_563 = arith.constant 64 : index
      %get3A_564 = tpu.vector_load %arg7[%get3A_562, %get3A_563] {strides = array<i32>} : memref<80x128xbf16, #tpu.memory_space<vmem>>, vector<32xbf16>,
      %get3A_565 = arith.constant 19 : i32
      %get3A_566 = arith.index_cast %get3A_565 : i32 to index
      %get3A_567 = arith.constant 64 : index
      %get3A_568 = tpu.vector_load %arg7[%get3A_566, %get3A_567] {strides = array<i32>} : memref<80x128xbf16, #tpu.memory_space<vmem>>, vector<32xbf16>,
      %add3A_569 = arith.addf %get3A_532, %get3A_536 : vector<32xbf16>
      %add3A_570 = arith.addf %get3A_540, %get3A_544 : vector<32xbf16>
      %add3A_571 = arith.addf %get3A_548, %get3A_552 : vector<32xbf16>
      %add3A_572 = arith.addf %get3A_556, %get3A_560 : vector<32xbf16>
      %add3A_573 = arith.addf %get3A_564, %get3A_568 : vector<32xbf16>
      %add3A_574 = arith.addf %add3A_569, %add3A_570 : vector<32xbf16>
      %add3A_575 = arith.addf %add3A_571, %add3A_572 : vector<32xbf16>
      %add3A_576 = arith.addf %add3A_574, %add3A_575 : vector<32xbf16>
      %add3A_577 = arith.addf %add3A_576, %add3A_573 : vector<32xbf16>
      %unpack3A_578 = tpu.unpack_subelements %add3A_577, 0 {pack_format = #tpu.pack_format<interleaved>} : vector<32xbf16> -> vector<16xf32>
      %unpack3A_579 = tpu.unpack_subelements %add3A_577, 1 {pack_format = #tpu.pack_format<interleaved>} : vector<32xbf16> -> vector<16xf32>
      %add3A_580 = arith.constant 64 : i32
      %add3A_581 = vector.broadcast %add3A_580 : i32 to vector<16xi32>
      %add3A_582 = arith.addi %mul3A_2, %add3A_581 : vector<16xi32>
      %mul3A_583 = vector.broadcast %squeeze3A : f32 to vector<16xf32>
      %mul3A_584 = arith.mulf %unpack3A_578, %mul3A_583 : vector<16xf32>
      %scatter3A_585 = arith.constant 1 : i32
      %scatter3A_586 = arith.constant 0 : i32
      %scatter3A_587 = tpu.memref_slice %arg9[%scatter3A_585, %scatter3A_586] : memref<8x128xf32, #tpu.memory_space<vmem>> -> memref<1x128xf32, #tpu.memory_space<vmem>>
      %scatter3A_588 = tpu.memref_squeeze %scatter3A_587 : memref<1x128xf32, #tpu.memory_space<vmem>> -> memref<128xf32, #tpu.memory_space<vmem>>
      tpu.vector_store_idx %scatter3A_588[%add3A_582], %mul3A_584 : memref<128xf32, #tpu.memory_space<vmem>>[vector<16xi32>], vector<16xf32>,
      %add3A_589 = arith.constant 65 : i32
      %add3A_590 = vector.broadcast %add3A_589 : i32 to vector<16xi32>
      %add3A_591 = arith.addi %mul3A_2, %add3A_590 : vector<16xi32>
      %mul3A_592 = vector.broadcast %squeeze3A : f32 to vector<16xf32>
      %mul3A_593 = arith.mulf %unpack3A_579, %mul3A_592 : vector<16xf32>
      %scatter3A_594 = arith.constant 1 : i32
      %scatter3A_595 = arith.constant 0 : i32
      %scatter3A_596 = tpu.memref_slice %arg9[%scatter3A_594, %scatter3A_595] : memref<8x128xf32, #tpu.memory_space<vmem>> -> memref<1x128xf32, #tpu.memory_space<vmem>>
      %scatter3A_597 = tpu.memref_squeeze %scatter3A_596 : memref<1x128xf32, #tpu.memory_space<vmem>> -> memref<128xf32, #tpu.memory_space<vmem>>
      tpu.vector_store_idx %scatter3A_597[%add3A_591], %mul3A_593 : memref<128xf32, #tpu.memory_space<vmem>>[vector<16xi32>], vector<16xf32>,
      %get3A_598 = arith.constant 10 : i32
      %get3A_599 = arith.index_cast %get3A_598 : i32 to index
      %get3A_600 = arith.constant 96 : index
      %get3A_601 = tpu.vector_load %arg7[%get3A_599, %get3A_600] {strides = array<i32>} : memref<80x128xbf16, #tpu.memory_space<vmem>>, vector<32xbf16>,
      %get3A_602 = arith.constant 11 : i32
      %get3A_603 = arith.index_cast %get3A_602 : i32 to index
      %get3A_604 = arith.constant 96 : index
      %get3A_605 = tpu.vector_load %arg7[%get3A_603, %get3A_604] {strides = array<i32>} : memref<80x128xbf16, #tpu.memory_space<vmem>>, vector<32xbf16>,
      %get3A_606 = arith.constant 12 : i32
      %get3A_607 = arith.index_cast %get3A_606 : i32 to index
      %get3A_608 = arith.constant 96 : index
      %get3A_609 = tpu.vector_load %arg7[%get3A_607, %get3A_608] {strides = array<i32>} : memref<80x128xbf16, #tpu.memory_space<vmem>>, vector<32xbf16>,
      %get3A_610 = arith.constant 13 : i32
      %get3A_611 = arith.index_cast %get3A_610 : i32 to index
      %get3A_612 = arith.constant 96 : index
      %get3A_613 = tpu.vector_load %arg7[%get3A_611, %get3A_612] {strides = array<i32>} : memref<80x128xbf16, #tpu.memory_space<vmem>>, vector<32xbf16>,
      %get3A_614 = arith.constant 14 : i32
      %get3A_615 = arith.index_cast %get3A_614 : i32 to index
      %get3A_616 = arith.constant 96 : index
      %get3A_617 = tpu.vector_load %arg7[%get3A_615, %get3A_616] {strides = array<i32>} : memref<80x128xbf16, #tpu.memory_space<vmem>>, vector<32xbf16>,
      %get3A_618 = arith.constant 15 : i32
      %get3A_619 = arith.index_cast %get3A_618 : i32 to index
      %get3A_620 = arith.constant 96 : index
      %get3A_621 = tpu.vector_load %arg7[%get3A_619, %get3A_620] {strides = array<i32>} : memref<80x128xbf16, #tpu.memory_space<vmem>>, vector<32xbf16>,
      %get3A_622 = arith.constant 16 : i32
      %get3A_623 = arith.index_cast %get3A_622 : i32 to index
      %get3A_624 = arith.constant 96 : index
      %get3A_625 = tpu.vector_load %arg7[%get3A_623, %get3A_624] {strides = array<i32>} : memref<80x128xbf16, #tpu.memory_space<vmem>>, vector<32xbf16>,
      %get3A_626 = arith.constant 17 : i32
      %get3A_627 = arith.index_cast %get3A_626 : i32 to index
      %get3A_628 = arith.constant 96 : index
      %get3A_629 = tpu.vector_load %arg7[%get3A_627, %get3A_628] {strides = array<i32>} : memref<80x128xbf16, #tpu.memory_space<vmem>>, vector<32xbf16>,
      %get3A_630 = arith.constant 18 : i32
      %get3A_631 = arith.index_cast %get3A_630 : i32 to index
      %get3A_632 = arith.constant 96 : index
      %get3A_633 = tpu.vector_load %arg7[%get3A_631, %get3A_632] {strides = array<i32>} : memref<80x128xbf16, #tpu.memory_space<vmem>>, vector<32xbf16>,
      %get3A_634 = arith.constant 19 : i32
      %get3A_635 = arith.index_cast %get3A_634 : i32 to index
      %get3A_636 = arith.constant 96 : index
      %get3A_637 = tpu.vector_load %arg7[%get3A_635, %get3A_636] {strides = array<i32>} : memref<80x128xbf16, #tpu.memory_space<vmem>>, vector<32xbf16>,
      %add3A_638 = arith.addf %get3A_601, %get3A_605 : vector<32xbf16>
      %add3A_639 = arith.addf %get3A_609, %get3A_613 : vector<32xbf16>
      %add3A_640 = arith.addf %get3A_617, %get3A_621 : vector<32xbf16>
      %add3A_641 = arith.addf %get3A_625, %get3A_629 : vector<32xbf16>
      %add3A_642 = arith.addf %get3A_633, %get3A_637 : vector<32xbf16>
      %add3A_643 = arith.addf %add3A_638, %add3A_639 : vector<32xbf16>
      %add3A_644 = arith.addf %add3A_640, %add3A_641 : vector<32xbf16>
      %add3A_645 = arith.addf %add3A_643, %add3A_644 : vector<32xbf16>
      %add3A_646 = arith.addf %add3A_645, %add3A_642 : vector<32xbf16>
      %unpack3A_647 = tpu.unpack_subelements %add3A_646, 0 {pack_format = #tpu.pack_format<interleaved>} : vector<32xbf16> -> vector<16xf32>
      %unpack3A_648 = tpu.unpack_subelements %add3A_646, 1 {pack_format = #tpu.pack_format<interleaved>} : vector<32xbf16> -> vector<16xf32>
      %add3A_649 = arith.constant 96 : i32
      %add3A_650 = vector.broadcast %add3A_649 : i32 to vector<16xi32>
      %add3A_651 = arith.addi %mul3A_2, %add3A_650 : vector<16xi32>
      %mul3A_652 = vector.broadcast %squeeze3A : f32 to vector<16xf32>
      %mul3A_653 = arith.mulf %unpack3A_647, %mul3A_652 : vector<16xf32>
      %scatter3A_654 = arith.constant 1 : i32
      %scatter3A_655 = arith.constant 0 : i32
      %scatter3A_656 = tpu.memref_slice %arg9[%scatter3A_654, %scatter3A_655] : memref<8x128xf32, #tpu.memory_space<vmem>> -> memref<1x128xf32, #tpu.memory_space<vmem>>
      %scatter3A_657 = tpu.memref_squeeze %scatter3A_656 : memref<1x128xf32, #tpu.memory_space<vmem>> -> memref<128xf32, #tpu.memory_space<vmem>>
      tpu.vector_store_idx %scatter3A_657[%add3A_651], %mul3A_653 : memref<128xf32, #tpu.memory_space<vmem>>[vector<16xi32>], vector<16xf32>,
      %add3A_658 = arith.constant 97 : i32
      %add3A_659 = vector.broadcast %add3A_658 : i32 to vector<16xi32>
      %add3A_660 = arith.addi %mul3A_2, %add3A_659 : vector<16xi32>
      %mul3A_661 = vector.broadcast %squeeze3A : f32 to vector<16xf32>
      %mul3A_662 = arith.mulf %unpack3A_648, %mul3A_661 : vector<16xf32>
      %scatter3A_663 = arith.constant 1 : i32
      %scatter3A_664 = arith.constant 0 : i32
      %scatter3A_665 = tpu.memref_slice %arg9[%scatter3A_663, %scatter3A_664] : memref<8x128xf32, #tpu.memory_space<vmem>> -> memref<1x128xf32, #tpu.memory_space<vmem>>
      %scatter3A_666 = tpu.memref_squeeze %scatter3A_665 : memref<1x128xf32, #tpu.memory_space<vmem>> -> memref<128xf32, #tpu.memory_space<vmem>>
      tpu.vector_store_idx %scatter3A_666[%add3A_660], %mul3A_662 : memref<128xf32, #tpu.memory_space<vmem>>[vector<16xi32>], vector<16xf32>,
      %get3A_667 = arith.constant 20 : i32
      %get3A_668 = arith.index_cast %get3A_667 : i32 to index
      %get3A_669 = arith.constant 0 : index
      %get3A_670 = tpu.vector_load %arg7[%get3A_668, %get3A_669] {strides = array<i32>} : memref<80x128xbf16, #tpu.memory_space<vmem>>, vector<32xbf16>,
      %get3A_671 = arith.constant 21 : i32
      %get3A_672 = arith.index_cast %get3A_671 : i32 to index
      %get3A_673 = arith.constant 0 : index
      %get3A_674 = tpu.vector_load %arg7[%get3A_672, %get3A_673] {strides = array<i32>} : memref<80x128xbf16, #tpu.memory_space<vmem>>, vector<32xbf16>,
      %get3A_675 = arith.constant 22 : i32
      %get3A_676 = arith.index_cast %get3A_675 : i32 to index
      %get3A_677 = arith.constant 0 : index
      %get3A_678 = tpu.vector_load %arg7[%get3A_676, %get3A_677] {strides = array<i32>} : memref<80x128xbf16, #tpu.memory_space<vmem>>, vector<32xbf16>,
      %get3A_679 = arith.constant 23 : i32
      %get3A_680 = arith.index_cast %get3A_679 : i32 to index
      %get3A_681 = arith.constant 0 : index
      %get3A_682 = tpu.vector_load %arg7[%get3A_680, %get3A_681] {strides = array<i32>} : memref<80x128xbf16, #tpu.memory_space<vmem>>, vector<32xbf16>,
      %get3A_683 = arith.constant 24 : i32
      %get3A_684 = arith.index_cast %get3A_683 : i32 to index
      %get3A_685 = arith.constant 0 : index
      %get3A_686 = tpu.vector_load %arg7[%get3A_684, %get3A_685] {strides = array<i32>} : memref<80x128xbf16, #tpu.memory_space<vmem>>, vector<32xbf16>,
      %get3A_687 = arith.constant 25 : i32
      %get3A_688 = arith.index_cast %get3A_687 : i32 to index
      %get3A_689 = arith.constant 0 : index
      %get3A_690 = tpu.vector_load %arg7[%get3A_688, %get3A_689] {strides = array<i32>} : memref<80x128xbf16, #tpu.memory_space<vmem>>, vector<32xbf16>,
      %get3A_691 = arith.constant 26 : i32
      %get3A_692 = arith.index_cast %get3A_691 : i32 to index
      %get3A_693 = arith.constant 0 : index
      %get3A_694 = tpu.vector_load %arg7[%get3A_692, %get3A_693] {strides = array<i32>} : memref<80x128xbf16, #tpu.memory_space<vmem>>, vector<32xbf16>,
      %get3A_695 = arith.constant 27 : i32
      %get3A_696 = arith.index_cast %get3A_695 : i32 to index
      %get3A_697 = arith.constant 0 : index
      %get3A_698 = tpu.vector_load %arg7[%get3A_696, %get3A_697] {strides = array<i32>} : memref<80x128xbf16, #tpu.memory_space<vmem>>, vector<32xbf16>,
      %get3A_699 = arith.constant 28 : i32
      %get3A_700 = arith.index_cast %get3A_699 : i32 to index
      %get3A_701 = arith.constant 0 : index
      %get3A_702 = tpu.vector_load %arg7[%get3A_700, %get3A_701] {strides = array<i32>} : memref<80x128xbf16, #tpu.memory_space<vmem>>, vector<32xbf16>,
      %get3A_703 = arith.constant 29 : i32
      %get3A_704 = arith.index_cast %get3A_703 : i32 to index
      %get3A_705 = arith.constant 0 : index
      %get3A_706 = tpu.vector_load %arg7[%get3A_704, %get3A_705] {strides = array<i32>} : memref<80x128xbf16, #tpu.memory_space<vmem>>, vector<32xbf16>,
      %add3A_707 = arith.addf %get3A_670, %get3A_674 : vector<32xbf16>
      %add3A_708 = arith.addf %get3A_678, %get3A_682 : vector<32xbf16>
      %add3A_709 = arith.addf %get3A_686, %get3A_690 : vector<32xbf16>
      %add3A_710 = arith.addf %get3A_694, %get3A_698 : vector<32xbf16>
      %add3A_711 = arith.addf %get3A_702, %get3A_706 : vector<32xbf16>
      %add3A_712 = arith.addf %add3A_707, %add3A_708 : vector<32xbf16>
      %add3A_713 = arith.addf %add3A_709, %add3A_710 : vector<32xbf16>
      %add3A_714 = arith.addf %add3A_712, %add3A_713 : vector<32xbf16>
      %add3A_715 = arith.addf %add3A_714, %add3A_711 : vector<32xbf16>
      %unpack3A_716 = tpu.unpack_subelements %add3A_715, 0 {pack_format = #tpu.pack_format<interleaved>} : vector<32xbf16> -> vector<16xf32>
      %unpack3A_717 = tpu.unpack_subelements %add3A_715, 1 {pack_format = #tpu.pack_format<interleaved>} : vector<32xbf16> -> vector<16xf32>
      %add3A_718 = arith.constant 0 : i32
      %add3A_719 = vector.broadcast %add3A_718 : i32 to vector<16xi32>
      %add3A_720 = arith.addi %mul3A_2, %add3A_719 : vector<16xi32>
      %mul3A_721 = vector.broadcast %squeeze3A : f32 to vector<16xf32>
      %mul3A_722 = arith.mulf %unpack3A_716, %mul3A_721 : vector<16xf32>
      %scatter3A_723 = arith.constant 2 : i32
      %scatter3A_724 = arith.constant 0 : i32
      %scatter3A_725 = tpu.memref_slice %arg9[%scatter3A_723, %scatter3A_724] : memref<8x128xf32, #tpu.memory_space<vmem>> -> memref<1x128xf32, #tpu.memory_space<vmem>>
      %scatter3A_726 = tpu.memref_squeeze %scatter3A_725 : memref<1x128xf32, #tpu.memory_space<vmem>> -> memref<128xf32, #tpu.memory_space<vmem>>
      tpu.vector_store_idx %scatter3A_726[%add3A_720], %mul3A_722 : memref<128xf32, #tpu.memory_space<vmem>>[vector<16xi32>], vector<16xf32>,
      %add3A_727 = arith.constant 1 : i32
      %add3A_728 = vector.broadcast %add3A_727 : i32 to vector<16xi32>
      %add3A_729 = arith.addi %mul3A_2, %add3A_728 : vector<16xi32>
      %mul3A_730 = vector.broadcast %squeeze3A : f32 to vector<16xf32>
      %mul3A_731 = arith.mulf %unpack3A_717, %mul3A_730 : vector<16xf32>
      %scatter3A_732 = arith.constant 2 : i32
      %scatter3A_733 = arith.constant 0 : i32
      %scatter3A_734 = tpu.memref_slice %arg9[%scatter3A_732, %scatter3A_733] : memref<8x128xf32, #tpu.memory_space<vmem>> -> memref<1x128xf32, #tpu.memory_space<vmem>>
      %scatter3A_735 = tpu.memref_squeeze %scatter3A_734 : memref<1x128xf32, #tpu.memory_space<vmem>> -> memref<128xf32, #tpu.memory_space<vmem>>
      tpu.vector_store_idx %scatter3A_735[%add3A_729], %mul3A_731 : memref<128xf32, #tpu.memory_space<vmem>>[vector<16xi32>], vector<16xf32>,
      %get3A_736 = arith.constant 20 : i32
      %get3A_737 = arith.index_cast %get3A_736 : i32 to index
      %get3A_738 = arith.constant 32 : index
      %get3A_739 = tpu.vector_load %arg7[%get3A_737, %get3A_738] {strides = array<i32>} : memref<80x128xbf16, #tpu.memory_space<vmem>>, vector<32xbf16>,
      %get3A_740 = arith.constant 21 : i32
      %get3A_741 = arith.index_cast %get3A_740 : i32 to index
      %get3A_742 = arith.constant 32 : index
      %get3A_743 = tpu.vector_load %arg7[%get3A_741, %get3A_742] {strides = array<i32>} : memref<80x128xbf16, #tpu.memory_space<vmem>>, vector<32xbf16>,
      %get3A_744 = arith.constant 22 : i32
      %get3A_745 = arith.index_cast %get3A_744 : i32 to index
      %get3A_746 = arith.constant 32 : index
      %get3A_747 = tpu.vector_load %arg7[%get3A_745, %get3A_746] {strides = array<i32>} : memref<80x128xbf16, #tpu.memory_space<vmem>>, vector<32xbf16>,
      %get3A_748 = arith.constant 23 : i32
      %get3A_749 = arith.index_cast %get3A_748 : i32 to index
      %get3A_750 = arith.constant 32 : index
      %get3A_751 = tpu.vector_load %arg7[%get3A_749, %get3A_750] {strides = array<i32>} : memref<80x128xbf16, #tpu.memory_space<vmem>>, vector<32xbf16>,
      %get3A_752 = arith.constant 24 : i32
      %get3A_753 = arith.index_cast %get3A_752 : i32 to index
      %get3A_754 = arith.constant 32 : index
      %get3A_755 = tpu.vector_load %arg7[%get3A_753, %get3A_754] {strides = array<i32>} : memref<80x128xbf16, #tpu.memory_space<vmem>>, vector<32xbf16>,
      %get3A_756 = arith.constant 25 : i32
      %get3A_757 = arith.index_cast %get3A_756 : i32 to index
      %get3A_758 = arith.constant 32 : index
      %get3A_759 = tpu.vector_load %arg7[%get3A_757, %get3A_758] {strides = array<i32>} : memref<80x128xbf16, #tpu.memory_space<vmem>>, vector<32xbf16>,
      %get3A_760 = arith.constant 26 : i32
      %get3A_761 = arith.index_cast %get3A_760 : i32 to index
      %get3A_762 = arith.constant 32 : index
      %get3A_763 = tpu.vector_load %arg7[%get3A_761, %get3A_762] {strides = array<i32>} : memref<80x128xbf16, #tpu.memory_space<vmem>>, vector<32xbf16>,
      %get3A_764 = arith.constant 27 : i32
      %get3A_765 = arith.index_cast %get3A_764 : i32 to index
      %get3A_766 = arith.constant 32 : index
      %get3A_767 = tpu.vector_load %arg7[%get3A_765, %get3A_766] {strides = array<i32>} : memref<80x128xbf16, #tpu.memory_space<vmem>>, vector<32xbf16>,
      %get3A_768 = arith.constant 28 : i32
      %get3A_769 = arith.index_cast %get3A_768 : i32 to index
      %get3A_770 = arith.constant 32 : index
      %get3A_771 = tpu.vector_load %arg7[%get3A_769, %get3A_770] {strides = array<i32>} : memref<80x128xbf16, #tpu.memory_space<vmem>>, vector<32xbf16>,
      %get3A_772 = arith.constant 29 : i32
      %get3A_773 = arith.index_cast %get3A_772 : i32 to index
      %get3A_774 = arith.constant 32 : index
      %get3A_775 = tpu.vector_load %arg7[%get3A_773, %get3A_774] {strides = array<i32>} : memref<80x128xbf16, #tpu.memory_space<vmem>>, vector<32xbf16>,
      %add3A_776 = arith.addf %get3A_739, %get3A_743 : vector<32xbf16>
      %add3A_777 = arith.addf %get3A_747, %get3A_751 : vector<32xbf16>
      %add3A_778 = arith.addf %get3A_755, %get3A_759 : vector<32xbf16>
      %add3A_779 = arith.addf %get3A_763, %get3A_767 : vector<32xbf16>
      %add3A_780 = arith.addf %get3A_771, %get3A_775 : vector<32xbf16>
      %add3A_781 = arith.addf %add3A_776, %add3A_777 : vector<32xbf16>
      %add3A_782 = arith.addf %add3A_778, %add3A_779 : vector<32xbf16>
      %add3A_783 = arith.addf %add3A_781, %add3A_782 : vector<32xbf16>
      %add3A_784 = arith.addf %add3A_783, %add3A_780 : vector<32xbf16>
      %unpack3A_785 = tpu.unpack_subelements %add3A_784, 0 {pack_format = #tpu.pack_format<interleaved>} : vector<32xbf16> -> vector<16xf32>
      %unpack3A_786 = tpu.unpack_subelements %add3A_784, 1 {pack_format = #tpu.pack_format<interleaved>} : vector<32xbf16> -> vector<16xf32>
      %add3A_787 = arith.constant 32 : i32
      %add3A_788 = vector.broadcast %add3A_787 : i32 to vector<16xi32>
      %add3A_789 = arith.addi %mul3A_2, %add3A_788 : vector<16xi32>
      %mul3A_790 = vector.broadcast %squeeze3A : f32 to vector<16xf32>
      %mul3A_791 = arith.mulf %unpack3A_785, %mul3A_790 : vector<16xf32>
      %scatter3A_792 = arith.constant 2 : i32
      %scatter3A_793 = arith.constant 0 : i32
      %scatter3A_794 = tpu.memref_slice %arg9[%scatter3A_792, %scatter3A_793] : memref<8x128xf32, #tpu.memory_space<vmem>> -> memref<1x128xf32, #tpu.memory_space<vmem>>
      %scatter3A_795 = tpu.memref_squeeze %scatter3A_794 : memref<1x128xf32, #tpu.memory_space<vmem>> -> memref<128xf32, #tpu.memory_space<vmem>>
      tpu.vector_store_idx %scatter3A_795[%add3A_789], %mul3A_791 : memref<128xf32, #tpu.memory_space<vmem>>[vector<16xi32>], vector<16xf32>,
      %add3A_796 = arith.constant 33 : i32
      %add3A_797 = vector.broadcast %add3A_796 : i32 to vector<16xi32>
      %add3A_798 = arith.addi %mul3A_2, %add3A_797 : vector<16xi32>
      %mul3A_799 = vector.broadcast %squeeze3A : f32 to vector<16xf32>
      %mul3A_800 = arith.mulf %unpack3A_786, %mul3A_799 : vector<16xf32>
      %scatter3A_801 = arith.constant 2 : i32
      %scatter3A_802 = arith.constant 0 : i32
      %scatter3A_803 = tpu.memref_slice %arg9[%scatter3A_801, %scatter3A_802] : memref<8x128xf32, #tpu.memory_space<vmem>> -> memref<1x128xf32, #tpu.memory_space<vmem>>
      %scatter3A_804 = tpu.memref_squeeze %scatter3A_803 : memref<1x128xf32, #tpu.memory_space<vmem>> -> memref<128xf32, #tpu.memory_space<vmem>>
      tpu.vector_store_idx %scatter3A_804[%add3A_798], %mul3A_800 : memref<128xf32, #tpu.memory_space<vmem>>[vector<16xi32>], vector<16xf32>,
      %get3A_805 = arith.constant 20 : i32
      %get3A_806 = arith.index_cast %get3A_805 : i32 to index
      %get3A_807 = arith.constant 64 : index
      %get3A_808 = tpu.vector_load %arg7[%get3A_806, %get3A_807] {strides = array<i32>} : memref<80x128xbf16, #tpu.memory_space<vmem>>, vector<32xbf16>,
      %get3A_809 = arith.constant 21 : i32
      %get3A_810 = arith.index_cast %get3A_809 : i32 to index
      %get3A_811 = arith.constant 64 : index
      %get3A_812 = tpu.vector_load %arg7[%get3A_810, %get3A_811] {strides = array<i32>} : memref<80x128xbf16, #tpu.memory_space<vmem>>, vector<32xbf16>,
      %get3A_813 = arith.constant 22 : i32
      %get3A_814 = arith.index_cast %get3A_813 : i32 to index
      %get3A_815 = arith.constant 64 : index
      %get3A_816 = tpu.vector_load %arg7[%get3A_814, %get3A_815] {strides = array<i32>} : memref<80x128xbf16, #tpu.memory_space<vmem>>, vector<32xbf16>,
      %get3A_817 = arith.constant 23 : i32
      %get3A_818 = arith.index_cast %get3A_817 : i32 to index
      %get3A_819 = arith.constant 64 : index
      %get3A_820 = tpu.vector_load %arg7[%get3A_818, %get3A_819] {strides = array<i32>} : memref<80x128xbf16, #tpu.memory_space<vmem>>, vector<32xbf16>,
      %get3A_821 = arith.constant 24 : i32
      %get3A_822 = arith.index_cast %get3A_821 : i32 to index
      %get3A_823 = arith.constant 64 : index
      %get3A_824 = tpu.vector_load %arg7[%get3A_822, %get3A_823] {strides = array<i32>} : memref<80x128xbf16, #tpu.memory_space<vmem>>, vector<32xbf16>,
      %get3A_825 = arith.constant 25 : i32
      %get3A_826 = arith.index_cast %get3A_825 : i32 to index
      %get3A_827 = arith.constant 64 : index
      %get3A_828 = tpu.vector_load %arg7[%get3A_826, %get3A_827] {strides = array<i32>} : memref<80x128xbf16, #tpu.memory_space<vmem>>, vector<32xbf16>,
      %get3A_829 = arith.constant 26 : i32
      %get3A_830 = arith.index_cast %get3A_829 : i32 to index
      %get3A_831 = arith.constant 64 : index
      %get3A_832 = tpu.vector_load %arg7[%get3A_830, %get3A_831] {strides = array<i32>} : memref<80x128xbf16, #tpu.memory_space<vmem>>, vector<32xbf16>,
      %get3A_833 = arith.constant 27 : i32
      %get3A_834 = arith.index_cast %get3A_833 : i32 to index
      %get3A_835 = arith.constant 64 : index
      %get3A_836 = tpu.vector_load %arg7[%get3A_834, %get3A_835] {strides = array<i32>} : memref<80x128xbf16, #tpu.memory_space<vmem>>, vector<32xbf16>,
      %get3A_837 = arith.constant 28 : i32
      %get3A_838 = arith.index_cast %get3A_837 : i32 to index
      %get3A_839 = arith.constant 64 : index
      %get3A_840 = tpu.vector_load %arg7[%get3A_838, %get3A_839] {strides = array<i32>} : memref<80x128xbf16, #tpu.memory_space<vmem>>, vector<32xbf16>,
      %get3A_841 = arith.constant 29 : i32
      %get3A_842 = arith.index_cast %get3A_841 : i32 to index
      %get3A_843 = arith.constant 64 : index
      %get3A_844 = tpu.vector_load %arg7[%get3A_842, %get3A_843] {strides = array<i32>} : memref<80x128xbf16, #tpu.memory_space<vmem>>, vector<32xbf16>,
      %add3A_845 = arith.addf %get3A_808, %get3A_812 : vector<32xbf16>
      %add3A_846 = arith.addf %get3A_816, %get3A_820 : vector<32xbf16>
      %add3A_847 = arith.addf %get3A_824, %get3A_828 : vector<32xbf16>
      %add3A_848 = arith.addf %get3A_832, %get3A_836 : vector<32xbf16>
      %add3A_849 = arith.addf %get3A_840, %get3A_844 : vector<32xbf16>
      %add3A_850 = arith.addf %add3A_845, %add3A_846 : vector<32xbf16>
      %add3A_851 = arith.addf %add3A_847, %add3A_848 : vector<32xbf16>
      %add3A_852 = arith.addf %add3A_850, %add3A_851 : vector<32xbf16>
      %add3A_853 = arith.addf %add3A_852, %add3A_849 : vector<32xbf16>
      %unpack3A_854 = tpu.unpack_subelements %add3A_853, 0 {pack_format = #tpu.pack_format<interleaved>} : vector<32xbf16> -> vector<16xf32>
      %unpack3A_855 = tpu.unpack_subelements %add3A_853, 1 {pack_format = #tpu.pack_format<interleaved>} : vector<32xbf16> -> vector<16xf32>
      %add3A_856 = arith.constant 64 : i32
      %add3A_857 = vector.broadcast %add3A_856 : i32 to vector<16xi32>
      %add3A_858 = arith.addi %mul3A_2, %add3A_857 : vector<16xi32>
      %mul3A_859 = vector.broadcast %squeeze3A : f32 to vector<16xf32>
      %mul3A_860 = arith.mulf %unpack3A_854, %mul3A_859 : vector<16xf32>
      %scatter3A_861 = arith.constant 2 : i32
      %scatter3A_862 = arith.constant 0 : i32
      %scatter3A_863 = tpu.memref_slice %arg9[%scatter3A_861, %scatter3A_862] : memref<8x128xf32, #tpu.memory_space<vmem>> -> memref<1x128xf32, #tpu.memory_space<vmem>>
      %scatter3A_864 = tpu.memref_squeeze %scatter3A_863 : memref<1x128xf32, #tpu.memory_space<vmem>> -> memref<128xf32, #tpu.memory_space<vmem>>
      tpu.vector_store_idx %scatter3A_864[%add3A_858], %mul3A_860 : memref<128xf32, #tpu.memory_space<vmem>>[vector<16xi32>], vector<16xf32>,
      %add3A_865 = arith.constant 65 : i32
      %add3A_866 = vector.broadcast %add3A_865 : i32 to vector<16xi32>
      %add3A_867 = arith.addi %mul3A_2, %add3A_866 : vector<16xi32>
      %mul3A_868 = vector.broadcast %squeeze3A : f32 to vector<16xf32>
      %mul3A_869 = arith.mulf %unpack3A_855, %mul3A_868 : vector<16xf32>
      %scatter3A_870 = arith.constant 2 : i32
      %scatter3A_871 = arith.constant 0 : i32
      %scatter3A_872 = tpu.memref_slice %arg9[%scatter3A_870, %scatter3A_871] : memref<8x128xf32, #tpu.memory_space<vmem>> -> memref<1x128xf32, #tpu.memory_space<vmem>>
      %scatter3A_873 = tpu.memref_squeeze %scatter3A_872 : memref<1x128xf32, #tpu.memory_space<vmem>> -> memref<128xf32, #tpu.memory_space<vmem>>
      tpu.vector_store_idx %scatter3A_873[%add3A_867], %mul3A_869 : memref<128xf32, #tpu.memory_space<vmem>>[vector<16xi32>], vector<16xf32>,
      %get3A_874 = arith.constant 20 : i32
      %get3A_875 = arith.index_cast %get3A_874 : i32 to index
      %get3A_876 = arith.constant 96 : index
      %get3A_877 = tpu.vector_load %arg7[%get3A_875, %get3A_876] {strides = array<i32>} : memref<80x128xbf16, #tpu.memory_space<vmem>>, vector<32xbf16>,
      %get3A_878 = arith.constant 21 : i32
      %get3A_879 = arith.index_cast %get3A_878 : i32 to index
      %get3A_880 = arith.constant 96 : index
      %get3A_881 = tpu.vector_load %arg7[%get3A_879, %get3A_880] {strides = array<i32>} : memref<80x128xbf16, #tpu.memory_space<vmem>>, vector<32xbf16>,
      %get3A_882 = arith.constant 22 : i32
      %get3A_883 = arith.index_cast %get3A_882 : i32 to index
      %get3A_884 = arith.constant 96 : index
      %get3A_885 = tpu.vector_load %arg7[%get3A_883, %get3A_884] {strides = array<i32>} : memref<80x128xbf16, #tpu.memory_space<vmem>>, vector<32xbf16>,
      %get3A_886 = arith.constant 23 : i32
      %get3A_887 = arith.index_cast %get3A_886 : i32 to index
      %get3A_888 = arith.constant 96 : index
      %get3A_889 = tpu.vector_load %arg7[%get3A_887, %get3A_888] {strides = array<i32>} : memref<80x128xbf16, #tpu.memory_space<vmem>>, vector<32xbf16>,
      %get3A_890 = arith.constant 24 : i32
      %get3A_891 = arith.index_cast %get3A_890 : i32 to index
      %get3A_892 = arith.constant 96 : index
      %get3A_893 = tpu.vector_load %arg7[%get3A_891, %get3A_892] {strides = array<i32>} : memref<80x128xbf16, #tpu.memory_space<vmem>>, vector<32xbf16>,
      %get3A_894 = arith.constant 25 : i32
      %get3A_895 = arith.index_cast %get3A_894 : i32 to index
      %get3A_896 = arith.constant 96 : index
      %get3A_897 = tpu.vector_load %arg7[%get3A_895, %get3A_896] {strides = array<i32>} : memref<80x128xbf16, #tpu.memory_space<vmem>>, vector<32xbf16>,
      %get3A_898 = arith.constant 26 : i32
      %get3A_899 = arith.index_cast %get3A_898 : i32 to index
      %get3A_900 = arith.constant 96 : index
      %get3A_901 = tpu.vector_load %arg7[%get3A_899, %get3A_900] {strides = array<i32>} : memref<80x128xbf16, #tpu.memory_space<vmem>>, vector<32xbf16>,
      %get3A_902 = arith.constant 27 : i32
      %get3A_903 = arith.index_cast %get3A_902 : i32 to index
      %get3A_904 = arith.constant 96 : index
      %get3A_905 = tpu.vector_load %arg7[%get3A_903, %get3A_904] {strides = array<i32>} : memref<80x128xbf16, #tpu.memory_space<vmem>>, vector<32xbf16>,
      %get3A_906 = arith.constant 28 : i32
      %get3A_907 = arith.index_cast %get3A_906 : i32 to index
      %get3A_908 = arith.constant 96 : index
      %get3A_909 = tpu.vector_load %arg7[%get3A_907, %get3A_908] {strides = array<i32>} : memref<80x128xbf16, #tpu.memory_space<vmem>>, vector<32xbf16>,
      %get3A_910 = arith.constant 29 : i32
      %get3A_911 = arith.index_cast %get3A_910 : i32 to index
      %get3A_912 = arith.constant 96 : index
      %get3A_913 = tpu.vector_load %arg7[%get3A_911, %get3A_912] {strides = array<i32>} : memref<80x128xbf16, #tpu.memory_space<vmem>>, vector<32xbf16>,
      %add3A_914 = arith.addf %get3A_877, %get3A_881 : vector<32xbf16>
      %add3A_915 = arith.addf %get3A_885, %get3A_889 : vector<32xbf16>
      %add3A_916 = arith.addf %get3A_893, %get3A_897 : vector<32xbf16>
      %add3A_917 = arith.addf %get3A_901, %get3A_905 : vector<32xbf16>
      %add3A_918 = arith.addf %get3A_909, %get3A_913 : vector<32xbf16>
      %add3A_919 = arith.addf %add3A_914, %add3A_915 : vector<32xbf16>
      %add3A_920 = arith.addf %add3A_916, %add3A_917 : vector<32xbf16>
      %add3A_921 = arith.addf %add3A_919, %add3A_920 : vector<32xbf16>
      %add3A_922 = arith.addf %add3A_921, %add3A_918 : vector<32xbf16>
      %unpack3A_923 = tpu.unpack_subelements %add3A_922, 0 {pack_format = #tpu.pack_format<interleaved>} : vector<32xbf16> -> vector<16xf32>
      %unpack3A_924 = tpu.unpack_subelements %add3A_922, 1 {pack_format = #tpu.pack_format<interleaved>} : vector<32xbf16> -> vector<16xf32>
      %add3A_925 = arith.constant 96 : i32
      %add3A_926 = vector.broadcast %add3A_925 : i32 to vector<16xi32>
      %add3A_927 = arith.addi %mul3A_2, %add3A_926 : vector<16xi32>
      %mul3A_928 = vector.broadcast %squeeze3A : f32 to vector<16xf32>
      %mul3A_929 = arith.mulf %unpack3A_923, %mul3A_928 : vector<16xf32>
      %scatter3A_930 = arith.constant 2 : i32
      %scatter3A_931 = arith.constant 0 : i32
      %scatter3A_932 = tpu.memref_slice %arg9[%scatter3A_930, %scatter3A_931] : memref<8x128xf32, #tpu.memory_space<vmem>> -> memref<1x128xf32, #tpu.memory_space<vmem>>
      %scatter3A_933 = tpu.memref_squeeze %scatter3A_932 : memref<1x128xf32, #tpu.memory_space<vmem>> -> memref<128xf32, #tpu.memory_space<vmem>>
      tpu.vector_store_idx %scatter3A_933[%add3A_927], %mul3A_929 : memref<128xf32, #tpu.memory_space<vmem>>[vector<16xi32>], vector<16xf32>,
      %add3A_934 = arith.constant 97 : i32
      %add3A_935 = vector.broadcast %add3A_934 : i32 to vector<16xi32>
      %add3A_936 = arith.addi %mul3A_2, %add3A_935 : vector<16xi32>
      %mul3A_937 = vector.broadcast %squeeze3A : f32 to vector<16xf32>
      %mul3A_938 = arith.mulf %unpack3A_924, %mul3A_937 : vector<16xf32>
      %scatter3A_939 = arith.constant 2 : i32
      %scatter3A_940 = arith.constant 0 : i32
      %scatter3A_941 = tpu.memref_slice %arg9[%scatter3A_939, %scatter3A_940] : memref<8x128xf32, #tpu.memory_space<vmem>> -> memref<1x128xf32, #tpu.memory_space<vmem>>
      %scatter3A_942 = tpu.memref_squeeze %scatter3A_941 : memref<1x128xf32, #tpu.memory_space<vmem>> -> memref<128xf32, #tpu.memory_space<vmem>>
      tpu.vector_store_idx %scatter3A_942[%add3A_936], %mul3A_938 : memref<128xf32, #tpu.memory_space<vmem>>[vector<16xi32>], vector<16xf32>,
      %get3A_943 = arith.constant 30 : i32
      %get3A_944 = arith.index_cast %get3A_943 : i32 to index
      %get3A_945 = arith.constant 0 : index
      %get3A_946 = tpu.vector_load %arg7[%get3A_944, %get3A_945] {strides = array<i32>} : memref<80x128xbf16, #tpu.memory_space<vmem>>, vector<32xbf16>,
      %get3A_947 = arith.constant 31 : i32
      %get3A_948 = arith.index_cast %get3A_947 : i32 to index
      %get3A_949 = arith.constant 0 : index
      %get3A_950 = tpu.vector_load %arg7[%get3A_948, %get3A_949] {strides = array<i32>} : memref<80x128xbf16, #tpu.memory_space<vmem>>, vector<32xbf16>,
      %get3A_951 = arith.constant 32 : i32
      %get3A_952 = arith.index_cast %get3A_951 : i32 to index
      %get3A_953 = arith.constant 0 : index
      %get3A_954 = tpu.vector_load %arg7[%get3A_952, %get3A_953] {strides = array<i32>} : memref<80x128xbf16, #tpu.memory_space<vmem>>, vector<32xbf16>,
      %get3A_955 = arith.constant 33 : i32
      %get3A_956 = arith.index_cast %get3A_955 : i32 to index
      %get3A_957 = arith.constant 0 : index
      %get3A_958 = tpu.vector_load %arg7[%get3A_956, %get3A_957] {strides = array<i32>} : memref<80x128xbf16, #tpu.memory_space<vmem>>, vector<32xbf16>,
      %get3A_959 = arith.constant 34 : i32
      %get3A_960 = arith.index_cast %get3A_959 : i32 to index
      %get3A_961 = arith.constant 0 : index
      %get3A_962 = tpu.vector_load %arg7[%get3A_960, %get3A_961] {strides = array<i32>} : memref<80x128xbf16, #tpu.memory_space<vmem>>, vector<32xbf16>,
      %get3A_963 = arith.constant 35 : i32
      %get3A_964 = arith.index_cast %get3A_963 : i32 to index
      %get3A_965 = arith.constant 0 : index
      %get3A_966 = tpu.vector_load %arg7[%get3A_964, %get3A_965] {strides = array<i32>} : memref<80x128xbf16, #tpu.memory_space<vmem>>, vector<32xbf16>,
      %get3A_967 = arith.constant 36 : i32
      %get3A_968 = arith.index_cast %get3A_967 : i32 to index
      %get3A_969 = arith.constant 0 : index
      %get3A_970 = tpu.vector_load %arg7[%get3A_968, %get3A_969] {strides = array<i32>} : memref<80x128xbf16, #tpu.memory_space<vmem>>, vector<32xbf16>,
      %get3A_971 = arith.constant 37 : i32
      %get3A_972 = arith.index_cast %get3A_971 : i32 to index
      %get3A_973 = arith.constant 0 : index
      %get3A_974 = tpu.vector_load %arg7[%get3A_972, %get3A_973] {strides = array<i32>} : memref<80x128xbf16, #tpu.memory_space<vmem>>, vector<32xbf16>,
      %get3A_975 = arith.constant 38 : i32
      %get3A_976 = arith.index_cast %get3A_975 : i32 to index
      %get3A_977 = arith.constant 0 : index
      %get3A_978 = tpu.vector_load %arg7[%get3A_976, %get3A_977] {strides = array<i32>} : memref<80x128xbf16, #tpu.memory_space<vmem>>, vector<32xbf16>,
      %get3A_979 = arith.constant 39 : i32
      %get3A_980 = arith.index_cast %get3A_979 : i32 to index
      %get3A_981 = arith.constant 0 : index
      %get3A_982 = tpu.vector_load %arg7[%get3A_980, %get3A_981] {strides = array<i32>} : memref<80x128xbf16, #tpu.memory_space<vmem>>, vector<32xbf16>,
      %add3A_983 = arith.addf %get3A_946, %get3A_950 : vector<32xbf16>
      %add3A_984 = arith.addf %get3A_954, %get3A_958 : vector<32xbf16>
      %add3A_985 = arith.addf %get3A_962, %get3A_966 : vector<32xbf16>
      %add3A_986 = arith.addf %get3A_970, %get3A_974 : vector<32xbf16>
      %add3A_987 = arith.addf %get3A_978, %get3A_982 : vector<32xbf16>
      %add3A_988 = arith.addf %add3A_983, %add3A_984 : vector<32xbf16>
      %add3A_989 = arith.addf %add3A_985, %add3A_986 : vector<32xbf16>
      %add3A_990 = arith.addf %add3A_988, %add3A_989 : vector<32xbf16>
      %add3A_991 = arith.addf %add3A_990, %add3A_987 : vector<32xbf16>
      %unpack3A_992 = tpu.unpack_subelements %add3A_991, 0 {pack_format = #tpu.pack_format<interleaved>} : vector<32xbf16> -> vector<16xf32>
      %unpack3A_993 = tpu.unpack_subelements %add3A_991, 1 {pack_format = #tpu.pack_format<interleaved>} : vector<32xbf16> -> vector<16xf32>
      %add3A_994 = arith.constant 0 : i32
      %add3A_995 = vector.broadcast %add3A_994 : i32 to vector<16xi32>
      %add3A_996 = arith.addi %mul3A_2, %add3A_995 : vector<16xi32>
      %mul3A_997 = vector.broadcast %squeeze3A : f32 to vector<16xf32>
      %mul3A_998 = arith.mulf %unpack3A_992, %mul3A_997 : vector<16xf32>
      %scatter3A_999 = arith.constant 3 : i32
      %scatter3A_1000 = arith.constant 0 : i32
      %scatter3A_1001 = tpu.memref_slice %arg9[%scatter3A_999, %scatter3A_1000] : memref<8x128xf32, #tpu.memory_space<vmem>> -> memref<1x128xf32, #tpu.memory_space<vmem>>
      %scatter3A_1002 = tpu.memref_squeeze %scatter3A_1001 : memref<1x128xf32, #tpu.memory_space<vmem>> -> memref<128xf32, #tpu.memory_space<vmem>>
      tpu.vector_store_idx %scatter3A_1002[%add3A_996], %mul3A_998 : memref<128xf32, #tpu.memory_space<vmem>>[vector<16xi32>], vector<16xf32>,
      %add3A_1003 = arith.constant 1 : i32
      %add3A_1004 = vector.broadcast %add3A_1003 : i32 to vector<16xi32>
      %add3A_1005 = arith.addi %mul3A_2, %add3A_1004 : vector<16xi32>
      %mul3A_1006 = vector.broadcast %squeeze3A : f32 to vector<16xf32>
      %mul3A_1007 = arith.mulf %unpack3A_993, %mul3A_1006 : vector<16xf32>
      %scatter3A_1008 = arith.constant 3 : i32
      %scatter3A_1009 = arith.constant 0 : i32
      %scatter3A_1010 = tpu.memref_slice %arg9[%scatter3A_1008, %scatter3A_1009] : memref<8x128xf32, #tpu.memory_space<vmem>> -> memref<1x128xf32, #tpu.memory_space<vmem>>
      %scatter3A_1011 = tpu.memref_squeeze %scatter3A_1010 : memref<1x128xf32, #tpu.memory_space<vmem>> -> memref<128xf32, #tpu.memory_space<vmem>>
      tpu.vector_store_idx %scatter3A_1011[%add3A_1005], %mul3A_1007 : memref<128xf32, #tpu.memory_space<vmem>>[vector<16xi32>], vector<16xf32>,
      %get3A_1012 = arith.constant 30 : i32
      %get3A_1013 = arith.index_cast %get3A_1012 : i32 to index
      %get3A_1014 = arith.constant 32 : index
      %get3A_1015 = tpu.vector_load %arg7[%get3A_1013, %get3A_1014] {strides = array<i32>} : memref<80x128xbf16, #tpu.memory_space<vmem>>, vector<32xbf16>,
      %get3A_1016 = arith.constant 31 : i32
      %get3A_1017 = arith.index_cast %get3A_1016 : i32 to index
      %get3A_1018 = arith.constant 32 : index
      %get3A_1019 = tpu.vector_load %arg7[%get3A_1017, %get3A_1018] {strides = array<i32>} : memref<80x128xbf16, #tpu.memory_space<vmem>>, vector<32xbf16>,
      %get3A_1020 = arith.constant 32 : i32
      %get3A_1021 = arith.index_cast %get3A_1020 : i32 to index
      %get3A_1022 = arith.constant 32 : index
      %get3A_1023 = tpu.vector_load %arg7[%get3A_1021, %get3A_1022] {strides = array<i32>} : memref<80x128xbf16, #tpu.memory_space<vmem>>, vector<32xbf16>,
      %get3A_1024 = arith.constant 33 : i32
      %get3A_1025 = arith.index_cast %get3A_1024 : i32 to index
      %get3A_1026 = arith.constant 32 : index
      %get3A_1027 = tpu.vector_load %arg7[%get3A_1025, %get3A_1026] {strides = array<i32>} : memref<80x128xbf16, #tpu.memory_space<vmem>>, vector<32xbf16>,
      %get3A_1028 = arith.constant 34 : i32
      %get3A_1029 = arith.index_cast %get3A_1028 : i32 to index
      %get3A_1030 = arith.constant 32 : index
      %get3A_1031 = tpu.vector_load %arg7[%get3A_1029, %get3A_1030] {strides = array<i32>} : memref<80x128xbf16, #tpu.memory_space<vmem>>, vector<32xbf16>,
      %get3A_1032 = arith.constant 35 : i32
      %get3A_1033 = arith.index_cast %get3A_1032 : i32 to index
      %get3A_1034 = arith.constant 32 : index
      %get3A_1035 = tpu.vector_load %arg7[%get3A_1033, %get3A_1034] {strides = array<i32>} : memref<80x128xbf16, #tpu.memory_space<vmem>>, vector<32xbf16>,
      %get3A_1036 = arith.constant 36 : i32
      %get3A_1037 = arith.index_cast %get3A_1036 : i32 to index
      %get3A_1038 = arith.constant 32 : index
      %get3A_1039 = tpu.vector_load %arg7[%get3A_1037, %get3A_1038] {strides = array<i32>} : memref<80x128xbf16, #tpu.memory_space<vmem>>, vector<32xbf16>,
      %get3A_1040 = arith.constant 37 : i32
      %get3A_1041 = arith.index_cast %get3A_1040 : i32 to index
      %get3A_1042 = arith.constant 32 : index
      %get3A_1043 = tpu.vector_load %arg7[%get3A_1041, %get3A_1042] {strides = array<i32>} : memref<80x128xbf16, #tpu.memory_space<vmem>>, vector<32xbf16>,
      %get3A_1044 = arith.constant 38 : i32
      %get3A_1045 = arith.index_cast %get3A_1044 : i32 to index
      %get3A_1046 = arith.constant 32 : index
      %get3A_1047 = tpu.vector_load %arg7[%get3A_1045, %get3A_1046] {strides = array<i32>} : memref<80x128xbf16, #tpu.memory_space<vmem>>, vector<32xbf16>,
      %get3A_1048 = arith.constant 39 : i32
      %get3A_1049 = arith.index_cast %get3A_1048 : i32 to index
      %get3A_1050 = arith.constant 32 : index
      %get3A_1051 = tpu.vector_load %arg7[%get3A_1049, %get3A_1050] {strides = array<i32>} : memref<80x128xbf16, #tpu.memory_space<vmem>>, vector<32xbf16>,
      %add3A_1052 = arith.addf %get3A_1015, %get3A_1019 : vector<32xbf16>
      %add3A_1053 = arith.addf %get3A_1023, %get3A_1027 : vector<32xbf16>
      %add3A_1054 = arith.addf %get3A_1031, %get3A_1035 : vector<32xbf16>
      %add3A_1055 = arith.addf %get3A_1039, %get3A_1043 : vector<32xbf16>
      %add3A_1056 = arith.addf %get3A_1047, %get3A_1051 : vector<32xbf16>
      %add3A_1057 = arith.addf %add3A_1052, %add3A_1053 : vector<32xbf16>
      %add3A_1058 = arith.addf %add3A_1054, %add3A_1055 : vector<32xbf16>
      %add3A_1059 = arith.addf %add3A_1057, %add3A_1058 : vector<32xbf16>
      %add3A_1060 = arith.addf %add3A_1059, %add3A_1056 : vector<32xbf16>
      %unpack3A_1061 = tpu.unpack_subelements %add3A_1060, 0 {pack_format = #tpu.pack_format<interleaved>} : vector<32xbf16> -> vector<16xf32>
      %unpack3A_1062 = tpu.unpack_subelements %add3A_1060, 1 {pack_format = #tpu.pack_format<interleaved>} : vector<32xbf16> -> vector<16xf32>
      %add3A_1063 = arith.constant 32 : i32
      %add3A_1064 = vector.broadcast %add3A_1063 : i32 to vector<16xi32>
      %add3A_1065 = arith.addi %mul3A_2, %add3A_1064 : vector<16xi32>
      %mul3A_1066 = vector.broadcast %squeeze3A : f32 to vector<16xf32>
      %mul3A_1067 = arith.mulf %unpack3A_1061, %mul3A_1066 : vector<16xf32>
      %scatter3A_1068 = arith.constant 3 : i32
      %scatter3A_1069 = arith.constant 0 : i32
      %scatter3A_1070 = tpu.memref_slice %arg9[%scatter3A_1068, %scatter3A_1069] : memref<8x128xf32, #tpu.memory_space<vmem>> -> memref<1x128xf32, #tpu.memory_space<vmem>>
      %scatter3A_1071 = tpu.memref_squeeze %scatter3A_1070 : memref<1x128xf32, #tpu.memory_space<vmem>> -> memref<128xf32, #tpu.memory_space<vmem>>
      tpu.vector_store_idx %scatter3A_1071[%add3A_1065], %mul3A_1067 : memref<128xf32, #tpu.memory_space<vmem>>[vector<16xi32>], vector<16xf32>,
      %add3A_1072 = arith.constant 33 : i32
      %add3A_1073 = vector.broadcast %add3A_1072 : i32 to vector<16xi32>
      %add3A_1074 = arith.addi %mul3A_2, %add3A_1073 : vector<16xi32>
      %mul3A_1075 = vector.broadcast %squeeze3A : f32 to vector<16xf32>
      %mul3A_1076 = arith.mulf %unpack3A_1062, %mul3A_1075 : vector<16xf32>
      %scatter3A_1077 = arith.constant 3 : i32
      %scatter3A_1078 = arith.constant 0 : i32
      %scatter3A_1079 = tpu.memref_slice %arg9[%scatter3A_1077, %scatter3A_1078] : memref<8x128xf32, #tpu.memory_space<vmem>> -> memref<1x128xf32, #tpu.memory_space<vmem>>
      %scatter3A_1080 = tpu.memref_squeeze %scatter3A_1079 : memref<1x128xf32, #tpu.memory_space<vmem>> -> memref<128xf32, #tpu.memory_space<vmem>>
      tpu.vector_store_idx %scatter3A_1080[%add3A_1074], %mul3A_1076 : memref<128xf32, #tpu.memory_space<vmem>>[vector<16xi32>], vector<16xf32>,
      %get3A_1081 = arith.constant 30 : i32
      %get3A_1082 = arith.index_cast %get3A_1081 : i32 to index
      %get3A_1083 = arith.constant 64 : index
      %get3A_1084 = tpu.vector_load %arg7[%get3A_1082, %get3A_1083] {strides = array<i32>} : memref<80x128xbf16, #tpu.memory_space<vmem>>, vector<32xbf16>,
      %get3A_1085 = arith.constant 31 : i32
      %get3A_1086 = arith.index_cast %get3A_1085 : i32 to index
      %get3A_1087 = arith.constant 64 : index
      %get3A_1088 = tpu.vector_load %arg7[%get3A_1086, %get3A_1087] {strides = array<i32>} : memref<80x128xbf16, #tpu.memory_space<vmem>>, vector<32xbf16>,
      %get3A_1089 = arith.constant 32 : i32
      %get3A_1090 = arith.index_cast %get3A_1089 : i32 to index
      %get3A_1091 = arith.constant 64 : index
      %get3A_1092 = tpu.vector_load %arg7[%get3A_1090, %get3A_1091] {strides = array<i32>} : memref<80x128xbf16, #tpu.memory_space<vmem>>, vector<32xbf16>,
      %get3A_1093 = arith.constant 33 : i32
      %get3A_1094 = arith.index_cast %get3A_1093 : i32 to index
      %get3A_1095 = arith.constant 64 : index
      %get3A_1096 = tpu.vector_load %arg7[%get3A_1094, %get3A_1095] {strides = array<i32>} : memref<80x128xbf16, #tpu.memory_space<vmem>>, vector<32xbf16>,
      %get3A_1097 = arith.constant 34 : i32
      %get3A_1098 = arith.index_cast %get3A_1097 : i32 to index
      %get3A_1099 = arith.constant 64 : index
      %get3A_1100 = tpu.vector_load %arg7[%get3A_1098, %get3A_1099] {strides = array<i32>} : memref<80x128xbf16, #tpu.memory_space<vmem>>, vector<32xbf16>,
      %get3A_1101 = arith.constant 35 : i32
      %get3A_1102 = arith.index_cast %get3A_1101 : i32 to index
      %get3A_1103 = arith.constant 64 : index
      %get3A_1104 = tpu.vector_load %arg7[%get3A_1102, %get3A_1103] {strides = array<i32>} : memref<80x128xbf16, #tpu.memory_space<vmem>>, vector<32xbf16>,
      %get3A_1105 = arith.constant 36 : i32
      %get3A_1106 = arith.index_cast %get3A_1105 : i32 to index
      %get3A_1107 = arith.constant 64 : index
      %get3A_1108 = tpu.vector_load %arg7[%get3A_1106, %get3A_1107] {strides = array<i32>} : memref<80x128xbf16, #tpu.memory_space<vmem>>, vector<32xbf16>,
      %get3A_1109 = arith.constant 37 : i32
      %get3A_1110 = arith.index_cast %get3A_1109 : i32 to index
      %get3A_1111 = arith.constant 64 : index
      %get3A_1112 = tpu.vector_load %arg7[%get3A_1110, %get3A_1111] {strides = array<i32>} : memref<80x128xbf16, #tpu.memory_space<vmem>>, vector<32xbf16>,
      %get3A_1113 = arith.constant 38 : i32
      %get3A_1114 = arith.index_cast %get3A_1113 : i32 to index
      %get3A_1115 = arith.constant 64 : index
      %get3A_1116 = tpu.vector_load %arg7[%get3A_1114, %get3A_1115] {strides = array<i32>} : memref<80x128xbf16, #tpu.memory_space<vmem>>, vector<32xbf16>,
      %get3A_1117 = arith.constant 39 : i32
      %get3A_1118 = arith.index_cast %get3A_1117 : i32 to index
      %get3A_1119 = arith.constant 64 : index
      %get3A_1120 = tpu.vector_load %arg7[%get3A_1118, %get3A_1119] {strides = array<i32>} : memref<80x128xbf16, #tpu.memory_space<vmem>>, vector<32xbf16>,
      %add3A_1121 = arith.addf %get3A_1084, %get3A_1088 : vector<32xbf16>
      %add3A_1122 = arith.addf %get3A_1092, %get3A_1096 : vector<32xbf16>
      %add3A_1123 = arith.addf %get3A_1100, %get3A_1104 : vector<32xbf16>
      %add3A_1124 = arith.addf %get3A_1108, %get3A_1112 : vector<32xbf16>
      %add3A_1125 = arith.addf %get3A_1116, %get3A_1120 : vector<32xbf16>
      %add3A_1126 = arith.addf %add3A_1121, %add3A_1122 : vector<32xbf16>
      %add3A_1127 = arith.addf %add3A_1123, %add3A_1124 : vector<32xbf16>
      %add3A_1128 = arith.addf %add3A_1126, %add3A_1127 : vector<32xbf16>
      %add3A_1129 = arith.addf %add3A_1128, %add3A_1125 : vector<32xbf16>
      %unpack3A_1130 = tpu.unpack_subelements %add3A_1129, 0 {pack_format = #tpu.pack_format<interleaved>} : vector<32xbf16> -> vector<16xf32>
      %unpack3A_1131 = tpu.unpack_subelements %add3A_1129, 1 {pack_format = #tpu.pack_format<interleaved>} : vector<32xbf16> -> vector<16xf32>
      %add3A_1132 = arith.constant 64 : i32
      %add3A_1133 = vector.broadcast %add3A_1132 : i32 to vector<16xi32>
      %add3A_1134 = arith.addi %mul3A_2, %add3A_1133 : vector<16xi32>
      %mul3A_1135 = vector.broadcast %squeeze3A : f32 to vector<16xf32>
      %mul3A_1136 = arith.mulf %unpack3A_1130, %mul3A_1135 : vector<16xf32>
      %scatter3A_1137 = arith.constant 3 : i32
      %scatter3A_1138 = arith.constant 0 : i32
      %scatter3A_1139 = tpu.memref_slice %arg9[%scatter3A_1137, %scatter3A_1138] : memref<8x128xf32, #tpu.memory_space<vmem>> -> memref<1x128xf32, #tpu.memory_space<vmem>>
      %scatter3A_1140 = tpu.memref_squeeze %scatter3A_1139 : memref<1x128xf32, #tpu.memory_space<vmem>> -> memref<128xf32, #tpu.memory_space<vmem>>
      tpu.vector_store_idx %scatter3A_1140[%add3A_1134], %mul3A_1136 : memref<128xf32, #tpu.memory_space<vmem>>[vector<16xi32>], vector<16xf32>,
      %add3A_1141 = arith.constant 65 : i32
      %add3A_1142 = vector.broadcast %add3A_1141 : i32 to vector<16xi32>
      %add3A_1143 = arith.addi %mul3A_2, %add3A_1142 : vector<16xi32>
      %mul3A_1144 = vector.broadcast %squeeze3A : f32 to vector<16xf32>
      %mul3A_1145 = arith.mulf %unpack3A_1131, %mul3A_1144 : vector<16xf32>
      %scatter3A_1146 = arith.constant 3 : i32
      %scatter3A_1147 = arith.constant 0 : i32
      %scatter3A_1148 = tpu.memref_slice %arg9[%scatter3A_1146, %scatter3A_1147] : memref<8x128xf32, #tpu.memory_space<vmem>> -> memref<1x128xf32, #tpu.memory_space<vmem>>
      %scatter3A_1149 = tpu.memref_squeeze %scatter3A_1148 : memref<1x128xf32, #tpu.memory_space<vmem>> -> memref<128xf32, #tpu.memory_space<vmem>>
      tpu.vector_store_idx %scatter3A_1149[%add3A_1143], %mul3A_1145 : memref<128xf32, #tpu.memory_space<vmem>>[vector<16xi32>], vector<16xf32>,
      %get3A_1150 = arith.constant 30 : i32
      %get3A_1151 = arith.index_cast %get3A_1150 : i32 to index
      %get3A_1152 = arith.constant 96 : index
      %get3A_1153 = tpu.vector_load %arg7[%get3A_1151, %get3A_1152] {strides = array<i32>} : memref<80x128xbf16, #tpu.memory_space<vmem>>, vector<32xbf16>,
      %get3A_1154 = arith.constant 31 : i32
      %get3A_1155 = arith.index_cast %get3A_1154 : i32 to index
      %get3A_1156 = arith.constant 96 : index
      %get3A_1157 = tpu.vector_load %arg7[%get3A_1155, %get3A_1156] {strides = array<i32>} : memref<80x128xbf16, #tpu.memory_space<vmem>>, vector<32xbf16>,
      %get3A_1158 = arith.constant 32 : i32
      %get3A_1159 = arith.index_cast %get3A_1158 : i32 to index
      %get3A_1160 = arith.constant 96 : index
      %get3A_1161 = tpu.vector_load %arg7[%get3A_1159, %get3A_1160] {strides = array<i32>} : memref<80x128xbf16, #tpu.memory_space<vmem>>, vector<32xbf16>,
      %get3A_1162 = arith.constant 33 : i32
      %get3A_1163 = arith.index_cast %get3A_1162 : i32 to index
      %get3A_1164 = arith.constant 96 : index
      %get3A_1165 = tpu.vector_load %arg7[%get3A_1163, %get3A_1164] {strides = array<i32>} : memref<80x128xbf16, #tpu.memory_space<vmem>>, vector<32xbf16>,
      %get3A_1166 = arith.constant 34 : i32
      %get3A_1167 = arith.index_cast %get3A_1166 : i32 to index
      %get3A_1168 = arith.constant 96 : index
      %get3A_1169 = tpu.vector_load %arg7[%get3A_1167, %get3A_1168] {strides = array<i32>} : memref<80x128xbf16, #tpu.memory_space<vmem>>, vector<32xbf16>,
      %get3A_1170 = arith.constant 35 : i32
      %get3A_1171 = arith.index_cast %get3A_1170 : i32 to index
      %get3A_1172 = arith.constant 96 : index
      %get3A_1173 = tpu.vector_load %arg7[%get3A_1171, %get3A_1172] {strides = array<i32>} : memref<80x128xbf16, #tpu.memory_space<vmem>>, vector<32xbf16>,
      %get3A_1174 = arith.constant 36 : i32
      %get3A_1175 = arith.index_cast %get3A_1174 : i32 to index
      %get3A_1176 = arith.constant 96 : index
      %get3A_1177 = tpu.vector_load %arg7[%get3A_1175, %get3A_1176] {strides = array<i32>} : memref<80x128xbf16, #tpu.memory_space<vmem>>, vector<32xbf16>,
      %get3A_1178 = arith.constant 37 : i32
      %get3A_1179 = arith.index_cast %get3A_1178 : i32 to index
      %get3A_1180 = arith.constant 96 : index
      %get3A_1181 = tpu.vector_load %arg7[%get3A_1179, %get3A_1180] {strides = array<i32>} : memref<80x128xbf16, #tpu.memory_space<vmem>>, vector<32xbf16>,
      %get3A_1182 = arith.constant 38 : i32
      %get3A_1183 = arith.index_cast %get3A_1182 : i32 to index
      %get3A_1184 = arith.constant 96 : index
      %get3A_1185 = tpu.vector_load %arg7[%get3A_1183, %get3A_1184] {strides = array<i32>} : memref<80x128xbf16, #tpu.memory_space<vmem>>, vector<32xbf16>,
      %get3A_1186 = arith.constant 39 : i32
      %get3A_1187 = arith.index_cast %get3A_1186 : i32 to index
      %get3A_1188 = arith.constant 96 : index
      %get3A_1189 = tpu.vector_load %arg7[%get3A_1187, %get3A_1188] {strides = array<i32>} : memref<80x128xbf16, #tpu.memory_space<vmem>>, vector<32xbf16>,
      %add3A_1190 = arith.addf %get3A_1153, %get3A_1157 : vector<32xbf16>
      %add3A_1191 = arith.addf %get3A_1161, %get3A_1165 : vector<32xbf16>
      %add3A_1192 = arith.addf %get3A_1169, %get3A_1173 : vector<32xbf16>
      %add3A_1193 = arith.addf %get3A_1177, %get3A_1181 : vector<32xbf16>
      %add3A_1194 = arith.addf %get3A_1185, %get3A_1189 : vector<32xbf16>
      %add3A_1195 = arith.addf %add3A_1190, %add3A_1191 : vector<32xbf16>
      %add3A_1196 = arith.addf %add3A_1192, %add3A_1193 : vector<32xbf16>
      %add3A_1197 = arith.addf %add3A_1195, %add3A_1196 : vector<32xbf16>
      %add3A_1198 = arith.addf %add3A_1197, %add3A_1194 : vector<32xbf16>
      %unpack3A_1199 = tpu.unpack_subelements %add3A_1198, 0 {pack_format = #tpu.pack_format<interleaved>} : vector<32xbf16> -> vector<16xf32>
      %unpack3A_1200 = tpu.unpack_subelements %add3A_1198, 1 {pack_format = #tpu.pack_format<interleaved>} : vector<32xbf16> -> vector<16xf32>
      %add3A_1201 = arith.constant 96 : i32
      %add3A_1202 = vector.broadcast %add3A_1201 : i32 to vector<16xi32>
      %add3A_1203 = arith.addi %mul3A_2, %add3A_1202 : vector<16xi32>
      %mul3A_1204 = vector.broadcast %squeeze3A : f32 to vector<16xf32>
      %mul3A_1205 = arith.mulf %unpack3A_1199, %mul3A_1204 : vector<16xf32>
      %scatter3A_1206 = arith.constant 3 : i32
      %scatter3A_1207 = arith.constant 0 : i32
      %scatter3A_1208 = tpu.memref_slice %arg9[%scatter3A_1206, %scatter3A_1207] : memref<8x128xf32, #tpu.memory_space<vmem>> -> memref<1x128xf32, #tpu.memory_space<vmem>>
      %scatter3A_1209 = tpu.memref_squeeze %scatter3A_1208 : memref<1x128xf32, #tpu.memory_space<vmem>> -> memref<128xf32, #tpu.memory_space<vmem>>
      tpu.vector_store_idx %scatter3A_1209[%add3A_1203], %mul3A_1205 : memref<128xf32, #tpu.memory_space<vmem>>[vector<16xi32>], vector<16xf32>,
      %add3A_1210 = arith.constant 97 : i32
      %add3A_1211 = vector.broadcast %add3A_1210 : i32 to vector<16xi32>
      %add3A_1212 = arith.addi %mul3A_2, %add3A_1211 : vector<16xi32>
      %mul3A_1213 = vector.broadcast %squeeze3A : f32 to vector<16xf32>
      %mul3A_1214 = arith.mulf %unpack3A_1200, %mul3A_1213 : vector<16xf32>
      %scatter3A_1215 = arith.constant 3 : i32
      %scatter3A_1216 = arith.constant 0 : i32
      %scatter3A_1217 = tpu.memref_slice %arg9[%scatter3A_1215, %scatter3A_1216] : memref<8x128xf32, #tpu.memory_space<vmem>> -> memref<1x128xf32, #tpu.memory_space<vmem>>
      %scatter3A_1218 = tpu.memref_squeeze %scatter3A_1217 : memref<1x128xf32, #tpu.memory_space<vmem>> -> memref<128xf32, #tpu.memory_space<vmem>>
      tpu.vector_store_idx %scatter3A_1218[%add3A_1212], %mul3A_1214 : memref<128xf32, #tpu.memory_space<vmem>>[vector<16xi32>], vector<16xf32>,
      %get3A_1219 = arith.constant 40 : i32
      %get3A_1220 = arith.index_cast %get3A_1219 : i32 to index
      %get3A_1221 = arith.constant 0 : index
      %get3A_1222 = tpu.vector_load %arg7[%get3A_1220, %get3A_1221] {strides = array<i32>} : memref<80x128xbf16, #tpu.memory_space<vmem>>, vector<32xbf16>,
      %get3A_1223 = arith.constant 41 : i32
      %get3A_1224 = arith.index_cast %get3A_1223 : i32 to index
      %get3A_1225 = arith.constant 0 : index
      %get3A_1226 = tpu.vector_load %arg7[%get3A_1224, %get3A_1225] {strides = array<i32>} : memref<80x128xbf16, #tpu.memory_space<vmem>>, vector<32xbf16>,
      %get3A_1227 = arith.constant 42 : i32
      %get3A_1228 = arith.index_cast %get3A_1227 : i32 to index
      %get3A_1229 = arith.constant 0 : index
      %get3A_1230 = tpu.vector_load %arg7[%get3A_1228, %get3A_1229] {strides = array<i32>} : memref<80x128xbf16, #tpu.memory_space<vmem>>, vector<32xbf16>,
      %get3A_1231 = arith.constant 43 : i32
      %get3A_1232 = arith.index_cast %get3A_1231 : i32 to index
      %get3A_1233 = arith.constant 0 : index
      %get3A_1234 = tpu.vector_load %arg7[%get3A_1232, %get3A_1233] {strides = array<i32>} : memref<80x128xbf16, #tpu.memory_space<vmem>>, vector<32xbf16>,
      %get3A_1235 = arith.constant 44 : i32
      %get3A_1236 = arith.index_cast %get3A_1235 : i32 to index
      %get3A_1237 = arith.constant 0 : index
      %get3A_1238 = tpu.vector_load %arg7[%get3A_1236, %get3A_1237] {strides = array<i32>} : memref<80x128xbf16, #tpu.memory_space<vmem>>, vector<32xbf16>,
      %get3A_1239 = arith.constant 45 : i32
      %get3A_1240 = arith.index_cast %get3A_1239 : i32 to index
      %get3A_1241 = arith.constant 0 : index
      %get3A_1242 = tpu.vector_load %arg7[%get3A_1240, %get3A_1241] {strides = array<i32>} : memref<80x128xbf16, #tpu.memory_space<vmem>>, vector<32xbf16>,
      %get3A_1243 = arith.constant 46 : i32
      %get3A_1244 = arith.index_cast %get3A_1243 : i32 to index
      %get3A_1245 = arith.constant 0 : index
      %get3A_1246 = tpu.vector_load %arg7[%get3A_1244, %get3A_1245] {strides = array<i32>} : memref<80x128xbf16, #tpu.memory_space<vmem>>, vector<32xbf16>,
      %get3A_1247 = arith.constant 47 : i32
      %get3A_1248 = arith.index_cast %get3A_1247 : i32 to index
      %get3A_1249 = arith.constant 0 : index
      %get3A_1250 = tpu.vector_load %arg7[%get3A_1248, %get3A_1249] {strides = array<i32>} : memref<80x128xbf16, #tpu.memory_space<vmem>>, vector<32xbf16>,
      %get3A_1251 = arith.constant 48 : i32
      %get3A_1252 = arith.index_cast %get3A_1251 : i32 to index
      %get3A_1253 = arith.constant 0 : index
      %get3A_1254 = tpu.vector_load %arg7[%get3A_1252, %get3A_1253] {strides = array<i32>} : memref<80x128xbf16, #tpu.memory_space<vmem>>, vector<32xbf16>,
      %get3A_1255 = arith.constant 49 : i32
      %get3A_1256 = arith.index_cast %get3A_1255 : i32 to index
      %get3A_1257 = arith.constant 0 : index
      %get3A_1258 = tpu.vector_load %arg7[%get3A_1256, %get3A_1257] {strides = array<i32>} : memref<80x128xbf16, #tpu.memory_space<vmem>>, vector<32xbf16>,
      %add3A_1259 = arith.addf %get3A_1222, %get3A_1226 : vector<32xbf16>
      %add3A_1260 = arith.addf %get3A_1230, %get3A_1234 : vector<32xbf16>
      %add3A_1261 = arith.addf %get3A_1238, %get3A_1242 : vector<32xbf16>
      %add3A_1262 = arith.addf %get3A_1246, %get3A_1250 : vector<32xbf16>
      %add3A_1263 = arith.addf %get3A_1254, %get3A_1258 : vector<32xbf16>
      %add3A_1264 = arith.addf %add3A_1259, %add3A_1260 : vector<32xbf16>
      %add3A_1265 = arith.addf %add3A_1261, %add3A_1262 : vector<32xbf16>
      %add3A_1266 = arith.addf %add3A_1264, %add3A_1265 : vector<32xbf16>
      %add3A_1267 = arith.addf %add3A_1266, %add3A_1263 : vector<32xbf16>
      %unpack3A_1268 = tpu.unpack_subelements %add3A_1267, 0 {pack_format = #tpu.pack_format<interleaved>} : vector<32xbf16> -> vector<16xf32>
      %unpack3A_1269 = tpu.unpack_subelements %add3A_1267, 1 {pack_format = #tpu.pack_format<interleaved>} : vector<32xbf16> -> vector<16xf32>
      %add3A_1270 = arith.constant 0 : i32
      %add3A_1271 = vector.broadcast %add3A_1270 : i32 to vector<16xi32>
      %add3A_1272 = arith.addi %mul3A_2, %add3A_1271 : vector<16xi32>
      %mul3A_1273 = vector.broadcast %squeeze3A : f32 to vector<16xf32>
      %mul3A_1274 = arith.mulf %unpack3A_1268, %mul3A_1273 : vector<16xf32>
      %scatter3A_1275 = arith.constant 4 : i32
      %scatter3A_1276 = arith.constant 0 : i32
      %scatter3A_1277 = tpu.memref_slice %arg9[%scatter3A_1275, %scatter3A_1276] : memref<8x128xf32, #tpu.memory_space<vmem>> -> memref<1x128xf32, #tpu.memory_space<vmem>>
      %scatter3A_1278 = tpu.memref_squeeze %scatter3A_1277 : memref<1x128xf32, #tpu.memory_space<vmem>> -> memref<128xf32, #tpu.memory_space<vmem>>
      tpu.vector_store_idx %scatter3A_1278[%add3A_1272], %mul3A_1274 : memref<128xf32, #tpu.memory_space<vmem>>[vector<16xi32>], vector<16xf32>,
      %add3A_1279 = arith.constant 1 : i32
      %add3A_1280 = vector.broadcast %add3A_1279 : i32 to vector<16xi32>
      %add3A_1281 = arith.addi %mul3A_2, %add3A_1280 : vector<16xi32>
      %mul3A_1282 = vector.broadcast %squeeze3A : f32 to vector<16xf32>
      %mul3A_1283 = arith.mulf %unpack3A_1269, %mul3A_1282 : vector<16xf32>
      %scatter3A_1284 = arith.constant 4 : i32
      %scatter3A_1285 = arith.constant 0 : i32
      %scatter3A_1286 = tpu.memref_slice %arg9[%scatter3A_1284, %scatter3A_1285] : memref<8x128xf32, #tpu.memory_space<vmem>> -> memref<1x128xf32, #tpu.memory_space<vmem>>
      %scatter3A_1287 = tpu.memref_squeeze %scatter3A_1286 : memref<1x128xf32, #tpu.memory_space<vmem>> -> memref<128xf32, #tpu.memory_space<vmem>>
      tpu.vector_store_idx %scatter3A_1287[%add3A_1281], %mul3A_1283 : memref<128xf32, #tpu.memory_space<vmem>>[vector<16xi32>], vector<16xf32>,
      %get3A_1288 = arith.constant 40 : i32
      %get3A_1289 = arith.index_cast %get3A_1288 : i32 to index
      %get3A_1290 = arith.constant 32 : index
      %get3A_1291 = tpu.vector_load %arg7[%get3A_1289, %get3A_1290] {strides = array<i32>} : memref<80x128xbf16, #tpu.memory_space<vmem>>, vector<32xbf16>,
      %get3A_1292 = arith.constant 41 : i32
      %get3A_1293 = arith.index_cast %get3A_1292 : i32 to index
      %get3A_1294 = arith.constant 32 : index
      %get3A_1295 = tpu.vector_load %arg7[%get3A_1293, %get3A_1294] {strides = array<i32>} : memref<80x128xbf16, #tpu.memory_space<vmem>>, vector<32xbf16>,
      %get3A_1296 = arith.constant 42 : i32
      %get3A_1297 = arith.index_cast %get3A_1296 : i32 to index
      %get3A_1298 = arith.constant 32 : index
      %get3A_1299 = tpu.vector_load %arg7[%get3A_1297, %get3A_1298] {strides = array<i32>} : memref<80x128xbf16, #tpu.memory_space<vmem>>, vector<32xbf16>,
      %get3A_1300 = arith.constant 43 : i32
      %get3A_1301 = arith.index_cast %get3A_1300 : i32 to index
      %get3A_1302 = arith.constant 32 : index
      %get3A_1303 = tpu.vector_load %arg7[%get3A_1301, %get3A_1302] {strides = array<i32>} : memref<80x128xbf16, #tpu.memory_space<vmem>>, vector<32xbf16>,
      %get3A_1304 = arith.constant 44 : i32
      %get3A_1305 = arith.index_cast %get3A_1304 : i32 to index
      %get3A_1306 = arith.constant 32 : index
      %get3A_1307 = tpu.vector_load %arg7[%get3A_1305, %get3A_1306] {strides = array<i32>} : memref<80x128xbf16, #tpu.memory_space<vmem>>, vector<32xbf16>,
      %get3A_1308 = arith.constant 45 : i32
      %get3A_1309 = arith.index_cast %get3A_1308 : i32 to index
      %get3A_1310 = arith.constant 32 : index
      %get3A_1311 = tpu.vector_load %arg7[%get3A_1309, %get3A_1310] {strides = array<i32>} : memref<80x128xbf16, #tpu.memory_space<vmem>>, vector<32xbf16>,
      %get3A_1312 = arith.constant 46 : i32
      %get3A_1313 = arith.index_cast %get3A_1312 : i32 to index
      %get3A_1314 = arith.constant 32 : index
      %get3A_1315 = tpu.vector_load %arg7[%get3A_1313, %get3A_1314] {strides = array<i32>} : memref<80x128xbf16, #tpu.memory_space<vmem>>, vector<32xbf16>,
      %get3A_1316 = arith.constant 47 : i32
      %get3A_1317 = arith.index_cast %get3A_1316 : i32 to index
      %get3A_1318 = arith.constant 32 : index
      %get3A_1319 = tpu.vector_load %arg7[%get3A_1317, %get3A_1318] {strides = array<i32>} : memref<80x128xbf16, #tpu.memory_space<vmem>>, vector<32xbf16>,
      %get3A_1320 = arith.constant 48 : i32
      %get3A_1321 = arith.index_cast %get3A_1320 : i32 to index
      %get3A_1322 = arith.constant 32 : index
      %get3A_1323 = tpu.vector_load %arg7[%get3A_1321, %get3A_1322] {strides = array<i32>} : memref<80x128xbf16, #tpu.memory_space<vmem>>, vector<32xbf16>,
      %get3A_1324 = arith.constant 49 : i32
      %get3A_1325 = arith.index_cast %get3A_1324 : i32 to index
      %get3A_1326 = arith.constant 32 : index
      %get3A_1327 = tpu.vector_load %arg7[%get3A_1325, %get3A_1326] {strides = array<i32>} : memref<80x128xbf16, #tpu.memory_space<vmem>>, vector<32xbf16>,
      %add3A_1328 = arith.addf %get3A_1291, %get3A_1295 : vector<32xbf16>
      %add3A_1329 = arith.addf %get3A_1299, %get3A_1303 : vector<32xbf16>
      %add3A_1330 = arith.addf %get3A_1307, %get3A_1311 : vector<32xbf16>
      %add3A_1331 = arith.addf %get3A_1315, %get3A_1319 : vector<32xbf16>
      %add3A_1332 = arith.addf %get3A_1323, %get3A_1327 : vector<32xbf16>
      %add3A_1333 = arith.addf %add3A_1328, %add3A_1329 : vector<32xbf16>
      %add3A_1334 = arith.addf %add3A_1330, %add3A_1331 : vector<32xbf16>
      %add3A_1335 = arith.addf %add3A_1333, %add3A_1334 : vector<32xbf16>
      %add3A_1336 = arith.addf %add3A_1335, %add3A_1332 : vector<32xbf16>
      %unpack3A_1337 = tpu.unpack_subelements %add3A_1336, 0 {pack_format = #tpu.pack_format<interleaved>} : vector<32xbf16> -> vector<16xf32>
      %unpack3A_1338 = tpu.unpack_subelements %add3A_1336, 1 {pack_format = #tpu.pack_format<interleaved>} : vector<32xbf16> -> vector<16xf32>
      %add3A_1339 = arith.constant 32 : i32
      %add3A_1340 = vector.broadcast %add3A_1339 : i32 to vector<16xi32>
      %add3A_1341 = arith.addi %mul3A_2, %add3A_1340 : vector<16xi32>
      %mul3A_1342 = vector.broadcast %squeeze3A : f32 to vector<16xf32>
      %mul3A_1343 = arith.mulf %unpack3A_1337, %mul3A_1342 : vector<16xf32>
      %scatter3A_1344 = arith.constant 4 : i32
      %scatter3A_1345 = arith.constant 0 : i32
      %scatter3A_1346 = tpu.memref_slice %arg9[%scatter3A_1344, %scatter3A_1345] : memref<8x128xf32, #tpu.memory_space<vmem>> -> memref<1x128xf32, #tpu.memory_space<vmem>>
      %scatter3A_1347 = tpu.memref_squeeze %scatter3A_1346 : memref<1x128xf32, #tpu.memory_space<vmem>> -> memref<128xf32, #tpu.memory_space<vmem>>
      tpu.vector_store_idx %scatter3A_1347[%add3A_1341], %mul3A_1343 : memref<128xf32, #tpu.memory_space<vmem>>[vector<16xi32>], vector<16xf32>,
      %add3A_1348 = arith.constant 33 : i32
      %add3A_1349 = vector.broadcast %add3A_1348 : i32 to vector<16xi32>
      %add3A_1350 = arith.addi %mul3A_2, %add3A_1349 : vector<16xi32>
      %mul3A_1351 = vector.broadcast %squeeze3A : f32 to vector<16xf32>
      %mul3A_1352 = arith.mulf %unpack3A_1338, %mul3A_1351 : vector<16xf32>
      %scatter3A_1353 = arith.constant 4 : i32
      %scatter3A_1354 = arith.constant 0 : i32
      %scatter3A_1355 = tpu.memref_slice %arg9[%scatter3A_1353, %scatter3A_1354] : memref<8x128xf32, #tpu.memory_space<vmem>> -> memref<1x128xf32, #tpu.memory_space<vmem>>
      %scatter3A_1356 = tpu.memref_squeeze %scatter3A_1355 : memref<1x128xf32, #tpu.memory_space<vmem>> -> memref<128xf32, #tpu.memory_space<vmem>>
      tpu.vector_store_idx %scatter3A_1356[%add3A_1350], %mul3A_1352 : memref<128xf32, #tpu.memory_space<vmem>>[vector<16xi32>], vector<16xf32>,
      %get3A_1357 = arith.constant 40 : i32
      %get3A_1358 = arith.index_cast %get3A_1357 : i32 to index
      %get3A_1359 = arith.constant 64 : index
      %get3A_1360 = tpu.vector_load %arg7[%get3A_1358, %get3A_1359] {strides = array<i32>} : memref<80x128xbf16, #tpu.memory_space<vmem>>, vector<32xbf16>,
      %get3A_1361 = arith.constant 41 : i32
      %get3A_1362 = arith.index_cast %get3A_1361 : i32 to index
      %get3A_1363 = arith.constant 64 : index
      %get3A_1364 = tpu.vector_load %arg7[%get3A_1362, %get3A_1363] {strides = array<i32>} : memref<80x128xbf16, #tpu.memory_space<vmem>>, vector<32xbf16>,
      %get3A_1365 = arith.constant 42 : i32
      %get3A_1366 = arith.index_cast %get3A_1365 : i32 to index
      %get3A_1367 = arith.constant 64 : index
      %get3A_1368 = tpu.vector_load %arg7[%get3A_1366, %get3A_1367] {strides = array<i32>} : memref<80x128xbf16, #tpu.memory_space<vmem>>, vector<32xbf16>,
      %get3A_1369 = arith.constant 43 : i32
      %get3A_1370 = arith.index_cast %get3A_1369 : i32 to index
      %get3A_1371 = arith.constant 64 : index
      %get3A_1372 = tpu.vector_load %arg7[%get3A_1370, %get3A_1371] {strides = array<i32>} : memref<80x128xbf16, #tpu.memory_space<vmem>>, vector<32xbf16>,
      %get3A_1373 = arith.constant 44 : i32
      %get3A_1374 = arith.index_cast %get3A_1373 : i32 to index
      %get3A_1375 = arith.constant 64 : index
      %get3A_1376 = tpu.vector_load %arg7[%get3A_1374, %get3A_1375] {strides = array<i32>} : memref<80x128xbf16, #tpu.memory_space<vmem>>, vector<32xbf16>,
      %get3A_1377 = arith.constant 45 : i32
      %get3A_1378 = arith.index_cast %get3A_1377 : i32 to index
      %get3A_1379 = arith.constant 64 : index
      %get3A_1380 = tpu.vector_load %arg7[%get3A_1378, %get3A_1379] {strides = array<i32>} : memref<80x128xbf16, #tpu.memory_space<vmem>>, vector<32xbf16>,
      %get3A_1381 = arith.constant 46 : i32
      %get3A_1382 = arith.index_cast %get3A_1381 : i32 to index
      %get3A_1383 = arith.constant 64 : index
      %get3A_1384 = tpu.vector_load %arg7[%get3A_1382, %get3A_1383] {strides = array<i32>} : memref<80x128xbf16, #tpu.memory_space<vmem>>, vector<32xbf16>,
      %get3A_1385 = arith.constant 47 : i32
      %get3A_1386 = arith.index_cast %get3A_1385 : i32 to index
      %get3A_1387 = arith.constant 64 : index
      %get3A_1388 = tpu.vector_load %arg7[%get3A_1386, %get3A_1387] {strides = array<i32>} : memref<80x128xbf16, #tpu.memory_space<vmem>>, vector<32xbf16>,
      %get3A_1389 = arith.constant 48 : i32
      %get3A_1390 = arith.index_cast %get3A_1389 : i32 to index
      %get3A_1391 = arith.constant 64 : index
      %get3A_1392 = tpu.vector_load %arg7[%get3A_1390, %get3A_1391] {strides = array<i32>} : memref<80x128xbf16, #tpu.memory_space<vmem>>, vector<32xbf16>,
      %get3A_1393 = arith.constant 49 : i32
      %get3A_1394 = arith.index_cast %get3A_1393 : i32 to index
      %get3A_1395 = arith.constant 64 : index
      %get3A_1396 = tpu.vector_load %arg7[%get3A_1394, %get3A_1395] {strides = array<i32>} : memref<80x128xbf16, #tpu.memory_space<vmem>>, vector<32xbf16>,
      %add3A_1397 = arith.addf %get3A_1360, %get3A_1364 : vector<32xbf16>
      %add3A_1398 = arith.addf %get3A_1368, %get3A_1372 : vector<32xbf16>
      %add3A_1399 = arith.addf %get3A_1376, %get3A_1380 : vector<32xbf16>
      %add3A_1400 = arith.addf %get3A_1384, %get3A_1388 : vector<32xbf16>
      %add3A_1401 = arith.addf %get3A_1392, %get3A_1396 : vector<32xbf16>
      %add3A_1402 = arith.addf %add3A_1397, %add3A_1398 : vector<32xbf16>
      %add3A_1403 = arith.addf %add3A_1399, %add3A_1400 : vector<32xbf16>
      %add3A_1404 = arith.addf %add3A_1402, %add3A_1403 : vector<32xbf16>
      %add3A_1405 = arith.addf %add3A_1404, %add3A_1401 : vector<32xbf16>
      %unpack3A_1406 = tpu.unpack_subelements %add3A_1405, 0 {pack_format = #tpu.pack_format<interleaved>} : vector<32xbf16> -> vector<16xf32>
      %unpack3A_1407 = tpu.unpack_subelements %add3A_1405, 1 {pack_format = #tpu.pack_format<interleaved>} : vector<32xbf16> -> vector<16xf32>
      %add3A_1408 = arith.constant 64 : i32
      %add3A_1409 = vector.broadcast %add3A_1408 : i32 to vector<16xi32>
      %add3A_1410 = arith.addi %mul3A_2, %add3A_1409 : vector<16xi32>
      %mul3A_1411 = vector.broadcast %squeeze3A : f32 to vector<16xf32>
      %mul3A_1412 = arith.mulf %unpack3A_1406, %mul3A_1411 : vector<16xf32>
      %scatter3A_1413 = arith.constant 4 : i32
      %scatter3A_1414 = arith.constant 0 : i32
      %scatter3A_1415 = tpu.memref_slice %arg9[%scatter3A_1413, %scatter3A_1414] : memref<8x128xf32, #tpu.memory_space<vmem>> -> memref<1x128xf32, #tpu.memory_space<vmem>>
      %scatter3A_1416 = tpu.memref_squeeze %scatter3A_1415 : memref<1x128xf32, #tpu.memory_space<vmem>> -> memref<128xf32, #tpu.memory_space<vmem>>
      tpu.vector_store_idx %scatter3A_1416[%add3A_1410], %mul3A_1412 : memref<128xf32, #tpu.memory_space<vmem>>[vector<16xi32>], vector<16xf32>,
      %add3A_1417 = arith.constant 65 : i32
      %add3A_1418 = vector.broadcast %add3A_1417 : i32 to vector<16xi32>
      %add3A_1419 = arith.addi %mul3A_2, %add3A_1418 : vector<16xi32>
      %mul3A_1420 = vector.broadcast %squeeze3A : f32 to vector<16xf32>
      %mul3A_1421 = arith.mulf %unpack3A_1407, %mul3A_1420 : vector<16xf32>
      %scatter3A_1422 = arith.constant 4 : i32
      %scatter3A_1423 = arith.constant 0 : i32
      %scatter3A_1424 = tpu.memref_slice %arg9[%scatter3A_1422, %scatter3A_1423] : memref<8x128xf32, #tpu.memory_space<vmem>> -> memref<1x128xf32, #tpu.memory_space<vmem>>
      %scatter3A_1425 = tpu.memref_squeeze %scatter3A_1424 : memref<1x128xf32, #tpu.memory_space<vmem>> -> memref<128xf32, #tpu.memory_space<vmem>>
      tpu.vector_store_idx %scatter3A_1425[%add3A_1419], %mul3A_1421 : memref<128xf32, #tpu.memory_space<vmem>>[vector<16xi32>], vector<16xf32>,
      %get3A_1426 = arith.constant 40 : i32
      %get3A_1427 = arith.index_cast %get3A_1426 : i32 to index
      %get3A_1428 = arith.constant 96 : index
      %get3A_1429 = tpu.vector_load %arg7[%get3A_1427, %get3A_1428] {strides = array<i32>} : memref<80x128xbf16, #tpu.memory_space<vmem>>, vector<32xbf16>,
      %get3A_1430 = arith.constant 41 : i32
      %get3A_1431 = arith.index_cast %get3A_1430 : i32 to index
      %get3A_1432 = arith.constant 96 : index
      %get3A_1433 = tpu.vector_load %arg7[%get3A_1431, %get3A_1432] {strides = array<i32>} : memref<80x128xbf16, #tpu.memory_space<vmem>>, vector<32xbf16>,
      %get3A_1434 = arith.constant 42 : i32
      %get3A_1435 = arith.index_cast %get3A_1434 : i32 to index
      %get3A_1436 = arith.constant 96 : index
      %get3A_1437 = tpu.vector_load %arg7[%get3A_1435, %get3A_1436] {strides = array<i32>} : memref<80x128xbf16, #tpu.memory_space<vmem>>, vector<32xbf16>,
      %get3A_1438 = arith.constant 43 : i32
      %get3A_1439 = arith.index_cast %get3A_1438 : i32 to index
      %get3A_1440 = arith.constant 96 : index
      %get3A_1441 = tpu.vector_load %arg7[%get3A_1439, %get3A_1440] {strides = array<i32>} : memref<80x128xbf16, #tpu.memory_space<vmem>>, vector<32xbf16>,
      %get3A_1442 = arith.constant 44 : i32
      %get3A_1443 = arith.index_cast %get3A_1442 : i32 to index
      %get3A_1444 = arith.constant 96 : index
      %get3A_1445 = tpu.vector_load %arg7[%get3A_1443, %get3A_1444] {strides = array<i32>} : memref<80x128xbf16, #tpu.memory_space<vmem>>, vector<32xbf16>,
      %get3A_1446 = arith.constant 45 : i32
      %get3A_1447 = arith.index_cast %get3A_1446 : i32 to index
      %get3A_1448 = arith.constant 96 : index
      %get3A_1449 = tpu.vector_load %arg7[%get3A_1447, %get3A_1448] {strides = array<i32>} : memref<80x128xbf16, #tpu.memory_space<vmem>>, vector<32xbf16>,
      %get3A_1450 = arith.constant 46 : i32
      %get3A_1451 = arith.index_cast %get3A_1450 : i32 to index
      %get3A_1452 = arith.constant 96 : index
      %get3A_1453 = tpu.vector_load %arg7[%get3A_1451, %get3A_1452] {strides = array<i32>} : memref<80x128xbf16, #tpu.memory_space<vmem>>, vector<32xbf16>,
      %get3A_1454 = arith.constant 47 : i32
      %get3A_1455 = arith.index_cast %get3A_1454 : i32 to index
      %get3A_1456 = arith.constant 96 : index
      %get3A_1457 = tpu.vector_load %arg7[%get3A_1455, %get3A_1456] {strides = array<i32>} : memref<80x128xbf16, #tpu.memory_space<vmem>>, vector<32xbf16>,
      %get3A_1458 = arith.constant 48 : i32
      %get3A_1459 = arith.index_cast %get3A_1458 : i32 to index
      %get3A_1460 = arith.constant 96 : index
      %get3A_1461 = tpu.vector_load %arg7[%get3A_1459, %get3A_1460] {strides = array<i32>} : memref<80x128xbf16, #tpu.memory_space<vmem>>, vector<32xbf16>,
      %get3A_1462 = arith.constant 49 : i32
      %get3A_1463 = arith.index_cast %get3A_1462 : i32 to index
      %get3A_1464 = arith.constant 96 : index
      %get3A_1465 = tpu.vector_load %arg7[%get3A_1463, %get3A_1464] {strides = array<i32>} : memref<80x128xbf16, #tpu.memory_space<vmem>>, vector<32xbf16>,
      %add3A_1466 = arith.addf %get3A_1429, %get3A_1433 : vector<32xbf16>
      %add3A_1467 = arith.addf %get3A_1437, %get3A_1441 : vector<32xbf16>
      %add3A_1468 = arith.addf %get3A_1445, %get3A_1449 : vector<32xbf16>
      %add3A_1469 = arith.addf %get3A_1453, %get3A_1457 : vector<32xbf16>
      %add3A_1470 = arith.addf %get3A_1461, %get3A_1465 : vector<32xbf16>
      %add3A_1471 = arith.addf %add3A_1466, %add3A_1467 : vector<32xbf16>
      %add3A_1472 = arith.addf %add3A_1468, %add3A_1469 : vector<32xbf16>
      %add3A_1473 = arith.addf %add3A_1471, %add3A_1472 : vector<32xbf16>
      %add3A_1474 = arith.addf %add3A_1473, %add3A_1470 : vector<32xbf16>
      %unpack3A_1475 = tpu.unpack_subelements %add3A_1474, 0 {pack_format = #tpu.pack_format<interleaved>} : vector<32xbf16> -> vector<16xf32>
      %unpack3A_1476 = tpu.unpack_subelements %add3A_1474, 1 {pack_format = #tpu.pack_format<interleaved>} : vector<32xbf16> -> vector<16xf32>
      %add3A_1477 = arith.constant 96 : i32
      %add3A_1478 = vector.broadcast %add3A_1477 : i32 to vector<16xi32>
      %add3A_1479 = arith.addi %mul3A_2, %add3A_1478 : vector<16xi32>
      %mul3A_1480 = vector.broadcast %squeeze3A : f32 to vector<16xf32>
      %mul3A_1481 = arith.mulf %unpack3A_1475, %mul3A_1480 : vector<16xf32>
      %scatter3A_1482 = arith.constant 4 : i32
      %scatter3A_1483 = arith.constant 0 : i32
      %scatter3A_1484 = tpu.memref_slice %arg9[%scatter3A_1482, %scatter3A_1483] : memref<8x128xf32, #tpu.memory_space<vmem>> -> memref<1x128xf32, #tpu.memory_space<vmem>>
      %scatter3A_1485 = tpu.memref_squeeze %scatter3A_1484 : memref<1x128xf32, #tpu.memory_space<vmem>> -> memref<128xf32, #tpu.memory_space<vmem>>
      tpu.vector_store_idx %scatter3A_1485[%add3A_1479], %mul3A_1481 : memref<128xf32, #tpu.memory_space<vmem>>[vector<16xi32>], vector<16xf32>,
      %add3A_1486 = arith.constant 97 : i32
      %add3A_1487 = vector.broadcast %add3A_1486 : i32 to vector<16xi32>
      %add3A_1488 = arith.addi %mul3A_2, %add3A_1487 : vector<16xi32>
      %mul3A_1489 = vector.broadcast %squeeze3A : f32 to vector<16xf32>
      %mul3A_1490 = arith.mulf %unpack3A_1476, %mul3A_1489 : vector<16xf32>
      %scatter3A_1491 = arith.constant 4 : i32
      %scatter3A_1492 = arith.constant 0 : i32
      %scatter3A_1493 = tpu.memref_slice %arg9[%scatter3A_1491, %scatter3A_1492] : memref<8x128xf32, #tpu.memory_space<vmem>> -> memref<1x128xf32, #tpu.memory_space<vmem>>
      %scatter3A_1494 = tpu.memref_squeeze %scatter3A_1493 : memref<1x128xf32, #tpu.memory_space<vmem>> -> memref<128xf32, #tpu.memory_space<vmem>>
      tpu.vector_store_idx %scatter3A_1494[%add3A_1488], %mul3A_1490 : memref<128xf32, #tpu.memory_space<vmem>>[vector<16xi32>], vector<16xf32>,
      %get3A_1495 = arith.constant 50 : i32
      %get3A_1496 = arith.index_cast %get3A_1495 : i32 to index
      %get3A_1497 = arith.constant 0 : index
      %get3A_1498 = tpu.vector_load %arg7[%get3A_1496, %get3A_1497] {strides = array<i32>} : memref<80x128xbf16, #tpu.memory_space<vmem>>, vector<32xbf16>,
      %get3A_1499 = arith.constant 51 : i32
      %get3A_1500 = arith.index_cast %get3A_1499 : i32 to index
      %get3A_1501 = arith.constant 0 : index
      %get3A_1502 = tpu.vector_load %arg7[%get3A_1500, %get3A_1501] {strides = array<i32>} : memref<80x128xbf16, #tpu.memory_space<vmem>>, vector<32xbf16>,
      %get3A_1503 = arith.constant 52 : i32
      %get3A_1504 = arith.index_cast %get3A_1503 : i32 to index
      %get3A_1505 = arith.constant 0 : index
      %get3A_1506 = tpu.vector_load %arg7[%get3A_1504, %get3A_1505] {strides = array<i32>} : memref<80x128xbf16, #tpu.memory_space<vmem>>, vector<32xbf16>,
      %get3A_1507 = arith.constant 53 : i32
      %get3A_1508 = arith.index_cast %get3A_1507 : i32 to index
      %get3A_1509 = arith.constant 0 : index
      %get3A_1510 = tpu.vector_load %arg7[%get3A_1508, %get3A_1509] {strides = array<i32>} : memref<80x128xbf16, #tpu.memory_space<vmem>>, vector<32xbf16>,
      %get3A_1511 = arith.constant 54 : i32
      %get3A_1512 = arith.index_cast %get3A_1511 : i32 to index
      %get3A_1513 = arith.constant 0 : index
      %get3A_1514 = tpu.vector_load %arg7[%get3A_1512, %get3A_1513] {strides = array<i32>} : memref<80x128xbf16, #tpu.memory_space<vmem>>, vector<32xbf16>,
      %get3A_1515 = arith.constant 55 : i32
      %get3A_1516 = arith.index_cast %get3A_1515 : i32 to index
      %get3A_1517 = arith.constant 0 : index
      %get3A_1518 = tpu.vector_load %arg7[%get3A_1516, %get3A_1517] {strides = array<i32>} : memref<80x128xbf16, #tpu.memory_space<vmem>>, vector<32xbf16>,
      %get3A_1519 = arith.constant 56 : i32
      %get3A_1520 = arith.index_cast %get3A_1519 : i32 to index
      %get3A_1521 = arith.constant 0 : index
      %get3A_1522 = tpu.vector_load %arg7[%get3A_1520, %get3A_1521] {strides = array<i32>} : memref<80x128xbf16, #tpu.memory_space<vmem>>, vector<32xbf16>,
      %get3A_1523 = arith.constant 57 : i32
      %get3A_1524 = arith.index_cast %get3A_1523 : i32 to index
      %get3A_1525 = arith.constant 0 : index
      %get3A_1526 = tpu.vector_load %arg7[%get3A_1524, %get3A_1525] {strides = array<i32>} : memref<80x128xbf16, #tpu.memory_space<vmem>>, vector<32xbf16>,
      %get3A_1527 = arith.constant 58 : i32
      %get3A_1528 = arith.index_cast %get3A_1527 : i32 to index
      %get3A_1529 = arith.constant 0 : index
      %get3A_1530 = tpu.vector_load %arg7[%get3A_1528, %get3A_1529] {strides = array<i32>} : memref<80x128xbf16, #tpu.memory_space<vmem>>, vector<32xbf16>,
      %get3A_1531 = arith.constant 59 : i32
      %get3A_1532 = arith.index_cast %get3A_1531 : i32 to index
      %get3A_1533 = arith.constant 0 : index
      %get3A_1534 = tpu.vector_load %arg7[%get3A_1532, %get3A_1533] {strides = array<i32>} : memref<80x128xbf16, #tpu.memory_space<vmem>>, vector<32xbf16>,
      %add3A_1535 = arith.addf %get3A_1498, %get3A_1502 : vector<32xbf16>
      %add3A_1536 = arith.addf %get3A_1506, %get3A_1510 : vector<32xbf16>
      %add3A_1537 = arith.addf %get3A_1514, %get3A_1518 : vector<32xbf16>
      %add3A_1538 = arith.addf %get3A_1522, %get3A_1526 : vector<32xbf16>
      %add3A_1539 = arith.addf %get3A_1530, %get3A_1534 : vector<32xbf16>
      %add3A_1540 = arith.addf %add3A_1535, %add3A_1536 : vector<32xbf16>
      %add3A_1541 = arith.addf %add3A_1537, %add3A_1538 : vector<32xbf16>
      %add3A_1542 = arith.addf %add3A_1540, %add3A_1541 : vector<32xbf16>
      %add3A_1543 = arith.addf %add3A_1542, %add3A_1539 : vector<32xbf16>
      %unpack3A_1544 = tpu.unpack_subelements %add3A_1543, 0 {pack_format = #tpu.pack_format<interleaved>} : vector<32xbf16> -> vector<16xf32>
      %unpack3A_1545 = tpu.unpack_subelements %add3A_1543, 1 {pack_format = #tpu.pack_format<interleaved>} : vector<32xbf16> -> vector<16xf32>
      %add3A_1546 = arith.constant 0 : i32
      %add3A_1547 = vector.broadcast %add3A_1546 : i32 to vector<16xi32>
      %add3A_1548 = arith.addi %mul3A_2, %add3A_1547 : vector<16xi32>
      %mul3A_1549 = vector.broadcast %squeeze3A : f32 to vector<16xf32>
      %mul3A_1550 = arith.mulf %unpack3A_1544, %mul3A_1549 : vector<16xf32>
      %scatter3A_1551 = arith.constant 5 : i32
      %scatter3A_1552 = arith.constant 0 : i32
      %scatter3A_1553 = tpu.memref_slice %arg9[%scatter3A_1551, %scatter3A_1552] : memref<8x128xf32, #tpu.memory_space<vmem>> -> memref<1x128xf32, #tpu.memory_space<vmem>>
      %scatter3A_1554 = tpu.memref_squeeze %scatter3A_1553 : memref<1x128xf32, #tpu.memory_space<vmem>> -> memref<128xf32, #tpu.memory_space<vmem>>
      tpu.vector_store_idx %scatter3A_1554[%add3A_1548], %mul3A_1550 : memref<128xf32, #tpu.memory_space<vmem>>[vector<16xi32>], vector<16xf32>,
      %add3A_1555 = arith.constant 1 : i32
      %add3A_1556 = vector.broadcast %add3A_1555 : i32 to vector<16xi32>
      %add3A_1557 = arith.addi %mul3A_2, %add3A_1556 : vector<16xi32>
      %mul3A_1558 = vector.broadcast %squeeze3A : f32 to vector<16xf32>
      %mul3A_1559 = arith.mulf %unpack3A_1545, %mul3A_1558 : vector<16xf32>
      %scatter3A_1560 = arith.constant 5 : i32
      %scatter3A_1561 = arith.constant 0 : i32
      %scatter3A_1562 = tpu.memref_slice %arg9[%scatter3A_1560, %scatter3A_1561] : memref<8x128xf32, #tpu.memory_space<vmem>> -> memref<1x128xf32, #tpu.memory_space<vmem>>
      %scatter3A_1563 = tpu.memref_squeeze %scatter3A_1562 : memref<1x128xf32, #tpu.memory_space<vmem>> -> memref<128xf32, #tpu.memory_space<vmem>>
      tpu.vector_store_idx %scatter3A_1563[%add3A_1557], %mul3A_1559 : memref<128xf32, #tpu.memory_space<vmem>>[vector<16xi32>], vector<16xf32>,
      %get3A_1564 = arith.constant 50 : i32
      %get3A_1565 = arith.index_cast %get3A_1564 : i32 to index
      %get3A_1566 = arith.constant 32 : index
      %get3A_1567 = tpu.vector_load %arg7[%get3A_1565, %get3A_1566] {strides = array<i32>} : memref<80x128xbf16, #tpu.memory_space<vmem>>, vector<32xbf16>,
      %get3A_1568 = arith.constant 51 : i32
      %get3A_1569 = arith.index_cast %get3A_1568 : i32 to index
      %get3A_1570 = arith.constant 32 : index
      %get3A_1571 = tpu.vector_load %arg7[%get3A_1569, %get3A_1570] {strides = array<i32>} : memref<80x128xbf16, #tpu.memory_space<vmem>>, vector<32xbf16>,
      %get3A_1572 = arith.constant 52 : i32
      %get3A_1573 = arith.index_cast %get3A_1572 : i32 to index
      %get3A_1574 = arith.constant 32 : index
      %get3A_1575 = tpu.vector_load %arg7[%get3A_1573, %get3A_1574] {strides = array<i32>} : memref<80x128xbf16, #tpu.memory_space<vmem>>, vector<32xbf16>,
      %get3A_1576 = arith.constant 53 : i32
      %get3A_1577 = arith.index_cast %get3A_1576 : i32 to index
      %get3A_1578 = arith.constant 32 : index
      %get3A_1579 = tpu.vector_load %arg7[%get3A_1577, %get3A_1578] {strides = array<i32>} : memref<80x128xbf16, #tpu.memory_space<vmem>>, vector<32xbf16>,
      %get3A_1580 = arith.constant 54 : i32
      %get3A_1581 = arith.index_cast %get3A_1580 : i32 to index
      %get3A_1582 = arith.constant 32 : index
      %get3A_1583 = tpu.vector_load %arg7[%get3A_1581, %get3A_1582] {strides = array<i32>} : memref<80x128xbf16, #tpu.memory_space<vmem>>, vector<32xbf16>,
      %get3A_1584 = arith.constant 55 : i32
      %get3A_1585 = arith.index_cast %get3A_1584 : i32 to index
      %get3A_1586 = arith.constant 32 : index
      %get3A_1587 = tpu.vector_load %arg7[%get3A_1585, %get3A_1586] {strides = array<i32>} : memref<80x128xbf16, #tpu.memory_space<vmem>>, vector<32xbf16>,
      %get3A_1588 = arith.constant 56 : i32
      %get3A_1589 = arith.index_cast %get3A_1588 : i32 to index
      %get3A_1590 = arith.constant 32 : index
      %get3A_1591 = tpu.vector_load %arg7[%get3A_1589, %get3A_1590] {strides = array<i32>} : memref<80x128xbf16, #tpu.memory_space<vmem>>, vector<32xbf16>,
      %get3A_1592 = arith.constant 57 : i32
      %get3A_1593 = arith.index_cast %get3A_1592 : i32 to index
      %get3A_1594 = arith.constant 32 : index
      %get3A_1595 = tpu.vector_load %arg7[%get3A_1593, %get3A_1594] {strides = array<i32>} : memref<80x128xbf16, #tpu.memory_space<vmem>>, vector<32xbf16>,
      %get3A_1596 = arith.constant 58 : i32
      %get3A_1597 = arith.index_cast %get3A_1596 : i32 to index
      %get3A_1598 = arith.constant 32 : index
      %get3A_1599 = tpu.vector_load %arg7[%get3A_1597, %get3A_1598] {strides = array<i32>} : memref<80x128xbf16, #tpu.memory_space<vmem>>, vector<32xbf16>,
      %get3A_1600 = arith.constant 59 : i32
      %get3A_1601 = arith.index_cast %get3A_1600 : i32 to index
      %get3A_1602 = arith.constant 32 : index
      %get3A_1603 = tpu.vector_load %arg7[%get3A_1601, %get3A_1602] {strides = array<i32>} : memref<80x128xbf16, #tpu.memory_space<vmem>>, vector<32xbf16>,
      %add3A_1604 = arith.addf %get3A_1567, %get3A_1571 : vector<32xbf16>
      %add3A_1605 = arith.addf %get3A_1575, %get3A_1579 : vector<32xbf16>
      %add3A_1606 = arith.addf %get3A_1583, %get3A_1587 : vector<32xbf16>
      %add3A_1607 = arith.addf %get3A_1591, %get3A_1595 : vector<32xbf16>
      %add3A_1608 = arith.addf %get3A_1599, %get3A_1603 : vector<32xbf16>
      %add3A_1609 = arith.addf %add3A_1604, %add3A_1605 : vector<32xbf16>
      %add3A_1610 = arith.addf %add3A_1606, %add3A_1607 : vector<32xbf16>
      %add3A_1611 = arith.addf %add3A_1609, %add3A_1610 : vector<32xbf16>
      %add3A_1612 = arith.addf %add3A_1611, %add3A_1608 : vector<32xbf16>
      %unpack3A_1613 = tpu.unpack_subelements %add3A_1612, 0 {pack_format = #tpu.pack_format<interleaved>} : vector<32xbf16> -> vector<16xf32>
      %unpack3A_1614 = tpu.unpack_subelements %add3A_1612, 1 {pack_format = #tpu.pack_format<interleaved>} : vector<32xbf16> -> vector<16xf32>
      %add3A_1615 = arith.constant 32 : i32
      %add3A_1616 = vector.broadcast %add3A_1615 : i32 to vector<16xi32>
      %add3A_1617 = arith.addi %mul3A_2, %add3A_1616 : vector<16xi32>
      %mul3A_1618 = vector.broadcast %squeeze3A : f32 to vector<16xf32>
      %mul3A_1619 = arith.mulf %unpack3A_1613, %mul3A_1618 : vector<16xf32>
      %scatter3A_1620 = arith.constant 5 : i32
      %scatter3A_1621 = arith.constant 0 : i32
      %scatter3A_1622 = tpu.memref_slice %arg9[%scatter3A_1620, %scatter3A_1621] : memref<8x128xf32, #tpu.memory_space<vmem>> -> memref<1x128xf32, #tpu.memory_space<vmem>>
      %scatter3A_1623 = tpu.memref_squeeze %scatter3A_1622 : memref<1x128xf32, #tpu.memory_space<vmem>> -> memref<128xf32, #tpu.memory_space<vmem>>
      tpu.vector_store_idx %scatter3A_1623[%add3A_1617], %mul3A_1619 : memref<128xf32, #tpu.memory_space<vmem>>[vector<16xi32>], vector<16xf32>,
      %add3A_1624 = arith.constant 33 : i32
      %add3A_1625 = vector.broadcast %add3A_1624 : i32 to vector<16xi32>
      %add3A_1626 = arith.addi %mul3A_2, %add3A_1625 : vector<16xi32>
      %mul3A_1627 = vector.broadcast %squeeze3A : f32 to vector<16xf32>
      %mul3A_1628 = arith.mulf %unpack3A_1614, %mul3A_1627 : vector<16xf32>
      %scatter3A_1629 = arith.constant 5 : i32
      %scatter3A_1630 = arith.constant 0 : i32
      %scatter3A_1631 = tpu.memref_slice %arg9[%scatter3A_1629, %scatter3A_1630] : memref<8x128xf32, #tpu.memory_space<vmem>> -> memref<1x128xf32, #tpu.memory_space<vmem>>
      %scatter3A_1632 = tpu.memref_squeeze %scatter3A_1631 : memref<1x128xf32, #tpu.memory_space<vmem>> -> memref<128xf32, #tpu.memory_space<vmem>>
      tpu.vector_store_idx %scatter3A_1632[%add3A_1626], %mul3A_1628 : memref<128xf32, #tpu.memory_space<vmem>>[vector<16xi32>], vector<16xf32>,
      %get3A_1633 = arith.constant 50 : i32
      %get3A_1634 = arith.index_cast %get3A_1633 : i32 to index
      %get3A_1635 = arith.constant 64 : index
      %get3A_1636 = tpu.vector_load %arg7[%get3A_1634, %get3A_1635] {strides = array<i32>} : memref<80x128xbf16, #tpu.memory_space<vmem>>, vector<32xbf16>,
      %get3A_1637 = arith.constant 51 : i32
      %get3A_1638 = arith.index_cast %get3A_1637 : i32 to index
      %get3A_1639 = arith.constant 64 : index
      %get3A_1640 = tpu.vector_load %arg7[%get3A_1638, %get3A_1639] {strides = array<i32>} : memref<80x128xbf16, #tpu.memory_space<vmem>>, vector<32xbf16>,
      %get3A_1641 = arith.constant 52 : i32
      %get3A_1642 = arith.index_cast %get3A_1641 : i32 to index
      %get3A_1643 = arith.constant 64 : index
      %get3A_1644 = tpu.vector_load %arg7[%get3A_1642, %get3A_1643] {strides = array<i32>} : memref<80x128xbf16, #tpu.memory_space<vmem>>, vector<32xbf16>,
      %get3A_1645 = arith.constant 53 : i32
      %get3A_1646 = arith.index_cast %get3A_1645 : i32 to index
      %get3A_1647 = arith.constant 64 : index
      %get3A_1648 = tpu.vector_load %arg7[%get3A_1646, %get3A_1647] {strides = array<i32>} : memref<80x128xbf16, #tpu.memory_space<vmem>>, vector<32xbf16>,
      %get3A_1649 = arith.constant 54 : i32
      %get3A_1650 = arith.index_cast %get3A_1649 : i32 to index
      %get3A_1651 = arith.constant 64 : index
      %get3A_1652 = tpu.vector_load %arg7[%get3A_1650, %get3A_1651] {strides = array<i32>} : memref<80x128xbf16, #tpu.memory_space<vmem>>, vector<32xbf16>,
      %get3A_1653 = arith.constant 55 : i32
      %get3A_1654 = arith.index_cast %get3A_1653 : i32 to index
      %get3A_1655 = arith.constant 64 : index
      %get3A_1656 = tpu.vector_load %arg7[%get3A_1654, %get3A_1655] {strides = array<i32>} : memref<80x128xbf16, #tpu.memory_space<vmem>>, vector<32xbf16>,
      %get3A_1657 = arith.constant 56 : i32
      %get3A_1658 = arith.index_cast %get3A_1657 : i32 to index
      %get3A_1659 = arith.constant 64 : index
      %get3A_1660 = tpu.vector_load %arg7[%get3A_1658, %get3A_1659] {strides = array<i32>} : memref<80x128xbf16, #tpu.memory_space<vmem>>, vector<32xbf16>,
      %get3A_1661 = arith.constant 57 : i32
      %get3A_1662 = arith.index_cast %get3A_1661 : i32 to index
      %get3A_1663 = arith.constant 64 : index
      %get3A_1664 = tpu.vector_load %arg7[%get3A_1662, %get3A_1663] {strides = array<i32>} : memref<80x128xbf16, #tpu.memory_space<vmem>>, vector<32xbf16>,
      %get3A_1665 = arith.constant 58 : i32
      %get3A_1666 = arith.index_cast %get3A_1665 : i32 to index
      %get3A_1667 = arith.constant 64 : index
      %get3A_1668 = tpu.vector_load %arg7[%get3A_1666, %get3A_1667] {strides = array<i32>} : memref<80x128xbf16, #tpu.memory_space<vmem>>, vector<32xbf16>,
      %get3A_1669 = arith.constant 59 : i32
      %get3A_1670 = arith.index_cast %get3A_1669 : i32 to index
      %get3A_1671 = arith.constant 64 : index
      %get3A_1672 = tpu.vector_load %arg7[%get3A_1670, %get3A_1671] {strides = array<i32>} : memref<80x128xbf16, #tpu.memory_space<vmem>>, vector<32xbf16>,
      %add3A_1673 = arith.addf %get3A_1636, %get3A_1640 : vector<32xbf16>
      %add3A_1674 = arith.addf %get3A_1644, %get3A_1648 : vector<32xbf16>
      %add3A_1675 = arith.addf %get3A_1652, %get3A_1656 : vector<32xbf16>
      %add3A_1676 = arith.addf %get3A_1660, %get3A_1664 : vector<32xbf16>
      %add3A_1677 = arith.addf %get3A_1668, %get3A_1672 : vector<32xbf16>
      %add3A_1678 = arith.addf %add3A_1673, %add3A_1674 : vector<32xbf16>
      %add3A_1679 = arith.addf %add3A_1675, %add3A_1676 : vector<32xbf16>
      %add3A_1680 = arith.addf %add3A_1678, %add3A_1679 : vector<32xbf16>
      %add3A_1681 = arith.addf %add3A_1680, %add3A_1677 : vector<32xbf16>
      %unpack3A_1682 = tpu.unpack_subelements %add3A_1681, 0 {pack_format = #tpu.pack_format<interleaved>} : vector<32xbf16> -> vector<16xf32>
      %unpack3A_1683 = tpu.unpack_subelements %add3A_1681, 1 {pack_format = #tpu.pack_format<interleaved>} : vector<32xbf16> -> vector<16xf32>
      %add3A_1684 = arith.constant 64 : i32
      %add3A_1685 = vector.broadcast %add3A_1684 : i32 to vector<16xi32>
      %add3A_1686 = arith.addi %mul3A_2, %add3A_1685 : vector<16xi32>
      %mul3A_1687 = vector.broadcast %squeeze3A : f32 to vector<16xf32>
      %mul3A_1688 = arith.mulf %unpack3A_1682, %mul3A_1687 : vector<16xf32>
      %scatter3A_1689 = arith.constant 5 : i32
      %scatter3A_1690 = arith.constant 0 : i32
      %scatter3A_1691 = tpu.memref_slice %arg9[%scatter3A_1689, %scatter3A_1690] : memref<8x128xf32, #tpu.memory_space<vmem>> -> memref<1x128xf32, #tpu.memory_space<vmem>>
      %scatter3A_1692 = tpu.memref_squeeze %scatter3A_1691 : memref<1x128xf32, #tpu.memory_space<vmem>> -> memref<128xf32, #tpu.memory_space<vmem>>
      tpu.vector_store_idx %scatter3A_1692[%add3A_1686], %mul3A_1688 : memref<128xf32, #tpu.memory_space<vmem>>[vector<16xi32>], vector<16xf32>,
      %add3A_1693 = arith.constant 65 : i32
      %add3A_1694 = vector.broadcast %add3A_1693 : i32 to vector<16xi32>
      %add3A_1695 = arith.addi %mul3A_2, %add3A_1694 : vector<16xi32>
      %mul3A_1696 = vector.broadcast %squeeze3A : f32 to vector<16xf32>
      %mul3A_1697 = arith.mulf %unpack3A_1683, %mul3A_1696 : vector<16xf32>
      %scatter3A_1698 = arith.constant 5 : i32
      %scatter3A_1699 = arith.constant 0 : i32
      %scatter3A_1700 = tpu.memref_slice %arg9[%scatter3A_1698, %scatter3A_1699] : memref<8x128xf32, #tpu.memory_space<vmem>> -> memref<1x128xf32, #tpu.memory_space<vmem>>
      %scatter3A_1701 = tpu.memref_squeeze %scatter3A_1700 : memref<1x128xf32, #tpu.memory_space<vmem>> -> memref<128xf32, #tpu.memory_space<vmem>>
      tpu.vector_store_idx %scatter3A_1701[%add3A_1695], %mul3A_1697 : memref<128xf32, #tpu.memory_space<vmem>>[vector<16xi32>], vector<16xf32>,
      %get3A_1702 = arith.constant 50 : i32
      %get3A_1703 = arith.index_cast %get3A_1702 : i32 to index
      %get3A_1704 = arith.constant 96 : index
      %get3A_1705 = tpu.vector_load %arg7[%get3A_1703, %get3A_1704] {strides = array<i32>} : memref<80x128xbf16, #tpu.memory_space<vmem>>, vector<32xbf16>,
      %get3A_1706 = arith.constant 51 : i32
      %get3A_1707 = arith.index_cast %get3A_1706 : i32 to index
      %get3A_1708 = arith.constant 96 : index
      %get3A_1709 = tpu.vector_load %arg7[%get3A_1707, %get3A_1708] {strides = array<i32>} : memref<80x128xbf16, #tpu.memory_space<vmem>>, vector<32xbf16>,
      %get3A_1710 = arith.constant 52 : i32
      %get3A_1711 = arith.index_cast %get3A_1710 : i32 to index
      %get3A_1712 = arith.constant 96 : index
      %get3A_1713 = tpu.vector_load %arg7[%get3A_1711, %get3A_1712] {strides = array<i32>} : memref<80x128xbf16, #tpu.memory_space<vmem>>, vector<32xbf16>,
      %get3A_1714 = arith.constant 53 : i32
      %get3A_1715 = arith.index_cast %get3A_1714 : i32 to index
      %get3A_1716 = arith.constant 96 : index
      %get3A_1717 = tpu.vector_load %arg7[%get3A_1715, %get3A_1716] {strides = array<i32>} : memref<80x128xbf16, #tpu.memory_space<vmem>>, vector<32xbf16>,
      %get3A_1718 = arith.constant 54 : i32
      %get3A_1719 = arith.index_cast %get3A_1718 : i32 to index
      %get3A_1720 = arith.constant 96 : index
      %get3A_1721 = tpu.vector_load %arg7[%get3A_1719, %get3A_1720] {strides = array<i32>} : memref<80x128xbf16, #tpu.memory_space<vmem>>, vector<32xbf16>,
      %get3A_1722 = arith.constant 55 : i32
      %get3A_1723 = arith.index_cast %get3A_1722 : i32 to index
      %get3A_1724 = arith.constant 96 : index
      %get3A_1725 = tpu.vector_load %arg7[%get3A_1723, %get3A_1724] {strides = array<i32>} : memref<80x128xbf16, #tpu.memory_space<vmem>>, vector<32xbf16>,
      %get3A_1726 = arith.constant 56 : i32
      %get3A_1727 = arith.index_cast %get3A_1726 : i32 to index
      %get3A_1728 = arith.constant 96 : index
      %get3A_1729 = tpu.vector_load %arg7[%get3A_1727, %get3A_1728] {strides = array<i32>} : memref<80x128xbf16, #tpu.memory_space<vmem>>, vector<32xbf16>,
      %get3A_1730 = arith.constant 57 : i32
      %get3A_1731 = arith.index_cast %get3A_1730 : i32 to index
      %get3A_1732 = arith.constant 96 : index
      %get3A_1733 = tpu.vector_load %arg7[%get3A_1731, %get3A_1732] {strides = array<i32>} : memref<80x128xbf16, #tpu.memory_space<vmem>>, vector<32xbf16>,
      %get3A_1734 = arith.constant 58 : i32
      %get3A_1735 = arith.index_cast %get3A_1734 : i32 to index
      %get3A_1736 = arith.constant 96 : index
      %get3A_1737 = tpu.vector_load %arg7[%get3A_1735, %get3A_1736] {strides = array<i32>} : memref<80x128xbf16, #tpu.memory_space<vmem>>, vector<32xbf16>,
      %get3A_1738 = arith.constant 59 : i32
      %get3A_1739 = arith.index_cast %get3A_1738 : i32 to index
      %get3A_1740 = arith.constant 96 : index
      %get3A_1741 = tpu.vector_load %arg7[%get3A_1739, %get3A_1740] {strides = array<i32>} : memref<80x128xbf16, #tpu.memory_space<vmem>>, vector<32xbf16>,
      %add3A_1742 = arith.addf %get3A_1705, %get3A_1709 : vector<32xbf16>
      %add3A_1743 = arith.addf %get3A_1713, %get3A_1717 : vector<32xbf16>
      %add3A_1744 = arith.addf %get3A_1721, %get3A_1725 : vector<32xbf16>
      %add3A_1745 = arith.addf %get3A_1729, %get3A_1733 : vector<32xbf16>
      %add3A_1746 = arith.addf %get3A_1737, %get3A_1741 : vector<32xbf16>
      %add3A_1747 = arith.addf %add3A_1742, %add3A_1743 : vector<32xbf16>
      %add3A_1748 = arith.addf %add3A_1744, %add3A_1745 : vector<32xbf16>
      %add3A_1749 = arith.addf %add3A_1747, %add3A_1748 : vector<32xbf16>
      %add3A_1750 = arith.addf %add3A_1749, %add3A_1746 : vector<32xbf16>
      %unpack3A_1751 = tpu.unpack_subelements %add3A_1750, 0 {pack_format = #tpu.pack_format<interleaved>} : vector<32xbf16> -> vector<16xf32>
      %unpack3A_1752 = tpu.unpack_subelements %add3A_1750, 1 {pack_format = #tpu.pack_format<interleaved>} : vector<32xbf16> -> vector<16xf32>
      %add3A_1753 = arith.constant 96 : i32
      %add3A_1754 = vector.broadcast %add3A_1753 : i32 to vector<16xi32>
      %add3A_1755 = arith.addi %mul3A_2, %add3A_1754 : vector<16xi32>
      %mul3A_1756 = vector.broadcast %squeeze3A : f32 to vector<16xf32>
      %mul3A_1757 = arith.mulf %unpack3A_1751, %mul3A_1756 : vector<16xf32>
      %scatter3A_1758 = arith.constant 5 : i32
      %scatter3A_1759 = arith.constant 0 : i32
      %scatter3A_1760 = tpu.memref_slice %arg9[%scatter3A_1758, %scatter3A_1759] : memref<8x128xf32, #tpu.memory_space<vmem>> -> memref<1x128xf32, #tpu.memory_space<vmem>>
      %scatter3A_1761 = tpu.memref_squeeze %scatter3A_1760 : memref<1x128xf32, #tpu.memory_space<vmem>> -> memref<128xf32, #tpu.memory_space<vmem>>
      tpu.vector_store_idx %scatter3A_1761[%add3A_1755], %mul3A_1757 : memref<128xf32, #tpu.memory_space<vmem>>[vector<16xi32>], vector<16xf32>,
      %add3A_1762 = arith.constant 97 : i32
      %add3A_1763 = vector.broadcast %add3A_1762 : i32 to vector<16xi32>
      %add3A_1764 = arith.addi %mul3A_2, %add3A_1763 : vector<16xi32>
      %mul3A_1765 = vector.broadcast %squeeze3A : f32 to vector<16xf32>
      %mul3A_1766 = arith.mulf %unpack3A_1752, %mul3A_1765 : vector<16xf32>
      %scatter3A_1767 = arith.constant 5 : i32
      %scatter3A_1768 = arith.constant 0 : i32
      %scatter3A_1769 = tpu.memref_slice %arg9[%scatter3A_1767, %scatter3A_1768] : memref<8x128xf32, #tpu.memory_space<vmem>> -> memref<1x128xf32, #tpu.memory_space<vmem>>
      %scatter3A_1770 = tpu.memref_squeeze %scatter3A_1769 : memref<1x128xf32, #tpu.memory_space<vmem>> -> memref<128xf32, #tpu.memory_space<vmem>>
      tpu.vector_store_idx %scatter3A_1770[%add3A_1764], %mul3A_1766 : memref<128xf32, #tpu.memory_space<vmem>>[vector<16xi32>], vector<16xf32>,
      %get3A_1771 = arith.constant 60 : i32
      %get3A_1772 = arith.index_cast %get3A_1771 : i32 to index
      %get3A_1773 = arith.constant 0 : index
      %get3A_1774 = tpu.vector_load %arg7[%get3A_1772, %get3A_1773] {strides = array<i32>} : memref<80x128xbf16, #tpu.memory_space<vmem>>, vector<32xbf16>,
      %get3A_1775 = arith.constant 61 : i32
      %get3A_1776 = arith.index_cast %get3A_1775 : i32 to index
      %get3A_1777 = arith.constant 0 : index
      %get3A_1778 = tpu.vector_load %arg7[%get3A_1776, %get3A_1777] {strides = array<i32>} : memref<80x128xbf16, #tpu.memory_space<vmem>>, vector<32xbf16>,
      %get3A_1779 = arith.constant 62 : i32
      %get3A_1780 = arith.index_cast %get3A_1779 : i32 to index
      %get3A_1781 = arith.constant 0 : index
      %get3A_1782 = tpu.vector_load %arg7[%get3A_1780, %get3A_1781] {strides = array<i32>} : memref<80x128xbf16, #tpu.memory_space<vmem>>, vector<32xbf16>,
      %get3A_1783 = arith.constant 63 : i32
      %get3A_1784 = arith.index_cast %get3A_1783 : i32 to index
      %get3A_1785 = arith.constant 0 : index
      %get3A_1786 = tpu.vector_load %arg7[%get3A_1784, %get3A_1785] {strides = array<i32>} : memref<80x128xbf16, #tpu.memory_space<vmem>>, vector<32xbf16>,
      %get3A_1787 = arith.constant 64 : i32
      %get3A_1788 = arith.index_cast %get3A_1787 : i32 to index
      %get3A_1789 = arith.constant 0 : index
      %get3A_1790 = tpu.vector_load %arg7[%get3A_1788, %get3A_1789] {strides = array<i32>} : memref<80x128xbf16, #tpu.memory_space<vmem>>, vector<32xbf16>,
      %get3A_1791 = arith.constant 65 : i32
      %get3A_1792 = arith.index_cast %get3A_1791 : i32 to index
      %get3A_1793 = arith.constant 0 : index
      %get3A_1794 = tpu.vector_load %arg7[%get3A_1792, %get3A_1793] {strides = array<i32>} : memref<80x128xbf16, #tpu.memory_space<vmem>>, vector<32xbf16>,
      %get3A_1795 = arith.constant 66 : i32
      %get3A_1796 = arith.index_cast %get3A_1795 : i32 to index
      %get3A_1797 = arith.constant 0 : index
      %get3A_1798 = tpu.vector_load %arg7[%get3A_1796, %get3A_1797] {strides = array<i32>} : memref<80x128xbf16, #tpu.memory_space<vmem>>, vector<32xbf16>,
      %get3A_1799 = arith.constant 67 : i32
      %get3A_1800 = arith.index_cast %get3A_1799 : i32 to index
      %get3A_1801 = arith.constant 0 : index
      %get3A_1802 = tpu.vector_load %arg7[%get3A_1800, %get3A_1801] {strides = array<i32>} : memref<80x128xbf16, #tpu.memory_space<vmem>>, vector<32xbf16>,
      %get3A_1803 = arith.constant 68 : i32
      %get3A_1804 = arith.index_cast %get3A_1803 : i32 to index
      %get3A_1805 = arith.constant 0 : index
      %get3A_1806 = tpu.vector_load %arg7[%get3A_1804, %get3A_1805] {strides = array<i32>} : memref<80x128xbf16, #tpu.memory_space<vmem>>, vector<32xbf16>,
      %get3A_1807 = arith.constant 69 : i32
      %get3A_1808 = arith.index_cast %get3A_1807 : i32 to index
      %get3A_1809 = arith.constant 0 : index
      %get3A_1810 = tpu.vector_load %arg7[%get3A_1808, %get3A_1809] {strides = array<i32>} : memref<80x128xbf16, #tpu.memory_space<vmem>>, vector<32xbf16>,
      %add3A_1811 = arith.addf %get3A_1774, %get3A_1778 : vector<32xbf16>
      %add3A_1812 = arith.addf %get3A_1782, %get3A_1786 : vector<32xbf16>
      %add3A_1813 = arith.addf %get3A_1790, %get3A_1794 : vector<32xbf16>
      %add3A_1814 = arith.addf %get3A_1798, %get3A_1802 : vector<32xbf16>
      %add3A_1815 = arith.addf %get3A_1806, %get3A_1810 : vector<32xbf16>
      %add3A_1816 = arith.addf %add3A_1811, %add3A_1812 : vector<32xbf16>
      %add3A_1817 = arith.addf %add3A_1813, %add3A_1814 : vector<32xbf16>
      %add3A_1818 = arith.addf %add3A_1816, %add3A_1817 : vector<32xbf16>
      %add3A_1819 = arith.addf %add3A_1818, %add3A_1815 : vector<32xbf16>
      %unpack3A_1820 = tpu.unpack_subelements %add3A_1819, 0 {pack_format = #tpu.pack_format<interleaved>} : vector<32xbf16> -> vector<16xf32>
      %unpack3A_1821 = tpu.unpack_subelements %add3A_1819, 1 {pack_format = #tpu.pack_format<interleaved>} : vector<32xbf16> -> vector<16xf32>
      %add3A_1822 = arith.constant 0 : i32
      %add3A_1823 = vector.broadcast %add3A_1822 : i32 to vector<16xi32>
      %add3A_1824 = arith.addi %mul3A_2, %add3A_1823 : vector<16xi32>
      %mul3A_1825 = vector.broadcast %squeeze3A : f32 to vector<16xf32>
      %mul3A_1826 = arith.mulf %unpack3A_1820, %mul3A_1825 : vector<16xf32>
      %scatter3A_1827 = arith.constant 6 : i32
      %scatter3A_1828 = arith.constant 0 : i32
      %scatter3A_1829 = tpu.memref_slice %arg9[%scatter3A_1827, %scatter3A_1828] : memref<8x128xf32, #tpu.memory_space<vmem>> -> memref<1x128xf32, #tpu.memory_space<vmem>>
      %scatter3A_1830 = tpu.memref_squeeze %scatter3A_1829 : memref<1x128xf32, #tpu.memory_space<vmem>> -> memref<128xf32, #tpu.memory_space<vmem>>
      tpu.vector_store_idx %scatter3A_1830[%add3A_1824], %mul3A_1826 : memref<128xf32, #tpu.memory_space<vmem>>[vector<16xi32>], vector<16xf32>,
      %add3A_1831 = arith.constant 1 : i32
      %add3A_1832 = vector.broadcast %add3A_1831 : i32 to vector<16xi32>
      %add3A_1833 = arith.addi %mul3A_2, %add3A_1832 : vector<16xi32>
      %mul3A_1834 = vector.broadcast %squeeze3A : f32 to vector<16xf32>
      %mul3A_1835 = arith.mulf %unpack3A_1821, %mul3A_1834 : vector<16xf32>
      %scatter3A_1836 = arith.constant 6 : i32
      %scatter3A_1837 = arith.constant 0 : i32
      %scatter3A_1838 = tpu.memref_slice %arg9[%scatter3A_1836, %scatter3A_1837] : memref<8x128xf32, #tpu.memory_space<vmem>> -> memref<1x128xf32, #tpu.memory_space<vmem>>
      %scatter3A_1839 = tpu.memref_squeeze %scatter3A_1838 : memref<1x128xf32, #tpu.memory_space<vmem>> -> memref<128xf32, #tpu.memory_space<vmem>>
      tpu.vector_store_idx %scatter3A_1839[%add3A_1833], %mul3A_1835 : memref<128xf32, #tpu.memory_space<vmem>>[vector<16xi32>], vector<16xf32>,
      %get3A_1840 = arith.constant 60 : i32
      %get3A_1841 = arith.index_cast %get3A_1840 : i32 to index
      %get3A_1842 = arith.constant 32 : index
      %get3A_1843 = tpu.vector_load %arg7[%get3A_1841, %get3A_1842] {strides = array<i32>} : memref<80x128xbf16, #tpu.memory_space<vmem>>, vector<32xbf16>,
      %get3A_1844 = arith.constant 61 : i32
      %get3A_1845 = arith.index_cast %get3A_1844 : i32 to index
      %get3A_1846 = arith.constant 32 : index
      %get3A_1847 = tpu.vector_load %arg7[%get3A_1845, %get3A_1846] {strides = array<i32>} : memref<80x128xbf16, #tpu.memory_space<vmem>>, vector<32xbf16>,
      %get3A_1848 = arith.constant 62 : i32
      %get3A_1849 = arith.index_cast %get3A_1848 : i32 to index
      %get3A_1850 = arith.constant 32 : index
      %get3A_1851 = tpu.vector_load %arg7[%get3A_1849, %get3A_1850] {strides = array<i32>} : memref<80x128xbf16, #tpu.memory_space<vmem>>, vector<32xbf16>,
      %get3A_1852 = arith.constant 63 : i32
      %get3A_1853 = arith.index_cast %get3A_1852 : i32 to index
      %get3A_1854 = arith.constant 32 : index
      %get3A_1855 = tpu.vector_load %arg7[%get3A_1853, %get3A_1854] {strides = array<i32>} : memref<80x128xbf16, #tpu.memory_space<vmem>>, vector<32xbf16>,
      %get3A_1856 = arith.constant 64 : i32
      %get3A_1857 = arith.index_cast %get3A_1856 : i32 to index
      %get3A_1858 = arith.constant 32 : index
      %get3A_1859 = tpu.vector_load %arg7[%get3A_1857, %get3A_1858] {strides = array<i32>} : memref<80x128xbf16, #tpu.memory_space<vmem>>, vector<32xbf16>,
      %get3A_1860 = arith.constant 65 : i32
      %get3A_1861 = arith.index_cast %get3A_1860 : i32 to index
      %get3A_1862 = arith.constant 32 : index
      %get3A_1863 = tpu.vector_load %arg7[%get3A_1861, %get3A_1862] {strides = array<i32>} : memref<80x128xbf16, #tpu.memory_space<vmem>>, vector<32xbf16>,
      %get3A_1864 = arith.constant 66 : i32
      %get3A_1865 = arith.index_cast %get3A_1864 : i32 to index
      %get3A_1866 = arith.constant 32 : index
      %get3A_1867 = tpu.vector_load %arg7[%get3A_1865, %get3A_1866] {strides = array<i32>} : memref<80x128xbf16, #tpu.memory_space<vmem>>, vector<32xbf16>,
      %get3A_1868 = arith.constant 67 : i32
      %get3A_1869 = arith.index_cast %get3A_1868 : i32 to index
      %get3A_1870 = arith.constant 32 : index
      %get3A_1871 = tpu.vector_load %arg7[%get3A_1869, %get3A_1870] {strides = array<i32>} : memref<80x128xbf16, #tpu.memory_space<vmem>>, vector<32xbf16>,
      %get3A_1872 = arith.constant 68 : i32
      %get3A_1873 = arith.index_cast %get3A_1872 : i32 to index
      %get3A_1874 = arith.constant 32 : index
      %get3A_1875 = tpu.vector_load %arg7[%get3A_1873, %get3A_1874] {strides = array<i32>} : memref<80x128xbf16, #tpu.memory_space<vmem>>, vector<32xbf16>,
      %get3A_1876 = arith.constant 69 : i32
      %get3A_1877 = arith.index_cast %get3A_1876 : i32 to index
      %get3A_1878 = arith.constant 32 : index
      %get3A_1879 = tpu.vector_load %arg7[%get3A_1877, %get3A_1878] {strides = array<i32>} : memref<80x128xbf16, #tpu.memory_space<vmem>>, vector<32xbf16>,
      %add3A_1880 = arith.addf %get3A_1843, %get3A_1847 : vector<32xbf16>
      %add3A_1881 = arith.addf %get3A_1851, %get3A_1855 : vector<32xbf16>
      %add3A_1882 = arith.addf %get3A_1859, %get3A_1863 : vector<32xbf16>
      %add3A_1883 = arith.addf %get3A_1867, %get3A_1871 : vector<32xbf16>
      %add3A_1884 = arith.addf %get3A_1875, %get3A_1879 : vector<32xbf16>
      %add3A_1885 = arith.addf %add3A_1880, %add3A_1881 : vector<32xbf16>
      %add3A_1886 = arith.addf %add3A_1882, %add3A_1883 : vector<32xbf16>
      %add3A_1887 = arith.addf %add3A_1885, %add3A_1886 : vector<32xbf16>
      %add3A_1888 = arith.addf %add3A_1887, %add3A_1884 : vector<32xbf16>
      %unpack3A_1889 = tpu.unpack_subelements %add3A_1888, 0 {pack_format = #tpu.pack_format<interleaved>} : vector<32xbf16> -> vector<16xf32>
      %unpack3A_1890 = tpu.unpack_subelements %add3A_1888, 1 {pack_format = #tpu.pack_format<interleaved>} : vector<32xbf16> -> vector<16xf32>
      %add3A_1891 = arith.constant 32 : i32
      %add3A_1892 = vector.broadcast %add3A_1891 : i32 to vector<16xi32>
      %add3A_1893 = arith.addi %mul3A_2, %add3A_1892 : vector<16xi32>
      %mul3A_1894 = vector.broadcast %squeeze3A : f32 to vector<16xf32>
      %mul3A_1895 = arith.mulf %unpack3A_1889, %mul3A_1894 : vector<16xf32>
      %scatter3A_1896 = arith.constant 6 : i32
      %scatter3A_1897 = arith.constant 0 : i32
      %scatter3A_1898 = tpu.memref_slice %arg9[%scatter3A_1896, %scatter3A_1897] : memref<8x128xf32, #tpu.memory_space<vmem>> -> memref<1x128xf32, #tpu.memory_space<vmem>>
      %scatter3A_1899 = tpu.memref_squeeze %scatter3A_1898 : memref<1x128xf32, #tpu.memory_space<vmem>> -> memref<128xf32, #tpu.memory_space<vmem>>
      tpu.vector_store_idx %scatter3A_1899[%add3A_1893], %mul3A_1895 : memref<128xf32, #tpu.memory_space<vmem>>[vector<16xi32>], vector<16xf32>,
      %add3A_1900 = arith.constant 33 : i32
      %add3A_1901 = vector.broadcast %add3A_1900 : i32 to vector<16xi32>
      %add3A_1902 = arith.addi %mul3A_2, %add3A_1901 : vector<16xi32>
      %mul3A_1903 = vector.broadcast %squeeze3A : f32 to vector<16xf32>
      %mul3A_1904 = arith.mulf %unpack3A_1890, %mul3A_1903 : vector<16xf32>
      %scatter3A_1905 = arith.constant 6 : i32
      %scatter3A_1906 = arith.constant 0 : i32
      %scatter3A_1907 = tpu.memref_slice %arg9[%scatter3A_1905, %scatter3A_1906] : memref<8x128xf32, #tpu.memory_space<vmem>> -> memref<1x128xf32, #tpu.memory_space<vmem>>
      %scatter3A_1908 = tpu.memref_squeeze %scatter3A_1907 : memref<1x128xf32, #tpu.memory_space<vmem>> -> memref<128xf32, #tpu.memory_space<vmem>>
      tpu.vector_store_idx %scatter3A_1908[%add3A_1902], %mul3A_1904 : memref<128xf32, #tpu.memory_space<vmem>>[vector<16xi32>], vector<16xf32>,
      %get3A_1909 = arith.constant 60 : i32
      %get3A_1910 = arith.index_cast %get3A_1909 : i32 to index
      %get3A_1911 = arith.constant 64 : index
      %get3A_1912 = tpu.vector_load %arg7[%get3A_1910, %get3A_1911] {strides = array<i32>} : memref<80x128xbf16, #tpu.memory_space<vmem>>, vector<32xbf16>,
      %get3A_1913 = arith.constant 61 : i32
      %get3A_1914 = arith.index_cast %get3A_1913 : i32 to index
      %get3A_1915 = arith.constant 64 : index
      %get3A_1916 = tpu.vector_load %arg7[%get3A_1914, %get3A_1915] {strides = array<i32>} : memref<80x128xbf16, #tpu.memory_space<vmem>>, vector<32xbf16>,
      %get3A_1917 = arith.constant 62 : i32
      %get3A_1918 = arith.index_cast %get3A_1917 : i32 to index
      %get3A_1919 = arith.constant 64 : index
      %get3A_1920 = tpu.vector_load %arg7[%get3A_1918, %get3A_1919] {strides = array<i32>} : memref<80x128xbf16, #tpu.memory_space<vmem>>, vector<32xbf16>,
      %get3A_1921 = arith.constant 63 : i32
      %get3A_1922 = arith.index_cast %get3A_1921 : i32 to index
      %get3A_1923 = arith.constant 64 : index
      %get3A_1924 = tpu.vector_load %arg7[%get3A_1922, %get3A_1923] {strides = array<i32>} : memref<80x128xbf16, #tpu.memory_space<vmem>>, vector<32xbf16>,
      %get3A_1925 = arith.constant 64 : i32
      %get3A_1926 = arith.index_cast %get3A_1925 : i32 to index
      %get3A_1927 = arith.constant 64 : index
      %get3A_1928 = tpu.vector_load %arg7[%get3A_1926, %get3A_1927] {strides = array<i32>} : memref<80x128xbf16, #tpu.memory_space<vmem>>, vector<32xbf16>,
      %get3A_1929 = arith.constant 65 : i32
      %get3A_1930 = arith.index_cast %get3A_1929 : i32 to index
      %get3A_1931 = arith.constant 64 : index
      %get3A_1932 = tpu.vector_load %arg7[%get3A_1930, %get3A_1931] {strides = array<i32>} : memref<80x128xbf16, #tpu.memory_space<vmem>>, vector<32xbf16>,
      %get3A_1933 = arith.constant 66 : i32
      %get3A_1934 = arith.index_cast %get3A_1933 : i32 to index
      %get3A_1935 = arith.constant 64 : index
      %get3A_1936 = tpu.vector_load %arg7[%get3A_1934, %get3A_1935] {strides = array<i32>} : memref<80x128xbf16, #tpu.memory_space<vmem>>, vector<32xbf16>,
      %get3A_1937 = arith.constant 67 : i32
      %get3A_1938 = arith.index_cast %get3A_1937 : i32 to index
      %get3A_1939 = arith.constant 64 : index
      %get3A_1940 = tpu.vector_load %arg7[%get3A_1938, %get3A_1939] {strides = array<i32>} : memref<80x128xbf16, #tpu.memory_space<vmem>>, vector<32xbf16>,
      %get3A_1941 = arith.constant 68 : i32
      %get3A_1942 = arith.index_cast %get3A_1941 : i32 to index
      %get3A_1943 = arith.constant 64 : index
      %get3A_1944 = tpu.vector_load %arg7[%get3A_1942, %get3A_1943] {strides = array<i32>} : memref<80x128xbf16, #tpu.memory_space<vmem>>, vector<32xbf16>,
      %get3A_1945 = arith.constant 69 : i32
      %get3A_1946 = arith.index_cast %get3A_1945 : i32 to index
      %get3A_1947 = arith.constant 64 : index
      %get3A_1948 = tpu.vector_load %arg7[%get3A_1946, %get3A_1947] {strides = array<i32>} : memref<80x128xbf16, #tpu.memory_space<vmem>>, vector<32xbf16>,
      %add3A_1949 = arith.addf %get3A_1912, %get3A_1916 : vector<32xbf16>
      %add3A_1950 = arith.addf %get3A_1920, %get3A_1924 : vector<32xbf16>
      %add3A_1951 = arith.addf %get3A_1928, %get3A_1932 : vector<32xbf16>
      %add3A_1952 = arith.addf %get3A_1936, %get3A_1940 : vector<32xbf16>
      %add3A_1953 = arith.addf %get3A_1944, %get3A_1948 : vector<32xbf16>
      %add3A_1954 = arith.addf %add3A_1949, %add3A_1950 : vector<32xbf16>
      %add3A_1955 = arith.addf %add3A_1951, %add3A_1952 : vector<32xbf16>
      %add3A_1956 = arith.addf %add3A_1954, %add3A_1955 : vector<32xbf16>
      %add3A_1957 = arith.addf %add3A_1956, %add3A_1953 : vector<32xbf16>
      %unpack3A_1958 = tpu.unpack_subelements %add3A_1957, 0 {pack_format = #tpu.pack_format<interleaved>} : vector<32xbf16> -> vector<16xf32>
      %unpack3A_1959 = tpu.unpack_subelements %add3A_1957, 1 {pack_format = #tpu.pack_format<interleaved>} : vector<32xbf16> -> vector<16xf32>
      %add3A_1960 = arith.constant 64 : i32
      %add3A_1961 = vector.broadcast %add3A_1960 : i32 to vector<16xi32>
      %add3A_1962 = arith.addi %mul3A_2, %add3A_1961 : vector<16xi32>
      %mul3A_1963 = vector.broadcast %squeeze3A : f32 to vector<16xf32>
      %mul3A_1964 = arith.mulf %unpack3A_1958, %mul3A_1963 : vector<16xf32>
      %scatter3A_1965 = arith.constant 6 : i32
      %scatter3A_1966 = arith.constant 0 : i32
      %scatter3A_1967 = tpu.memref_slice %arg9[%scatter3A_1965, %scatter3A_1966] : memref<8x128xf32, #tpu.memory_space<vmem>> -> memref<1x128xf32, #tpu.memory_space<vmem>>
      %scatter3A_1968 = tpu.memref_squeeze %scatter3A_1967 : memref<1x128xf32, #tpu.memory_space<vmem>> -> memref<128xf32, #tpu.memory_space<vmem>>
      tpu.vector_store_idx %scatter3A_1968[%add3A_1962], %mul3A_1964 : memref<128xf32, #tpu.memory_space<vmem>>[vector<16xi32>], vector<16xf32>,
      %add3A_1969 = arith.constant 65 : i32
      %add3A_1970 = vector.broadcast %add3A_1969 : i32 to vector<16xi32>
      %add3A_1971 = arith.addi %mul3A_2, %add3A_1970 : vector<16xi32>
      %mul3A_1972 = vector.broadcast %squeeze3A : f32 to vector<16xf32>
      %mul3A_1973 = arith.mulf %unpack3A_1959, %mul3A_1972 : vector<16xf32>
      %scatter3A_1974 = arith.constant 6 : i32
      %scatter3A_1975 = arith.constant 0 : i32
      %scatter3A_1976 = tpu.memref_slice %arg9[%scatter3A_1974, %scatter3A_1975] : memref<8x128xf32, #tpu.memory_space<vmem>> -> memref<1x128xf32, #tpu.memory_space<vmem>>
      %scatter3A_1977 = tpu.memref_squeeze %scatter3A_1976 : memref<1x128xf32, #tpu.memory_space<vmem>> -> memref<128xf32, #tpu.memory_space<vmem>>
      tpu.vector_store_idx %scatter3A_1977[%add3A_1971], %mul3A_1973 : memref<128xf32, #tpu.memory_space<vmem>>[vector<16xi32>], vector<16xf32>,
      %get3A_1978 = arith.constant 60 : i32
      %get3A_1979 = arith.index_cast %get3A_1978 : i32 to index
      %get3A_1980 = arith.constant 96 : index
      %get3A_1981 = tpu.vector_load %arg7[%get3A_1979, %get3A_1980] {strides = array<i32>} : memref<80x128xbf16, #tpu.memory_space<vmem>>, vector<32xbf16>,
      %get3A_1982 = arith.constant 61 : i32
      %get3A_1983 = arith.index_cast %get3A_1982 : i32 to index
      %get3A_1984 = arith.constant 96 : index
      %get3A_1985 = tpu.vector_load %arg7[%get3A_1983, %get3A_1984] {strides = array<i32>} : memref<80x128xbf16, #tpu.memory_space<vmem>>, vector<32xbf16>,
      %get3A_1986 = arith.constant 62 : i32
      %get3A_1987 = arith.index_cast %get3A_1986 : i32 to index
      %get3A_1988 = arith.constant 96 : index
      %get3A_1989 = tpu.vector_load %arg7[%get3A_1987, %get3A_1988] {strides = array<i32>} : memref<80x128xbf16, #tpu.memory_space<vmem>>, vector<32xbf16>,
      %get3A_1990 = arith.constant 63 : i32
      %get3A_1991 = arith.index_cast %get3A_1990 : i32 to index
      %get3A_1992 = arith.constant 96 : index
      %get3A_1993 = tpu.vector_load %arg7[%get3A_1991, %get3A_1992] {strides = array<i32>} : memref<80x128xbf16, #tpu.memory_space<vmem>>, vector<32xbf16>,
      %get3A_1994 = arith.constant 64 : i32
      %get3A_1995 = arith.index_cast %get3A_1994 : i32 to index
      %get3A_1996 = arith.constant 96 : index
      %get3A_1997 = tpu.vector_load %arg7[%get3A_1995, %get3A_1996] {strides = array<i32>} : memref<80x128xbf16, #tpu.memory_space<vmem>>, vector<32xbf16>,
      %get3A_1998 = arith.constant 65 : i32
      %get3A_1999 = arith.index_cast %get3A_1998 : i32 to index
      %get3A_2000 = arith.constant 96 : index
      %get3A_2001 = tpu.vector_load %arg7[%get3A_1999, %get3A_2000] {strides = array<i32>} : memref<80x128xbf16, #tpu.memory_space<vmem>>, vector<32xbf16>,
      %get3A_2002 = arith.constant 66 : i32
      %get3A_2003 = arith.index_cast %get3A_2002 : i32 to index
      %get3A_2004 = arith.constant 96 : index
      %get3A_2005 = tpu.vector_load %arg7[%get3A_2003, %get3A_2004] {strides = array<i32>} : memref<80x128xbf16, #tpu.memory_space<vmem>>, vector<32xbf16>,
      %get3A_2006 = arith.constant 67 : i32
      %get3A_2007 = arith.index_cast %get3A_2006 : i32 to index
      %get3A_2008 = arith.constant 96 : index
      %get3A_2009 = tpu.vector_load %arg7[%get3A_2007, %get3A_2008] {strides = array<i32>} : memref<80x128xbf16, #tpu.memory_space<vmem>>, vector<32xbf16>,
      %get3A_2010 = arith.constant 68 : i32
      %get3A_2011 = arith.index_cast %get3A_2010 : i32 to index
      %get3A_2012 = arith.constant 96 : index
      %get3A_2013 = tpu.vector_load %arg7[%get3A_2011, %get3A_2012] {strides = array<i32>} : memref<80x128xbf16, #tpu.memory_space<vmem>>, vector<32xbf16>,
      %get3A_2014 = arith.constant 69 : i32
      %get3A_2015 = arith.index_cast %get3A_2014 : i32 to index
      %get3A_2016 = arith.constant 96 : index
      %get3A_2017 = tpu.vector_load %arg7[%get3A_2015, %get3A_2016] {strides = array<i32>} : memref<80x128xbf16, #tpu.memory_space<vmem>>, vector<32xbf16>,
      %add3A_2018 = arith.addf %get3A_1981, %get3A_1985 : vector<32xbf16>
      %add3A_2019 = arith.addf %get3A_1989, %get3A_1993 : vector<32xbf16>
      %add3A_2020 = arith.addf %get3A_1997, %get3A_2001 : vector<32xbf16>
      %add3A_2021 = arith.addf %get3A_2005, %get3A_2009 : vector<32xbf16>
      %add3A_2022 = arith.addf %get3A_2013, %get3A_2017 : vector<32xbf16>
      %add3A_2023 = arith.addf %add3A_2018, %add3A_2019 : vector<32xbf16>
      %add3A_2024 = arith.addf %add3A_2020, %add3A_2021 : vector<32xbf16>
      %add3A_2025 = arith.addf %add3A_2023, %add3A_2024 : vector<32xbf16>
      %add3A_2026 = arith.addf %add3A_2025, %add3A_2022 : vector<32xbf16>
      %unpack3A_2027 = tpu.unpack_subelements %add3A_2026, 0 {pack_format = #tpu.pack_format<interleaved>} : vector<32xbf16> -> vector<16xf32>
      %unpack3A_2028 = tpu.unpack_subelements %add3A_2026, 1 {pack_format = #tpu.pack_format<interleaved>} : vector<32xbf16> -> vector<16xf32>
      %add3A_2029 = arith.constant 96 : i32
      %add3A_2030 = vector.broadcast %add3A_2029 : i32 to vector<16xi32>
      %add3A_2031 = arith.addi %mul3A_2, %add3A_2030 : vector<16xi32>
      %mul3A_2032 = vector.broadcast %squeeze3A : f32 to vector<16xf32>
      %mul3A_2033 = arith.mulf %unpack3A_2027, %mul3A_2032 : vector<16xf32>
      %scatter3A_2034 = arith.constant 6 : i32
      %scatter3A_2035 = arith.constant 0 : i32
      %scatter3A_2036 = tpu.memref_slice %arg9[%scatter3A_2034, %scatter3A_2035] : memref<8x128xf32, #tpu.memory_space<vmem>> -> memref<1x128xf32, #tpu.memory_space<vmem>>
      %scatter3A_2037 = tpu.memref_squeeze %scatter3A_2036 : memref<1x128xf32, #tpu.memory_space<vmem>> -> memref<128xf32, #tpu.memory_space<vmem>>
      tpu.vector_store_idx %scatter3A_2037[%add3A_2031], %mul3A_2033 : memref<128xf32, #tpu.memory_space<vmem>>[vector<16xi32>], vector<16xf32>,
      %add3A_2038 = arith.constant 97 : i32
      %add3A_2039 = vector.broadcast %add3A_2038 : i32 to vector<16xi32>
      %add3A_2040 = arith.addi %mul3A_2, %add3A_2039 : vector<16xi32>
      %mul3A_2041 = vector.broadcast %squeeze3A : f32 to vector<16xf32>
      %mul3A_2042 = arith.mulf %unpack3A_2028, %mul3A_2041 : vector<16xf32>
      %scatter3A_2043 = arith.constant 6 : i32
      %scatter3A_2044 = arith.constant 0 : i32
      %scatter3A_2045 = tpu.memref_slice %arg9[%scatter3A_2043, %scatter3A_2044] : memref<8x128xf32, #tpu.memory_space<vmem>> -> memref<1x128xf32, #tpu.memory_space<vmem>>
      %scatter3A_2046 = tpu.memref_squeeze %scatter3A_2045 : memref<1x128xf32, #tpu.memory_space<vmem>> -> memref<128xf32, #tpu.memory_space<vmem>>
      tpu.vector_store_idx %scatter3A_2046[%add3A_2040], %mul3A_2042 : memref<128xf32, #tpu.memory_space<vmem>>[vector<16xi32>], vector<16xf32>,
      %get3A_2047 = arith.constant 70 : i32
      %get3A_2048 = arith.index_cast %get3A_2047 : i32 to index
      %get3A_2049 = arith.constant 0 : index
      %get3A_2050 = tpu.vector_load %arg7[%get3A_2048, %get3A_2049] {strides = array<i32>} : memref<80x128xbf16, #tpu.memory_space<vmem>>, vector<32xbf16>,
      %get3A_2051 = arith.constant 71 : i32
      %get3A_2052 = arith.index_cast %get3A_2051 : i32 to index
      %get3A_2053 = arith.constant 0 : index
      %get3A_2054 = tpu.vector_load %arg7[%get3A_2052, %get3A_2053] {strides = array<i32>} : memref<80x128xbf16, #tpu.memory_space<vmem>>, vector<32xbf16>,
      %get3A_2055 = arith.constant 72 : i32
      %get3A_2056 = arith.index_cast %get3A_2055 : i32 to index
      %get3A_2057 = arith.constant 0 : index
      %get3A_2058 = tpu.vector_load %arg7[%get3A_2056, %get3A_2057] {strides = array<i32>} : memref<80x128xbf16, #tpu.memory_space<vmem>>, vector<32xbf16>,
      %get3A_2059 = arith.constant 73 : i32
      %get3A_2060 = arith.index_cast %get3A_2059 : i32 to index
      %get3A_2061 = arith.constant 0 : index
      %get3A_2062 = tpu.vector_load %arg7[%get3A_2060, %get3A_2061] {strides = array<i32>} : memref<80x128xbf16, #tpu.memory_space<vmem>>, vector<32xbf16>,
      %get3A_2063 = arith.constant 74 : i32
      %get3A_2064 = arith.index_cast %get3A_2063 : i32 to index
      %get3A_2065 = arith.constant 0 : index
      %get3A_2066 = tpu.vector_load %arg7[%get3A_2064, %get3A_2065] {strides = array<i32>} : memref<80x128xbf16, #tpu.memory_space<vmem>>, vector<32xbf16>,
      %get3A_2067 = arith.constant 75 : i32
      %get3A_2068 = arith.index_cast %get3A_2067 : i32 to index
      %get3A_2069 = arith.constant 0 : index
      %get3A_2070 = tpu.vector_load %arg7[%get3A_2068, %get3A_2069] {strides = array<i32>} : memref<80x128xbf16, #tpu.memory_space<vmem>>, vector<32xbf16>,
      %get3A_2071 = arith.constant 76 : i32
      %get3A_2072 = arith.index_cast %get3A_2071 : i32 to index
      %get3A_2073 = arith.constant 0 : index
      %get3A_2074 = tpu.vector_load %arg7[%get3A_2072, %get3A_2073] {strides = array<i32>} : memref<80x128xbf16, #tpu.memory_space<vmem>>, vector<32xbf16>,
      %get3A_2075 = arith.constant 77 : i32
      %get3A_2076 = arith.index_cast %get3A_2075 : i32 to index
      %get3A_2077 = arith.constant 0 : index
      %get3A_2078 = tpu.vector_load %arg7[%get3A_2076, %get3A_2077] {strides = array<i32>} : memref<80x128xbf16, #tpu.memory_space<vmem>>, vector<32xbf16>,
      %get3A_2079 = arith.constant 78 : i32
      %get3A_2080 = arith.index_cast %get3A_2079 : i32 to index
      %get3A_2081 = arith.constant 0 : index
      %get3A_2082 = tpu.vector_load %arg7[%get3A_2080, %get3A_2081] {strides = array<i32>} : memref<80x128xbf16, #tpu.memory_space<vmem>>, vector<32xbf16>,
      %get3A_2083 = arith.constant 79 : i32
      %get3A_2084 = arith.index_cast %get3A_2083 : i32 to index
      %get3A_2085 = arith.constant 0 : index
      %get3A_2086 = tpu.vector_load %arg7[%get3A_2084, %get3A_2085] {strides = array<i32>} : memref<80x128xbf16, #tpu.memory_space<vmem>>, vector<32xbf16>,
      %add3A_2087 = arith.addf %get3A_2050, %get3A_2054 : vector<32xbf16>
      %add3A_2088 = arith.addf %get3A_2058, %get3A_2062 : vector<32xbf16>
      %add3A_2089 = arith.addf %get3A_2066, %get3A_2070 : vector<32xbf16>
      %add3A_2090 = arith.addf %get3A_2074, %get3A_2078 : vector<32xbf16>
      %add3A_2091 = arith.addf %get3A_2082, %get3A_2086 : vector<32xbf16>
      %add3A_2092 = arith.addf %add3A_2087, %add3A_2088 : vector<32xbf16>
      %add3A_2093 = arith.addf %add3A_2089, %add3A_2090 : vector<32xbf16>
      %add3A_2094 = arith.addf %add3A_2092, %add3A_2093 : vector<32xbf16>
      %add3A_2095 = arith.addf %add3A_2094, %add3A_2091 : vector<32xbf16>
      %unpack3A_2096 = tpu.unpack_subelements %add3A_2095, 0 {pack_format = #tpu.pack_format<interleaved>} : vector<32xbf16> -> vector<16xf32>
      %unpack3A_2097 = tpu.unpack_subelements %add3A_2095, 1 {pack_format = #tpu.pack_format<interleaved>} : vector<32xbf16> -> vector<16xf32>
      %add3A_2098 = arith.constant 0 : i32
      %add3A_2099 = vector.broadcast %add3A_2098 : i32 to vector<16xi32>
      %add3A_2100 = arith.addi %mul3A_2, %add3A_2099 : vector<16xi32>
      %mul3A_2101 = vector.broadcast %squeeze3A : f32 to vector<16xf32>
      %mul3A_2102 = arith.mulf %unpack3A_2096, %mul3A_2101 : vector<16xf32>
      %scatter3A_2103 = arith.constant 7 : i32
      %scatter3A_2104 = arith.constant 0 : i32
      %scatter3A_2105 = tpu.memref_slice %arg9[%scatter3A_2103, %scatter3A_2104] : memref<8x128xf32, #tpu.memory_space<vmem>> -> memref<1x128xf32, #tpu.memory_space<vmem>>
      %scatter3A_2106 = tpu.memref_squeeze %scatter3A_2105 : memref<1x128xf32, #tpu.memory_space<vmem>> -> memref<128xf32, #tpu.memory_space<vmem>>
      tpu.vector_store_idx %scatter3A_2106[%add3A_2100], %mul3A_2102 : memref<128xf32, #tpu.memory_space<vmem>>[vector<16xi32>], vector<16xf32>,
      %add3A_2107 = arith.constant 1 : i32
      %add3A_2108 = vector.broadcast %add3A_2107 : i32 to vector<16xi32>
      %add3A_2109 = arith.addi %mul3A_2, %add3A_2108 : vector<16xi32>
      %mul3A_2110 = vector.broadcast %squeeze3A : f32 to vector<16xf32>
      %mul3A_2111 = arith.mulf %unpack3A_2097, %mul3A_2110 : vector<16xf32>
      %scatter3A_2112 = arith.constant 7 : i32
      %scatter3A_2113 = arith.constant 0 : i32
      %scatter3A_2114 = tpu.memref_slice %arg9[%scatter3A_2112, %scatter3A_2113] : memref<8x128xf32, #tpu.memory_space<vmem>> -> memref<1x128xf32, #tpu.memory_space<vmem>>
      %scatter3A_2115 = tpu.memref_squeeze %scatter3A_2114 : memref<1x128xf32, #tpu.memory_space<vmem>> -> memref<128xf32, #tpu.memory_space<vmem>>
      tpu.vector_store_idx %scatter3A_2115[%add3A_2109], %mul3A_2111 : memref<128xf32, #tpu.memory_space<vmem>>[vector<16xi32>], vector<16xf32>,
      %get3A_2116 = arith.constant 70 : i32
      %get3A_2117 = arith.index_cast %get3A_2116 : i32 to index
      %get3A_2118 = arith.constant 32 : index
      %get3A_2119 = tpu.vector_load %arg7[%get3A_2117, %get3A_2118] {strides = array<i32>} : memref<80x128xbf16, #tpu.memory_space<vmem>>, vector<32xbf16>,
      %get3A_2120 = arith.constant 71 : i32
      %get3A_2121 = arith.index_cast %get3A_2120 : i32 to index
      %get3A_2122 = arith.constant 32 : index
      %get3A_2123 = tpu.vector_load %arg7[%get3A_2121, %get3A_2122] {strides = array<i32>} : memref<80x128xbf16, #tpu.memory_space<vmem>>, vector<32xbf16>,
      %get3A_2124 = arith.constant 72 : i32
      %get3A_2125 = arith.index_cast %get3A_2124 : i32 to index
      %get3A_2126 = arith.constant 32 : index
      %get3A_2127 = tpu.vector_load %arg7[%get3A_2125, %get3A_2126] {strides = array<i32>} : memref<80x128xbf16, #tpu.memory_space<vmem>>, vector<32xbf16>,
      %get3A_2128 = arith.constant 73 : i32
      %get3A_2129 = arith.index_cast %get3A_2128 : i32 to index
      %get3A_2130 = arith.constant 32 : index
      %get3A_2131 = tpu.vector_load %arg7[%get3A_2129, %get3A_2130] {strides = array<i32>} : memref<80x128xbf16, #tpu.memory_space<vmem>>, vector<32xbf16>,
      %get3A_2132 = arith.constant 74 : i32
      %get3A_2133 = arith.index_cast %get3A_2132 : i32 to index
      %get3A_2134 = arith.constant 32 : index
      %get3A_2135 = tpu.vector_load %arg7[%get3A_2133, %get3A_2134] {strides = array<i32>} : memref<80x128xbf16, #tpu.memory_space<vmem>>, vector<32xbf16>,
      %get3A_2136 = arith.constant 75 : i32
      %get3A_2137 = arith.index_cast %get3A_2136 : i32 to index
      %get3A_2138 = arith.constant 32 : index
      %get3A_2139 = tpu.vector_load %arg7[%get3A_2137, %get3A_2138] {strides = array<i32>} : memref<80x128xbf16, #tpu.memory_space<vmem>>, vector<32xbf16>,
      %get3A_2140 = arith.constant 76 : i32
      %get3A_2141 = arith.index_cast %get3A_2140 : i32 to index
      %get3A_2142 = arith.constant 32 : index
      %get3A_2143 = tpu.vector_load %arg7[%get3A_2141, %get3A_2142] {strides = array<i32>} : memref<80x128xbf16, #tpu.memory_space<vmem>>, vector<32xbf16>,
      %get3A_2144 = arith.constant 77 : i32
      %get3A_2145 = arith.index_cast %get3A_2144 : i32 to index
      %get3A_2146 = arith.constant 32 : index
      %get3A_2147 = tpu.vector_load %arg7[%get3A_2145, %get3A_2146] {strides = array<i32>} : memref<80x128xbf16, #tpu.memory_space<vmem>>, vector<32xbf16>,
      %get3A_2148 = arith.constant 78 : i32
      %get3A_2149 = arith.index_cast %get3A_2148 : i32 to index
      %get3A_2150 = arith.constant 32 : index
      %get3A_2151 = tpu.vector_load %arg7[%get3A_2149, %get3A_2150] {strides = array<i32>} : memref<80x128xbf16, #tpu.memory_space<vmem>>, vector<32xbf16>,
      %get3A_2152 = arith.constant 79 : i32
      %get3A_2153 = arith.index_cast %get3A_2152 : i32 to index
      %get3A_2154 = arith.constant 32 : index
      %get3A_2155 = tpu.vector_load %arg7[%get3A_2153, %get3A_2154] {strides = array<i32>} : memref<80x128xbf16, #tpu.memory_space<vmem>>, vector<32xbf16>,
      %add3A_2156 = arith.addf %get3A_2119, %get3A_2123 : vector<32xbf16>
      %add3A_2157 = arith.addf %get3A_2127, %get3A_2131 : vector<32xbf16>
      %add3A_2158 = arith.addf %get3A_2135, %get3A_2139 : vector<32xbf16>
      %add3A_2159 = arith.addf %get3A_2143, %get3A_2147 : vector<32xbf16>
      %add3A_2160 = arith.addf %get3A_2151, %get3A_2155 : vector<32xbf16>
      %add3A_2161 = arith.addf %add3A_2156, %add3A_2157 : vector<32xbf16>
      %add3A_2162 = arith.addf %add3A_2158, %add3A_2159 : vector<32xbf16>
      %add3A_2163 = arith.addf %add3A_2161, %add3A_2162 : vector<32xbf16>
      %add3A_2164 = arith.addf %add3A_2163, %add3A_2160 : vector<32xbf16>
      %unpack3A_2165 = tpu.unpack_subelements %add3A_2164, 0 {pack_format = #tpu.pack_format<interleaved>} : vector<32xbf16> -> vector<16xf32>
      %unpack3A_2166 = tpu.unpack_subelements %add3A_2164, 1 {pack_format = #tpu.pack_format<interleaved>} : vector<32xbf16> -> vector<16xf32>
      %add3A_2167 = arith.constant 32 : i32
      %add3A_2168 = vector.broadcast %add3A_2167 : i32 to vector<16xi32>
      %add3A_2169 = arith.addi %mul3A_2, %add3A_2168 : vector<16xi32>
      %mul3A_2170 = vector.broadcast %squeeze3A : f32 to vector<16xf32>
      %mul3A_2171 = arith.mulf %unpack3A_2165, %mul3A_2170 : vector<16xf32>
      %scatter3A_2172 = arith.constant 7 : i32
      %scatter3A_2173 = arith.constant 0 : i32
      %scatter3A_2174 = tpu.memref_slice %arg9[%scatter3A_2172, %scatter3A_2173] : memref<8x128xf32, #tpu.memory_space<vmem>> -> memref<1x128xf32, #tpu.memory_space<vmem>>
      %scatter3A_2175 = tpu.memref_squeeze %scatter3A_2174 : memref<1x128xf32, #tpu.memory_space<vmem>> -> memref<128xf32, #tpu.memory_space<vmem>>
      tpu.vector_store_idx %scatter3A_2175[%add3A_2169], %mul3A_2171 : memref<128xf32, #tpu.memory_space<vmem>>[vector<16xi32>], vector<16xf32>,
      %add3A_2176 = arith.constant 33 : i32
      %add3A_2177 = vector.broadcast %add3A_2176 : i32 to vector<16xi32>
      %add3A_2178 = arith.addi %mul3A_2, %add3A_2177 : vector<16xi32>
      %mul3A_2179 = vector.broadcast %squeeze3A : f32 to vector<16xf32>
      %mul3A_2180 = arith.mulf %unpack3A_2166, %mul3A_2179 : vector<16xf32>
      %scatter3A_2181 = arith.constant 7 : i32
      %scatter3A_2182 = arith.constant 0 : i32
      %scatter3A_2183 = tpu.memref_slice %arg9[%scatter3A_2181, %scatter3A_2182] : memref<8x128xf32, #tpu.memory_space<vmem>> -> memref<1x128xf32, #tpu.memory_space<vmem>>
      %scatter3A_2184 = tpu.memref_squeeze %scatter3A_2183 : memref<1x128xf32, #tpu.memory_space<vmem>> -> memref<128xf32, #tpu.memory_space<vmem>>
      tpu.vector_store_idx %scatter3A_2184[%add3A_2178], %mul3A_2180 : memref<128xf32, #tpu.memory_space<vmem>>[vector<16xi32>], vector<16xf32>,
      %get3A_2185 = arith.constant 70 : i32
      %get3A_2186 = arith.index_cast %get3A_2185 : i32 to index
      %get3A_2187 = arith.constant 64 : index
      %get3A_2188 = tpu.vector_load %arg7[%get3A_2186, %get3A_2187] {strides = array<i32>} : memref<80x128xbf16, #tpu.memory_space<vmem>>, vector<32xbf16>,
      %get3A_2189 = arith.constant 71 : i32
      %get3A_2190 = arith.index_cast %get3A_2189 : i32 to index
      %get3A_2191 = arith.constant 64 : index
      %get3A_2192 = tpu.vector_load %arg7[%get3A_2190, %get3A_2191] {strides = array<i32>} : memref<80x128xbf16, #tpu.memory_space<vmem>>, vector<32xbf16>,
      %get3A_2193 = arith.constant 72 : i32
      %get3A_2194 = arith.index_cast %get3A_2193 : i32 to index
      %get3A_2195 = arith.constant 64 : index
      %get3A_2196 = tpu.vector_load %arg7[%get3A_2194, %get3A_2195] {strides = array<i32>} : memref<80x128xbf16, #tpu.memory_space<vmem>>, vector<32xbf16>,
      %get3A_2197 = arith.constant 73 : i32
      %get3A_2198 = arith.index_cast %get3A_2197 : i32 to index
      %get3A_2199 = arith.constant 64 : index
      %get3A_2200 = tpu.vector_load %arg7[%get3A_2198, %get3A_2199] {strides = array<i32>} : memref<80x128xbf16, #tpu.memory_space<vmem>>, vector<32xbf16>,
      %get3A_2201 = arith.constant 74 : i32
      %get3A_2202 = arith.index_cast %get3A_2201 : i32 to index
      %get3A_2203 = arith.constant 64 : index
      %get3A_2204 = tpu.vector_load %arg7[%get3A_2202, %get3A_2203] {strides = array<i32>} : memref<80x128xbf16, #tpu.memory_space<vmem>>, vector<32xbf16>,
      %get3A_2205 = arith.constant 75 : i32
      %get3A_2206 = arith.index_cast %get3A_2205 : i32 to index
      %get3A_2207 = arith.constant 64 : index
      %get3A_2208 = tpu.vector_load %arg7[%get3A_2206, %get3A_2207] {strides = array<i32>} : memref<80x128xbf16, #tpu.memory_space<vmem>>, vector<32xbf16>,
      %get3A_2209 = arith.constant 76 : i32
      %get3A_2210 = arith.index_cast %get3A_2209 : i32 to index
      %get3A_2211 = arith.constant 64 : index
      %get3A_2212 = tpu.vector_load %arg7[%get3A_2210, %get3A_2211] {strides = array<i32>} : memref<80x128xbf16, #tpu.memory_space<vmem>>, vector<32xbf16>,
      %get3A_2213 = arith.constant 77 : i32
      %get3A_2214 = arith.index_cast %get3A_2213 : i32 to index
      %get3A_2215 = arith.constant 64 : index
      %get3A_2216 = tpu.vector_load %arg7[%get3A_2214, %get3A_2215] {strides = array<i32>} : memref<80x128xbf16, #tpu.memory_space<vmem>>, vector<32xbf16>,
      %get3A_2217 = arith.constant 78 : i32
      %get3A_2218 = arith.index_cast %get3A_2217 : i32 to index
      %get3A_2219 = arith.constant 64 : index
      %get3A_2220 = tpu.vector_load %arg7[%get3A_2218, %get3A_2219] {strides = array<i32>} : memref<80x128xbf16, #tpu.memory_space<vmem>>, vector<32xbf16>,
      %get3A_2221 = arith.constant 79 : i32
      %get3A_2222 = arith.index_cast %get3A_2221 : i32 to index
      %get3A_2223 = arith.constant 64 : index
      %get3A_2224 = tpu.vector_load %arg7[%get3A_2222, %get3A_2223] {strides = array<i32>} : memref<80x128xbf16, #tpu.memory_space<vmem>>, vector<32xbf16>,
      %add3A_2225 = arith.addf %get3A_2188, %get3A_2192 : vector<32xbf16>
      %add3A_2226 = arith.addf %get3A_2196, %get3A_2200 : vector<32xbf16>
      %add3A_2227 = arith.addf %get3A_2204, %get3A_2208 : vector<32xbf16>
      %add3A_2228 = arith.addf %get3A_2212, %get3A_2216 : vector<32xbf16>
      %add3A_2229 = arith.addf %get3A_2220, %get3A_2224 : vector<32xbf16>
      %add3A_2230 = arith.addf %add3A_2225, %add3A_2226 : vector<32xbf16>
      %add3A_2231 = arith.addf %add3A_2227, %add3A_2228 : vector<32xbf16>
      %add3A_2232 = arith.addf %add3A_2230, %add3A_2231 : vector<32xbf16>
      %add3A_2233 = arith.addf %add3A_2232, %add3A_2229 : vector<32xbf16>
      %unpack3A_2234 = tpu.unpack_subelements %add3A_2233, 0 {pack_format = #tpu.pack_format<interleaved>} : vector<32xbf16> -> vector<16xf32>
      %unpack3A_2235 = tpu.unpack_subelements %add3A_2233, 1 {pack_format = #tpu.pack_format<interleaved>} : vector<32xbf16> -> vector<16xf32>
      %add3A_2236 = arith.constant 64 : i32
      %add3A_2237 = vector.broadcast %add3A_2236 : i32 to vector<16xi32>
      %add3A_2238 = arith.addi %mul3A_2, %add3A_2237 : vector<16xi32>
      %mul3A_2239 = vector.broadcast %squeeze3A : f32 to vector<16xf32>
      %mul3A_2240 = arith.mulf %unpack3A_2234, %mul3A_2239 : vector<16xf32>
      %scatter3A_2241 = arith.constant 7 : i32
      %scatter3A_2242 = arith.constant 0 : i32
      %scatter3A_2243 = tpu.memref_slice %arg9[%scatter3A_2241, %scatter3A_2242] : memref<8x128xf32, #tpu.memory_space<vmem>> -> memref<1x128xf32, #tpu.memory_space<vmem>>
      %scatter3A_2244 = tpu.memref_squeeze %scatter3A_2243 : memref<1x128xf32, #tpu.memory_space<vmem>> -> memref<128xf32, #tpu.memory_space<vmem>>
      tpu.vector_store_idx %scatter3A_2244[%add3A_2238], %mul3A_2240 : memref<128xf32, #tpu.memory_space<vmem>>[vector<16xi32>], vector<16xf32>,
      %add3A_2245 = arith.constant 65 : i32
      %add3A_2246 = vector.broadcast %add3A_2245 : i32 to vector<16xi32>
      %add3A_2247 = arith.addi %mul3A_2, %add3A_2246 : vector<16xi32>
      %mul3A_2248 = vector.broadcast %squeeze3A : f32 to vector<16xf32>
      %mul3A_2249 = arith.mulf %unpack3A_2235, %mul3A_2248 : vector<16xf32>
      %scatter3A_2250 = arith.constant 7 : i32
      %scatter3A_2251 = arith.constant 0 : i32
      %scatter3A_2252 = tpu.memref_slice %arg9[%scatter3A_2250, %scatter3A_2251] : memref<8x128xf32, #tpu.memory_space<vmem>> -> memref<1x128xf32, #tpu.memory_space<vmem>>
      %scatter3A_2253 = tpu.memref_squeeze %scatter3A_2252 : memref<1x128xf32, #tpu.memory_space<vmem>> -> memref<128xf32, #tpu.memory_space<vmem>>
      tpu.vector_store_idx %scatter3A_2253[%add3A_2247], %mul3A_2249 : memref<128xf32, #tpu.memory_space<vmem>>[vector<16xi32>], vector<16xf32>,
      %get3A_2254 = arith.constant 70 : i32
      %get3A_2255 = arith.index_cast %get3A_2254 : i32 to index
      %get3A_2256 = arith.constant 96 : index
      %get3A_2257 = tpu.vector_load %arg7[%get3A_2255, %get3A_2256] {strides = array<i32>} : memref<80x128xbf16, #tpu.memory_space<vmem>>, vector<32xbf16>,
      %get3A_2258 = arith.constant 71 : i32
      %get3A_2259 = arith.index_cast %get3A_2258 : i32 to index
      %get3A_2260 = arith.constant 96 : index
      %get3A_2261 = tpu.vector_load %arg7[%get3A_2259, %get3A_2260] {strides = array<i32>} : memref<80x128xbf16, #tpu.memory_space<vmem>>, vector<32xbf16>,
      %get3A_2262 = arith.constant 72 : i32
      %get3A_2263 = arith.index_cast %get3A_2262 : i32 to index
      %get3A_2264 = arith.constant 96 : index
      %get3A_2265 = tpu.vector_load %arg7[%get3A_2263, %get3A_2264] {strides = array<i32>} : memref<80x128xbf16, #tpu.memory_space<vmem>>, vector<32xbf16>,
      %get3A_2266 = arith.constant 73 : i32
      %get3A_2267 = arith.index_cast %get3A_2266 : i32 to index
      %get3A_2268 = arith.constant 96 : index
      %get3A_2269 = tpu.vector_load %arg7[%get3A_2267, %get3A_2268] {strides = array<i32>} : memref<80x128xbf16, #tpu.memory_space<vmem>>, vector<32xbf16>,
      %get3A_2270 = arith.constant 74 : i32
      %get3A_2271 = arith.index_cast %get3A_2270 : i32 to index
      %get3A_2272 = arith.constant 96 : index
      %get3A_2273 = tpu.vector_load %arg7[%get3A_2271, %get3A_2272] {strides = array<i32>} : memref<80x128xbf16, #tpu.memory_space<vmem>>, vector<32xbf16>,
      %get3A_2274 = arith.constant 75 : i32
      %get3A_2275 = arith.index_cast %get3A_2274 : i32 to index
      %get3A_2276 = arith.constant 96 : index
      %get3A_2277 = tpu.vector_load %arg7[%get3A_2275, %get3A_2276] {strides = array<i32>} : memref<80x128xbf16, #tpu.memory_space<vmem>>, vector<32xbf16>,
      %get3A_2278 = arith.constant 76 : i32
      %get3A_2279 = arith.index_cast %get3A_2278 : i32 to index
      %get3A_2280 = arith.constant 96 : index
      %get3A_2281 = tpu.vector_load %arg7[%get3A_2279, %get3A_2280] {strides = array<i32>} : memref<80x128xbf16, #tpu.memory_space<vmem>>, vector<32xbf16>,
      %get3A_2282 = arith.constant 77 : i32
      %get3A_2283 = arith.index_cast %get3A_2282 : i32 to index
      %get3A_2284 = arith.constant 96 : index
      %get3A_2285 = tpu.vector_load %arg7[%get3A_2283, %get3A_2284] {strides = array<i32>} : memref<80x128xbf16, #tpu.memory_space<vmem>>, vector<32xbf16>,
      %get3A_2286 = arith.constant 78 : i32
      %get3A_2287 = arith.index_cast %get3A_2286 : i32 to index
      %get3A_2288 = arith.constant 96 : index
      %get3A_2289 = tpu.vector_load %arg7[%get3A_2287, %get3A_2288] {strides = array<i32>} : memref<80x128xbf16, #tpu.memory_space<vmem>>, vector<32xbf16>,
      %get3A_2290 = arith.constant 79 : i32
      %get3A_2291 = arith.index_cast %get3A_2290 : i32 to index
      %get3A_2292 = arith.constant 96 : index
      %get3A_2293 = tpu.vector_load %arg7[%get3A_2291, %get3A_2292] {strides = array<i32>} : memref<80x128xbf16, #tpu.memory_space<vmem>>, vector<32xbf16>,
      %add3A_2294 = arith.addf %get3A_2257, %get3A_2261 : vector<32xbf16>
      %add3A_2295 = arith.addf %get3A_2265, %get3A_2269 : vector<32xbf16>
      %add3A_2296 = arith.addf %get3A_2273, %get3A_2277 : vector<32xbf16>
      %add3A_2297 = arith.addf %get3A_2281, %get3A_2285 : vector<32xbf16>
      %add3A_2298 = arith.addf %get3A_2289, %get3A_2293 : vector<32xbf16>
      %add3A_2299 = arith.addf %add3A_2294, %add3A_2295 : vector<32xbf16>
      %add3A_2300 = arith.addf %add3A_2296, %add3A_2297 : vector<32xbf16>
      %add3A_2301 = arith.addf %add3A_2299, %add3A_2300 : vector<32xbf16>
      %add3A_2302 = arith.addf %add3A_2301, %add3A_2298 : vector<32xbf16>
      %unpack3A_2303 = tpu.unpack_subelements %add3A_2302, 0 {pack_format = #tpu.pack_format<interleaved>} : vector<32xbf16> -> vector<16xf32>
      %unpack3A_2304 = tpu.unpack_subelements %add3A_2302, 1 {pack_format = #tpu.pack_format<interleaved>} : vector<32xbf16> -> vector<16xf32>
      %add3A_2305 = arith.constant 96 : i32
      %add3A_2306 = vector.broadcast %add3A_2305 : i32 to vector<16xi32>
      %add3A_2307 = arith.addi %mul3A_2, %add3A_2306 : vector<16xi32>
      %mul3A_2308 = vector.broadcast %squeeze3A : f32 to vector<16xf32>
      %mul3A_2309 = arith.mulf %unpack3A_2303, %mul3A_2308 : vector<16xf32>
      %scatter3A_2310 = arith.constant 7 : i32
      %scatter3A_2311 = arith.constant 0 : i32
      %scatter3A_2312 = tpu.memref_slice %arg9[%scatter3A_2310, %scatter3A_2311] : memref<8x128xf32, #tpu.memory_space<vmem>> -> memref<1x128xf32, #tpu.memory_space<vmem>>
      %scatter3A_2313 = tpu.memref_squeeze %scatter3A_2312 : memref<1x128xf32, #tpu.memory_space<vmem>> -> memref<128xf32, #tpu.memory_space<vmem>>
      tpu.vector_store_idx %scatter3A_2313[%add3A_2307], %mul3A_2309 : memref<128xf32, #tpu.memory_space<vmem>>[vector<16xi32>], vector<16xf32>,
      %add3A_2314 = arith.constant 97 : i32
      %add3A_2315 = vector.broadcast %add3A_2314 : i32 to vector<16xi32>
      %add3A_2316 = arith.addi %mul3A_2, %add3A_2315 : vector<16xi32>
      %mul3A_2317 = vector.broadcast %squeeze3A : f32 to vector<16xf32>
      %mul3A_2318 = arith.mulf %unpack3A_2304, %mul3A_2317 : vector<16xf32>
      %scatter3A_2319 = arith.constant 7 : i32
      %scatter3A_2320 = arith.constant 0 : i32
      %scatter3A_2321 = tpu.memref_slice %arg9[%scatter3A_2319, %scatter3A_2320] : memref<8x128xf32, #tpu.memory_space<vmem>> -> memref<1x128xf32, #tpu.memory_space<vmem>>
      %scatter3A_2322 = tpu.memref_squeeze %scatter3A_2321 : memref<1x128xf32, #tpu.memory_space<vmem>> -> memref<128xf32, #tpu.memory_space<vmem>>
      tpu.vector_store_idx %scatter3A_2322[%add3A_2316], %mul3A_2318 : memref<128xf32, #tpu.memory_space<vmem>>[vector<16xi32>], vector<16xf32>,
      %add3A_2323 = arith.addi %select_n3A, %min3A_108 : i32
      %mul3A_2324 = arith.constant 8 : i32
      %mul3A_2325 = arith.muli %add3A_2323, %mul3A_2324 : i32
      %dma_start3A_2326 = arith.constant 0 : i32
      %dma_start3A_2327 = tpu.memref_slice %arg5[%mul3A_2325, %dma_start3A_2326] : memref<50000x128xf32, #tpu.memory_space<hbm>> -> memref<8x128xf32, #tpu.memory_space<hbm>>
      %dma_start3A_2328 = arith.constant 0 : i32
      %dma_start3A_2329 = tpu.memref_slice %arg5[%mul3A_2325, %dma_start3A_2328] : memref<50000x128xf32, #tpu.memory_space<hbm>> -> memref<8x128xf32, #tpu.memory_space<hbm>>
      tpu.enqueue_dma source(%arg9 : memref<8x128xf32, #tpu.memory_space<vmem>>) target(%dma_start3A_2329 : memref<8x128xf32, #tpu.memory_space<hbm>>) target_semaphore(%arg13 : memref<!tpu.dma_semaphore, #tpu.memory_space<semaphore_mem>>)
      %add3A_2330 = arith.constant 2 : i32
      %add3A_2331 = arith.addi %add3A_107, %add3A_2330 : i32
      %min3A_2332 = arith.minsi %add3A_2331, %sub3A_53 : i32
      %mul3A_2333 = arith.constant 80 : i32
      %mul3A_2334 = arith.muli %min3A_2332, %mul3A_2333 : i32
      %dma_start3A_2335 = tpu.memref_slice %arg6[%mul3A_2334] : memref<15680xi32, #tpu.memory_space<vmem>> -> memref<80xi32, #tpu.memory_space<vmem>>
      %dma_start3A_2336 = arith.constant 0 : i32
      %dma_start3A_2337 = arith.constant 0 : i32
      %dma_start3A_2338 = tpu.memref_slice %arg3[%dma_start3A_2336, %dma_start3A_2337] : memref<100000x128xbf16, #tpu.memory_space<hbm>> -> memref<100000x128xbf16, #tpu.memory_space<hbm>>
      tpu.enqueue_indirect_dma source(%dma_start3A_2338 : memref<100000x128xbf16, #tpu.memory_space<hbm>>) target(%arg7 : memref<80x128xbf16, #tpu.memory_space<vmem>>) offsets(%dma_start3A_2335 : memref<80xi32, #tpu.memory_space<vmem>>) semaphore(%arg11 : memref<!tpu.dma_semaphore, #tpu.memory_space<semaphore_mem>>)
      %mul3A_2339 = arith.constant 2 : i32
      %mul3A_2340 = arith.muli %mul3A_2339, %add3A_103 : i32
      %add3A_2341 = arith.constant 1 : i32
      %add3A_2342 = arith.addi %mul3A_2340, %add3A_2341 : i32
      %min3A_2343 = arith.minsi %add3A_2342, %sub3A_53 : i32
      %mul3A_2344 = arith.constant 80 : i32
      %mul3A_2345 = arith.muli %min3A_2343, %mul3A_2344 : i32
      %dma_wait3A_2346 = tpu.memref_slice %arg6[%mul3A_2345] : memref<15680xi32, #tpu.memory_space<vmem>> -> memref<80xi32, #tpu.memory_space<vmem>>
      %dma_wait3A_2347 = arith.constant 0 : i32
      %dma_wait3A_2348 = arith.constant 0 : i32
      %dma_wait3A_2349 = tpu.memref_slice %arg3[%dma_wait3A_2347, %dma_wait3A_2348] : memref<100000x128xbf16, #tpu.memory_space<hbm>> -> memref<100000x128xbf16, #tpu.memory_space<hbm>>
      tpu.wait_indirect_dma semaphore(%arg12 : memref<!tpu.dma_semaphore, #tpu.memory_space<semaphore_mem>>) src(%dma_wait3A_2349 : memref<100000x128xbf16, #tpu.memory_space<hbm>>) dst(%arg8 : memref<80x128xbf16, #tpu.memory_space<vmem>>)
      %ge3A_2350 = arith.constant 1 : i32
      %ge3A_2351 = arith.cmpi sge, %add3A_103, %ge3A_2350 : i32
      %convert_element_type3A_2352 = arith.extui %ge3A_2351 : i1 to i32
      %cond3A_2353 = arith.constant 0 : i32
      %cond3A_2354 = arith.cmpi ne, %convert_element_type3A_2352, %cond3A_2353 : i32
      scf.if %cond3A_2354 {
        %sub3A_4579 = arith.constant 2 : i32
        %sub3A_4580 = arith.subi %add3A_2342, %sub3A_4579 : i32
        %min3A_4581 = arith.minsi %sub3A_4580, %sub3A_53 : i32
        %add3A_4582 = arith.addi %select_n3A, %min3A_4581 : i32
        %mul3A_4583 = arith.constant 8 : i32
        %mul3A_4584 = arith.muli %add3A_4582, %mul3A_4583 : i32
        %dma_wait3A_4585 = arith.constant 0 : i32
        %dma_wait3A_4586 = tpu.memref_slice %arg5[%mul3A_4584, %dma_wait3A_4585] : memref<50000x128xf32, #tpu.memory_space<hbm>> -> memref<8x128xf32, #tpu.memory_space<hbm>>
        %dma_wait3A_4587 = arith.constant 0 : i32
        %dma_wait3A_4588 = tpu.memref_slice %arg5[%mul3A_4584, %dma_wait3A_4587] : memref<50000x128xf32, #tpu.memory_space<hbm>> -> memref<8x128xf32, #tpu.memory_space<hbm>>
        tpu.wait_dma2 semaphore(%arg14 : memref<!tpu.dma_semaphore, #tpu.memory_space<semaphore_mem>>) src(%arg10 : memref<8x128xf32, #tpu.memory_space<vmem>>) dst(%dma_wait3A_4588 : memref<8x128xf32, #tpu.memory_space<hbm>>)
      } else {
      }
      %get3A_2355 = arith.constant 0 : i32
      %get3A_2356 = arith.index_cast %get3A_2355 : i32 to index
      %get3A_2357 = arith.constant 0 : index
      %get3A_2358 = tpu.vector_load %arg8[%get3A_2356, %get3A_2357] {strides = array<i32>} : memref<80x128xbf16, #tpu.memory_space<vmem>>, vector<32xbf16>,
      %get3A_2359 = arith.constant 1 : i32
      %get3A_2360 = arith.index_cast %get3A_2359 : i32 to index
      %get3A_2361 = arith.constant 0 : index
      %get3A_2362 = tpu.vector_load %arg8[%get3A_2360, %get3A_2361] {strides = array<i32>} : memref<80x128xbf16, #tpu.memory_space<vmem>>, vector<32xbf16>,
      %get3A_2363 = arith.constant 2 : i32
      %get3A_2364 = arith.index_cast %get3A_2363 : i32 to index
      %get3A_2365 = arith.constant 0 : index
      %get3A_2366 = tpu.vector_load %arg8[%get3A_2364, %get3A_2365] {strides = array<i32>} : memref<80x128xbf16, #tpu.memory_space<vmem>>, vector<32xbf16>,
      %get3A_2367 = arith.constant 3 : i32
      %get3A_2368 = arith.index_cast %get3A_2367 : i32 to index
      %get3A_2369 = arith.constant 0 : index
      %get3A_2370 = tpu.vector_load %arg8[%get3A_2368, %get3A_2369] {strides = array<i32>} : memref<80x128xbf16, #tpu.memory_space<vmem>>, vector<32xbf16>,
      %get3A_2371 = arith.constant 4 : i32
      %get3A_2372 = arith.index_cast %get3A_2371 : i32 to index
      %get3A_2373 = arith.constant 0 : index
      %get3A_2374 = tpu.vector_load %arg8[%get3A_2372, %get3A_2373] {strides = array<i32>} : memref<80x128xbf16, #tpu.memory_space<vmem>>, vector<32xbf16>,
      %get3A_2375 = arith.constant 5 : i32
      %get3A_2376 = arith.index_cast %get3A_2375 : i32 to index
      %get3A_2377 = arith.constant 0 : index
      %get3A_2378 = tpu.vector_load %arg8[%get3A_2376, %get3A_2377] {strides = array<i32>} : memref<80x128xbf16, #tpu.memory_space<vmem>>, vector<32xbf16>,
      %get3A_2379 = arith.constant 6 : i32
      %get3A_2380 = arith.index_cast %get3A_2379 : i32 to index
      %get3A_2381 = arith.constant 0 : index
      %get3A_2382 = tpu.vector_load %arg8[%get3A_2380, %get3A_2381] {strides = array<i32>} : memref<80x128xbf16, #tpu.memory_space<vmem>>, vector<32xbf16>,
      %get3A_2383 = arith.constant 7 : i32
      %get3A_2384 = arith.index_cast %get3A_2383 : i32 to index
      %get3A_2385 = arith.constant 0 : index
      %get3A_2386 = tpu.vector_load %arg8[%get3A_2384, %get3A_2385] {strides = array<i32>} : memref<80x128xbf16, #tpu.memory_space<vmem>>, vector<32xbf16>,
      %get3A_2387 = arith.constant 8 : i32
      %get3A_2388 = arith.index_cast %get3A_2387 : i32 to index
      %get3A_2389 = arith.constant 0 : index
      %get3A_2390 = tpu.vector_load %arg8[%get3A_2388, %get3A_2389] {strides = array<i32>} : memref<80x128xbf16, #tpu.memory_space<vmem>>, vector<32xbf16>,
      %get3A_2391 = arith.constant 9 : i32
      %get3A_2392 = arith.index_cast %get3A_2391 : i32 to index
      %get3A_2393 = arith.constant 0 : index
      %get3A_2394 = tpu.vector_load %arg8[%get3A_2392, %get3A_2393] {strides = array<i32>} : memref<80x128xbf16, #tpu.memory_space<vmem>>, vector<32xbf16>,
      %add3A_2395 = arith.addf %get3A_2358, %get3A_2362 : vector<32xbf16>
      %add3A_2396 = arith.addf %get3A_2366, %get3A_2370 : vector<32xbf16>
      %add3A_2397 = arith.addf %get3A_2374, %get3A_2378 : vector<32xbf16>
      %add3A_2398 = arith.addf %get3A_2382, %get3A_2386 : vector<32xbf16>
      %add3A_2399 = arith.addf %get3A_2390, %get3A_2394 : vector<32xbf16>
      %add3A_2400 = arith.addf %add3A_2395, %add3A_2396 : vector<32xbf16>
      %add3A_2401 = arith.addf %add3A_2397, %add3A_2398 : vector<32xbf16>
      %add3A_2402 = arith.addf %add3A_2400, %add3A_2401 : vector<32xbf16>
      %add3A_2403 = arith.addf %add3A_2402, %add3A_2399 : vector<32xbf16>
      %unpack3A_2404 = tpu.unpack_subelements %add3A_2403, 0 {pack_format = #tpu.pack_format<interleaved>} : vector<32xbf16> -> vector<16xf32>
      %unpack3A_2405 = tpu.unpack_subelements %add3A_2403, 1 {pack_format = #tpu.pack_format<interleaved>} : vector<32xbf16> -> vector<16xf32>
      %add3A_2406 = arith.constant 0 : i32
      %add3A_2407 = vector.broadcast %add3A_2406 : i32 to vector<16xi32>
      %add3A_2408 = arith.addi %mul3A_2, %add3A_2407 : vector<16xi32>
      %mul3A_2409 = vector.broadcast %squeeze3A : f32 to vector<16xf32>
      %mul3A_2410 = arith.mulf %unpack3A_2404, %mul3A_2409 : vector<16xf32>
      %scatter3A_2411 = arith.constant 0 : i32
      %scatter3A_2412 = arith.constant 0 : i32
      %scatter3A_2413 = tpu.memref_slice %arg10[%scatter3A_2411, %scatter3A_2412] : memref<8x128xf32, #tpu.memory_space<vmem>> -> memref<1x128xf32, #tpu.memory_space<vmem>>
      %scatter3A_2414 = tpu.memref_squeeze %scatter3A_2413 : memref<1x128xf32, #tpu.memory_space<vmem>> -> memref<128xf32, #tpu.memory_space<vmem>>
      tpu.vector_store_idx %scatter3A_2414[%add3A_2408], %mul3A_2410 : memref<128xf32, #tpu.memory_space<vmem>>[vector<16xi32>], vector<16xf32>,
      %add3A_2415 = arith.constant 1 : i32
      %add3A_2416 = vector.broadcast %add3A_2415 : i32 to vector<16xi32>
      %add3A_2417 = arith.addi %mul3A_2, %add3A_2416 : vector<16xi32>
      %mul3A_2418 = vector.broadcast %squeeze3A : f32 to vector<16xf32>
      %mul3A_2419 = arith.mulf %unpack3A_2405, %mul3A_2418 : vector<16xf32>
      %scatter3A_2420 = arith.constant 0 : i32
      %scatter3A_2421 = arith.constant 0 : i32
      %scatter3A_2422 = tpu.memref_slice %arg10[%scatter3A_2420, %scatter3A_2421] : memref<8x128xf32, #tpu.memory_space<vmem>> -> memref<1x128xf32, #tpu.memory_space<vmem>>
      %scatter3A_2423 = tpu.memref_squeeze %scatter3A_2422 : memref<1x128xf32, #tpu.memory_space<vmem>> -> memref<128xf32, #tpu.memory_space<vmem>>
      tpu.vector_store_idx %scatter3A_2423[%add3A_2417], %mul3A_2419 : memref<128xf32, #tpu.memory_space<vmem>>[vector<16xi32>], vector<16xf32>,
      %get3A_2424 = arith.constant 0 : i32
      %get3A_2425 = arith.index_cast %get3A_2424 : i32 to index
      %get3A_2426 = arith.constant 32 : index
      %get3A_2427 = tpu.vector_load %arg8[%get3A_2425, %get3A_2426] {strides = array<i32>} : memref<80x128xbf16, #tpu.memory_space<vmem>>, vector<32xbf16>,
      %get3A_2428 = arith.constant 1 : i32
      %get3A_2429 = arith.index_cast %get3A_2428 : i32 to index
      %get3A_2430 = arith.constant 32 : index
      %get3A_2431 = tpu.vector_load %arg8[%get3A_2429, %get3A_2430] {strides = array<i32>} : memref<80x128xbf16, #tpu.memory_space<vmem>>, vector<32xbf16>,
      %get3A_2432 = arith.constant 2 : i32
      %get3A_2433 = arith.index_cast %get3A_2432 : i32 to index
      %get3A_2434 = arith.constant 32 : index
      %get3A_2435 = tpu.vector_load %arg8[%get3A_2433, %get3A_2434] {strides = array<i32>} : memref<80x128xbf16, #tpu.memory_space<vmem>>, vector<32xbf16>,
      %get3A_2436 = arith.constant 3 : i32
      %get3A_2437 = arith.index_cast %get3A_2436 : i32 to index
      %get3A_2438 = arith.constant 32 : index
      %get3A_2439 = tpu.vector_load %arg8[%get3A_2437, %get3A_2438] {strides = array<i32>} : memref<80x128xbf16, #tpu.memory_space<vmem>>, vector<32xbf16>,
      %get3A_2440 = arith.constant 4 : i32
      %get3A_2441 = arith.index_cast %get3A_2440 : i32 to index
      %get3A_2442 = arith.constant 32 : index
      %get3A_2443 = tpu.vector_load %arg8[%get3A_2441, %get3A_2442] {strides = array<i32>} : memref<80x128xbf16, #tpu.memory_space<vmem>>, vector<32xbf16>,
      %get3A_2444 = arith.constant 5 : i32
      %get3A_2445 = arith.index_cast %get3A_2444 : i32 to index
      %get3A_2446 = arith.constant 32 : index
      %get3A_2447 = tpu.vector_load %arg8[%get3A_2445, %get3A_2446] {strides = array<i32>} : memref<80x128xbf16, #tpu.memory_space<vmem>>, vector<32xbf16>,
      %get3A_2448 = arith.constant 6 : i32
      %get3A_2449 = arith.index_cast %get3A_2448 : i32 to index
      %get3A_2450 = arith.constant 32 : index
      %get3A_2451 = tpu.vector_load %arg8[%get3A_2449, %get3A_2450] {strides = array<i32>} : memref<80x128xbf16, #tpu.memory_space<vmem>>, vector<32xbf16>,
      %get3A_2452 = arith.constant 7 : i32
      %get3A_2453 = arith.index_cast %get3A_2452 : i32 to index
      %get3A_2454 = arith.constant 32 : index
      %get3A_2455 = tpu.vector_load %arg8[%get3A_2453, %get3A_2454] {strides = array<i32>} : memref<80x128xbf16, #tpu.memory_space<vmem>>, vector<32xbf16>,
      %get3A_2456 = arith.constant 8 : i32
      %get3A_2457 = arith.index_cast %get3A_2456 : i32 to index
      %get3A_2458 = arith.constant 32 : index
      %get3A_2459 = tpu.vector_load %arg8[%get3A_2457, %get3A_2458] {strides = array<i32>} : memref<80x128xbf16, #tpu.memory_space<vmem>>, vector<32xbf16>,
      %get3A_2460 = arith.constant 9 : i32
      %get3A_2461 = arith.index_cast %get3A_2460 : i32 to index
      %get3A_2462 = arith.constant 32 : index
      %get3A_2463 = tpu.vector_load %arg8[%get3A_2461, %get3A_2462] {strides = array<i32>} : memref<80x128xbf16, #tpu.memory_space<vmem>>, vector<32xbf16>,
      %add3A_2464 = arith.addf %get3A_2427, %get3A_2431 : vector<32xbf16>
      %add3A_2465 = arith.addf %get3A_2435, %get3A_2439 : vector<32xbf16>
      %add3A_2466 = arith.addf %get3A_2443, %get3A_2447 : vector<32xbf16>
      %add3A_2467 = arith.addf %get3A_2451, %get3A_2455 : vector<32xbf16>
      %add3A_2468 = arith.addf %get3A_2459, %get3A_2463 : vector<32xbf16>
      %add3A_2469 = arith.addf %add3A_2464, %add3A_2465 : vector<32xbf16>
      %add3A_2470 = arith.addf %add3A_2466, %add3A_2467 : vector<32xbf16>
      %add3A_2471 = arith.addf %add3A_2469, %add3A_2470 : vector<32xbf16>
      %add3A_2472 = arith.addf %add3A_2471, %add3A_2468 : vector<32xbf16>
      %unpack3A_2473 = tpu.unpack_subelements %add3A_2472, 0 {pack_format = #tpu.pack_format<interleaved>} : vector<32xbf16> -> vector<16xf32>
      %unpack3A_2474 = tpu.unpack_subelements %add3A_2472, 1 {pack_format = #tpu.pack_format<interleaved>} : vector<32xbf16> -> vector<16xf32>
      %add3A_2475 = arith.constant 32 : i32
      %add3A_2476 = vector.broadcast %add3A_2475 : i32 to vector<16xi32>
      %add3A_2477 = arith.addi %mul3A_2, %add3A_2476 : vector<16xi32>
      %mul3A_2478 = vector.broadcast %squeeze3A : f32 to vector<16xf32>
      %mul3A_2479 = arith.mulf %unpack3A_2473, %mul3A_2478 : vector<16xf32>
      %scatter3A_2480 = arith.constant 0 : i32
      %scatter3A_2481 = arith.constant 0 : i32
      %scatter3A_2482 = tpu.memref_slice %arg10[%scatter3A_2480, %scatter3A_2481] : memref<8x128xf32, #tpu.memory_space<vmem>> -> memref<1x128xf32, #tpu.memory_space<vmem>>
      %scatter3A_2483 = tpu.memref_squeeze %scatter3A_2482 : memref<1x128xf32, #tpu.memory_space<vmem>> -> memref<128xf32, #tpu.memory_space<vmem>>
      tpu.vector_store_idx %scatter3A_2483[%add3A_2477], %mul3A_2479 : memref<128xf32, #tpu.memory_space<vmem>>[vector<16xi32>], vector<16xf32>,
      %add3A_2484 = arith.constant 33 : i32
      %add3A_2485 = vector.broadcast %add3A_2484 : i32 to vector<16xi32>
      %add3A_2486 = arith.addi %mul3A_2, %add3A_2485 : vector<16xi32>
      %mul3A_2487 = vector.broadcast %squeeze3A : f32 to vector<16xf32>
      %mul3A_2488 = arith.mulf %unpack3A_2474, %mul3A_2487 : vector<16xf32>
      %scatter3A_2489 = arith.constant 0 : i32
      %scatter3A_2490 = arith.constant 0 : i32
      %scatter3A_2491 = tpu.memref_slice %arg10[%scatter3A_2489, %scatter3A_2490] : memref<8x128xf32, #tpu.memory_space<vmem>> -> memref<1x128xf32, #tpu.memory_space<vmem>>
      %scatter3A_2492 = tpu.memref_squeeze %scatter3A_2491 : memref<1x128xf32, #tpu.memory_space<vmem>> -> memref<128xf32, #tpu.memory_space<vmem>>
      tpu.vector_store_idx %scatter3A_2492[%add3A_2486], %mul3A_2488 : memref<128xf32, #tpu.memory_space<vmem>>[vector<16xi32>], vector<16xf32>,
      %get3A_2493 = arith.constant 0 : i32
      %get3A_2494 = arith.index_cast %get3A_2493 : i32 to index
      %get3A_2495 = arith.constant 64 : index
      %get3A_2496 = tpu.vector_load %arg8[%get3A_2494, %get3A_2495] {strides = array<i32>} : memref<80x128xbf16, #tpu.memory_space<vmem>>, vector<32xbf16>,
      %get3A_2497 = arith.constant 1 : i32
      %get3A_2498 = arith.index_cast %get3A_2497 : i32 to index
      %get3A_2499 = arith.constant 64 : index
      %get3A_2500 = tpu.vector_load %arg8[%get3A_2498, %get3A_2499] {strides = array<i32>} : memref<80x128xbf16, #tpu.memory_space<vmem>>, vector<32xbf16>,
      %get3A_2501 = arith.constant 2 : i32
      %get3A_2502 = arith.index_cast %get3A_2501 : i32 to index
      %get3A_2503 = arith.constant 64 : index
      %get3A_2504 = tpu.vector_load %arg8[%get3A_2502, %get3A_2503] {strides = array<i32>} : memref<80x128xbf16, #tpu.memory_space<vmem>>, vector<32xbf16>,
      %get3A_2505 = arith.constant 3 : i32
      %get3A_2506 = arith.index_cast %get3A_2505 : i32 to index
      %get3A_2507 = arith.constant 64 : index
      %get3A_2508 = tpu.vector_load %arg8[%get3A_2506, %get3A_2507] {strides = array<i32>} : memref<80x128xbf16, #tpu.memory_space<vmem>>, vector<32xbf16>,
      %get3A_2509 = arith.constant 4 : i32
      %get3A_2510 = arith.index_cast %get3A_2509 : i32 to index
      %get3A_2511 = arith.constant 64 : index
      %get3A_2512 = tpu.vector_load %arg8[%get3A_2510, %get3A_2511] {strides = array<i32>} : memref<80x128xbf16, #tpu.memory_space<vmem>>, vector<32xbf16>,
      %get3A_2513 = arith.constant 5 : i32
      %get3A_2514 = arith.index_cast %get3A_2513 : i32 to index
      %get3A_2515 = arith.constant 64 : index
      %get3A_2516 = tpu.vector_load %arg8[%get3A_2514, %get3A_2515] {strides = array<i32>} : memref<80x128xbf16, #tpu.memory_space<vmem>>, vector<32xbf16>,
      %get3A_2517 = arith.constant 6 : i32
      %get3A_2518 = arith.index_cast %get3A_2517 : i32 to index
      %get3A_2519 = arith.constant 64 : index
      %get3A_2520 = tpu.vector_load %arg8[%get3A_2518, %get3A_2519] {strides = array<i32>} : memref<80x128xbf16, #tpu.memory_space<vmem>>, vector<32xbf16>,
      %get3A_2521 = arith.constant 7 : i32
      %get3A_2522 = arith.index_cast %get3A_2521 : i32 to index
      %get3A_2523 = arith.constant 64 : index
      %get3A_2524 = tpu.vector_load %arg8[%get3A_2522, %get3A_2523] {strides = array<i32>} : memref<80x128xbf16, #tpu.memory_space<vmem>>, vector<32xbf16>,
      %get3A_2525 = arith.constant 8 : i32
      %get3A_2526 = arith.index_cast %get3A_2525 : i32 to index
      %get3A_2527 = arith.constant 64 : index
      %get3A_2528 = tpu.vector_load %arg8[%get3A_2526, %get3A_2527] {strides = array<i32>} : memref<80x128xbf16, #tpu.memory_space<vmem>>, vector<32xbf16>,
      %get3A_2529 = arith.constant 9 : i32
      %get3A_2530 = arith.index_cast %get3A_2529 : i32 to index
      %get3A_2531 = arith.constant 64 : index
      %get3A_2532 = tpu.vector_load %arg8[%get3A_2530, %get3A_2531] {strides = array<i32>} : memref<80x128xbf16, #tpu.memory_space<vmem>>, vector<32xbf16>,
      %add3A_2533 = arith.addf %get3A_2496, %get3A_2500 : vector<32xbf16>
      %add3A_2534 = arith.addf %get3A_2504, %get3A_2508 : vector<32xbf16>
      %add3A_2535 = arith.addf %get3A_2512, %get3A_2516 : vector<32xbf16>
      %add3A_2536 = arith.addf %get3A_2520, %get3A_2524 : vector<32xbf16>
      %add3A_2537 = arith.addf %get3A_2528, %get3A_2532 : vector<32xbf16>
      %add3A_2538 = arith.addf %add3A_2533, %add3A_2534 : vector<32xbf16>
      %add3A_2539 = arith.addf %add3A_2535, %add3A_2536 : vector<32xbf16>
      %add3A_2540 = arith.addf %add3A_2538, %add3A_2539 : vector<32xbf16>
      %add3A_2541 = arith.addf %add3A_2540, %add3A_2537 : vector<32xbf16>
      %unpack3A_2542 = tpu.unpack_subelements %add3A_2541, 0 {pack_format = #tpu.pack_format<interleaved>} : vector<32xbf16> -> vector<16xf32>
      %unpack3A_2543 = tpu.unpack_subelements %add3A_2541, 1 {pack_format = #tpu.pack_format<interleaved>} : vector<32xbf16> -> vector<16xf32>
      %add3A_2544 = arith.constant 64 : i32
      %add3A_2545 = vector.broadcast %add3A_2544 : i32 to vector<16xi32>
      %add3A_2546 = arith.addi %mul3A_2, %add3A_2545 : vector<16xi32>
      %mul3A_2547 = vector.broadcast %squeeze3A : f32 to vector<16xf32>
      %mul3A_2548 = arith.mulf %unpack3A_2542, %mul3A_2547 : vector<16xf32>
      %scatter3A_2549 = arith.constant 0 : i32
      %scatter3A_2550 = arith.constant 0 : i32
      %scatter3A_2551 = tpu.memref_slice %arg10[%scatter3A_2549, %scatter3A_2550] : memref<8x128xf32, #tpu.memory_space<vmem>> -> memref<1x128xf32, #tpu.memory_space<vmem>>
      %scatter3A_2552 = tpu.memref_squeeze %scatter3A_2551 : memref<1x128xf32, #tpu.memory_space<vmem>> -> memref<128xf32, #tpu.memory_space<vmem>>
      tpu.vector_store_idx %scatter3A_2552[%add3A_2546], %mul3A_2548 : memref<128xf32, #tpu.memory_space<vmem>>[vector<16xi32>], vector<16xf32>,
      %add3A_2553 = arith.constant 65 : i32
      %add3A_2554 = vector.broadcast %add3A_2553 : i32 to vector<16xi32>
      %add3A_2555 = arith.addi %mul3A_2, %add3A_2554 : vector<16xi32>
      %mul3A_2556 = vector.broadcast %squeeze3A : f32 to vector<16xf32>
      %mul3A_2557 = arith.mulf %unpack3A_2543, %mul3A_2556 : vector<16xf32>
      %scatter3A_2558 = arith.constant 0 : i32
      %scatter3A_2559 = arith.constant 0 : i32
      %scatter3A_2560 = tpu.memref_slice %arg10[%scatter3A_2558, %scatter3A_2559] : memref<8x128xf32, #tpu.memory_space<vmem>> -> memref<1x128xf32, #tpu.memory_space<vmem>>
      %scatter3A_2561 = tpu.memref_squeeze %scatter3A_2560 : memref<1x128xf32, #tpu.memory_space<vmem>> -> memref<128xf32, #tpu.memory_space<vmem>>
      tpu.vector_store_idx %scatter3A_2561[%add3A_2555], %mul3A_2557 : memref<128xf32, #tpu.memory_space<vmem>>[vector<16xi32>], vector<16xf32>,
      %get3A_2562 = arith.constant 0 : i32
      %get3A_2563 = arith.index_cast %get3A_2562 : i32 to index
      %get3A_2564 = arith.constant 96 : index
      %get3A_2565 = tpu.vector_load %arg8[%get3A_2563, %get3A_2564] {strides = array<i32>} : memref<80x128xbf16, #tpu.memory_space<vmem>>, vector<32xbf16>,
      %get3A_2566 = arith.constant 1 : i32
      %get3A_2567 = arith.index_cast %get3A_2566 : i32 to index
      %get3A_2568 = arith.constant 96 : index
      %get3A_2569 = tpu.vector_load %arg8[%get3A_2567, %get3A_2568] {strides = array<i32>} : memref<80x128xbf16, #tpu.memory_space<vmem>>, vector<32xbf16>,
      %get3A_2570 = arith.constant 2 : i32
      %get3A_2571 = arith.index_cast %get3A_2570 : i32 to index
      %get3A_2572 = arith.constant 96 : index
      %get3A_2573 = tpu.vector_load %arg8[%get3A_2571, %get3A_2572] {strides = array<i32>} : memref<80x128xbf16, #tpu.memory_space<vmem>>, vector<32xbf16>,
      %get3A_2574 = arith.constant 3 : i32
      %get3A_2575 = arith.index_cast %get3A_2574 : i32 to index
      %get3A_2576 = arith.constant 96 : index
      %get3A_2577 = tpu.vector_load %arg8[%get3A_2575, %get3A_2576] {strides = array<i32>} : memref<80x128xbf16, #tpu.memory_space<vmem>>, vector<32xbf16>,
      %get3A_2578 = arith.constant 4 : i32
      %get3A_2579 = arith.index_cast %get3A_2578 : i32 to index
      %get3A_2580 = arith.constant 96 : index
      %get3A_2581 = tpu.vector_load %arg8[%get3A_2579, %get3A_2580] {strides = array<i32>} : memref<80x128xbf16, #tpu.memory_space<vmem>>, vector<32xbf16>,
      %get3A_2582 = arith.constant 5 : i32
      %get3A_2583 = arith.index_cast %get3A_2582 : i32 to index
      %get3A_2584 = arith.constant 96 : index
      %get3A_2585 = tpu.vector_load %arg8[%get3A_2583, %get3A_2584] {strides = array<i32>} : memref<80x128xbf16, #tpu.memory_space<vmem>>, vector<32xbf16>,
      %get3A_2586 = arith.constant 6 : i32
      %get3A_2587 = arith.index_cast %get3A_2586 : i32 to index
      %get3A_2588 = arith.constant 96 : index
      %get3A_2589 = tpu.vector_load %arg8[%get3A_2587, %get3A_2588] {strides = array<i32>} : memref<80x128xbf16, #tpu.memory_space<vmem>>, vector<32xbf16>,
      %get3A_2590 = arith.constant 7 : i32
      %get3A_2591 = arith.index_cast %get3A_2590 : i32 to index
      %get3A_2592 = arith.constant 96 : index
      %get3A_2593 = tpu.vector_load %arg8[%get3A_2591, %get3A_2592] {strides = array<i32>} : memref<80x128xbf16, #tpu.memory_space<vmem>>, vector<32xbf16>,
      %get3A_2594 = arith.constant 8 : i32
      %get3A_2595 = arith.index_cast %get3A_2594 : i32 to index
      %get3A_2596 = arith.constant 96 : index
      %get3A_2597 = tpu.vector_load %arg8[%get3A_2595, %get3A_2596] {strides = array<i32>} : memref<80x128xbf16, #tpu.memory_space<vmem>>, vector<32xbf16>,
      %get3A_2598 = arith.constant 9 : i32
      %get3A_2599 = arith.index_cast %get3A_2598 : i32 to index
      %get3A_2600 = arith.constant 96 : index
      %get3A_2601 = tpu.vector_load %arg8[%get3A_2599, %get3A_2600] {strides = array<i32>} : memref<80x128xbf16, #tpu.memory_space<vmem>>, vector<32xbf16>,
      %add3A_2602 = arith.addf %get3A_2565, %get3A_2569 : vector<32xbf16>
      %add3A_2603 = arith.addf %get3A_2573, %get3A_2577 : vector<32xbf16>
      %add3A_2604 = arith.addf %get3A_2581, %get3A_2585 : vector<32xbf16>
      %add3A_2605 = arith.addf %get3A_2589, %get3A_2593 : vector<32xbf16>
      %add3A_2606 = arith.addf %get3A_2597, %get3A_2601 : vector<32xbf16>
      %add3A_2607 = arith.addf %add3A_2602, %add3A_2603 : vector<32xbf16>
      %add3A_2608 = arith.addf %add3A_2604, %add3A_2605 : vector<32xbf16>
      %add3A_2609 = arith.addf %add3A_2607, %add3A_2608 : vector<32xbf16>
      %add3A_2610 = arith.addf %add3A_2609, %add3A_2606 : vector<32xbf16>
      %unpack3A_2611 = tpu.unpack_subelements %add3A_2610, 0 {pack_format = #tpu.pack_format<interleaved>} : vector<32xbf16> -> vector<16xf32>
      %unpack3A_2612 = tpu.unpack_subelements %add3A_2610, 1 {pack_format = #tpu.pack_format<interleaved>} : vector<32xbf16> -> vector<16xf32>
      %add3A_2613 = arith.constant 96 : i32
      %add3A_2614 = vector.broadcast %add3A_2613 : i32 to vector<16xi32>
      %add3A_2615 = arith.addi %mul3A_2, %add3A_2614 : vector<16xi32>
      %mul3A_2616 = vector.broadcast %squeeze3A : f32 to vector<16xf32>
      %mul3A_2617 = arith.mulf %unpack3A_2611, %mul3A_2616 : vector<16xf32>
      %scatter3A_2618 = arith.constant 0 : i32
      %scatter3A_2619 = arith.constant 0 : i32
      %scatter3A_2620 = tpu.memref_slice %arg10[%scatter3A_2618, %scatter3A_2619] : memref<8x128xf32, #tpu.memory_space<vmem>> -> memref<1x128xf32, #tpu.memory_space<vmem>>
      %scatter3A_2621 = tpu.memref_squeeze %scatter3A_2620 : memref<1x128xf32, #tpu.memory_space<vmem>> -> memref<128xf32, #tpu.memory_space<vmem>>
      tpu.vector_store_idx %scatter3A_2621[%add3A_2615], %mul3A_2617 : memref<128xf32, #tpu.memory_space<vmem>>[vector<16xi32>], vector<16xf32>,
      %add3A_2622 = arith.constant 97 : i32
      %add3A_2623 = vector.broadcast %add3A_2622 : i32 to vector<16xi32>
      %add3A_2624 = arith.addi %mul3A_2, %add3A_2623 : vector<16xi32>
      %mul3A_2625 = vector.broadcast %squeeze3A : f32 to vector<16xf32>
      %mul3A_2626 = arith.mulf %unpack3A_2612, %mul3A_2625 : vector<16xf32>
      %scatter3A_2627 = arith.constant 0 : i32
      %scatter3A_2628 = arith.constant 0 : i32
      %scatter3A_2629 = tpu.memref_slice %arg10[%scatter3A_2627, %scatter3A_2628] : memref<8x128xf32, #tpu.memory_space<vmem>> -> memref<1x128xf32, #tpu.memory_space<vmem>>
      %scatter3A_2630 = tpu.memref_squeeze %scatter3A_2629 : memref<1x128xf32, #tpu.memory_space<vmem>> -> memref<128xf32, #tpu.memory_space<vmem>>
      tpu.vector_store_idx %scatter3A_2630[%add3A_2624], %mul3A_2626 : memref<128xf32, #tpu.memory_space<vmem>>[vector<16xi32>], vector<16xf32>,
      %get3A_2631 = arith.constant 10 : i32
      %get3A_2632 = arith.index_cast %get3A_2631 : i32 to index
      %get3A_2633 = arith.constant 0 : index
      %get3A_2634 = tpu.vector_load %arg8[%get3A_2632, %get3A_2633] {strides = array<i32>} : memref<80x128xbf16, #tpu.memory_space<vmem>>, vector<32xbf16>,
      %get3A_2635 = arith.constant 11 : i32
      %get3A_2636 = arith.index_cast %get3A_2635 : i32 to index
      %get3A_2637 = arith.constant 0 : index
      %get3A_2638 = tpu.vector_load %arg8[%get3A_2636, %get3A_2637] {strides = array<i32>} : memref<80x128xbf16, #tpu.memory_space<vmem>>, vector<32xbf16>,
      %get3A_2639 = arith.constant 12 : i32
      %get3A_2640 = arith.index_cast %get3A_2639 : i32 to index
      %get3A_2641 = arith.constant 0 : index
      %get3A_2642 = tpu.vector_load %arg8[%get3A_2640, %get3A_2641] {strides = array<i32>} : memref<80x128xbf16, #tpu.memory_space<vmem>>, vector<32xbf16>,
      %get3A_2643 = arith.constant 13 : i32
      %get3A_2644 = arith.index_cast %get3A_2643 : i32 to index
      %get3A_2645 = arith.constant 0 : index
      %get3A_2646 = tpu.vector_load %arg8[%get3A_2644, %get3A_2645] {strides = array<i32>} : memref<80x128xbf16, #tpu.memory_space<vmem>>, vector<32xbf16>,
      %get3A_2647 = arith.constant 14 : i32
      %get3A_2648 = arith.index_cast %get3A_2647 : i32 to index
      %get3A_2649 = arith.constant 0 : index
      %get3A_2650 = tpu.vector_load %arg8[%get3A_2648, %get3A_2649] {strides = array<i32>} : memref<80x128xbf16, #tpu.memory_space<vmem>>, vector<32xbf16>,
      %get3A_2651 = arith.constant 15 : i32
      %get3A_2652 = arith.index_cast %get3A_2651 : i32 to index
      %get3A_2653 = arith.constant 0 : index
      %get3A_2654 = tpu.vector_load %arg8[%get3A_2652, %get3A_2653] {strides = array<i32>} : memref<80x128xbf16, #tpu.memory_space<vmem>>, vector<32xbf16>,
      %get3A_2655 = arith.constant 16 : i32
      %get3A_2656 = arith.index_cast %get3A_2655 : i32 to index
      %get3A_2657 = arith.constant 0 : index
      %get3A_2658 = tpu.vector_load %arg8[%get3A_2656, %get3A_2657] {strides = array<i32>} : memref<80x128xbf16, #tpu.memory_space<vmem>>, vector<32xbf16>,
      %get3A_2659 = arith.constant 17 : i32
      %get3A_2660 = arith.index_cast %get3A_2659 : i32 to index
      %get3A_2661 = arith.constant 0 : index
      %get3A_2662 = tpu.vector_load %arg8[%get3A_2660, %get3A_2661] {strides = array<i32>} : memref<80x128xbf16, #tpu.memory_space<vmem>>, vector<32xbf16>,
      %get3A_2663 = arith.constant 18 : i32
      %get3A_2664 = arith.index_cast %get3A_2663 : i32 to index
      %get3A_2665 = arith.constant 0 : index
      %get3A_2666 = tpu.vector_load %arg8[%get3A_2664, %get3A_2665] {strides = array<i32>} : memref<80x128xbf16, #tpu.memory_space<vmem>>, vector<32xbf16>,
      %get3A_2667 = arith.constant 19 : i32
      %get3A_2668 = arith.index_cast %get3A_2667 : i32 to index
      %get3A_2669 = arith.constant 0 : index
      %get3A_2670 = tpu.vector_load %arg8[%get3A_2668, %get3A_2669] {strides = array<i32>} : memref<80x128xbf16, #tpu.memory_space<vmem>>, vector<32xbf16>,
      %add3A_2671 = arith.addf %get3A_2634, %get3A_2638 : vector<32xbf16>
      %add3A_2672 = arith.addf %get3A_2642, %get3A_2646 : vector<32xbf16>
      %add3A_2673 = arith.addf %get3A_2650, %get3A_2654 : vector<32xbf16>
      %add3A_2674 = arith.addf %get3A_2658, %get3A_2662 : vector<32xbf16>
      %add3A_2675 = arith.addf %get3A_2666, %get3A_2670 : vector<32xbf16>
      %add3A_2676 = arith.addf %add3A_2671, %add3A_2672 : vector<32xbf16>
      %add3A_2677 = arith.addf %add3A_2673, %add3A_2674 : vector<32xbf16>
      %add3A_2678 = arith.addf %add3A_2676, %add3A_2677 : vector<32xbf16>
      %add3A_2679 = arith.addf %add3A_2678, %add3A_2675 : vector<32xbf16>
      %unpack3A_2680 = tpu.unpack_subelements %add3A_2679, 0 {pack_format = #tpu.pack_format<interleaved>} : vector<32xbf16> -> vector<16xf32>
      %unpack3A_2681 = tpu.unpack_subelements %add3A_2679, 1 {pack_format = #tpu.pack_format<interleaved>} : vector<32xbf16> -> vector<16xf32>
      %add3A_2682 = arith.constant 0 : i32
      %add3A_2683 = vector.broadcast %add3A_2682 : i32 to vector<16xi32>
      %add3A_2684 = arith.addi %mul3A_2, %add3A_2683 : vector<16xi32>
      %mul3A_2685 = vector.broadcast %squeeze3A : f32 to vector<16xf32>
      %mul3A_2686 = arith.mulf %unpack3A_2680, %mul3A_2685 : vector<16xf32>
      %scatter3A_2687 = arith.constant 1 : i32
      %scatter3A_2688 = arith.constant 0 : i32
      %scatter3A_2689 = tpu.memref_slice %arg10[%scatter3A_2687, %scatter3A_2688] : memref<8x128xf32, #tpu.memory_space<vmem>> -> memref<1x128xf32, #tpu.memory_space<vmem>>
      %scatter3A_2690 = tpu.memref_squeeze %scatter3A_2689 : memref<1x128xf32, #tpu.memory_space<vmem>> -> memref<128xf32, #tpu.memory_space<vmem>>
      tpu.vector_store_idx %scatter3A_2690[%add3A_2684], %mul3A_2686 : memref<128xf32, #tpu.memory_space<vmem>>[vector<16xi32>], vector<16xf32>,
      %add3A_2691 = arith.constant 1 : i32
      %add3A_2692 = vector.broadcast %add3A_2691 : i32 to vector<16xi32>
      %add3A_2693 = arith.addi %mul3A_2, %add3A_2692 : vector<16xi32>
      %mul3A_2694 = vector.broadcast %squeeze3A : f32 to vector<16xf32>
      %mul3A_2695 = arith.mulf %unpack3A_2681, %mul3A_2694 : vector<16xf32>
      %scatter3A_2696 = arith.constant 1 : i32
      %scatter3A_2697 = arith.constant 0 : i32
      %scatter3A_2698 = tpu.memref_slice %arg10[%scatter3A_2696, %scatter3A_2697] : memref<8x128xf32, #tpu.memory_space<vmem>> -> memref<1x128xf32, #tpu.memory_space<vmem>>
      %scatter3A_2699 = tpu.memref_squeeze %scatter3A_2698 : memref<1x128xf32, #tpu.memory_space<vmem>> -> memref<128xf32, #tpu.memory_space<vmem>>
      tpu.vector_store_idx %scatter3A_2699[%add3A_2693], %mul3A_2695 : memref<128xf32, #tpu.memory_space<vmem>>[vector<16xi32>], vector<16xf32>,
      %get3A_2700 = arith.constant 10 : i32
      %get3A_2701 = arith.index_cast %get3A_2700 : i32 to index
      %get3A_2702 = arith.constant 32 : index
      %get3A_2703 = tpu.vector_load %arg8[%get3A_2701, %get3A_2702] {strides = array<i32>} : memref<80x128xbf16, #tpu.memory_space<vmem>>, vector<32xbf16>,
      %get3A_2704 = arith.constant 11 : i32
      %get3A_2705 = arith.index_cast %get3A_2704 : i32 to index
      %get3A_2706 = arith.constant 32 : index
      %get3A_2707 = tpu.vector_load %arg8[%get3A_2705, %get3A_2706] {strides = array<i32>} : memref<80x128xbf16, #tpu.memory_space<vmem>>, vector<32xbf16>,
      %get3A_2708 = arith.constant 12 : i32
      %get3A_2709 = arith.index_cast %get3A_2708 : i32 to index
      %get3A_2710 = arith.constant 32 : index
      %get3A_2711 = tpu.vector_load %arg8[%get3A_2709, %get3A_2710] {strides = array<i32>} : memref<80x128xbf16, #tpu.memory_space<vmem>>, vector<32xbf16>,
      %get3A_2712 = arith.constant 13 : i32
      %get3A_2713 = arith.index_cast %get3A_2712 : i32 to index
      %get3A_2714 = arith.constant 32 : index
      %get3A_2715 = tpu.vector_load %arg8[%get3A_2713, %get3A_2714] {strides = array<i32>} : memref<80x128xbf16, #tpu.memory_space<vmem>>, vector<32xbf16>,
      %get3A_2716 = arith.constant 14 : i32
      %get3A_2717 = arith.index_cast %get3A_2716 : i32 to index
      %get3A_2718 = arith.constant 32 : index
      %get3A_2719 = tpu.vector_load %arg8[%get3A_2717, %get3A_2718] {strides = array<i32>} : memref<80x128xbf16, #tpu.memory_space<vmem>>, vector<32xbf16>,
      %get3A_2720 = arith.constant 15 : i32
      %get3A_2721 = arith.index_cast %get3A_2720 : i32 to index
      %get3A_2722 = arith.constant 32 : index
      %get3A_2723 = tpu.vector_load %arg8[%get3A_2721, %get3A_2722] {strides = array<i32>} : memref<80x128xbf16, #tpu.memory_space<vmem>>, vector<32xbf16>,
      %get3A_2724 = arith.constant 16 : i32
      %get3A_2725 = arith.index_cast %get3A_2724 : i32 to index
      %get3A_2726 = arith.constant 32 : index
      %get3A_2727 = tpu.vector_load %arg8[%get3A_2725, %get3A_2726] {strides = array<i32>} : memref<80x128xbf16, #tpu.memory_space<vmem>>, vector<32xbf16>,
      %get3A_2728 = arith.constant 17 : i32
      %get3A_2729 = arith.index_cast %get3A_2728 : i32 to index
      %get3A_2730 = arith.constant 32 : index
      %get3A_2731 = tpu.vector_load %arg8[%get3A_2729, %get3A_2730] {strides = array<i32>} : memref<80x128xbf16, #tpu.memory_space<vmem>>, vector<32xbf16>,
      %get3A_2732 = arith.constant 18 : i32
      %get3A_2733 = arith.index_cast %get3A_2732 : i32 to index
      %get3A_2734 = arith.constant 32 : index
      %get3A_2735 = tpu.vector_load %arg8[%get3A_2733, %get3A_2734] {strides = array<i32>} : memref<80x128xbf16, #tpu.memory_space<vmem>>, vector<32xbf16>,
      %get3A_2736 = arith.constant 19 : i32
      %get3A_2737 = arith.index_cast %get3A_2736 : i32 to index
      %get3A_2738 = arith.constant 32 : index
      %get3A_2739 = tpu.vector_load %arg8[%get3A_2737, %get3A_2738] {strides = array<i32>} : memref<80x128xbf16, #tpu.memory_space<vmem>>, vector<32xbf16>,
      %add3A_2740 = arith.addf %get3A_2703, %get3A_2707 : vector<32xbf16>
      %add3A_2741 = arith.addf %get3A_2711, %get3A_2715 : vector<32xbf16>
      %add3A_2742 = arith.addf %get3A_2719, %get3A_2723 : vector<32xbf16>
      %add3A_2743 = arith.addf %get3A_2727, %get3A_2731 : vector<32xbf16>
      %add3A_2744 = arith.addf %get3A_2735, %get3A_2739 : vector<32xbf16>
      %add3A_2745 = arith.addf %add3A_2740, %add3A_2741 : vector<32xbf16>
      %add3A_2746 = arith.addf %add3A_2742, %add3A_2743 : vector<32xbf16>
      %add3A_2747 = arith.addf %add3A_2745, %add3A_2746 : vector<32xbf16>
      %add3A_2748 = arith.addf %add3A_2747, %add3A_2744 : vector<32xbf16>
      %unpack3A_2749 = tpu.unpack_subelements %add3A_2748, 0 {pack_format = #tpu.pack_format<interleaved>} : vector<32xbf16> -> vector<16xf32>
      %unpack3A_2750 = tpu.unpack_subelements %add3A_2748, 1 {pack_format = #tpu.pack_format<interleaved>} : vector<32xbf16> -> vector<16xf32>
      %add3A_2751 = arith.constant 32 : i32
      %add3A_2752 = vector.broadcast %add3A_2751 : i32 to vector<16xi32>
      %add3A_2753 = arith.addi %mul3A_2, %add3A_2752 : vector<16xi32>
      %mul3A_2754 = vector.broadcast %squeeze3A : f32 to vector<16xf32>
      %mul3A_2755 = arith.mulf %unpack3A_2749, %mul3A_2754 : vector<16xf32>
      %scatter3A_2756 = arith.constant 1 : i32
      %scatter3A_2757 = arith.constant 0 : i32
      %scatter3A_2758 = tpu.memref_slice %arg10[%scatter3A_2756, %scatter3A_2757] : memref<8x128xf32, #tpu.memory_space<vmem>> -> memref<1x128xf32, #tpu.memory_space<vmem>>
      %scatter3A_2759 = tpu.memref_squeeze %scatter3A_2758 : memref<1x128xf32, #tpu.memory_space<vmem>> -> memref<128xf32, #tpu.memory_space<vmem>>
      tpu.vector_store_idx %scatter3A_2759[%add3A_2753], %mul3A_2755 : memref<128xf32, #tpu.memory_space<vmem>>[vector<16xi32>], vector<16xf32>,
      %add3A_2760 = arith.constant 33 : i32
      %add3A_2761 = vector.broadcast %add3A_2760 : i32 to vector<16xi32>
      %add3A_2762 = arith.addi %mul3A_2, %add3A_2761 : vector<16xi32>
      %mul3A_2763 = vector.broadcast %squeeze3A : f32 to vector<16xf32>
      %mul3A_2764 = arith.mulf %unpack3A_2750, %mul3A_2763 : vector<16xf32>
      %scatter3A_2765 = arith.constant 1 : i32
      %scatter3A_2766 = arith.constant 0 : i32
      %scatter3A_2767 = tpu.memref_slice %arg10[%scatter3A_2765, %scatter3A_2766] : memref<8x128xf32, #tpu.memory_space<vmem>> -> memref<1x128xf32, #tpu.memory_space<vmem>>
      %scatter3A_2768 = tpu.memref_squeeze %scatter3A_2767 : memref<1x128xf32, #tpu.memory_space<vmem>> -> memref<128xf32, #tpu.memory_space<vmem>>
      tpu.vector_store_idx %scatter3A_2768[%add3A_2762], %mul3A_2764 : memref<128xf32, #tpu.memory_space<vmem>>[vector<16xi32>], vector<16xf32>,
      %get3A_2769 = arith.constant 10 : i32
      %get3A_2770 = arith.index_cast %get3A_2769 : i32 to index
      %get3A_2771 = arith.constant 64 : index
      %get3A_2772 = tpu.vector_load %arg8[%get3A_2770, %get3A_2771] {strides = array<i32>} : memref<80x128xbf16, #tpu.memory_space<vmem>>, vector<32xbf16>,
      %get3A_2773 = arith.constant 11 : i32
      %get3A_2774 = arith.index_cast %get3A_2773 : i32 to index
      %get3A_2775 = arith.constant 64 : index
      %get3A_2776 = tpu.vector_load %arg8[%get3A_2774, %get3A_2775] {strides = array<i32>} : memref<80x128xbf16, #tpu.memory_space<vmem>>, vector<32xbf16>,
      %get3A_2777 = arith.constant 12 : i32
      %get3A_2778 = arith.index_cast %get3A_2777 : i32 to index
      %get3A_2779 = arith.constant 64 : index
      %get3A_2780 = tpu.vector_load %arg8[%get3A_2778, %get3A_2779] {strides = array<i32>} : memref<80x128xbf16, #tpu.memory_space<vmem>>, vector<32xbf16>,
      %get3A_2781 = arith.constant 13 : i32
      %get3A_2782 = arith.index_cast %get3A_2781 : i32 to index
      %get3A_2783 = arith.constant 64 : index
      %get3A_2784 = tpu.vector_load %arg8[%get3A_2782, %get3A_2783] {strides = array<i32>} : memref<80x128xbf16, #tpu.memory_space<vmem>>, vector<32xbf16>,
      %get3A_2785 = arith.constant 14 : i32
      %get3A_2786 = arith.index_cast %get3A_2785 : i32 to index
      %get3A_2787 = arith.constant 64 : index
      %get3A_2788 = tpu.vector_load %arg8[%get3A_2786, %get3A_2787] {strides = array<i32>} : memref<80x128xbf16, #tpu.memory_space<vmem>>, vector<32xbf16>,
      %get3A_2789 = arith.constant 15 : i32
      %get3A_2790 = arith.index_cast %get3A_2789 : i32 to index
      %get3A_2791 = arith.constant 64 : index
      %get3A_2792 = tpu.vector_load %arg8[%get3A_2790, %get3A_2791] {strides = array<i32>} : memref<80x128xbf16, #tpu.memory_space<vmem>>, vector<32xbf16>,
      %get3A_2793 = arith.constant 16 : i32
      %get3A_2794 = arith.index_cast %get3A_2793 : i32 to index
      %get3A_2795 = arith.constant 64 : index
      %get3A_2796 = tpu.vector_load %arg8[%get3A_2794, %get3A_2795] {strides = array<i32>} : memref<80x128xbf16, #tpu.memory_space<vmem>>, vector<32xbf16>,
      %get3A_2797 = arith.constant 17 : i32
      %get3A_2798 = arith.index_cast %get3A_2797 : i32 to index
      %get3A_2799 = arith.constant 64 : index
      %get3A_2800 = tpu.vector_load %arg8[%get3A_2798, %get3A_2799] {strides = array<i32>} : memref<80x128xbf16, #tpu.memory_space<vmem>>, vector<32xbf16>,
      %get3A_2801 = arith.constant 18 : i32
      %get3A_2802 = arith.index_cast %get3A_2801 : i32 to index
      %get3A_2803 = arith.constant 64 : index
      %get3A_2804 = tpu.vector_load %arg8[%get3A_2802, %get3A_2803] {strides = array<i32>} : memref<80x128xbf16, #tpu.memory_space<vmem>>, vector<32xbf16>,
      %get3A_2805 = arith.constant 19 : i32
      %get3A_2806 = arith.index_cast %get3A_2805 : i32 to index
      %get3A_2807 = arith.constant 64 : index
      %get3A_2808 = tpu.vector_load %arg8[%get3A_2806, %get3A_2807] {strides = array<i32>} : memref<80x128xbf16, #tpu.memory_space<vmem>>, vector<32xbf16>,
      %add3A_2809 = arith.addf %get3A_2772, %get3A_2776 : vector<32xbf16>
      %add3A_2810 = arith.addf %get3A_2780, %get3A_2784 : vector<32xbf16>
      %add3A_2811 = arith.addf %get3A_2788, %get3A_2792 : vector<32xbf16>
      %add3A_2812 = arith.addf %get3A_2796, %get3A_2800 : vector<32xbf16>
      %add3A_2813 = arith.addf %get3A_2804, %get3A_2808 : vector<32xbf16>
      %add3A_2814 = arith.addf %add3A_2809, %add3A_2810 : vector<32xbf16>
      %add3A_2815 = arith.addf %add3A_2811, %add3A_2812 : vector<32xbf16>
      %add3A_2816 = arith.addf %add3A_2814, %add3A_2815 : vector<32xbf16>
      %add3A_2817 = arith.addf %add3A_2816, %add3A_2813 : vector<32xbf16>
      %unpack3A_2818 = tpu.unpack_subelements %add3A_2817, 0 {pack_format = #tpu.pack_format<interleaved>} : vector<32xbf16> -> vector<16xf32>
      %unpack3A_2819 = tpu.unpack_subelements %add3A_2817, 1 {pack_format = #tpu.pack_format<interleaved>} : vector<32xbf16> -> vector<16xf32>
      %add3A_2820 = arith.constant 64 : i32
      %add3A_2821 = vector.broadcast %add3A_2820 : i32 to vector<16xi32>
      %add3A_2822 = arith.addi %mul3A_2, %add3A_2821 : vector<16xi32>
      %mul3A_2823 = vector.broadcast %squeeze3A : f32 to vector<16xf32>
      %mul3A_2824 = arith.mulf %unpack3A_2818, %mul3A_2823 : vector<16xf32>
      %scatter3A_2825 = arith.constant 1 : i32
      %scatter3A_2826 = arith.constant 0 : i32
      %scatter3A_2827 = tpu.memref_slice %arg10[%scatter3A_2825, %scatter3A_2826] : memref<8x128xf32, #tpu.memory_space<vmem>> -> memref<1x128xf32, #tpu.memory_space<vmem>>
      %scatter3A_2828 = tpu.memref_squeeze %scatter3A_2827 : memref<1x128xf32, #tpu.memory_space<vmem>> -> memref<128xf32, #tpu.memory_space<vmem>>
      tpu.vector_store_idx %scatter3A_2828[%add3A_2822], %mul3A_2824 : memref<128xf32, #tpu.memory_space<vmem>>[vector<16xi32>], vector<16xf32>,
      %add3A_2829 = arith.constant 65 : i32
      %add3A_2830 = vector.broadcast %add3A_2829 : i32 to vector<16xi32>
      %add3A_2831 = arith.addi %mul3A_2, %add3A_2830 : vector<16xi32>
      %mul3A_2832 = vector.broadcast %squeeze3A : f32 to vector<16xf32>
      %mul3A_2833 = arith.mulf %unpack3A_2819, %mul3A_2832 : vector<16xf32>
      %scatter3A_2834 = arith.constant 1 : i32
      %scatter3A_2835 = arith.constant 0 : i32
      %scatter3A_2836 = tpu.memref_slice %arg10[%scatter3A_2834, %scatter3A_2835] : memref<8x128xf32, #tpu.memory_space<vmem>> -> memref<1x128xf32, #tpu.memory_space<vmem>>
      %scatter3A_2837 = tpu.memref_squeeze %scatter3A_2836 : memref<1x128xf32, #tpu.memory_space<vmem>> -> memref<128xf32, #tpu.memory_space<vmem>>
      tpu.vector_store_idx %scatter3A_2837[%add3A_2831], %mul3A_2833 : memref<128xf32, #tpu.memory_space<vmem>>[vector<16xi32>], vector<16xf32>,
      %get3A_2838 = arith.constant 10 : i32
      %get3A_2839 = arith.index_cast %get3A_2838 : i32 to index
      %get3A_2840 = arith.constant 96 : index
      %get3A_2841 = tpu.vector_load %arg8[%get3A_2839, %get3A_2840] {strides = array<i32>} : memref<80x128xbf16, #tpu.memory_space<vmem>>, vector<32xbf16>,
      %get3A_2842 = arith.constant 11 : i32
      %get3A_2843 = arith.index_cast %get3A_2842 : i32 to index
      %get3A_2844 = arith.constant 96 : index
      %get3A_2845 = tpu.vector_load %arg8[%get3A_2843, %get3A_2844] {strides = array<i32>} : memref<80x128xbf16, #tpu.memory_space<vmem>>, vector<32xbf16>,
      %get3A_2846 = arith.constant 12 : i32
      %get3A_2847 = arith.index_cast %get3A_2846 : i32 to index
      %get3A_2848 = arith.constant 96 : index
      %get3A_2849 = tpu.vector_load %arg8[%get3A_2847, %get3A_2848] {strides = array<i32>} : memref<80x128xbf16, #tpu.memory_space<vmem>>, vector<32xbf16>,
      %get3A_2850 = arith.constant 13 : i32
      %get3A_2851 = arith.index_cast %get3A_2850 : i32 to index
      %get3A_2852 = arith.constant 96 : index
      %get3A_2853 = tpu.vector_load %arg8[%get3A_2851, %get3A_2852] {strides = array<i32>} : memref<80x128xbf16, #tpu.memory_space<vmem>>, vector<32xbf16>,
      %get3A_2854 = arith.constant 14 : i32
      %get3A_2855 = arith.index_cast %get3A_2854 : i32 to index
      %get3A_2856 = arith.constant 96 : index
      %get3A_2857 = tpu.vector_load %arg8[%get3A_2855, %get3A_2856] {strides = array<i32>} : memref<80x128xbf16, #tpu.memory_space<vmem>>, vector<32xbf16>,
      %get3A_2858 = arith.constant 15 : i32
      %get3A_2859 = arith.index_cast %get3A_2858 : i32 to index
      %get3A_2860 = arith.constant 96 : index
      %get3A_2861 = tpu.vector_load %arg8[%get3A_2859, %get3A_2860] {strides = array<i32>} : memref<80x128xbf16, #tpu.memory_space<vmem>>, vector<32xbf16>,
      %get3A_2862 = arith.constant 16 : i32
      %get3A_2863 = arith.index_cast %get3A_2862 : i32 to index
      %get3A_2864 = arith.constant 96 : index
      %get3A_2865 = tpu.vector_load %arg8[%get3A_2863, %get3A_2864] {strides = array<i32>} : memref<80x128xbf16, #tpu.memory_space<vmem>>, vector<32xbf16>,
      %get3A_2866 = arith.constant 17 : i32
      %get3A_2867 = arith.index_cast %get3A_2866 : i32 to index
      %get3A_2868 = arith.constant 96 : index
      %get3A_2869 = tpu.vector_load %arg8[%get3A_2867, %get3A_2868] {strides = array<i32>} : memref<80x128xbf16, #tpu.memory_space<vmem>>, vector<32xbf16>,
      %get3A_2870 = arith.constant 18 : i32
      %get3A_2871 = arith.index_cast %get3A_2870 : i32 to index
      %get3A_2872 = arith.constant 96 : index
      %get3A_2873 = tpu.vector_load %arg8[%get3A_2871, %get3A_2872] {strides = array<i32>} : memref<80x128xbf16, #tpu.memory_space<vmem>>, vector<32xbf16>,
      %get3A_2874 = arith.constant 19 : i32
      %get3A_2875 = arith.index_cast %get3A_2874 : i32 to index
      %get3A_2876 = arith.constant 96 : index
      %get3A_2877 = tpu.vector_load %arg8[%get3A_2875, %get3A_2876] {strides = array<i32>} : memref<80x128xbf16, #tpu.memory_space<vmem>>, vector<32xbf16>,
      %add3A_2878 = arith.addf %get3A_2841, %get3A_2845 : vector<32xbf16>
      %add3A_2879 = arith.addf %get3A_2849, %get3A_2853 : vector<32xbf16>
      %add3A_2880 = arith.addf %get3A_2857, %get3A_2861 : vector<32xbf16>
      %add3A_2881 = arith.addf %get3A_2865, %get3A_2869 : vector<32xbf16>
      %add3A_2882 = arith.addf %get3A_2873, %get3A_2877 : vector<32xbf16>
      %add3A_2883 = arith.addf %add3A_2878, %add3A_2879 : vector<32xbf16>
      %add3A_2884 = arith.addf %add3A_2880, %add3A_2881 : vector<32xbf16>
      %add3A_2885 = arith.addf %add3A_2883, %add3A_2884 : vector<32xbf16>
      %add3A_2886 = arith.addf %add3A_2885, %add3A_2882 : vector<32xbf16>
      %unpack3A_2887 = tpu.unpack_subelements %add3A_2886, 0 {pack_format = #tpu.pack_format<interleaved>} : vector<32xbf16> -> vector<16xf32>
      %unpack3A_2888 = tpu.unpack_subelements %add3A_2886, 1 {pack_format = #tpu.pack_format<interleaved>} : vector<32xbf16> -> vector<16xf32>
      %add3A_2889 = arith.constant 96 : i32
      %add3A_2890 = vector.broadcast %add3A_2889 : i32 to vector<16xi32>
      %add3A_2891 = arith.addi %mul3A_2, %add3A_2890 : vector<16xi32>
      %mul3A_2892 = vector.broadcast %squeeze3A : f32 to vector<16xf32>
      %mul3A_2893 = arith.mulf %unpack3A_2887, %mul3A_2892 : vector<16xf32>
      %scatter3A_2894 = arith.constant 1 : i32
      %scatter3A_2895 = arith.constant 0 : i32
      %scatter3A_2896 = tpu.memref_slice %arg10[%scatter3A_2894, %scatter3A_2895] : memref<8x128xf32, #tpu.memory_space<vmem>> -> memref<1x128xf32, #tpu.memory_space<vmem>>
      %scatter3A_2897 = tpu.memref_squeeze %scatter3A_2896 : memref<1x128xf32, #tpu.memory_space<vmem>> -> memref<128xf32, #tpu.memory_space<vmem>>
      tpu.vector_store_idx %scatter3A_2897[%add3A_2891], %mul3A_2893 : memref<128xf32, #tpu.memory_space<vmem>>[vector<16xi32>], vector<16xf32>,
      %add3A_2898 = arith.constant 97 : i32
      %add3A_2899 = vector.broadcast %add3A_2898 : i32 to vector<16xi32>
      %add3A_2900 = arith.addi %mul3A_2, %add3A_2899 : vector<16xi32>
      %mul3A_2901 = vector.broadcast %squeeze3A : f32 to vector<16xf32>
      %mul3A_2902 = arith.mulf %unpack3A_2888, %mul3A_2901 : vector<16xf32>
      %scatter3A_2903 = arith.constant 1 : i32
      %scatter3A_2904 = arith.constant 0 : i32
      %scatter3A_2905 = tpu.memref_slice %arg10[%scatter3A_2903, %scatter3A_2904] : memref<8x128xf32, #tpu.memory_space<vmem>> -> memref<1x128xf32, #tpu.memory_space<vmem>>
      %scatter3A_2906 = tpu.memref_squeeze %scatter3A_2905 : memref<1x128xf32, #tpu.memory_space<vmem>> -> memref<128xf32, #tpu.memory_space<vmem>>
      tpu.vector_store_idx %scatter3A_2906[%add3A_2900], %mul3A_2902 : memref<128xf32, #tpu.memory_space<vmem>>[vector<16xi32>], vector<16xf32>,
      %get3A_2907 = arith.constant 20 : i32
      %get3A_2908 = arith.index_cast %get3A_2907 : i32 to index
      %get3A_2909 = arith.constant 0 : index
      %get3A_2910 = tpu.vector_load %arg8[%get3A_2908, %get3A_2909] {strides = array<i32>} : memref<80x128xbf16, #tpu.memory_space<vmem>>, vector<32xbf16>,
      %get3A_2911 = arith.constant 21 : i32
      %get3A_2912 = arith.index_cast %get3A_2911 : i32 to index
      %get3A_2913 = arith.constant 0 : index
      %get3A_2914 = tpu.vector_load %arg8[%get3A_2912, %get3A_2913] {strides = array<i32>} : memref<80x128xbf16, #tpu.memory_space<vmem>>, vector<32xbf16>,
      %get3A_2915 = arith.constant 22 : i32
      %get3A_2916 = arith.index_cast %get3A_2915 : i32 to index
      %get3A_2917 = arith.constant 0 : index
      %get3A_2918 = tpu.vector_load %arg8[%get3A_2916, %get3A_2917] {strides = array<i32>} : memref<80x128xbf16, #tpu.memory_space<vmem>>, vector<32xbf16>,
      %get3A_2919 = arith.constant 23 : i32
      %get3A_2920 = arith.index_cast %get3A_2919 : i32 to index
      %get3A_2921 = arith.constant 0 : index
      %get3A_2922 = tpu.vector_load %arg8[%get3A_2920, %get3A_2921] {strides = array<i32>} : memref<80x128xbf16, #tpu.memory_space<vmem>>, vector<32xbf16>,
      %get3A_2923 = arith.constant 24 : i32
      %get3A_2924 = arith.index_cast %get3A_2923 : i32 to index
      %get3A_2925 = arith.constant 0 : index
      %get3A_2926 = tpu.vector_load %arg8[%get3A_2924, %get3A_2925] {strides = array<i32>} : memref<80x128xbf16, #tpu.memory_space<vmem>>, vector<32xbf16>,
      %get3A_2927 = arith.constant 25 : i32
      %get3A_2928 = arith.index_cast %get3A_2927 : i32 to index
      %get3A_2929 = arith.constant 0 : index
      %get3A_2930 = tpu.vector_load %arg8[%get3A_2928, %get3A_2929] {strides = array<i32>} : memref<80x128xbf16, #tpu.memory_space<vmem>>, vector<32xbf16>,
      %get3A_2931 = arith.constant 26 : i32
      %get3A_2932 = arith.index_cast %get3A_2931 : i32 to index
      %get3A_2933 = arith.constant 0 : index
      %get3A_2934 = tpu.vector_load %arg8[%get3A_2932, %get3A_2933] {strides = array<i32>} : memref<80x128xbf16, #tpu.memory_space<vmem>>, vector<32xbf16>,
      %get3A_2935 = arith.constant 27 : i32
      %get3A_2936 = arith.index_cast %get3A_2935 : i32 to index
      %get3A_2937 = arith.constant 0 : index
      %get3A_2938 = tpu.vector_load %arg8[%get3A_2936, %get3A_2937] {strides = array<i32>} : memref<80x128xbf16, #tpu.memory_space<vmem>>, vector<32xbf16>,
      %get3A_2939 = arith.constant 28 : i32
      %get3A_2940 = arith.index_cast %get3A_2939 : i32 to index
      %get3A_2941 = arith.constant 0 : index
      %get3A_2942 = tpu.vector_load %arg8[%get3A_2940, %get3A_2941] {strides = array<i32>} : memref<80x128xbf16, #tpu.memory_space<vmem>>, vector<32xbf16>,
      %get3A_2943 = arith.constant 29 : i32
      %get3A_2944 = arith.index_cast %get3A_2943 : i32 to index
      %get3A_2945 = arith.constant 0 : index
      %get3A_2946 = tpu.vector_load %arg8[%get3A_2944, %get3A_2945] {strides = array<i32>} : memref<80x128xbf16, #tpu.memory_space<vmem>>, vector<32xbf16>,
      %add3A_2947 = arith.addf %get3A_2910, %get3A_2914 : vector<32xbf16>
      %add3A_2948 = arith.addf %get3A_2918, %get3A_2922 : vector<32xbf16>
      %add3A_2949 = arith.addf %get3A_2926, %get3A_2930 : vector<32xbf16>
      %add3A_2950 = arith.addf %get3A_2934, %get3A_2938 : vector<32xbf16>
      %add3A_2951 = arith.addf %get3A_2942, %get3A_2946 : vector<32xbf16>
      %add3A_2952 = arith.addf %add3A_2947, %add3A_2948 : vector<32xbf16>
      %add3A_2953 = arith.addf %add3A_2949, %add3A_2950 : vector<32xbf16>
      %add3A_2954 = arith.addf %add3A_2952, %add3A_2953 : vector<32xbf16>
      %add3A_2955 = arith.addf %add3A_2954, %add3A_2951 : vector<32xbf16>
      %unpack3A_2956 = tpu.unpack_subelements %add3A_2955, 0 {pack_format = #tpu.pack_format<interleaved>} : vector<32xbf16> -> vector<16xf32>
      %unpack3A_2957 = tpu.unpack_subelements %add3A_2955, 1 {pack_format = #tpu.pack_format<interleaved>} : vector<32xbf16> -> vector<16xf32>
      %add3A_2958 = arith.constant 0 : i32
      %add3A_2959 = vector.broadcast %add3A_2958 : i32 to vector<16xi32>
      %add3A_2960 = arith.addi %mul3A_2, %add3A_2959 : vector<16xi32>
      %mul3A_2961 = vector.broadcast %squeeze3A : f32 to vector<16xf32>
      %mul3A_2962 = arith.mulf %unpack3A_2956, %mul3A_2961 : vector<16xf32>
      %scatter3A_2963 = arith.constant 2 : i32
      %scatter3A_2964 = arith.constant 0 : i32
      %scatter3A_2965 = tpu.memref_slice %arg10[%scatter3A_2963, %scatter3A_2964] : memref<8x128xf32, #tpu.memory_space<vmem>> -> memref<1x128xf32, #tpu.memory_space<vmem>>
      %scatter3A_2966 = tpu.memref_squeeze %scatter3A_2965 : memref<1x128xf32, #tpu.memory_space<vmem>> -> memref<128xf32, #tpu.memory_space<vmem>>
      tpu.vector_store_idx %scatter3A_2966[%add3A_2960], %mul3A_2962 : memref<128xf32, #tpu.memory_space<vmem>>[vector<16xi32>], vector<16xf32>,
      %add3A_2967 = arith.constant 1 : i32
      %add3A_2968 = vector.broadcast %add3A_2967 : i32 to vector<16xi32>
      %add3A_2969 = arith.addi %mul3A_2, %add3A_2968 : vector<16xi32>
      %mul3A_2970 = vector.broadcast %squeeze3A : f32 to vector<16xf32>
      %mul3A_2971 = arith.mulf %unpack3A_2957, %mul3A_2970 : vector<16xf32>
      %scatter3A_2972 = arith.constant 2 : i32
      %scatter3A_2973 = arith.constant 0 : i32
      %scatter3A_2974 = tpu.memref_slice %arg10[%scatter3A_2972, %scatter3A_2973] : memref<8x128xf32, #tpu.memory_space<vmem>> -> memref<1x128xf32, #tpu.memory_space<vmem>>
      %scatter3A_2975 = tpu.memref_squeeze %scatter3A_2974 : memref<1x128xf32, #tpu.memory_space<vmem>> -> memref<128xf32, #tpu.memory_space<vmem>>
      tpu.vector_store_idx %scatter3A_2975[%add3A_2969], %mul3A_2971 : memref<128xf32, #tpu.memory_space<vmem>>[vector<16xi32>], vector<16xf32>,
      %get3A_2976 = arith.constant 20 : i32
      %get3A_2977 = arith.index_cast %get3A_2976 : i32 to index
      %get3A_2978 = arith.constant 32 : index
      %get3A_2979 = tpu.vector_load %arg8[%get3A_2977, %get3A_2978] {strides = array<i32>} : memref<80x128xbf16, #tpu.memory_space<vmem>>, vector<32xbf16>,
      %get3A_2980 = arith.constant 21 : i32
      %get3A_2981 = arith.index_cast %get3A_2980 : i32 to index
      %get3A_2982 = arith.constant 32 : index
      %get3A_2983 = tpu.vector_load %arg8[%get3A_2981, %get3A_2982] {strides = array<i32>} : memref<80x128xbf16, #tpu.memory_space<vmem>>, vector<32xbf16>,
      %get3A_2984 = arith.constant 22 : i32
      %get3A_2985 = arith.index_cast %get3A_2984 : i32 to index
      %get3A_2986 = arith.constant 32 : index
      %get3A_2987 = tpu.vector_load %arg8[%get3A_2985, %get3A_2986] {strides = array<i32>} : memref<80x128xbf16, #tpu.memory_space<vmem>>, vector<32xbf16>,
      %get3A_2988 = arith.constant 23 : i32
      %get3A_2989 = arith.index_cast %get3A_2988 : i32 to index
      %get3A_2990 = arith.constant 32 : index
      %get3A_2991 = tpu.vector_load %arg8[%get3A_2989, %get3A_2990] {strides = array<i32>} : memref<80x128xbf16, #tpu.memory_space<vmem>>, vector<32xbf16>,
      %get3A_2992 = arith.constant 24 : i32
      %get3A_2993 = arith.index_cast %get3A_2992 : i32 to index
      %get3A_2994 = arith.constant 32 : index
      %get3A_2995 = tpu.vector_load %arg8[%get3A_2993, %get3A_2994] {strides = array<i32>} : memref<80x128xbf16, #tpu.memory_space<vmem>>, vector<32xbf16>,
      %get3A_2996 = arith.constant 25 : i32
      %get3A_2997 = arith.index_cast %get3A_2996 : i32 to index
      %get3A_2998 = arith.constant 32 : index
      %get3A_2999 = tpu.vector_load %arg8[%get3A_2997, %get3A_2998] {strides = array<i32>} : memref<80x128xbf16, #tpu.memory_space<vmem>>, vector<32xbf16>,
      %get3A_3000 = arith.constant 26 : i32
      %get3A_3001 = arith.index_cast %get3A_3000 : i32 to index
      %get3A_3002 = arith.constant 32 : index
      %get3A_3003 = tpu.vector_load %arg8[%get3A_3001, %get3A_3002] {strides = array<i32>} : memref<80x128xbf16, #tpu.memory_space<vmem>>, vector<32xbf16>,
      %get3A_3004 = arith.constant 27 : i32
      %get3A_3005 = arith.index_cast %get3A_3004 : i32 to index
      %get3A_3006 = arith.constant 32 : index
      %get3A_3007 = tpu.vector_load %arg8[%get3A_3005, %get3A_3006] {strides = array<i32>} : memref<80x128xbf16, #tpu.memory_space<vmem>>, vector<32xbf16>,
      %get3A_3008 = arith.constant 28 : i32
      %get3A_3009 = arith.index_cast %get3A_3008 : i32 to index
      %get3A_3010 = arith.constant 32 : index
      %get3A_3011 = tpu.vector_load %arg8[%get3A_3009, %get3A_3010] {strides = array<i32>} : memref<80x128xbf16, #tpu.memory_space<vmem>>, vector<32xbf16>,
      %get3A_3012 = arith.constant 29 : i32
      %get3A_3013 = arith.index_cast %get3A_3012 : i32 to index
      %get3A_3014 = arith.constant 32 : index
      %get3A_3015 = tpu.vector_load %arg8[%get3A_3013, %get3A_3014] {strides = array<i32>} : memref<80x128xbf16, #tpu.memory_space<vmem>>, vector<32xbf16>,
      %add3A_3016 = arith.addf %get3A_2979, %get3A_2983 : vector<32xbf16>
      %add3A_3017 = arith.addf %get3A_2987, %get3A_2991 : vector<32xbf16>
      %add3A_3018 = arith.addf %get3A_2995, %get3A_2999 : vector<32xbf16>
      %add3A_3019 = arith.addf %get3A_3003, %get3A_3007 : vector<32xbf16>
      %add3A_3020 = arith.addf %get3A_3011, %get3A_3015 : vector<32xbf16>
      %add3A_3021 = arith.addf %add3A_3016, %add3A_3017 : vector<32xbf16>
      %add3A_3022 = arith.addf %add3A_3018, %add3A_3019 : vector<32xbf16>
      %add3A_3023 = arith.addf %add3A_3021, %add3A_3022 : vector<32xbf16>
      %add3A_3024 = arith.addf %add3A_3023, %add3A_3020 : vector<32xbf16>
      %unpack3A_3025 = tpu.unpack_subelements %add3A_3024, 0 {pack_format = #tpu.pack_format<interleaved>} : vector<32xbf16> -> vector<16xf32>
      %unpack3A_3026 = tpu.unpack_subelements %add3A_3024, 1 {pack_format = #tpu.pack_format<interleaved>} : vector<32xbf16> -> vector<16xf32>
      %add3A_3027 = arith.constant 32 : i32
      %add3A_3028 = vector.broadcast %add3A_3027 : i32 to vector<16xi32>
      %add3A_3029 = arith.addi %mul3A_2, %add3A_3028 : vector<16xi32>
      %mul3A_3030 = vector.broadcast %squeeze3A : f32 to vector<16xf32>
      %mul3A_3031 = arith.mulf %unpack3A_3025, %mul3A_3030 : vector<16xf32>
      %scatter3A_3032 = arith.constant 2 : i32
      %scatter3A_3033 = arith.constant 0 : i32
      %scatter3A_3034 = tpu.memref_slice %arg10[%scatter3A_3032, %scatter3A_3033] : memref<8x128xf32, #tpu.memory_space<vmem>> -> memref<1x128xf32, #tpu.memory_space<vmem>>
      %scatter3A_3035 = tpu.memref_squeeze %scatter3A_3034 : memref<1x128xf32, #tpu.memory_space<vmem>> -> memref<128xf32, #tpu.memory_space<vmem>>
      tpu.vector_store_idx %scatter3A_3035[%add3A_3029], %mul3A_3031 : memref<128xf32, #tpu.memory_space<vmem>>[vector<16xi32>], vector<16xf32>,
      %add3A_3036 = arith.constant 33 : i32
      %add3A_3037 = vector.broadcast %add3A_3036 : i32 to vector<16xi32>
      %add3A_3038 = arith.addi %mul3A_2, %add3A_3037 : vector<16xi32>
      %mul3A_3039 = vector.broadcast %squeeze3A : f32 to vector<16xf32>
      %mul3A_3040 = arith.mulf %unpack3A_3026, %mul3A_3039 : vector<16xf32>
      %scatter3A_3041 = arith.constant 2 : i32
      %scatter3A_3042 = arith.constant 0 : i32
      %scatter3A_3043 = tpu.memref_slice %arg10[%scatter3A_3041, %scatter3A_3042] : memref<8x128xf32, #tpu.memory_space<vmem>> -> memref<1x128xf32, #tpu.memory_space<vmem>>
      %scatter3A_3044 = tpu.memref_squeeze %scatter3A_3043 : memref<1x128xf32, #tpu.memory_space<vmem>> -> memref<128xf32, #tpu.memory_space<vmem>>
      tpu.vector_store_idx %scatter3A_3044[%add3A_3038], %mul3A_3040 : memref<128xf32, #tpu.memory_space<vmem>>[vector<16xi32>], vector<16xf32>,
      %get3A_3045 = arith.constant 20 : i32
      %get3A_3046 = arith.index_cast %get3A_3045 : i32 to index
      %get3A_3047 = arith.constant 64 : index
      %get3A_3048 = tpu.vector_load %arg8[%get3A_3046, %get3A_3047] {strides = array<i32>} : memref<80x128xbf16, #tpu.memory_space<vmem>>, vector<32xbf16>,
      %get3A_3049 = arith.constant 21 : i32
      %get3A_3050 = arith.index_cast %get3A_3049 : i32 to index
      %get3A_3051 = arith.constant 64 : index
      %get3A_3052 = tpu.vector_load %arg8[%get3A_3050, %get3A_3051] {strides = array<i32>} : memref<80x128xbf16, #tpu.memory_space<vmem>>, vector<32xbf16>,
      %get3A_3053 = arith.constant 22 : i32
      %get3A_3054 = arith.index_cast %get3A_3053 : i32 to index
      %get3A_3055 = arith.constant 64 : index
      %get3A_3056 = tpu.vector_load %arg8[%get3A_3054, %get3A_3055] {strides = array<i32>} : memref<80x128xbf16, #tpu.memory_space<vmem>>, vector<32xbf16>,
      %get3A_3057 = arith.constant 23 : i32
      %get3A_3058 = arith.index_cast %get3A_3057 : i32 to index
      %get3A_3059 = arith.constant 64 : index
      %get3A_3060 = tpu.vector_load %arg8[%get3A_3058, %get3A_3059] {strides = array<i32>} : memref<80x128xbf16, #tpu.memory_space<vmem>>, vector<32xbf16>,
      %get3A_3061 = arith.constant 24 : i32
      %get3A_3062 = arith.index_cast %get3A_3061 : i32 to index
      %get3A_3063 = arith.constant 64 : index
      %get3A_3064 = tpu.vector_load %arg8[%get3A_3062, %get3A_3063] {strides = array<i32>} : memref<80x128xbf16, #tpu.memory_space<vmem>>, vector<32xbf16>,
      %get3A_3065 = arith.constant 25 : i32
      %get3A_3066 = arith.index_cast %get3A_3065 : i32 to index
      %get3A_3067 = arith.constant 64 : index
      %get3A_3068 = tpu.vector_load %arg8[%get3A_3066, %get3A_3067] {strides = array<i32>} : memref<80x128xbf16, #tpu.memory_space<vmem>>, vector<32xbf16>,
      %get3A_3069 = arith.constant 26 : i32
      %get3A_3070 = arith.index_cast %get3A_3069 : i32 to index
      %get3A_3071 = arith.constant 64 : index
      %get3A_3072 = tpu.vector_load %arg8[%get3A_3070, %get3A_3071] {strides = array<i32>} : memref<80x128xbf16, #tpu.memory_space<vmem>>, vector<32xbf16>,
      %get3A_3073 = arith.constant 27 : i32
      %get3A_3074 = arith.index_cast %get3A_3073 : i32 to index
      %get3A_3075 = arith.constant 64 : index
      %get3A_3076 = tpu.vector_load %arg8[%get3A_3074, %get3A_3075] {strides = array<i32>} : memref<80x128xbf16, #tpu.memory_space<vmem>>, vector<32xbf16>,
      %get3A_3077 = arith.constant 28 : i32
      %get3A_3078 = arith.index_cast %get3A_3077 : i32 to index
      %get3A_3079 = arith.constant 64 : index
      %get3A_3080 = tpu.vector_load %arg8[%get3A_3078, %get3A_3079] {strides = array<i32>} : memref<80x128xbf16, #tpu.memory_space<vmem>>, vector<32xbf16>,
      %get3A_3081 = arith.constant 29 : i32
      %get3A_3082 = arith.index_cast %get3A_3081 : i32 to index
      %get3A_3083 = arith.constant 64 : index
      %get3A_3084 = tpu.vector_load %arg8[%get3A_3082, %get3A_3083] {strides = array<i32>} : memref<80x128xbf16, #tpu.memory_space<vmem>>, vector<32xbf16>,
      %add3A_3085 = arith.addf %get3A_3048, %get3A_3052 : vector<32xbf16>
      %add3A_3086 = arith.addf %get3A_3056, %get3A_3060 : vector<32xbf16>
      %add3A_3087 = arith.addf %get3A_3064, %get3A_3068 : vector<32xbf16>
      %add3A_3088 = arith.addf %get3A_3072, %get3A_3076 : vector<32xbf16>
      %add3A_3089 = arith.addf %get3A_3080, %get3A_3084 : vector<32xbf16>
      %add3A_3090 = arith.addf %add3A_3085, %add3A_3086 : vector<32xbf16>
      %add3A_3091 = arith.addf %add3A_3087, %add3A_3088 : vector<32xbf16>
      %add3A_3092 = arith.addf %add3A_3090, %add3A_3091 : vector<32xbf16>
      %add3A_3093 = arith.addf %add3A_3092, %add3A_3089 : vector<32xbf16>
      %unpack3A_3094 = tpu.unpack_subelements %add3A_3093, 0 {pack_format = #tpu.pack_format<interleaved>} : vector<32xbf16> -> vector<16xf32>
      %unpack3A_3095 = tpu.unpack_subelements %add3A_3093, 1 {pack_format = #tpu.pack_format<interleaved>} : vector<32xbf16> -> vector<16xf32>
      %add3A_3096 = arith.constant 64 : i32
      %add3A_3097 = vector.broadcast %add3A_3096 : i32 to vector<16xi32>
      %add3A_3098 = arith.addi %mul3A_2, %add3A_3097 : vector<16xi32>
      %mul3A_3099 = vector.broadcast %squeeze3A : f32 to vector<16xf32>
      %mul3A_3100 = arith.mulf %unpack3A_3094, %mul3A_3099 : vector<16xf32>
      %scatter3A_3101 = arith.constant 2 : i32
      %scatter3A_3102 = arith.constant 0 : i32
      %scatter3A_3103 = tpu.memref_slice %arg10[%scatter3A_3101, %scatter3A_3102] : memref<8x128xf32, #tpu.memory_space<vmem>> -> memref<1x128xf32, #tpu.memory_space<vmem>>
      %scatter3A_3104 = tpu.memref_squeeze %scatter3A_3103 : memref<1x128xf32, #tpu.memory_space<vmem>> -> memref<128xf32, #tpu.memory_space<vmem>>
      tpu.vector_store_idx %scatter3A_3104[%add3A_3098], %mul3A_3100 : memref<128xf32, #tpu.memory_space<vmem>>[vector<16xi32>], vector<16xf32>,
      %add3A_3105 = arith.constant 65 : i32
      %add3A_3106 = vector.broadcast %add3A_3105 : i32 to vector<16xi32>
      %add3A_3107 = arith.addi %mul3A_2, %add3A_3106 : vector<16xi32>
      %mul3A_3108 = vector.broadcast %squeeze3A : f32 to vector<16xf32>
      %mul3A_3109 = arith.mulf %unpack3A_3095, %mul3A_3108 : vector<16xf32>
      %scatter3A_3110 = arith.constant 2 : i32
      %scatter3A_3111 = arith.constant 0 : i32
      %scatter3A_3112 = tpu.memref_slice %arg10[%scatter3A_3110, %scatter3A_3111] : memref<8x128xf32, #tpu.memory_space<vmem>> -> memref<1x128xf32, #tpu.memory_space<vmem>>
      %scatter3A_3113 = tpu.memref_squeeze %scatter3A_3112 : memref<1x128xf32, #tpu.memory_space<vmem>> -> memref<128xf32, #tpu.memory_space<vmem>>
      tpu.vector_store_idx %scatter3A_3113[%add3A_3107], %mul3A_3109 : memref<128xf32, #tpu.memory_space<vmem>>[vector<16xi32>], vector<16xf32>,
      %get3A_3114 = arith.constant 20 : i32
      %get3A_3115 = arith.index_cast %get3A_3114 : i32 to index
      %get3A_3116 = arith.constant 96 : index
      %get3A_3117 = tpu.vector_load %arg8[%get3A_3115, %get3A_3116] {strides = array<i32>} : memref<80x128xbf16, #tpu.memory_space<vmem>>, vector<32xbf16>,
      %get3A_3118 = arith.constant 21 : i32
      %get3A_3119 = arith.index_cast %get3A_3118 : i32 to index
      %get3A_3120 = arith.constant 96 : index
      %get3A_3121 = tpu.vector_load %arg8[%get3A_3119, %get3A_3120] {strides = array<i32>} : memref<80x128xbf16, #tpu.memory_space<vmem>>, vector<32xbf16>,
      %get3A_3122 = arith.constant 22 : i32
      %get3A_3123 = arith.index_cast %get3A_3122 : i32 to index
      %get3A_3124 = arith.constant 96 : index
      %get3A_3125 = tpu.vector_load %arg8[%get3A_3123, %get3A_3124] {strides = array<i32>} : memref<80x128xbf16, #tpu.memory_space<vmem>>, vector<32xbf16>,
      %get3A_3126 = arith.constant 23 : i32
      %get3A_3127 = arith.index_cast %get3A_3126 : i32 to index
      %get3A_3128 = arith.constant 96 : index
      %get3A_3129 = tpu.vector_load %arg8[%get3A_3127, %get3A_3128] {strides = array<i32>} : memref<80x128xbf16, #tpu.memory_space<vmem>>, vector<32xbf16>,
      %get3A_3130 = arith.constant 24 : i32
      %get3A_3131 = arith.index_cast %get3A_3130 : i32 to index
      %get3A_3132 = arith.constant 96 : index
      %get3A_3133 = tpu.vector_load %arg8[%get3A_3131, %get3A_3132] {strides = array<i32>} : memref<80x128xbf16, #tpu.memory_space<vmem>>, vector<32xbf16>,
      %get3A_3134 = arith.constant 25 : i32
      %get3A_3135 = arith.index_cast %get3A_3134 : i32 to index
      %get3A_3136 = arith.constant 96 : index
      %get3A_3137 = tpu.vector_load %arg8[%get3A_3135, %get3A_3136] {strides = array<i32>} : memref<80x128xbf16, #tpu.memory_space<vmem>>, vector<32xbf16>,
      %get3A_3138 = arith.constant 26 : i32
      %get3A_3139 = arith.index_cast %get3A_3138 : i32 to index
      %get3A_3140 = arith.constant 96 : index
      %get3A_3141 = tpu.vector_load %arg8[%get3A_3139, %get3A_3140] {strides = array<i32>} : memref<80x128xbf16, #tpu.memory_space<vmem>>, vector<32xbf16>,
      %get3A_3142 = arith.constant 27 : i32
      %get3A_3143 = arith.index_cast %get3A_3142 : i32 to index
      %get3A_3144 = arith.constant 96 : index
      %get3A_3145 = tpu.vector_load %arg8[%get3A_3143, %get3A_3144] {strides = array<i32>} : memref<80x128xbf16, #tpu.memory_space<vmem>>, vector<32xbf16>,
      %get3A_3146 = arith.constant 28 : i32
      %get3A_3147 = arith.index_cast %get3A_3146 : i32 to index
      %get3A_3148 = arith.constant 96 : index
      %get3A_3149 = tpu.vector_load %arg8[%get3A_3147, %get3A_3148] {strides = array<i32>} : memref<80x128xbf16, #tpu.memory_space<vmem>>, vector<32xbf16>,
      %get3A_3150 = arith.constant 29 : i32
      %get3A_3151 = arith.index_cast %get3A_3150 : i32 to index
      %get3A_3152 = arith.constant 96 : index
      %get3A_3153 = tpu.vector_load %arg8[%get3A_3151, %get3A_3152] {strides = array<i32>} : memref<80x128xbf16, #tpu.memory_space<vmem>>, vector<32xbf16>,
      %add3A_3154 = arith.addf %get3A_3117, %get3A_3121 : vector<32xbf16>
      %add3A_3155 = arith.addf %get3A_3125, %get3A_3129 : vector<32xbf16>
      %add3A_3156 = arith.addf %get3A_3133, %get3A_3137 : vector<32xbf16>
      %add3A_3157 = arith.addf %get3A_3141, %get3A_3145 : vector<32xbf16>
      %add3A_3158 = arith.addf %get3A_3149, %get3A_3153 : vector<32xbf16>
      %add3A_3159 = arith.addf %add3A_3154, %add3A_3155 : vector<32xbf16>
      %add3A_3160 = arith.addf %add3A_3156, %add3A_3157 : vector<32xbf16>
      %add3A_3161 = arith.addf %add3A_3159, %add3A_3160 : vector<32xbf16>
      %add3A_3162 = arith.addf %add3A_3161, %add3A_3158 : vector<32xbf16>
      %unpack3A_3163 = tpu.unpack_subelements %add3A_3162, 0 {pack_format = #tpu.pack_format<interleaved>} : vector<32xbf16> -> vector<16xf32>
      %unpack3A_3164 = tpu.unpack_subelements %add3A_3162, 1 {pack_format = #tpu.pack_format<interleaved>} : vector<32xbf16> -> vector<16xf32>
      %add3A_3165 = arith.constant 96 : i32
      %add3A_3166 = vector.broadcast %add3A_3165 : i32 to vector<16xi32>
      %add3A_3167 = arith.addi %mul3A_2, %add3A_3166 : vector<16xi32>
      %mul3A_3168 = vector.broadcast %squeeze3A : f32 to vector<16xf32>
      %mul3A_3169 = arith.mulf %unpack3A_3163, %mul3A_3168 : vector<16xf32>
      %scatter3A_3170 = arith.constant 2 : i32
      %scatter3A_3171 = arith.constant 0 : i32
      %scatter3A_3172 = tpu.memref_slice %arg10[%scatter3A_3170, %scatter3A_3171] : memref<8x128xf32, #tpu.memory_space<vmem>> -> memref<1x128xf32, #tpu.memory_space<vmem>>
      %scatter3A_3173 = tpu.memref_squeeze %scatter3A_3172 : memref<1x128xf32, #tpu.memory_space<vmem>> -> memref<128xf32, #tpu.memory_space<vmem>>
      tpu.vector_store_idx %scatter3A_3173[%add3A_3167], %mul3A_3169 : memref<128xf32, #tpu.memory_space<vmem>>[vector<16xi32>], vector<16xf32>,
      %add3A_3174 = arith.constant 97 : i32
      %add3A_3175 = vector.broadcast %add3A_3174 : i32 to vector<16xi32>
      %add3A_3176 = arith.addi %mul3A_2, %add3A_3175 : vector<16xi32>
      %mul3A_3177 = vector.broadcast %squeeze3A : f32 to vector<16xf32>
      %mul3A_3178 = arith.mulf %unpack3A_3164, %mul3A_3177 : vector<16xf32>
      %scatter3A_3179 = arith.constant 2 : i32
      %scatter3A_3180 = arith.constant 0 : i32
      %scatter3A_3181 = tpu.memref_slice %arg10[%scatter3A_3179, %scatter3A_3180] : memref<8x128xf32, #tpu.memory_space<vmem>> -> memref<1x128xf32, #tpu.memory_space<vmem>>
      %scatter3A_3182 = tpu.memref_squeeze %scatter3A_3181 : memref<1x128xf32, #tpu.memory_space<vmem>> -> memref<128xf32, #tpu.memory_space<vmem>>
      tpu.vector_store_idx %scatter3A_3182[%add3A_3176], %mul3A_3178 : memref<128xf32, #tpu.memory_space<vmem>>[vector<16xi32>], vector<16xf32>,
      %get3A_3183 = arith.constant 30 : i32
      %get3A_3184 = arith.index_cast %get3A_3183 : i32 to index
      %get3A_3185 = arith.constant 0 : index
      %get3A_3186 = tpu.vector_load %arg8[%get3A_3184, %get3A_3185] {strides = array<i32>} : memref<80x128xbf16, #tpu.memory_space<vmem>>, vector<32xbf16>,
      %get3A_3187 = arith.constant 31 : i32
      %get3A_3188 = arith.index_cast %get3A_3187 : i32 to index
      %get3A_3189 = arith.constant 0 : index
      %get3A_3190 = tpu.vector_load %arg8[%get3A_3188, %get3A_3189] {strides = array<i32>} : memref<80x128xbf16, #tpu.memory_space<vmem>>, vector<32xbf16>,
      %get3A_3191 = arith.constant 32 : i32
      %get3A_3192 = arith.index_cast %get3A_3191 : i32 to index
      %get3A_3193 = arith.constant 0 : index
      %get3A_3194 = tpu.vector_load %arg8[%get3A_3192, %get3A_3193] {strides = array<i32>} : memref<80x128xbf16, #tpu.memory_space<vmem>>, vector<32xbf16>,
      %get3A_3195 = arith.constant 33 : i32
      %get3A_3196 = arith.index_cast %get3A_3195 : i32 to index
      %get3A_3197 = arith.constant 0 : index
      %get3A_3198 = tpu.vector_load %arg8[%get3A_3196, %get3A_3197] {strides = array<i32>} : memref<80x128xbf16, #tpu.memory_space<vmem>>, vector<32xbf16>,
      %get3A_3199 = arith.constant 34 : i32
      %get3A_3200 = arith.index_cast %get3A_3199 : i32 to index
      %get3A_3201 = arith.constant 0 : index
      %get3A_3202 = tpu.vector_load %arg8[%get3A_3200, %get3A_3201] {strides = array<i32>} : memref<80x128xbf16, #tpu.memory_space<vmem>>, vector<32xbf16>,
      %get3A_3203 = arith.constant 35 : i32
      %get3A_3204 = arith.index_cast %get3A_3203 : i32 to index
      %get3A_3205 = arith.constant 0 : index
      %get3A_3206 = tpu.vector_load %arg8[%get3A_3204, %get3A_3205] {strides = array<i32>} : memref<80x128xbf16, #tpu.memory_space<vmem>>, vector<32xbf16>,
      %get3A_3207 = arith.constant 36 : i32
      %get3A_3208 = arith.index_cast %get3A_3207 : i32 to index
      %get3A_3209 = arith.constant 0 : index
      %get3A_3210 = tpu.vector_load %arg8[%get3A_3208, %get3A_3209] {strides = array<i32>} : memref<80x128xbf16, #tpu.memory_space<vmem>>, vector<32xbf16>,
      %get3A_3211 = arith.constant 37 : i32
      %get3A_3212 = arith.index_cast %get3A_3211 : i32 to index
      %get3A_3213 = arith.constant 0 : index
      %get3A_3214 = tpu.vector_load %arg8[%get3A_3212, %get3A_3213] {strides = array<i32>} : memref<80x128xbf16, #tpu.memory_space<vmem>>, vector<32xbf16>,
      %get3A_3215 = arith.constant 38 : i32
      %get3A_3216 = arith.index_cast %get3A_3215 : i32 to index
      %get3A_3217 = arith.constant 0 : index
      %get3A_3218 = tpu.vector_load %arg8[%get3A_3216, %get3A_3217] {strides = array<i32>} : memref<80x128xbf16, #tpu.memory_space<vmem>>, vector<32xbf16>,
      %get3A_3219 = arith.constant 39 : i32
      %get3A_3220 = arith.index_cast %get3A_3219 : i32 to index
      %get3A_3221 = arith.constant 0 : index
      %get3A_3222 = tpu.vector_load %arg8[%get3A_3220, %get3A_3221] {strides = array<i32>} : memref<80x128xbf16, #tpu.memory_space<vmem>>, vector<32xbf16>,
      %add3A_3223 = arith.addf %get3A_3186, %get3A_3190 : vector<32xbf16>
      %add3A_3224 = arith.addf %get3A_3194, %get3A_3198 : vector<32xbf16>
      %add3A_3225 = arith.addf %get3A_3202, %get3A_3206 : vector<32xbf16>
      %add3A_3226 = arith.addf %get3A_3210, %get3A_3214 : vector<32xbf16>
      %add3A_3227 = arith.addf %get3A_3218, %get3A_3222 : vector<32xbf16>
      %add3A_3228 = arith.addf %add3A_3223, %add3A_3224 : vector<32xbf16>
      %add3A_3229 = arith.addf %add3A_3225, %add3A_3226 : vector<32xbf16>
      %add3A_3230 = arith.addf %add3A_3228, %add3A_3229 : vector<32xbf16>
      %add3A_3231 = arith.addf %add3A_3230, %add3A_3227 : vector<32xbf16>
      %unpack3A_3232 = tpu.unpack_subelements %add3A_3231, 0 {pack_format = #tpu.pack_format<interleaved>} : vector<32xbf16> -> vector<16xf32>
      %unpack3A_3233 = tpu.unpack_subelements %add3A_3231, 1 {pack_format = #tpu.pack_format<interleaved>} : vector<32xbf16> -> vector<16xf32>
      %add3A_3234 = arith.constant 0 : i32
      %add3A_3235 = vector.broadcast %add3A_3234 : i32 to vector<16xi32>
      %add3A_3236 = arith.addi %mul3A_2, %add3A_3235 : vector<16xi32>
      %mul3A_3237 = vector.broadcast %squeeze3A : f32 to vector<16xf32>
      %mul3A_3238 = arith.mulf %unpack3A_3232, %mul3A_3237 : vector<16xf32>
      %scatter3A_3239 = arith.constant 3 : i32
      %scatter3A_3240 = arith.constant 0 : i32
      %scatter3A_3241 = tpu.memref_slice %arg10[%scatter3A_3239, %scatter3A_3240] : memref<8x128xf32, #tpu.memory_space<vmem>> -> memref<1x128xf32, #tpu.memory_space<vmem>>
      %scatter3A_3242 = tpu.memref_squeeze %scatter3A_3241 : memref<1x128xf32, #tpu.memory_space<vmem>> -> memref<128xf32, #tpu.memory_space<vmem>>
      tpu.vector_store_idx %scatter3A_3242[%add3A_3236], %mul3A_3238 : memref<128xf32, #tpu.memory_space<vmem>>[vector<16xi32>], vector<16xf32>,
      %add3A_3243 = arith.constant 1 : i32
      %add3A_3244 = vector.broadcast %add3A_3243 : i32 to vector<16xi32>
      %add3A_3245 = arith.addi %mul3A_2, %add3A_3244 : vector<16xi32>
      %mul3A_3246 = vector.broadcast %squeeze3A : f32 to vector<16xf32>
      %mul3A_3247 = arith.mulf %unpack3A_3233, %mul3A_3246 : vector<16xf32>
      %scatter3A_3248 = arith.constant 3 : i32
      %scatter3A_3249 = arith.constant 0 : i32
      %scatter3A_3250 = tpu.memref_slice %arg10[%scatter3A_3248, %scatter3A_3249] : memref<8x128xf32, #tpu.memory_space<vmem>> -> memref<1x128xf32, #tpu.memory_space<vmem>>
      %scatter3A_3251 = tpu.memref_squeeze %scatter3A_3250 : memref<1x128xf32, #tpu.memory_space<vmem>> -> memref<128xf32, #tpu.memory_space<vmem>>
      tpu.vector_store_idx %scatter3A_3251[%add3A_3245], %mul3A_3247 : memref<128xf32, #tpu.memory_space<vmem>>[vector<16xi32>], vector<16xf32>,
      %get3A_3252 = arith.constant 30 : i32
      %get3A_3253 = arith.index_cast %get3A_3252 : i32 to index
      %get3A_3254 = arith.constant 32 : index
      %get3A_3255 = tpu.vector_load %arg8[%get3A_3253, %get3A_3254] {strides = array<i32>} : memref<80x128xbf16, #tpu.memory_space<vmem>>, vector<32xbf16>,
      %get3A_3256 = arith.constant 31 : i32
      %get3A_3257 = arith.index_cast %get3A_3256 : i32 to index
      %get3A_3258 = arith.constant 32 : index
      %get3A_3259 = tpu.vector_load %arg8[%get3A_3257, %get3A_3258] {strides = array<i32>} : memref<80x128xbf16, #tpu.memory_space<vmem>>, vector<32xbf16>,
      %get3A_3260 = arith.constant 32 : i32
      %get3A_3261 = arith.index_cast %get3A_3260 : i32 to index
      %get3A_3262 = arith.constant 32 : index
      %get3A_3263 = tpu.vector_load %arg8[%get3A_3261, %get3A_3262] {strides = array<i32>} : memref<80x128xbf16, #tpu.memory_space<vmem>>, vector<32xbf16>,
      %get3A_3264 = arith.constant 33 : i32
      %get3A_3265 = arith.index_cast %get3A_3264 : i32 to index
      %get3A_3266 = arith.constant 32 : index
      %get3A_3267 = tpu.vector_load %arg8[%get3A_3265, %get3A_3266] {strides = array<i32>} : memref<80x128xbf16, #tpu.memory_space<vmem>>, vector<32xbf16>,
      %get3A_3268 = arith.constant 34 : i32
      %get3A_3269 = arith.index_cast %get3A_3268 : i32 to index
      %get3A_3270 = arith.constant 32 : index
      %get3A_3271 = tpu.vector_load %arg8[%get3A_3269, %get3A_3270] {strides = array<i32>} : memref<80x128xbf16, #tpu.memory_space<vmem>>, vector<32xbf16>,
      %get3A_3272 = arith.constant 35 : i32
      %get3A_3273 = arith.index_cast %get3A_3272 : i32 to index
      %get3A_3274 = arith.constant 32 : index
      %get3A_3275 = tpu.vector_load %arg8[%get3A_3273, %get3A_3274] {strides = array<i32>} : memref<80x128xbf16, #tpu.memory_space<vmem>>, vector<32xbf16>,
      %get3A_3276 = arith.constant 36 : i32
      %get3A_3277 = arith.index_cast %get3A_3276 : i32 to index
      %get3A_3278 = arith.constant 32 : index
      %get3A_3279 = tpu.vector_load %arg8[%get3A_3277, %get3A_3278] {strides = array<i32>} : memref<80x128xbf16, #tpu.memory_space<vmem>>, vector<32xbf16>,
      %get3A_3280 = arith.constant 37 : i32
      %get3A_3281 = arith.index_cast %get3A_3280 : i32 to index
      %get3A_3282 = arith.constant 32 : index
      %get3A_3283 = tpu.vector_load %arg8[%get3A_3281, %get3A_3282] {strides = array<i32>} : memref<80x128xbf16, #tpu.memory_space<vmem>>, vector<32xbf16>,
      %get3A_3284 = arith.constant 38 : i32
      %get3A_3285 = arith.index_cast %get3A_3284 : i32 to index
      %get3A_3286 = arith.constant 32 : index
      %get3A_3287 = tpu.vector_load %arg8[%get3A_3285, %get3A_3286] {strides = array<i32>} : memref<80x128xbf16, #tpu.memory_space<vmem>>, vector<32xbf16>,
      %get3A_3288 = arith.constant 39 : i32
      %get3A_3289 = arith.index_cast %get3A_3288 : i32 to index
      %get3A_3290 = arith.constant 32 : index
      %get3A_3291 = tpu.vector_load %arg8[%get3A_3289, %get3A_3290] {strides = array<i32>} : memref<80x128xbf16, #tpu.memory_space<vmem>>, vector<32xbf16>,
      %add3A_3292 = arith.addf %get3A_3255, %get3A_3259 : vector<32xbf16>
      %add3A_3293 = arith.addf %get3A_3263, %get3A_3267 : vector<32xbf16>
      %add3A_3294 = arith.addf %get3A_3271, %get3A_3275 : vector<32xbf16>
      %add3A_3295 = arith.addf %get3A_3279, %get3A_3283 : vector<32xbf16>
      %add3A_3296 = arith.addf %get3A_3287, %get3A_3291 : vector<32xbf16>
      %add3A_3297 = arith.addf %add3A_3292, %add3A_3293 : vector<32xbf16>
      %add3A_3298 = arith.addf %add3A_3294, %add3A_3295 : vector<32xbf16>
      %add3A_3299 = arith.addf %add3A_3297, %add3A_3298 : vector<32xbf16>
      %add3A_3300 = arith.addf %add3A_3299, %add3A_3296 : vector<32xbf16>
      %unpack3A_3301 = tpu.unpack_subelements %add3A_3300, 0 {pack_format = #tpu.pack_format<interleaved>} : vector<32xbf16> -> vector<16xf32>
      %unpack3A_3302 = tpu.unpack_subelements %add3A_3300, 1 {pack_format = #tpu.pack_format<interleaved>} : vector<32xbf16> -> vector<16xf32>
      %add3A_3303 = arith.constant 32 : i32
      %add3A_3304 = vector.broadcast %add3A_3303 : i32 to vector<16xi32>
      %add3A_3305 = arith.addi %mul3A_2, %add3A_3304 : vector<16xi32>
      %mul3A_3306 = vector.broadcast %squeeze3A : f32 to vector<16xf32>
      %mul3A_3307 = arith.mulf %unpack3A_3301, %mul3A_3306 : vector<16xf32>
      %scatter3A_3308 = arith.constant 3 : i32
      %scatter3A_3309 = arith.constant 0 : i32
      %scatter3A_3310 = tpu.memref_slice %arg10[%scatter3A_3308, %scatter3A_3309] : memref<8x128xf32, #tpu.memory_space<vmem>> -> memref<1x128xf32, #tpu.memory_space<vmem>>
      %scatter3A_3311 = tpu.memref_squeeze %scatter3A_3310 : memref<1x128xf32, #tpu.memory_space<vmem>> -> memref<128xf32, #tpu.memory_space<vmem>>
      tpu.vector_store_idx %scatter3A_3311[%add3A_3305], %mul3A_3307 : memref<128xf32, #tpu.memory_space<vmem>>[vector<16xi32>], vector<16xf32>,
      %add3A_3312 = arith.constant 33 : i32
      %add3A_3313 = vector.broadcast %add3A_3312 : i32 to vector<16xi32>
      %add3A_3314 = arith.addi %mul3A_2, %add3A_3313 : vector<16xi32>
      %mul3A_3315 = vector.broadcast %squeeze3A : f32 to vector<16xf32>
      %mul3A_3316 = arith.mulf %unpack3A_3302, %mul3A_3315 : vector<16xf32>
      %scatter3A_3317 = arith.constant 3 : i32
      %scatter3A_3318 = arith.constant 0 : i32
      %scatter3A_3319 = tpu.memref_slice %arg10[%scatter3A_3317, %scatter3A_3318] : memref<8x128xf32, #tpu.memory_space<vmem>> -> memref<1x128xf32, #tpu.memory_space<vmem>>
      %scatter3A_3320 = tpu.memref_squeeze %scatter3A_3319 : memref<1x128xf32, #tpu.memory_space<vmem>> -> memref<128xf32, #tpu.memory_space<vmem>>
      tpu.vector_store_idx %scatter3A_3320[%add3A_3314], %mul3A_3316 : memref<128xf32, #tpu.memory_space<vmem>>[vector<16xi32>], vector<16xf32>,
      %get3A_3321 = arith.constant 30 : i32
      %get3A_3322 = arith.index_cast %get3A_3321 : i32 to index
      %get3A_3323 = arith.constant 64 : index
      %get3A_3324 = tpu.vector_load %arg8[%get3A_3322, %get3A_3323] {strides = array<i32>} : memref<80x128xbf16, #tpu.memory_space<vmem>>, vector<32xbf16>,
      %get3A_3325 = arith.constant 31 : i32
      %get3A_3326 = arith.index_cast %get3A_3325 : i32 to index
      %get3A_3327 = arith.constant 64 : index
      %get3A_3328 = tpu.vector_load %arg8[%get3A_3326, %get3A_3327] {strides = array<i32>} : memref<80x128xbf16, #tpu.memory_space<vmem>>, vector<32xbf16>,
      %get3A_3329 = arith.constant 32 : i32
      %get3A_3330 = arith.index_cast %get3A_3329 : i32 to index
      %get3A_3331 = arith.constant 64 : index
      %get3A_3332 = tpu.vector_load %arg8[%get3A_3330, %get3A_3331] {strides = array<i32>} : memref<80x128xbf16, #tpu.memory_space<vmem>>, vector<32xbf16>,
      %get3A_3333 = arith.constant 33 : i32
      %get3A_3334 = arith.index_cast %get3A_3333 : i32 to index
      %get3A_3335 = arith.constant 64 : index
      %get3A_3336 = tpu.vector_load %arg8[%get3A_3334, %get3A_3335] {strides = array<i32>} : memref<80x128xbf16, #tpu.memory_space<vmem>>, vector<32xbf16>,
      %get3A_3337 = arith.constant 34 : i32
      %get3A_3338 = arith.index_cast %get3A_3337 : i32 to index
      %get3A_3339 = arith.constant 64 : index
      %get3A_3340 = tpu.vector_load %arg8[%get3A_3338, %get3A_3339] {strides = array<i32>} : memref<80x128xbf16, #tpu.memory_space<vmem>>, vector<32xbf16>,
      %get3A_3341 = arith.constant 35 : i32
      %get3A_3342 = arith.index_cast %get3A_3341 : i32 to index
      %get3A_3343 = arith.constant 64 : index
      %get3A_3344 = tpu.vector_load %arg8[%get3A_3342, %get3A_3343] {strides = array<i32>} : memref<80x128xbf16, #tpu.memory_space<vmem>>, vector<32xbf16>,
      %get3A_3345 = arith.constant 36 : i32
      %get3A_3346 = arith.index_cast %get3A_3345 : i32 to index
      %get3A_3347 = arith.constant 64 : index
      %get3A_3348 = tpu.vector_load %arg8[%get3A_3346, %get3A_3347] {strides = array<i32>} : memref<80x128xbf16, #tpu.memory_space<vmem>>, vector<32xbf16>,
      %get3A_3349 = arith.constant 37 : i32
      %get3A_3350 = arith.index_cast %get3A_3349 : i32 to index
      %get3A_3351 = arith.constant 64 : index
      %get3A_3352 = tpu.vector_load %arg8[%get3A_3350, %get3A_3351] {strides = array<i32>} : memref<80x128xbf16, #tpu.memory_space<vmem>>, vector<32xbf16>,
      %get3A_3353 = arith.constant 38 : i32
      %get3A_3354 = arith.index_cast %get3A_3353 : i32 to index
      %get3A_3355 = arith.constant 64 : index
      %get3A_3356 = tpu.vector_load %arg8[%get3A_3354, %get3A_3355] {strides = array<i32>} : memref<80x128xbf16, #tpu.memory_space<vmem>>, vector<32xbf16>,
      %get3A_3357 = arith.constant 39 : i32
      %get3A_3358 = arith.index_cast %get3A_3357 : i32 to index
      %get3A_3359 = arith.constant 64 : index
      %get3A_3360 = tpu.vector_load %arg8[%get3A_3358, %get3A_3359] {strides = array<i32>} : memref<80x128xbf16, #tpu.memory_space<vmem>>, vector<32xbf16>,
      %add3A_3361 = arith.addf %get3A_3324, %get3A_3328 : vector<32xbf16>
      %add3A_3362 = arith.addf %get3A_3332, %get3A_3336 : vector<32xbf16>
      %add3A_3363 = arith.addf %get3A_3340, %get3A_3344 : vector<32xbf16>
      %add3A_3364 = arith.addf %get3A_3348, %get3A_3352 : vector<32xbf16>
      %add3A_3365 = arith.addf %get3A_3356, %get3A_3360 : vector<32xbf16>
      %add3A_3366 = arith.addf %add3A_3361, %add3A_3362 : vector<32xbf16>
      %add3A_3367 = arith.addf %add3A_3363, %add3A_3364 : vector<32xbf16>
      %add3A_3368 = arith.addf %add3A_3366, %add3A_3367 : vector<32xbf16>
      %add3A_3369 = arith.addf %add3A_3368, %add3A_3365 : vector<32xbf16>
      %unpack3A_3370 = tpu.unpack_subelements %add3A_3369, 0 {pack_format = #tpu.pack_format<interleaved>} : vector<32xbf16> -> vector<16xf32>
      %unpack3A_3371 = tpu.unpack_subelements %add3A_3369, 1 {pack_format = #tpu.pack_format<interleaved>} : vector<32xbf16> -> vector<16xf32>
      %add3A_3372 = arith.constant 64 : i32
      %add3A_3373 = vector.broadcast %add3A_3372 : i32 to vector<16xi32>
      %add3A_3374 = arith.addi %mul3A_2, %add3A_3373 : vector<16xi32>
      %mul3A_3375 = vector.broadcast %squeeze3A : f32 to vector<16xf32>
      %mul3A_3376 = arith.mulf %unpack3A_3370, %mul3A_3375 : vector<16xf32>
      %scatter3A_3377 = arith.constant 3 : i32
      %scatter3A_3378 = arith.constant 0 : i32
      %scatter3A_3379 = tpu.memref_slice %arg10[%scatter3A_3377, %scatter3A_3378] : memref<8x128xf32, #tpu.memory_space<vmem>> -> memref<1x128xf32, #tpu.memory_space<vmem>>
      %scatter3A_3380 = tpu.memref_squeeze %scatter3A_3379 : memref<1x128xf32, #tpu.memory_space<vmem>> -> memref<128xf32, #tpu.memory_space<vmem>>
      tpu.vector_store_idx %scatter3A_3380[%add3A_3374], %mul3A_3376 : memref<128xf32, #tpu.memory_space<vmem>>[vector<16xi32>], vector<16xf32>,
      %add3A_3381 = arith.constant 65 : i32
      %add3A_3382 = vector.broadcast %add3A_3381 : i32 to vector<16xi32>
      %add3A_3383 = arith.addi %mul3A_2, %add3A_3382 : vector<16xi32>
      %mul3A_3384 = vector.broadcast %squeeze3A : f32 to vector<16xf32>
      %mul3A_3385 = arith.mulf %unpack3A_3371, %mul3A_3384 : vector<16xf32>
      %scatter3A_3386 = arith.constant 3 : i32
      %scatter3A_3387 = arith.constant 0 : i32
      %scatter3A_3388 = tpu.memref_slice %arg10[%scatter3A_3386, %scatter3A_3387] : memref<8x128xf32, #tpu.memory_space<vmem>> -> memref<1x128xf32, #tpu.memory_space<vmem>>
      %scatter3A_3389 = tpu.memref_squeeze %scatter3A_3388 : memref<1x128xf32, #tpu.memory_space<vmem>> -> memref<128xf32, #tpu.memory_space<vmem>>
      tpu.vector_store_idx %scatter3A_3389[%add3A_3383], %mul3A_3385 : memref<128xf32, #tpu.memory_space<vmem>>[vector<16xi32>], vector<16xf32>,
      %get3A_3390 = arith.constant 30 : i32
      %get3A_3391 = arith.index_cast %get3A_3390 : i32 to index
      %get3A_3392 = arith.constant 96 : index
      %get3A_3393 = tpu.vector_load %arg8[%get3A_3391, %get3A_3392] {strides = array<i32>} : memref<80x128xbf16, #tpu.memory_space<vmem>>, vector<32xbf16>,
      %get3A_3394 = arith.constant 31 : i32
      %get3A_3395 = arith.index_cast %get3A_3394 : i32 to index
      %get3A_3396 = arith.constant 96 : index
      %get3A_3397 = tpu.vector_load %arg8[%get3A_3395, %get3A_3396] {strides = array<i32>} : memref<80x128xbf16, #tpu.memory_space<vmem>>, vector<32xbf16>,
      %get3A_3398 = arith.constant 32 : i32
      %get3A_3399 = arith.index_cast %get3A_3398 : i32 to index
      %get3A_3400 = arith.constant 96 : index
      %get3A_3401 = tpu.vector_load %arg8[%get3A_3399, %get3A_3400] {strides = array<i32>} : memref<80x128xbf16, #tpu.memory_space<vmem>>, vector<32xbf16>,
      %get3A_3402 = arith.constant 33 : i32
      %get3A_3403 = arith.index_cast %get3A_3402 : i32 to index
      %get3A_3404 = arith.constant 96 : index
      %get3A_3405 = tpu.vector_load %arg8[%get3A_3403, %get3A_3404] {strides = array<i32>} : memref<80x128xbf16, #tpu.memory_space<vmem>>, vector<32xbf16>,
      %get3A_3406 = arith.constant 34 : i32
      %get3A_3407 = arith.index_cast %get3A_3406 : i32 to index
      %get3A_3408 = arith.constant 96 : index
      %get3A_3409 = tpu.vector_load %arg8[%get3A_3407, %get3A_3408] {strides = array<i32>} : memref<80x128xbf16, #tpu.memory_space<vmem>>, vector<32xbf16>,
      %get3A_3410 = arith.constant 35 : i32
      %get3A_3411 = arith.index_cast %get3A_3410 : i32 to index
      %get3A_3412 = arith.constant 96 : index
      %get3A_3413 = tpu.vector_load %arg8[%get3A_3411, %get3A_3412] {strides = array<i32>} : memref<80x128xbf16, #tpu.memory_space<vmem>>, vector<32xbf16>,
      %get3A_3414 = arith.constant 36 : i32
      %get3A_3415 = arith.index_cast %get3A_3414 : i32 to index
      %get3A_3416 = arith.constant 96 : index
      %get3A_3417 = tpu.vector_load %arg8[%get3A_3415, %get3A_3416] {strides = array<i32>} : memref<80x128xbf16, #tpu.memory_space<vmem>>, vector<32xbf16>,
      %get3A_3418 = arith.constant 37 : i32
      %get3A_3419 = arith.index_cast %get3A_3418 : i32 to index
      %get3A_3420 = arith.constant 96 : index
      %get3A_3421 = tpu.vector_load %arg8[%get3A_3419, %get3A_3420] {strides = array<i32>} : memref<80x128xbf16, #tpu.memory_space<vmem>>, vector<32xbf16>,
      %get3A_3422 = arith.constant 38 : i32
      %get3A_3423 = arith.index_cast %get3A_3422 : i32 to index
      %get3A_3424 = arith.constant 96 : index
      %get3A_3425 = tpu.vector_load %arg8[%get3A_3423, %get3A_3424] {strides = array<i32>} : memref<80x128xbf16, #tpu.memory_space<vmem>>, vector<32xbf16>,
      %get3A_3426 = arith.constant 39 : i32
      %get3A_3427 = arith.index_cast %get3A_3426 : i32 to index
      %get3A_3428 = arith.constant 96 : index
      %get3A_3429 = tpu.vector_load %arg8[%get3A_3427, %get3A_3428] {strides = array<i32>} : memref<80x128xbf16, #tpu.memory_space<vmem>>, vector<32xbf16>,
      %add3A_3430 = arith.addf %get3A_3393, %get3A_3397 : vector<32xbf16>
      %add3A_3431 = arith.addf %get3A_3401, %get3A_3405 : vector<32xbf16>
      %add3A_3432 = arith.addf %get3A_3409, %get3A_3413 : vector<32xbf16>
      %add3A_3433 = arith.addf %get3A_3417, %get3A_3421 : vector<32xbf16>
      %add3A_3434 = arith.addf %get3A_3425, %get3A_3429 : vector<32xbf16>
      %add3A_3435 = arith.addf %add3A_3430, %add3A_3431 : vector<32xbf16>
      %add3A_3436 = arith.addf %add3A_3432, %add3A_3433 : vector<32xbf16>
      %add3A_3437 = arith.addf %add3A_3435, %add3A_3436 : vector<32xbf16>
      %add3A_3438 = arith.addf %add3A_3437, %add3A_3434 : vector<32xbf16>
      %unpack3A_3439 = tpu.unpack_subelements %add3A_3438, 0 {pack_format = #tpu.pack_format<interleaved>} : vector<32xbf16> -> vector<16xf32>
      %unpack3A_3440 = tpu.unpack_subelements %add3A_3438, 1 {pack_format = #tpu.pack_format<interleaved>} : vector<32xbf16> -> vector<16xf32>
      %add3A_3441 = arith.constant 96 : i32
      %add3A_3442 = vector.broadcast %add3A_3441 : i32 to vector<16xi32>
      %add3A_3443 = arith.addi %mul3A_2, %add3A_3442 : vector<16xi32>
      %mul3A_3444 = vector.broadcast %squeeze3A : f32 to vector<16xf32>
      %mul3A_3445 = arith.mulf %unpack3A_3439, %mul3A_3444 : vector<16xf32>
      %scatter3A_3446 = arith.constant 3 : i32
      %scatter3A_3447 = arith.constant 0 : i32
      %scatter3A_3448 = tpu.memref_slice %arg10[%scatter3A_3446, %scatter3A_3447] : memref<8x128xf32, #tpu.memory_space<vmem>> -> memref<1x128xf32, #tpu.memory_space<vmem>>
      %scatter3A_3449 = tpu.memref_squeeze %scatter3A_3448 : memref<1x128xf32, #tpu.memory_space<vmem>> -> memref<128xf32, #tpu.memory_space<vmem>>
      tpu.vector_store_idx %scatter3A_3449[%add3A_3443], %mul3A_3445 : memref<128xf32, #tpu.memory_space<vmem>>[vector<16xi32>], vector<16xf32>,
      %add3A_3450 = arith.constant 97 : i32
      %add3A_3451 = vector.broadcast %add3A_3450 : i32 to vector<16xi32>
      %add3A_3452 = arith.addi %mul3A_2, %add3A_3451 : vector<16xi32>
      %mul3A_3453 = vector.broadcast %squeeze3A : f32 to vector<16xf32>
      %mul3A_3454 = arith.mulf %unpack3A_3440, %mul3A_3453 : vector<16xf32>
      %scatter3A_3455 = arith.constant 3 : i32
      %scatter3A_3456 = arith.constant 0 : i32
      %scatter3A_3457 = tpu.memref_slice %arg10[%scatter3A_3455, %scatter3A_3456] : memref<8x128xf32, #tpu.memory_space<vmem>> -> memref<1x128xf32, #tpu.memory_space<vmem>>
      %scatter3A_3458 = tpu.memref_squeeze %scatter3A_3457 : memref<1x128xf32, #tpu.memory_space<vmem>> -> memref<128xf32, #tpu.memory_space<vmem>>
      tpu.vector_store_idx %scatter3A_3458[%add3A_3452], %mul3A_3454 : memref<128xf32, #tpu.memory_space<vmem>>[vector<16xi32>], vector<16xf32>,
      %get3A_3459 = arith.constant 40 : i32
      %get3A_3460 = arith.index_cast %get3A_3459 : i32 to index
      %get3A_3461 = arith.constant 0 : index
      %get3A_3462 = tpu.vector_load %arg8[%get3A_3460, %get3A_3461] {strides = array<i32>} : memref<80x128xbf16, #tpu.memory_space<vmem>>, vector<32xbf16>,
      %get3A_3463 = arith.constant 41 : i32
      %get3A_3464 = arith.index_cast %get3A_3463 : i32 to index
      %get3A_3465 = arith.constant 0 : index
      %get3A_3466 = tpu.vector_load %arg8[%get3A_3464, %get3A_3465] {strides = array<i32>} : memref<80x128xbf16, #tpu.memory_space<vmem>>, vector<32xbf16>,
      %get3A_3467 = arith.constant 42 : i32
      %get3A_3468 = arith.index_cast %get3A_3467 : i32 to index
      %get3A_3469 = arith.constant 0 : index
      %get3A_3470 = tpu.vector_load %arg8[%get3A_3468, %get3A_3469] {strides = array<i32>} : memref<80x128xbf16, #tpu.memory_space<vmem>>, vector<32xbf16>,
      %get3A_3471 = arith.constant 43 : i32
      %get3A_3472 = arith.index_cast %get3A_3471 : i32 to index
      %get3A_3473 = arith.constant 0 : index
      %get3A_3474 = tpu.vector_load %arg8[%get3A_3472, %get3A_3473] {strides = array<i32>} : memref<80x128xbf16, #tpu.memory_space<vmem>>, vector<32xbf16>,
      %get3A_3475 = arith.constant 44 : i32
      %get3A_3476 = arith.index_cast %get3A_3475 : i32 to index
      %get3A_3477 = arith.constant 0 : index
      %get3A_3478 = tpu.vector_load %arg8[%get3A_3476, %get3A_3477] {strides = array<i32>} : memref<80x128xbf16, #tpu.memory_space<vmem>>, vector<32xbf16>,
      %get3A_3479 = arith.constant 45 : i32
      %get3A_3480 = arith.index_cast %get3A_3479 : i32 to index
      %get3A_3481 = arith.constant 0 : index
      %get3A_3482 = tpu.vector_load %arg8[%get3A_3480, %get3A_3481] {strides = array<i32>} : memref<80x128xbf16, #tpu.memory_space<vmem>>, vector<32xbf16>,
      %get3A_3483 = arith.constant 46 : i32
      %get3A_3484 = arith.index_cast %get3A_3483 : i32 to index
      %get3A_3485 = arith.constant 0 : index
      %get3A_3486 = tpu.vector_load %arg8[%get3A_3484, %get3A_3485] {strides = array<i32>} : memref<80x128xbf16, #tpu.memory_space<vmem>>, vector<32xbf16>,
      %get3A_3487 = arith.constant 47 : i32
      %get3A_3488 = arith.index_cast %get3A_3487 : i32 to index
      %get3A_3489 = arith.constant 0 : index
      %get3A_3490 = tpu.vector_load %arg8[%get3A_3488, %get3A_3489] {strides = array<i32>} : memref<80x128xbf16, #tpu.memory_space<vmem>>, vector<32xbf16>,
      %get3A_3491 = arith.constant 48 : i32
      %get3A_3492 = arith.index_cast %get3A_3491 : i32 to index
      %get3A_3493 = arith.constant 0 : index
      %get3A_3494 = tpu.vector_load %arg8[%get3A_3492, %get3A_3493] {strides = array<i32>} : memref<80x128xbf16, #tpu.memory_space<vmem>>, vector<32xbf16>,
      %get3A_3495 = arith.constant 49 : i32
      %get3A_3496 = arith.index_cast %get3A_3495 : i32 to index
      %get3A_3497 = arith.constant 0 : index
      %get3A_3498 = tpu.vector_load %arg8[%get3A_3496, %get3A_3497] {strides = array<i32>} : memref<80x128xbf16, #tpu.memory_space<vmem>>, vector<32xbf16>,
      %add3A_3499 = arith.addf %get3A_3462, %get3A_3466 : vector<32xbf16>
      %add3A_3500 = arith.addf %get3A_3470, %get3A_3474 : vector<32xbf16>
      %add3A_3501 = arith.addf %get3A_3478, %get3A_3482 : vector<32xbf16>
      %add3A_3502 = arith.addf %get3A_3486, %get3A_3490 : vector<32xbf16>
      %add3A_3503 = arith.addf %get3A_3494, %get3A_3498 : vector<32xbf16>
      %add3A_3504 = arith.addf %add3A_3499, %add3A_3500 : vector<32xbf16>
      %add3A_3505 = arith.addf %add3A_3501, %add3A_3502 : vector<32xbf16>
      %add3A_3506 = arith.addf %add3A_3504, %add3A_3505 : vector<32xbf16>
      %add3A_3507 = arith.addf %add3A_3506, %add3A_3503 : vector<32xbf16>
      %unpack3A_3508 = tpu.unpack_subelements %add3A_3507, 0 {pack_format = #tpu.pack_format<interleaved>} : vector<32xbf16> -> vector<16xf32>
      %unpack3A_3509 = tpu.unpack_subelements %add3A_3507, 1 {pack_format = #tpu.pack_format<interleaved>} : vector<32xbf16> -> vector<16xf32>
      %add3A_3510 = arith.constant 0 : i32
      %add3A_3511 = vector.broadcast %add3A_3510 : i32 to vector<16xi32>
      %add3A_3512 = arith.addi %mul3A_2, %add3A_3511 : vector<16xi32>
      %mul3A_3513 = vector.broadcast %squeeze3A : f32 to vector<16xf32>
      %mul3A_3514 = arith.mulf %unpack3A_3508, %mul3A_3513 : vector<16xf32>
      %scatter3A_3515 = arith.constant 4 : i32
      %scatter3A_3516 = arith.constant 0 : i32
      %scatter3A_3517 = tpu.memref_slice %arg10[%scatter3A_3515, %scatter3A_3516] : memref<8x128xf32, #tpu.memory_space<vmem>> -> memref<1x128xf32, #tpu.memory_space<vmem>>
      %scatter3A_3518 = tpu.memref_squeeze %scatter3A_3517 : memref<1x128xf32, #tpu.memory_space<vmem>> -> memref<128xf32, #tpu.memory_space<vmem>>
      tpu.vector_store_idx %scatter3A_3518[%add3A_3512], %mul3A_3514 : memref<128xf32, #tpu.memory_space<vmem>>[vector<16xi32>], vector<16xf32>,
      %add3A_3519 = arith.constant 1 : i32
      %add3A_3520 = vector.broadcast %add3A_3519 : i32 to vector<16xi32>
      %add3A_3521 = arith.addi %mul3A_2, %add3A_3520 : vector<16xi32>
      %mul3A_3522 = vector.broadcast %squeeze3A : f32 to vector<16xf32>
      %mul3A_3523 = arith.mulf %unpack3A_3509, %mul3A_3522 : vector<16xf32>
      %scatter3A_3524 = arith.constant 4 : i32
      %scatter3A_3525 = arith.constant 0 : i32
      %scatter3A_3526 = tpu.memref_slice %arg10[%scatter3A_3524, %scatter3A_3525] : memref<8x128xf32, #tpu.memory_space<vmem>> -> memref<1x128xf32, #tpu.memory_space<vmem>>
      %scatter3A_3527 = tpu.memref_squeeze %scatter3A_3526 : memref<1x128xf32, #tpu.memory_space<vmem>> -> memref<128xf32, #tpu.memory_space<vmem>>
      tpu.vector_store_idx %scatter3A_3527[%add3A_3521], %mul3A_3523 : memref<128xf32, #tpu.memory_space<vmem>>[vector<16xi32>], vector<16xf32>,
      %get3A_3528 = arith.constant 40 : i32
      %get3A_3529 = arith.index_cast %get3A_3528 : i32 to index
      %get3A_3530 = arith.constant 32 : index
      %get3A_3531 = tpu.vector_load %arg8[%get3A_3529, %get3A_3530] {strides = array<i32>} : memref<80x128xbf16, #tpu.memory_space<vmem>>, vector<32xbf16>,
      %get3A_3532 = arith.constant 41 : i32
      %get3A_3533 = arith.index_cast %get3A_3532 : i32 to index
      %get3A_3534 = arith.constant 32 : index
      %get3A_3535 = tpu.vector_load %arg8[%get3A_3533, %get3A_3534] {strides = array<i32>} : memref<80x128xbf16, #tpu.memory_space<vmem>>, vector<32xbf16>,
      %get3A_3536 = arith.constant 42 : i32
      %get3A_3537 = arith.index_cast %get3A_3536 : i32 to index
      %get3A_3538 = arith.constant 32 : index
      %get3A_3539 = tpu.vector_load %arg8[%get3A_3537, %get3A_3538] {strides = array<i32>} : memref<80x128xbf16, #tpu.memory_space<vmem>>, vector<32xbf16>,
      %get3A_3540 = arith.constant 43 : i32
      %get3A_3541 = arith.index_cast %get3A_3540 : i32 to index
      %get3A_3542 = arith.constant 32 : index
      %get3A_3543 = tpu.vector_load %arg8[%get3A_3541, %get3A_3542] {strides = array<i32>} : memref<80x128xbf16, #tpu.memory_space<vmem>>, vector<32xbf16>,
      %get3A_3544 = arith.constant 44 : i32
      %get3A_3545 = arith.index_cast %get3A_3544 : i32 to index
      %get3A_3546 = arith.constant 32 : index
      %get3A_3547 = tpu.vector_load %arg8[%get3A_3545, %get3A_3546] {strides = array<i32>} : memref<80x128xbf16, #tpu.memory_space<vmem>>, vector<32xbf16>,
      %get3A_3548 = arith.constant 45 : i32
      %get3A_3549 = arith.index_cast %get3A_3548 : i32 to index
      %get3A_3550 = arith.constant 32 : index
      %get3A_3551 = tpu.vector_load %arg8[%get3A_3549, %get3A_3550] {strides = array<i32>} : memref<80x128xbf16, #tpu.memory_space<vmem>>, vector<32xbf16>,
      %get3A_3552 = arith.constant 46 : i32
      %get3A_3553 = arith.index_cast %get3A_3552 : i32 to index
      %get3A_3554 = arith.constant 32 : index
      %get3A_3555 = tpu.vector_load %arg8[%get3A_3553, %get3A_3554] {strides = array<i32>} : memref<80x128xbf16, #tpu.memory_space<vmem>>, vector<32xbf16>,
      %get3A_3556 = arith.constant 47 : i32
      %get3A_3557 = arith.index_cast %get3A_3556 : i32 to index
      %get3A_3558 = arith.constant 32 : index
      %get3A_3559 = tpu.vector_load %arg8[%get3A_3557, %get3A_3558] {strides = array<i32>} : memref<80x128xbf16, #tpu.memory_space<vmem>>, vector<32xbf16>,
      %get3A_3560 = arith.constant 48 : i32
      %get3A_3561 = arith.index_cast %get3A_3560 : i32 to index
      %get3A_3562 = arith.constant 32 : index
      %get3A_3563 = tpu.vector_load %arg8[%get3A_3561, %get3A_3562] {strides = array<i32>} : memref<80x128xbf16, #tpu.memory_space<vmem>>, vector<32xbf16>,
      %get3A_3564 = arith.constant 49 : i32
      %get3A_3565 = arith.index_cast %get3A_3564 : i32 to index
      %get3A_3566 = arith.constant 32 : index
      %get3A_3567 = tpu.vector_load %arg8[%get3A_3565, %get3A_3566] {strides = array<i32>} : memref<80x128xbf16, #tpu.memory_space<vmem>>, vector<32xbf16>,
      %add3A_3568 = arith.addf %get3A_3531, %get3A_3535 : vector<32xbf16>
      %add3A_3569 = arith.addf %get3A_3539, %get3A_3543 : vector<32xbf16>
      %add3A_3570 = arith.addf %get3A_3547, %get3A_3551 : vector<32xbf16>
      %add3A_3571 = arith.addf %get3A_3555, %get3A_3559 : vector<32xbf16>
      %add3A_3572 = arith.addf %get3A_3563, %get3A_3567 : vector<32xbf16>
      %add3A_3573 = arith.addf %add3A_3568, %add3A_3569 : vector<32xbf16>
      %add3A_3574 = arith.addf %add3A_3570, %add3A_3571 : vector<32xbf16>
      %add3A_3575 = arith.addf %add3A_3573, %add3A_3574 : vector<32xbf16>
      %add3A_3576 = arith.addf %add3A_3575, %add3A_3572 : vector<32xbf16>
      %unpack3A_3577 = tpu.unpack_subelements %add3A_3576, 0 {pack_format = #tpu.pack_format<interleaved>} : vector<32xbf16> -> vector<16xf32>
      %unpack3A_3578 = tpu.unpack_subelements %add3A_3576, 1 {pack_format = #tpu.pack_format<interleaved>} : vector<32xbf16> -> vector<16xf32>
      %add3A_3579 = arith.constant 32 : i32
      %add3A_3580 = vector.broadcast %add3A_3579 : i32 to vector<16xi32>
      %add3A_3581 = arith.addi %mul3A_2, %add3A_3580 : vector<16xi32>
      %mul3A_3582 = vector.broadcast %squeeze3A : f32 to vector<16xf32>
      %mul3A_3583 = arith.mulf %unpack3A_3577, %mul3A_3582 : vector<16xf32>
      %scatter3A_3584 = arith.constant 4 : i32
      %scatter3A_3585 = arith.constant 0 : i32
      %scatter3A_3586 = tpu.memref_slice %arg10[%scatter3A_3584, %scatter3A_3585] : memref<8x128xf32, #tpu.memory_space<vmem>> -> memref<1x128xf32, #tpu.memory_space<vmem>>
      %scatter3A_3587 = tpu.memref_squeeze %scatter3A_3586 : memref<1x128xf32, #tpu.memory_space<vmem>> -> memref<128xf32, #tpu.memory_space<vmem>>
      tpu.vector_store_idx %scatter3A_3587[%add3A_3581], %mul3A_3583 : memref<128xf32, #tpu.memory_space<vmem>>[vector<16xi32>], vector<16xf32>,
      %add3A_3588 = arith.constant 33 : i32
      %add3A_3589 = vector.broadcast %add3A_3588 : i32 to vector<16xi32>
      %add3A_3590 = arith.addi %mul3A_2, %add3A_3589 : vector<16xi32>
      %mul3A_3591 = vector.broadcast %squeeze3A : f32 to vector<16xf32>
      %mul3A_3592 = arith.mulf %unpack3A_3578, %mul3A_3591 : vector<16xf32>
      %scatter3A_3593 = arith.constant 4 : i32
      %scatter3A_3594 = arith.constant 0 : i32
      %scatter3A_3595 = tpu.memref_slice %arg10[%scatter3A_3593, %scatter3A_3594] : memref<8x128xf32, #tpu.memory_space<vmem>> -> memref<1x128xf32, #tpu.memory_space<vmem>>
      %scatter3A_3596 = tpu.memref_squeeze %scatter3A_3595 : memref<1x128xf32, #tpu.memory_space<vmem>> -> memref<128xf32, #tpu.memory_space<vmem>>
      tpu.vector_store_idx %scatter3A_3596[%add3A_3590], %mul3A_3592 : memref<128xf32, #tpu.memory_space<vmem>>[vector<16xi32>], vector<16xf32>,
      %get3A_3597 = arith.constant 40 : i32
      %get3A_3598 = arith.index_cast %get3A_3597 : i32 to index
      %get3A_3599 = arith.constant 64 : index
      %get3A_3600 = tpu.vector_load %arg8[%get3A_3598, %get3A_3599] {strides = array<i32>} : memref<80x128xbf16, #tpu.memory_space<vmem>>, vector<32xbf16>,
      %get3A_3601 = arith.constant 41 : i32
      %get3A_3602 = arith.index_cast %get3A_3601 : i32 to index
      %get3A_3603 = arith.constant 64 : index
      %get3A_3604 = tpu.vector_load %arg8[%get3A_3602, %get3A_3603] {strides = array<i32>} : memref<80x128xbf16, #tpu.memory_space<vmem>>, vector<32xbf16>,
      %get3A_3605 = arith.constant 42 : i32
      %get3A_3606 = arith.index_cast %get3A_3605 : i32 to index
      %get3A_3607 = arith.constant 64 : index
      %get3A_3608 = tpu.vector_load %arg8[%get3A_3606, %get3A_3607] {strides = array<i32>} : memref<80x128xbf16, #tpu.memory_space<vmem>>, vector<32xbf16>,
      %get3A_3609 = arith.constant 43 : i32
      %get3A_3610 = arith.index_cast %get3A_3609 : i32 to index
      %get3A_3611 = arith.constant 64 : index
      %get3A_3612 = tpu.vector_load %arg8[%get3A_3610, %get3A_3611] {strides = array<i32>} : memref<80x128xbf16, #tpu.memory_space<vmem>>, vector<32xbf16>,
      %get3A_3613 = arith.constant 44 : i32
      %get3A_3614 = arith.index_cast %get3A_3613 : i32 to index
      %get3A_3615 = arith.constant 64 : index
      %get3A_3616 = tpu.vector_load %arg8[%get3A_3614, %get3A_3615] {strides = array<i32>} : memref<80x128xbf16, #tpu.memory_space<vmem>>, vector<32xbf16>,
      %get3A_3617 = arith.constant 45 : i32
      %get3A_3618 = arith.index_cast %get3A_3617 : i32 to index
      %get3A_3619 = arith.constant 64 : index
      %get3A_3620 = tpu.vector_load %arg8[%get3A_3618, %get3A_3619] {strides = array<i32>} : memref<80x128xbf16, #tpu.memory_space<vmem>>, vector<32xbf16>,
      %get3A_3621 = arith.constant 46 : i32
      %get3A_3622 = arith.index_cast %get3A_3621 : i32 to index
      %get3A_3623 = arith.constant 64 : index
      %get3A_3624 = tpu.vector_load %arg8[%get3A_3622, %get3A_3623] {strides = array<i32>} : memref<80x128xbf16, #tpu.memory_space<vmem>>, vector<32xbf16>,
      %get3A_3625 = arith.constant 47 : i32
      %get3A_3626 = arith.index_cast %get3A_3625 : i32 to index
      %get3A_3627 = arith.constant 64 : index
      %get3A_3628 = tpu.vector_load %arg8[%get3A_3626, %get3A_3627] {strides = array<i32>} : memref<80x128xbf16, #tpu.memory_space<vmem>>, vector<32xbf16>,
      %get3A_3629 = arith.constant 48 : i32
      %get3A_3630 = arith.index_cast %get3A_3629 : i32 to index
      %get3A_3631 = arith.constant 64 : index
      %get3A_3632 = tpu.vector_load %arg8[%get3A_3630, %get3A_3631] {strides = array<i32>} : memref<80x128xbf16, #tpu.memory_space<vmem>>, vector<32xbf16>,
      %get3A_3633 = arith.constant 49 : i32
      %get3A_3634 = arith.index_cast %get3A_3633 : i32 to index
      %get3A_3635 = arith.constant 64 : index
      %get3A_3636 = tpu.vector_load %arg8[%get3A_3634, %get3A_3635] {strides = array<i32>} : memref<80x128xbf16, #tpu.memory_space<vmem>>, vector<32xbf16>,
      %add3A_3637 = arith.addf %get3A_3600, %get3A_3604 : vector<32xbf16>
      %add3A_3638 = arith.addf %get3A_3608, %get3A_3612 : vector<32xbf16>
      %add3A_3639 = arith.addf %get3A_3616, %get3A_3620 : vector<32xbf16>
      %add3A_3640 = arith.addf %get3A_3624, %get3A_3628 : vector<32xbf16>
      %add3A_3641 = arith.addf %get3A_3632, %get3A_3636 : vector<32xbf16>
      %add3A_3642 = arith.addf %add3A_3637, %add3A_3638 : vector<32xbf16>
      %add3A_3643 = arith.addf %add3A_3639, %add3A_3640 : vector<32xbf16>
      %add3A_3644 = arith.addf %add3A_3642, %add3A_3643 : vector<32xbf16>
      %add3A_3645 = arith.addf %add3A_3644, %add3A_3641 : vector<32xbf16>
      %unpack3A_3646 = tpu.unpack_subelements %add3A_3645, 0 {pack_format = #tpu.pack_format<interleaved>} : vector<32xbf16> -> vector<16xf32>
      %unpack3A_3647 = tpu.unpack_subelements %add3A_3645, 1 {pack_format = #tpu.pack_format<interleaved>} : vector<32xbf16> -> vector<16xf32>
      %add3A_3648 = arith.constant 64 : i32
      %add3A_3649 = vector.broadcast %add3A_3648 : i32 to vector<16xi32>
      %add3A_3650 = arith.addi %mul3A_2, %add3A_3649 : vector<16xi32>
      %mul3A_3651 = vector.broadcast %squeeze3A : f32 to vector<16xf32>
      %mul3A_3652 = arith.mulf %unpack3A_3646, %mul3A_3651 : vector<16xf32>
      %scatter3A_3653 = arith.constant 4 : i32
      %scatter3A_3654 = arith.constant 0 : i32
      %scatter3A_3655 = tpu.memref_slice %arg10[%scatter3A_3653, %scatter3A_3654] : memref<8x128xf32, #tpu.memory_space<vmem>> -> memref<1x128xf32, #tpu.memory_space<vmem>>
      %scatter3A_3656 = tpu.memref_squeeze %scatter3A_3655 : memref<1x128xf32, #tpu.memory_space<vmem>> -> memref<128xf32, #tpu.memory_space<vmem>>
      tpu.vector_store_idx %scatter3A_3656[%add3A_3650], %mul3A_3652 : memref<128xf32, #tpu.memory_space<vmem>>[vector<16xi32>], vector<16xf32>,
      %add3A_3657 = arith.constant 65 : i32
      %add3A_3658 = vector.broadcast %add3A_3657 : i32 to vector<16xi32>
      %add3A_3659 = arith.addi %mul3A_2, %add3A_3658 : vector<16xi32>
      %mul3A_3660 = vector.broadcast %squeeze3A : f32 to vector<16xf32>
      %mul3A_3661 = arith.mulf %unpack3A_3647, %mul3A_3660 : vector<16xf32>
      %scatter3A_3662 = arith.constant 4 : i32
      %scatter3A_3663 = arith.constant 0 : i32
      %scatter3A_3664 = tpu.memref_slice %arg10[%scatter3A_3662, %scatter3A_3663] : memref<8x128xf32, #tpu.memory_space<vmem>> -> memref<1x128xf32, #tpu.memory_space<vmem>>
      %scatter3A_3665 = tpu.memref_squeeze %scatter3A_3664 : memref<1x128xf32, #tpu.memory_space<vmem>> -> memref<128xf32, #tpu.memory_space<vmem>>
      tpu.vector_store_idx %scatter3A_3665[%add3A_3659], %mul3A_3661 : memref<128xf32, #tpu.memory_space<vmem>>[vector<16xi32>], vector<16xf32>,
      %get3A_3666 = arith.constant 40 : i32
      %get3A_3667 = arith.index_cast %get3A_3666 : i32 to index
      %get3A_3668 = arith.constant 96 : index
      %get3A_3669 = tpu.vector_load %arg8[%get3A_3667, %get3A_3668] {strides = array<i32>} : memref<80x128xbf16, #tpu.memory_space<vmem>>, vector<32xbf16>,
      %get3A_3670 = arith.constant 41 : i32
      %get3A_3671 = arith.index_cast %get3A_3670 : i32 to index
      %get3A_3672 = arith.constant 96 : index
      %get3A_3673 = tpu.vector_load %arg8[%get3A_3671, %get3A_3672] {strides = array<i32>} : memref<80x128xbf16, #tpu.memory_space<vmem>>, vector<32xbf16>,
      %get3A_3674 = arith.constant 42 : i32
      %get3A_3675 = arith.index_cast %get3A_3674 : i32 to index
      %get3A_3676 = arith.constant 96 : index
      %get3A_3677 = tpu.vector_load %arg8[%get3A_3675, %get3A_3676] {strides = array<i32>} : memref<80x128xbf16, #tpu.memory_space<vmem>>, vector<32xbf16>,
      %get3A_3678 = arith.constant 43 : i32
      %get3A_3679 = arith.index_cast %get3A_3678 : i32 to index
      %get3A_3680 = arith.constant 96 : index
      %get3A_3681 = tpu.vector_load %arg8[%get3A_3679, %get3A_3680] {strides = array<i32>} : memref<80x128xbf16, #tpu.memory_space<vmem>>, vector<32xbf16>,
      %get3A_3682 = arith.constant 44 : i32
      %get3A_3683 = arith.index_cast %get3A_3682 : i32 to index
      %get3A_3684 = arith.constant 96 : index
      %get3A_3685 = tpu.vector_load %arg8[%get3A_3683, %get3A_3684] {strides = array<i32>} : memref<80x128xbf16, #tpu.memory_space<vmem>>, vector<32xbf16>,
      %get3A_3686 = arith.constant 45 : i32
      %get3A_3687 = arith.index_cast %get3A_3686 : i32 to index
      %get3A_3688 = arith.constant 96 : index
      %get3A_3689 = tpu.vector_load %arg8[%get3A_3687, %get3A_3688] {strides = array<i32>} : memref<80x128xbf16, #tpu.memory_space<vmem>>, vector<32xbf16>,
      %get3A_3690 = arith.constant 46 : i32
      %get3A_3691 = arith.index_cast %get3A_3690 : i32 to index
      %get3A_3692 = arith.constant 96 : index
      %get3A_3693 = tpu.vector_load %arg8[%get3A_3691, %get3A_3692] {strides = array<i32>} : memref<80x128xbf16, #tpu.memory_space<vmem>>, vector<32xbf16>,
      %get3A_3694 = arith.constant 47 : i32
      %get3A_3695 = arith.index_cast %get3A_3694 : i32 to index
      %get3A_3696 = arith.constant 96 : index
      %get3A_3697 = tpu.vector_load %arg8[%get3A_3695, %get3A_3696] {strides = array<i32>} : memref<80x128xbf16, #tpu.memory_space<vmem>>, vector<32xbf16>,
      %get3A_3698 = arith.constant 48 : i32
      %get3A_3699 = arith.index_cast %get3A_3698 : i32 to index
      %get3A_3700 = arith.constant 96 : index
      %get3A_3701 = tpu.vector_load %arg8[%get3A_3699, %get3A_3700] {strides = array<i32>} : memref<80x128xbf16, #tpu.memory_space<vmem>>, vector<32xbf16>,
      %get3A_3702 = arith.constant 49 : i32
      %get3A_3703 = arith.index_cast %get3A_3702 : i32 to index
      %get3A_3704 = arith.constant 96 : index
      %get3A_3705 = tpu.vector_load %arg8[%get3A_3703, %get3A_3704] {strides = array<i32>} : memref<80x128xbf16, #tpu.memory_space<vmem>>, vector<32xbf16>,
      %add3A_3706 = arith.addf %get3A_3669, %get3A_3673 : vector<32xbf16>
      %add3A_3707 = arith.addf %get3A_3677, %get3A_3681 : vector<32xbf16>
      %add3A_3708 = arith.addf %get3A_3685, %get3A_3689 : vector<32xbf16>
      %add3A_3709 = arith.addf %get3A_3693, %get3A_3697 : vector<32xbf16>
      %add3A_3710 = arith.addf %get3A_3701, %get3A_3705 : vector<32xbf16>
      %add3A_3711 = arith.addf %add3A_3706, %add3A_3707 : vector<32xbf16>
      %add3A_3712 = arith.addf %add3A_3708, %add3A_3709 : vector<32xbf16>
      %add3A_3713 = arith.addf %add3A_3711, %add3A_3712 : vector<32xbf16>
      %add3A_3714 = arith.addf %add3A_3713, %add3A_3710 : vector<32xbf16>
      %unpack3A_3715 = tpu.unpack_subelements %add3A_3714, 0 {pack_format = #tpu.pack_format<interleaved>} : vector<32xbf16> -> vector<16xf32>
      %unpack3A_3716 = tpu.unpack_subelements %add3A_3714, 1 {pack_format = #tpu.pack_format<interleaved>} : vector<32xbf16> -> vector<16xf32>
      %add3A_3717 = arith.constant 96 : i32
      %add3A_3718 = vector.broadcast %add3A_3717 : i32 to vector<16xi32>
      %add3A_3719 = arith.addi %mul3A_2, %add3A_3718 : vector<16xi32>
      %mul3A_3720 = vector.broadcast %squeeze3A : f32 to vector<16xf32>
      %mul3A_3721 = arith.mulf %unpack3A_3715, %mul3A_3720 : vector<16xf32>
      %scatter3A_3722 = arith.constant 4 : i32
      %scatter3A_3723 = arith.constant 0 : i32
      %scatter3A_3724 = tpu.memref_slice %arg10[%scatter3A_3722, %scatter3A_3723] : memref<8x128xf32, #tpu.memory_space<vmem>> -> memref<1x128xf32, #tpu.memory_space<vmem>>
      %scatter3A_3725 = tpu.memref_squeeze %scatter3A_3724 : memref<1x128xf32, #tpu.memory_space<vmem>> -> memref<128xf32, #tpu.memory_space<vmem>>
      tpu.vector_store_idx %scatter3A_3725[%add3A_3719], %mul3A_3721 : memref<128xf32, #tpu.memory_space<vmem>>[vector<16xi32>], vector<16xf32>,
      %add3A_3726 = arith.constant 97 : i32
      %add3A_3727 = vector.broadcast %add3A_3726 : i32 to vector<16xi32>
      %add3A_3728 = arith.addi %mul3A_2, %add3A_3727 : vector<16xi32>
      %mul3A_3729 = vector.broadcast %squeeze3A : f32 to vector<16xf32>
      %mul3A_3730 = arith.mulf %unpack3A_3716, %mul3A_3729 : vector<16xf32>
      %scatter3A_3731 = arith.constant 4 : i32
      %scatter3A_3732 = arith.constant 0 : i32
      %scatter3A_3733 = tpu.memref_slice %arg10[%scatter3A_3731, %scatter3A_3732] : memref<8x128xf32, #tpu.memory_space<vmem>> -> memref<1x128xf32, #tpu.memory_space<vmem>>
      %scatter3A_3734 = tpu.memref_squeeze %scatter3A_3733 : memref<1x128xf32, #tpu.memory_space<vmem>> -> memref<128xf32, #tpu.memory_space<vmem>>
      tpu.vector_store_idx %scatter3A_3734[%add3A_3728], %mul3A_3730 : memref<128xf32, #tpu.memory_space<vmem>>[vector<16xi32>], vector<16xf32>,
      %get3A_3735 = arith.constant 50 : i32
      %get3A_3736 = arith.index_cast %get3A_3735 : i32 to index
      %get3A_3737 = arith.constant 0 : index
      %get3A_3738 = tpu.vector_load %arg8[%get3A_3736, %get3A_3737] {strides = array<i32>} : memref<80x128xbf16, #tpu.memory_space<vmem>>, vector<32xbf16>,
      %get3A_3739 = arith.constant 51 : i32
      %get3A_3740 = arith.index_cast %get3A_3739 : i32 to index
      %get3A_3741 = arith.constant 0 : index
      %get3A_3742 = tpu.vector_load %arg8[%get3A_3740, %get3A_3741] {strides = array<i32>} : memref<80x128xbf16, #tpu.memory_space<vmem>>, vector<32xbf16>,
      %get3A_3743 = arith.constant 52 : i32
      %get3A_3744 = arith.index_cast %get3A_3743 : i32 to index
      %get3A_3745 = arith.constant 0 : index
      %get3A_3746 = tpu.vector_load %arg8[%get3A_3744, %get3A_3745] {strides = array<i32>} : memref<80x128xbf16, #tpu.memory_space<vmem>>, vector<32xbf16>,
      %get3A_3747 = arith.constant 53 : i32
      %get3A_3748 = arith.index_cast %get3A_3747 : i32 to index
      %get3A_3749 = arith.constant 0 : index
      %get3A_3750 = tpu.vector_load %arg8[%get3A_3748, %get3A_3749] {strides = array<i32>} : memref<80x128xbf16, #tpu.memory_space<vmem>>, vector<32xbf16>,
      %get3A_3751 = arith.constant 54 : i32
      %get3A_3752 = arith.index_cast %get3A_3751 : i32 to index
      %get3A_3753 = arith.constant 0 : index
      %get3A_3754 = tpu.vector_load %arg8[%get3A_3752, %get3A_3753] {strides = array<i32>} : memref<80x128xbf16, #tpu.memory_space<vmem>>, vector<32xbf16>,
      %get3A_3755 = arith.constant 55 : i32
      %get3A_3756 = arith.index_cast %get3A_3755 : i32 to index
      %get3A_3757 = arith.constant 0 : index
      %get3A_3758 = tpu.vector_load %arg8[%get3A_3756, %get3A_3757] {strides = array<i32>} : memref<80x128xbf16, #tpu.memory_space<vmem>>, vector<32xbf16>,
      %get3A_3759 = arith.constant 56 : i32
      %get3A_3760 = arith.index_cast %get3A_3759 : i32 to index
      %get3A_3761 = arith.constant 0 : index
      %get3A_3762 = tpu.vector_load %arg8[%get3A_3760, %get3A_3761] {strides = array<i32>} : memref<80x128xbf16, #tpu.memory_space<vmem>>, vector<32xbf16>,
      %get3A_3763 = arith.constant 57 : i32
      %get3A_3764 = arith.index_cast %get3A_3763 : i32 to index
      %get3A_3765 = arith.constant 0 : index
      %get3A_3766 = tpu.vector_load %arg8[%get3A_3764, %get3A_3765] {strides = array<i32>} : memref<80x128xbf16, #tpu.memory_space<vmem>>, vector<32xbf16>,
      %get3A_3767 = arith.constant 58 : i32
      %get3A_3768 = arith.index_cast %get3A_3767 : i32 to index
      %get3A_3769 = arith.constant 0 : index
      %get3A_3770 = tpu.vector_load %arg8[%get3A_3768, %get3A_3769] {strides = array<i32>} : memref<80x128xbf16, #tpu.memory_space<vmem>>, vector<32xbf16>,
      %get3A_3771 = arith.constant 59 : i32
      %get3A_3772 = arith.index_cast %get3A_3771 : i32 to index
      %get3A_3773 = arith.constant 0 : index
      %get3A_3774 = tpu.vector_load %arg8[%get3A_3772, %get3A_3773] {strides = array<i32>} : memref<80x128xbf16, #tpu.memory_space<vmem>>, vector<32xbf16>,
      %add3A_3775 = arith.addf %get3A_3738, %get3A_3742 : vector<32xbf16>
      %add3A_3776 = arith.addf %get3A_3746, %get3A_3750 : vector<32xbf16>
      %add3A_3777 = arith.addf %get3A_3754, %get3A_3758 : vector<32xbf16>
      %add3A_3778 = arith.addf %get3A_3762, %get3A_3766 : vector<32xbf16>
      %add3A_3779 = arith.addf %get3A_3770, %get3A_3774 : vector<32xbf16>
      %add3A_3780 = arith.addf %add3A_3775, %add3A_3776 : vector<32xbf16>
      %add3A_3781 = arith.addf %add3A_3777, %add3A_3778 : vector<32xbf16>
      %add3A_3782 = arith.addf %add3A_3780, %add3A_3781 : vector<32xbf16>
      %add3A_3783 = arith.addf %add3A_3782, %add3A_3779 : vector<32xbf16>
      %unpack3A_3784 = tpu.unpack_subelements %add3A_3783, 0 {pack_format = #tpu.pack_format<interleaved>} : vector<32xbf16> -> vector<16xf32>
      %unpack3A_3785 = tpu.unpack_subelements %add3A_3783, 1 {pack_format = #tpu.pack_format<interleaved>} : vector<32xbf16> -> vector<16xf32>
      %add3A_3786 = arith.constant 0 : i32
      %add3A_3787 = vector.broadcast %add3A_3786 : i32 to vector<16xi32>
      %add3A_3788 = arith.addi %mul3A_2, %add3A_3787 : vector<16xi32>
      %mul3A_3789 = vector.broadcast %squeeze3A : f32 to vector<16xf32>
      %mul3A_3790 = arith.mulf %unpack3A_3784, %mul3A_3789 : vector<16xf32>
      %scatter3A_3791 = arith.constant 5 : i32
      %scatter3A_3792 = arith.constant 0 : i32
      %scatter3A_3793 = tpu.memref_slice %arg10[%scatter3A_3791, %scatter3A_3792] : memref<8x128xf32, #tpu.memory_space<vmem>> -> memref<1x128xf32, #tpu.memory_space<vmem>>
      %scatter3A_3794 = tpu.memref_squeeze %scatter3A_3793 : memref<1x128xf32, #tpu.memory_space<vmem>> -> memref<128xf32, #tpu.memory_space<vmem>>
      tpu.vector_store_idx %scatter3A_3794[%add3A_3788], %mul3A_3790 : memref<128xf32, #tpu.memory_space<vmem>>[vector<16xi32>], vector<16xf32>,
      %add3A_3795 = arith.constant 1 : i32
      %add3A_3796 = vector.broadcast %add3A_3795 : i32 to vector<16xi32>
      %add3A_3797 = arith.addi %mul3A_2, %add3A_3796 : vector<16xi32>
      %mul3A_3798 = vector.broadcast %squeeze3A : f32 to vector<16xf32>
      %mul3A_3799 = arith.mulf %unpack3A_3785, %mul3A_3798 : vector<16xf32>
      %scatter3A_3800 = arith.constant 5 : i32
      %scatter3A_3801 = arith.constant 0 : i32
      %scatter3A_3802 = tpu.memref_slice %arg10[%scatter3A_3800, %scatter3A_3801] : memref<8x128xf32, #tpu.memory_space<vmem>> -> memref<1x128xf32, #tpu.memory_space<vmem>>
      %scatter3A_3803 = tpu.memref_squeeze %scatter3A_3802 : memref<1x128xf32, #tpu.memory_space<vmem>> -> memref<128xf32, #tpu.memory_space<vmem>>
      tpu.vector_store_idx %scatter3A_3803[%add3A_3797], %mul3A_3799 : memref<128xf32, #tpu.memory_space<vmem>>[vector<16xi32>], vector<16xf32>,
      %get3A_3804 = arith.constant 50 : i32
      %get3A_3805 = arith.index_cast %get3A_3804 : i32 to index
      %get3A_3806 = arith.constant 32 : index
      %get3A_3807 = tpu.vector_load %arg8[%get3A_3805, %get3A_3806] {strides = array<i32>} : memref<80x128xbf16, #tpu.memory_space<vmem>>, vector<32xbf16>,
      %get3A_3808 = arith.constant 51 : i32
      %get3A_3809 = arith.index_cast %get3A_3808 : i32 to index
      %get3A_3810 = arith.constant 32 : index
      %get3A_3811 = tpu.vector_load %arg8[%get3A_3809, %get3A_3810] {strides = array<i32>} : memref<80x128xbf16, #tpu.memory_space<vmem>>, vector<32xbf16>,
      %get3A_3812 = arith.constant 52 : i32
      %get3A_3813 = arith.index_cast %get3A_3812 : i32 to index
      %get3A_3814 = arith.constant 32 : index
      %get3A_3815 = tpu.vector_load %arg8[%get3A_3813, %get3A_3814] {strides = array<i32>} : memref<80x128xbf16, #tpu.memory_space<vmem>>, vector<32xbf16>,
      %get3A_3816 = arith.constant 53 : i32
      %get3A_3817 = arith.index_cast %get3A_3816 : i32 to index
      %get3A_3818 = arith.constant 32 : index
      %get3A_3819 = tpu.vector_load %arg8[%get3A_3817, %get3A_3818] {strides = array<i32>} : memref<80x128xbf16, #tpu.memory_space<vmem>>, vector<32xbf16>,
      %get3A_3820 = arith.constant 54 : i32
      %get3A_3821 = arith.index_cast %get3A_3820 : i32 to index
      %get3A_3822 = arith.constant 32 : index
      %get3A_3823 = tpu.vector_load %arg8[%get3A_3821, %get3A_3822] {strides = array<i32>} : memref<80x128xbf16, #tpu.memory_space<vmem>>, vector<32xbf16>,
      %get3A_3824 = arith.constant 55 : i32
      %get3A_3825 = arith.index_cast %get3A_3824 : i32 to index
      %get3A_3826 = arith.constant 32 : index
      %get3A_3827 = tpu.vector_load %arg8[%get3A_3825, %get3A_3826] {strides = array<i32>} : memref<80x128xbf16, #tpu.memory_space<vmem>>, vector<32xbf16>,
      %get3A_3828 = arith.constant 56 : i32
      %get3A_3829 = arith.index_cast %get3A_3828 : i32 to index
      %get3A_3830 = arith.constant 32 : index
      %get3A_3831 = tpu.vector_load %arg8[%get3A_3829, %get3A_3830] {strides = array<i32>} : memref<80x128xbf16, #tpu.memory_space<vmem>>, vector<32xbf16>,
      %get3A_3832 = arith.constant 57 : i32
      %get3A_3833 = arith.index_cast %get3A_3832 : i32 to index
      %get3A_3834 = arith.constant 32 : index
      %get3A_3835 = tpu.vector_load %arg8[%get3A_3833, %get3A_3834] {strides = array<i32>} : memref<80x128xbf16, #tpu.memory_space<vmem>>, vector<32xbf16>,
      %get3A_3836 = arith.constant 58 : i32
      %get3A_3837 = arith.index_cast %get3A_3836 : i32 to index
      %get3A_3838 = arith.constant 32 : index
      %get3A_3839 = tpu.vector_load %arg8[%get3A_3837, %get3A_3838] {strides = array<i32>} : memref<80x128xbf16, #tpu.memory_space<vmem>>, vector<32xbf16>,
      %get3A_3840 = arith.constant 59 : i32
      %get3A_3841 = arith.index_cast %get3A_3840 : i32 to index
      %get3A_3842 = arith.constant 32 : index
      %get3A_3843 = tpu.vector_load %arg8[%get3A_3841, %get3A_3842] {strides = array<i32>} : memref<80x128xbf16, #tpu.memory_space<vmem>>, vector<32xbf16>,
      %add3A_3844 = arith.addf %get3A_3807, %get3A_3811 : vector<32xbf16>
      %add3A_3845 = arith.addf %get3A_3815, %get3A_3819 : vector<32xbf16>
      %add3A_3846 = arith.addf %get3A_3823, %get3A_3827 : vector<32xbf16>
      %add3A_3847 = arith.addf %get3A_3831, %get3A_3835 : vector<32xbf16>
      %add3A_3848 = arith.addf %get3A_3839, %get3A_3843 : vector<32xbf16>
      %add3A_3849 = arith.addf %add3A_3844, %add3A_3845 : vector<32xbf16>
      %add3A_3850 = arith.addf %add3A_3846, %add3A_3847 : vector<32xbf16>
      %add3A_3851 = arith.addf %add3A_3849, %add3A_3850 : vector<32xbf16>
      %add3A_3852 = arith.addf %add3A_3851, %add3A_3848 : vector<32xbf16>
      %unpack3A_3853 = tpu.unpack_subelements %add3A_3852, 0 {pack_format = #tpu.pack_format<interleaved>} : vector<32xbf16> -> vector<16xf32>
      %unpack3A_3854 = tpu.unpack_subelements %add3A_3852, 1 {pack_format = #tpu.pack_format<interleaved>} : vector<32xbf16> -> vector<16xf32>
      %add3A_3855 = arith.constant 32 : i32
      %add3A_3856 = vector.broadcast %add3A_3855 : i32 to vector<16xi32>
      %add3A_3857 = arith.addi %mul3A_2, %add3A_3856 : vector<16xi32>
      %mul3A_3858 = vector.broadcast %squeeze3A : f32 to vector<16xf32>
      %mul3A_3859 = arith.mulf %unpack3A_3853, %mul3A_3858 : vector<16xf32>
      %scatter3A_3860 = arith.constant 5 : i32
      %scatter3A_3861 = arith.constant 0 : i32
      %scatter3A_3862 = tpu.memref_slice %arg10[%scatter3A_3860, %scatter3A_3861] : memref<8x128xf32, #tpu.memory_space<vmem>> -> memref<1x128xf32, #tpu.memory_space<vmem>>
      %scatter3A_3863 = tpu.memref_squeeze %scatter3A_3862 : memref<1x128xf32, #tpu.memory_space<vmem>> -> memref<128xf32, #tpu.memory_space<vmem>>
      tpu.vector_store_idx %scatter3A_3863[%add3A_3857], %mul3A_3859 : memref<128xf32, #tpu.memory_space<vmem>>[vector<16xi32>], vector<16xf32>,
      %add3A_3864 = arith.constant 33 : i32
      %add3A_3865 = vector.broadcast %add3A_3864 : i32 to vector<16xi32>
      %add3A_3866 = arith.addi %mul3A_2, %add3A_3865 : vector<16xi32>
      %mul3A_3867 = vector.broadcast %squeeze3A : f32 to vector<16xf32>
      %mul3A_3868 = arith.mulf %unpack3A_3854, %mul3A_3867 : vector<16xf32>
      %scatter3A_3869 = arith.constant 5 : i32
      %scatter3A_3870 = arith.constant 0 : i32
      %scatter3A_3871 = tpu.memref_slice %arg10[%scatter3A_3869, %scatter3A_3870] : memref<8x128xf32, #tpu.memory_space<vmem>> -> memref<1x128xf32, #tpu.memory_space<vmem>>
      %scatter3A_3872 = tpu.memref_squeeze %scatter3A_3871 : memref<1x128xf32, #tpu.memory_space<vmem>> -> memref<128xf32, #tpu.memory_space<vmem>>
      tpu.vector_store_idx %scatter3A_3872[%add3A_3866], %mul3A_3868 : memref<128xf32, #tpu.memory_space<vmem>>[vector<16xi32>], vector<16xf32>,
      %get3A_3873 = arith.constant 50 : i32
      %get3A_3874 = arith.index_cast %get3A_3873 : i32 to index
      %get3A_3875 = arith.constant 64 : index
      %get3A_3876 = tpu.vector_load %arg8[%get3A_3874, %get3A_3875] {strides = array<i32>} : memref<80x128xbf16, #tpu.memory_space<vmem>>, vector<32xbf16>,
      %get3A_3877 = arith.constant 51 : i32
      %get3A_3878 = arith.index_cast %get3A_3877 : i32 to index
      %get3A_3879 = arith.constant 64 : index
      %get3A_3880 = tpu.vector_load %arg8[%get3A_3878, %get3A_3879] {strides = array<i32>} : memref<80x128xbf16, #tpu.memory_space<vmem>>, vector<32xbf16>,
      %get3A_3881 = arith.constant 52 : i32
      %get3A_3882 = arith.index_cast %get3A_3881 : i32 to index
      %get3A_3883 = arith.constant 64 : index
      %get3A_3884 = tpu.vector_load %arg8[%get3A_3882, %get3A_3883] {strides = array<i32>} : memref<80x128xbf16, #tpu.memory_space<vmem>>, vector<32xbf16>,
      %get3A_3885 = arith.constant 53 : i32
      %get3A_3886 = arith.index_cast %get3A_3885 : i32 to index
      %get3A_3887 = arith.constant 64 : index
      %get3A_3888 = tpu.vector_load %arg8[%get3A_3886, %get3A_3887] {strides = array<i32>} : memref<80x128xbf16, #tpu.memory_space<vmem>>, vector<32xbf16>,
      %get3A_3889 = arith.constant 54 : i32
      %get3A_3890 = arith.index_cast %get3A_3889 : i32 to index
      %get3A_3891 = arith.constant 64 : index
      %get3A_3892 = tpu.vector_load %arg8[%get3A_3890, %get3A_3891] {strides = array<i32>} : memref<80x128xbf16, #tpu.memory_space<vmem>>, vector<32xbf16>,
      %get3A_3893 = arith.constant 55 : i32
      %get3A_3894 = arith.index_cast %get3A_3893 : i32 to index
      %get3A_3895 = arith.constant 64 : index
      %get3A_3896 = tpu.vector_load %arg8[%get3A_3894, %get3A_3895] {strides = array<i32>} : memref<80x128xbf16, #tpu.memory_space<vmem>>, vector<32xbf16>,
      %get3A_3897 = arith.constant 56 : i32
      %get3A_3898 = arith.index_cast %get3A_3897 : i32 to index
      %get3A_3899 = arith.constant 64 : index
      %get3A_3900 = tpu.vector_load %arg8[%get3A_3898, %get3A_3899] {strides = array<i32>} : memref<80x128xbf16, #tpu.memory_space<vmem>>, vector<32xbf16>,
      %get3A_3901 = arith.constant 57 : i32
      %get3A_3902 = arith.index_cast %get3A_3901 : i32 to index
      %get3A_3903 = arith.constant 64 : index
      %get3A_3904 = tpu.vector_load %arg8[%get3A_3902, %get3A_3903] {strides = array<i32>} : memref<80x128xbf16, #tpu.memory_space<vmem>>, vector<32xbf16>,
      %get3A_3905 = arith.constant 58 : i32
      %get3A_3906 = arith.index_cast %get3A_3905 : i32 to index
      %get3A_3907 = arith.constant 64 : index
      %get3A_3908 = tpu.vector_load %arg8[%get3A_3906, %get3A_3907] {strides = array<i32>} : memref<80x128xbf16, #tpu.memory_space<vmem>>, vector<32xbf16>,
      %get3A_3909 = arith.constant 59 : i32
      %get3A_3910 = arith.index_cast %get3A_3909 : i32 to index
      %get3A_3911 = arith.constant 64 : index
      %get3A_3912 = tpu.vector_load %arg8[%get3A_3910, %get3A_3911] {strides = array<i32>} : memref<80x128xbf16, #tpu.memory_space<vmem>>, vector<32xbf16>,
      %add3A_3913 = arith.addf %get3A_3876, %get3A_3880 : vector<32xbf16>
      %add3A_3914 = arith.addf %get3A_3884, %get3A_3888 : vector<32xbf16>
      %add3A_3915 = arith.addf %get3A_3892, %get3A_3896 : vector<32xbf16>
      %add3A_3916 = arith.addf %get3A_3900, %get3A_3904 : vector<32xbf16>
      %add3A_3917 = arith.addf %get3A_3908, %get3A_3912 : vector<32xbf16>
      %add3A_3918 = arith.addf %add3A_3913, %add3A_3914 : vector<32xbf16>
      %add3A_3919 = arith.addf %add3A_3915, %add3A_3916 : vector<32xbf16>
      %add3A_3920 = arith.addf %add3A_3918, %add3A_3919 : vector<32xbf16>
      %add3A_3921 = arith.addf %add3A_3920, %add3A_3917 : vector<32xbf16>
      %unpack3A_3922 = tpu.unpack_subelements %add3A_3921, 0 {pack_format = #tpu.pack_format<interleaved>} : vector<32xbf16> -> vector<16xf32>
      %unpack3A_3923 = tpu.unpack_subelements %add3A_3921, 1 {pack_format = #tpu.pack_format<interleaved>} : vector<32xbf16> -> vector<16xf32>
      %add3A_3924 = arith.constant 64 : i32
      %add3A_3925 = vector.broadcast %add3A_3924 : i32 to vector<16xi32>
      %add3A_3926 = arith.addi %mul3A_2, %add3A_3925 : vector<16xi32>
      %mul3A_3927 = vector.broadcast %squeeze3A : f32 to vector<16xf32>
      %mul3A_3928 = arith.mulf %unpack3A_3922, %mul3A_3927 : vector<16xf32>
      %scatter3A_3929 = arith.constant 5 : i32
      %scatter3A_3930 = arith.constant 0 : i32
      %scatter3A_3931 = tpu.memref_slice %arg10[%scatter3A_3929, %scatter3A_3930] : memref<8x128xf32, #tpu.memory_space<vmem>> -> memref<1x128xf32, #tpu.memory_space<vmem>>
      %scatter3A_3932 = tpu.memref_squeeze %scatter3A_3931 : memref<1x128xf32, #tpu.memory_space<vmem>> -> memref<128xf32, #tpu.memory_space<vmem>>
      tpu.vector_store_idx %scatter3A_3932[%add3A_3926], %mul3A_3928 : memref<128xf32, #tpu.memory_space<vmem>>[vector<16xi32>], vector<16xf32>,
      %add3A_3933 = arith.constant 65 : i32
      %add3A_3934 = vector.broadcast %add3A_3933 : i32 to vector<16xi32>
      %add3A_3935 = arith.addi %mul3A_2, %add3A_3934 : vector<16xi32>
      %mul3A_3936 = vector.broadcast %squeeze3A : f32 to vector<16xf32>
      %mul3A_3937 = arith.mulf %unpack3A_3923, %mul3A_3936 : vector<16xf32>
      %scatter3A_3938 = arith.constant 5 : i32
      %scatter3A_3939 = arith.constant 0 : i32
      %scatter3A_3940 = tpu.memref_slice %arg10[%scatter3A_3938, %scatter3A_3939] : memref<8x128xf32, #tpu.memory_space<vmem>> -> memref<1x128xf32, #tpu.memory_space<vmem>>
      %scatter3A_3941 = tpu.memref_squeeze %scatter3A_3940 : memref<1x128xf32, #tpu.memory_space<vmem>> -> memref<128xf32, #tpu.memory_space<vmem>>
      tpu.vector_store_idx %scatter3A_3941[%add3A_3935], %mul3A_3937 : memref<128xf32, #tpu.memory_space<vmem>>[vector<16xi32>], vector<16xf32>,
      %get3A_3942 = arith.constant 50 : i32
      %get3A_3943 = arith.index_cast %get3A_3942 : i32 to index
      %get3A_3944 = arith.constant 96 : index
      %get3A_3945 = tpu.vector_load %arg8[%get3A_3943, %get3A_3944] {strides = array<i32>} : memref<80x128xbf16, #tpu.memory_space<vmem>>, vector<32xbf16>,
      %get3A_3946 = arith.constant 51 : i32
      %get3A_3947 = arith.index_cast %get3A_3946 : i32 to index
      %get3A_3948 = arith.constant 96 : index
      %get3A_3949 = tpu.vector_load %arg8[%get3A_3947, %get3A_3948] {strides = array<i32>} : memref<80x128xbf16, #tpu.memory_space<vmem>>, vector<32xbf16>,
      %get3A_3950 = arith.constant 52 : i32
      %get3A_3951 = arith.index_cast %get3A_3950 : i32 to index
      %get3A_3952 = arith.constant 96 : index
      %get3A_3953 = tpu.vector_load %arg8[%get3A_3951, %get3A_3952] {strides = array<i32>} : memref<80x128xbf16, #tpu.memory_space<vmem>>, vector<32xbf16>,
      %get3A_3954 = arith.constant 53 : i32
      %get3A_3955 = arith.index_cast %get3A_3954 : i32 to index
      %get3A_3956 = arith.constant 96 : index
      %get3A_3957 = tpu.vector_load %arg8[%get3A_3955, %get3A_3956] {strides = array<i32>} : memref<80x128xbf16, #tpu.memory_space<vmem>>, vector<32xbf16>,
      %get3A_3958 = arith.constant 54 : i32
      %get3A_3959 = arith.index_cast %get3A_3958 : i32 to index
      %get3A_3960 = arith.constant 96 : index
      %get3A_3961 = tpu.vector_load %arg8[%get3A_3959, %get3A_3960] {strides = array<i32>} : memref<80x128xbf16, #tpu.memory_space<vmem>>, vector<32xbf16>,
      %get3A_3962 = arith.constant 55 : i32
      %get3A_3963 = arith.index_cast %get3A_3962 : i32 to index
      %get3A_3964 = arith.constant 96 : index
      %get3A_3965 = tpu.vector_load %arg8[%get3A_3963, %get3A_3964] {strides = array<i32>} : memref<80x128xbf16, #tpu.memory_space<vmem>>, vector<32xbf16>,
      %get3A_3966 = arith.constant 56 : i32
      %get3A_3967 = arith.index_cast %get3A_3966 : i32 to index
      %get3A_3968 = arith.constant 96 : index
      %get3A_3969 = tpu.vector_load %arg8[%get3A_3967, %get3A_3968] {strides = array<i32>} : memref<80x128xbf16, #tpu.memory_space<vmem>>, vector<32xbf16>,
      %get3A_3970 = arith.constant 57 : i32
      %get3A_3971 = arith.index_cast %get3A_3970 : i32 to index
      %get3A_3972 = arith.constant 96 : index
      %get3A_3973 = tpu.vector_load %arg8[%get3A_3971, %get3A_3972] {strides = array<i32>} : memref<80x128xbf16, #tpu.memory_space<vmem>>, vector<32xbf16>,
      %get3A_3974 = arith.constant 58 : i32
      %get3A_3975 = arith.index_cast %get3A_3974 : i32 to index
      %get3A_3976 = arith.constant 96 : index
      %get3A_3977 = tpu.vector_load %arg8[%get3A_3975, %get3A_3976] {strides = array<i32>} : memref<80x128xbf16, #tpu.memory_space<vmem>>, vector<32xbf16>,
      %get3A_3978 = arith.constant 59 : i32
      %get3A_3979 = arith.index_cast %get3A_3978 : i32 to index
      %get3A_3980 = arith.constant 96 : index
      %get3A_3981 = tpu.vector_load %arg8[%get3A_3979, %get3A_3980] {strides = array<i32>} : memref<80x128xbf16, #tpu.memory_space<vmem>>, vector<32xbf16>,
      %add3A_3982 = arith.addf %get3A_3945, %get3A_3949 : vector<32xbf16>
      %add3A_3983 = arith.addf %get3A_3953, %get3A_3957 : vector<32xbf16>
      %add3A_3984 = arith.addf %get3A_3961, %get3A_3965 : vector<32xbf16>
      %add3A_3985 = arith.addf %get3A_3969, %get3A_3973 : vector<32xbf16>
      %add3A_3986 = arith.addf %get3A_3977, %get3A_3981 : vector<32xbf16>
      %add3A_3987 = arith.addf %add3A_3982, %add3A_3983 : vector<32xbf16>
      %add3A_3988 = arith.addf %add3A_3984, %add3A_3985 : vector<32xbf16>
      %add3A_3989 = arith.addf %add3A_3987, %add3A_3988 : vector<32xbf16>
      %add3A_3990 = arith.addf %add3A_3989, %add3A_3986 : vector<32xbf16>
      %unpack3A_3991 = tpu.unpack_subelements %add3A_3990, 0 {pack_format = #tpu.pack_format<interleaved>} : vector<32xbf16> -> vector<16xf32>
      %unpack3A_3992 = tpu.unpack_subelements %add3A_3990, 1 {pack_format = #tpu.pack_format<interleaved>} : vector<32xbf16> -> vector<16xf32>
      %add3A_3993 = arith.constant 96 : i32
      %add3A_3994 = vector.broadcast %add3A_3993 : i32 to vector<16xi32>
      %add3A_3995 = arith.addi %mul3A_2, %add3A_3994 : vector<16xi32>
      %mul3A_3996 = vector.broadcast %squeeze3A : f32 to vector<16xf32>
      %mul3A_3997 = arith.mulf %unpack3A_3991, %mul3A_3996 : vector<16xf32>
      %scatter3A_3998 = arith.constant 5 : i32
      %scatter3A_3999 = arith.constant 0 : i32
      %scatter3A_4000 = tpu.memref_slice %arg10[%scatter3A_3998, %scatter3A_3999] : memref<8x128xf32, #tpu.memory_space<vmem>> -> memref<1x128xf32, #tpu.memory_space<vmem>>
      %scatter3A_4001 = tpu.memref_squeeze %scatter3A_4000 : memref<1x128xf32, #tpu.memory_space<vmem>> -> memref<128xf32, #tpu.memory_space<vmem>>
      tpu.vector_store_idx %scatter3A_4001[%add3A_3995], %mul3A_3997 : memref<128xf32, #tpu.memory_space<vmem>>[vector<16xi32>], vector<16xf32>,
      %add3A_4002 = arith.constant 97 : i32
      %add3A_4003 = vector.broadcast %add3A_4002 : i32 to vector<16xi32>
      %add3A_4004 = arith.addi %mul3A_2, %add3A_4003 : vector<16xi32>
      %mul3A_4005 = vector.broadcast %squeeze3A : f32 to vector<16xf32>
      %mul3A_4006 = arith.mulf %unpack3A_3992, %mul3A_4005 : vector<16xf32>
      %scatter3A_4007 = arith.constant 5 : i32
      %scatter3A_4008 = arith.constant 0 : i32
      %scatter3A_4009 = tpu.memref_slice %arg10[%scatter3A_4007, %scatter3A_4008] : memref<8x128xf32, #tpu.memory_space<vmem>> -> memref<1x128xf32, #tpu.memory_space<vmem>>
      %scatter3A_4010 = tpu.memref_squeeze %scatter3A_4009 : memref<1x128xf32, #tpu.memory_space<vmem>> -> memref<128xf32, #tpu.memory_space<vmem>>
      tpu.vector_store_idx %scatter3A_4010[%add3A_4004], %mul3A_4006 : memref<128xf32, #tpu.memory_space<vmem>>[vector<16xi32>], vector<16xf32>,
      %get3A_4011 = arith.constant 60 : i32
      %get3A_4012 = arith.index_cast %get3A_4011 : i32 to index
      %get3A_4013 = arith.constant 0 : index
      %get3A_4014 = tpu.vector_load %arg8[%get3A_4012, %get3A_4013] {strides = array<i32>} : memref<80x128xbf16, #tpu.memory_space<vmem>>, vector<32xbf16>,
      %get3A_4015 = arith.constant 61 : i32
      %get3A_4016 = arith.index_cast %get3A_4015 : i32 to index
      %get3A_4017 = arith.constant 0 : index
      %get3A_4018 = tpu.vector_load %arg8[%get3A_4016, %get3A_4017] {strides = array<i32>} : memref<80x128xbf16, #tpu.memory_space<vmem>>, vector<32xbf16>,
      %get3A_4019 = arith.constant 62 : i32
      %get3A_4020 = arith.index_cast %get3A_4019 : i32 to index
      %get3A_4021 = arith.constant 0 : index
      %get3A_4022 = tpu.vector_load %arg8[%get3A_4020, %get3A_4021] {strides = array<i32>} : memref<80x128xbf16, #tpu.memory_space<vmem>>, vector<32xbf16>,
      %get3A_4023 = arith.constant 63 : i32
      %get3A_4024 = arith.index_cast %get3A_4023 : i32 to index
      %get3A_4025 = arith.constant 0 : index
      %get3A_4026 = tpu.vector_load %arg8[%get3A_4024, %get3A_4025] {strides = array<i32>} : memref<80x128xbf16, #tpu.memory_space<vmem>>, vector<32xbf16>,
      %get3A_4027 = arith.constant 64 : i32
      %get3A_4028 = arith.index_cast %get3A_4027 : i32 to index
      %get3A_4029 = arith.constant 0 : index
      %get3A_4030 = tpu.vector_load %arg8[%get3A_4028, %get3A_4029] {strides = array<i32>} : memref<80x128xbf16, #tpu.memory_space<vmem>>, vector<32xbf16>,
      %get3A_4031 = arith.constant 65 : i32
      %get3A_4032 = arith.index_cast %get3A_4031 : i32 to index
      %get3A_4033 = arith.constant 0 : index
      %get3A_4034 = tpu.vector_load %arg8[%get3A_4032, %get3A_4033] {strides = array<i32>} : memref<80x128xbf16, #tpu.memory_space<vmem>>, vector<32xbf16>,
      %get3A_4035 = arith.constant 66 : i32
      %get3A_4036 = arith.index_cast %get3A_4035 : i32 to index
      %get3A_4037 = arith.constant 0 : index
      %get3A_4038 = tpu.vector_load %arg8[%get3A_4036, %get3A_4037] {strides = array<i32>} : memref<80x128xbf16, #tpu.memory_space<vmem>>, vector<32xbf16>,
      %get3A_4039 = arith.constant 67 : i32
      %get3A_4040 = arith.index_cast %get3A_4039 : i32 to index
      %get3A_4041 = arith.constant 0 : index
      %get3A_4042 = tpu.vector_load %arg8[%get3A_4040, %get3A_4041] {strides = array<i32>} : memref<80x128xbf16, #tpu.memory_space<vmem>>, vector<32xbf16>,
      %get3A_4043 = arith.constant 68 : i32
      %get3A_4044 = arith.index_cast %get3A_4043 : i32 to index
      %get3A_4045 = arith.constant 0 : index
      %get3A_4046 = tpu.vector_load %arg8[%get3A_4044, %get3A_4045] {strides = array<i32>} : memref<80x128xbf16, #tpu.memory_space<vmem>>, vector<32xbf16>,
      %get3A_4047 = arith.constant 69 : i32
      %get3A_4048 = arith.index_cast %get3A_4047 : i32 to index
      %get3A_4049 = arith.constant 0 : index
      %get3A_4050 = tpu.vector_load %arg8[%get3A_4048, %get3A_4049] {strides = array<i32>} : memref<80x128xbf16, #tpu.memory_space<vmem>>, vector<32xbf16>,
      %add3A_4051 = arith.addf %get3A_4014, %get3A_4018 : vector<32xbf16>
      %add3A_4052 = arith.addf %get3A_4022, %get3A_4026 : vector<32xbf16>
      %add3A_4053 = arith.addf %get3A_4030, %get3A_4034 : vector<32xbf16>
      %add3A_4054 = arith.addf %get3A_4038, %get3A_4042 : vector<32xbf16>
      %add3A_4055 = arith.addf %get3A_4046, %get3A_4050 : vector<32xbf16>
      %add3A_4056 = arith.addf %add3A_4051, %add3A_4052 : vector<32xbf16>
      %add3A_4057 = arith.addf %add3A_4053, %add3A_4054 : vector<32xbf16>
      %add3A_4058 = arith.addf %add3A_4056, %add3A_4057 : vector<32xbf16>
      %add3A_4059 = arith.addf %add3A_4058, %add3A_4055 : vector<32xbf16>
      %unpack3A_4060 = tpu.unpack_subelements %add3A_4059, 0 {pack_format = #tpu.pack_format<interleaved>} : vector<32xbf16> -> vector<16xf32>
      %unpack3A_4061 = tpu.unpack_subelements %add3A_4059, 1 {pack_format = #tpu.pack_format<interleaved>} : vector<32xbf16> -> vector<16xf32>
      %add3A_4062 = arith.constant 0 : i32
      %add3A_4063 = vector.broadcast %add3A_4062 : i32 to vector<16xi32>
      %add3A_4064 = arith.addi %mul3A_2, %add3A_4063 : vector<16xi32>
      %mul3A_4065 = vector.broadcast %squeeze3A : f32 to vector<16xf32>
      %mul3A_4066 = arith.mulf %unpack3A_4060, %mul3A_4065 : vector<16xf32>
      %scatter3A_4067 = arith.constant 6 : i32
      %scatter3A_4068 = arith.constant 0 : i32
      %scatter3A_4069 = tpu.memref_slice %arg10[%scatter3A_4067, %scatter3A_4068] : memref<8x128xf32, #tpu.memory_space<vmem>> -> memref<1x128xf32, #tpu.memory_space<vmem>>
      %scatter3A_4070 = tpu.memref_squeeze %scatter3A_4069 : memref<1x128xf32, #tpu.memory_space<vmem>> -> memref<128xf32, #tpu.memory_space<vmem>>
      tpu.vector_store_idx %scatter3A_4070[%add3A_4064], %mul3A_4066 : memref<128xf32, #tpu.memory_space<vmem>>[vector<16xi32>], vector<16xf32>,
      %add3A_4071 = arith.constant 1 : i32
      %add3A_4072 = vector.broadcast %add3A_4071 : i32 to vector<16xi32>
      %add3A_4073 = arith.addi %mul3A_2, %add3A_4072 : vector<16xi32>
      %mul3A_4074 = vector.broadcast %squeeze3A : f32 to vector<16xf32>
      %mul3A_4075 = arith.mulf %unpack3A_4061, %mul3A_4074 : vector<16xf32>
      %scatter3A_4076 = arith.constant 6 : i32
      %scatter3A_4077 = arith.constant 0 : i32
      %scatter3A_4078 = tpu.memref_slice %arg10[%scatter3A_4076, %scatter3A_4077] : memref<8x128xf32, #tpu.memory_space<vmem>> -> memref<1x128xf32, #tpu.memory_space<vmem>>
      %scatter3A_4079 = tpu.memref_squeeze %scatter3A_4078 : memref<1x128xf32, #tpu.memory_space<vmem>> -> memref<128xf32, #tpu.memory_space<vmem>>
      tpu.vector_store_idx %scatter3A_4079[%add3A_4073], %mul3A_4075 : memref<128xf32, #tpu.memory_space<vmem>>[vector<16xi32>], vector<16xf32>,
      %get3A_4080 = arith.constant 60 : i32
      %get3A_4081 = arith.index_cast %get3A_4080 : i32 to index
      %get3A_4082 = arith.constant 32 : index
      %get3A_4083 = tpu.vector_load %arg8[%get3A_4081, %get3A_4082] {strides = array<i32>} : memref<80x128xbf16, #tpu.memory_space<vmem>>, vector<32xbf16>,
      %get3A_4084 = arith.constant 61 : i32
      %get3A_4085 = arith.index_cast %get3A_4084 : i32 to index
      %get3A_4086 = arith.constant 32 : index
      %get3A_4087 = tpu.vector_load %arg8[%get3A_4085, %get3A_4086] {strides = array<i32>} : memref<80x128xbf16, #tpu.memory_space<vmem>>, vector<32xbf16>,
      %get3A_4088 = arith.constant 62 : i32
      %get3A_4089 = arith.index_cast %get3A_4088 : i32 to index
      %get3A_4090 = arith.constant 32 : index
      %get3A_4091 = tpu.vector_load %arg8[%get3A_4089, %get3A_4090] {strides = array<i32>} : memref<80x128xbf16, #tpu.memory_space<vmem>>, vector<32xbf16>,
      %get3A_4092 = arith.constant 63 : i32
      %get3A_4093 = arith.index_cast %get3A_4092 : i32 to index
      %get3A_4094 = arith.constant 32 : index
      %get3A_4095 = tpu.vector_load %arg8[%get3A_4093, %get3A_4094] {strides = array<i32>} : memref<80x128xbf16, #tpu.memory_space<vmem>>, vector<32xbf16>,
      %get3A_4096 = arith.constant 64 : i32
      %get3A_4097 = arith.index_cast %get3A_4096 : i32 to index
      %get3A_4098 = arith.constant 32 : index
      %get3A_4099 = tpu.vector_load %arg8[%get3A_4097, %get3A_4098] {strides = array<i32>} : memref<80x128xbf16, #tpu.memory_space<vmem>>, vector<32xbf16>,
      %get3A_4100 = arith.constant 65 : i32
      %get3A_4101 = arith.index_cast %get3A_4100 : i32 to index
      %get3A_4102 = arith.constant 32 : index
      %get3A_4103 = tpu.vector_load %arg8[%get3A_4101, %get3A_4102] {strides = array<i32>} : memref<80x128xbf16, #tpu.memory_space<vmem>>, vector<32xbf16>,
      %get3A_4104 = arith.constant 66 : i32
      %get3A_4105 = arith.index_cast %get3A_4104 : i32 to index
      %get3A_4106 = arith.constant 32 : index
      %get3A_4107 = tpu.vector_load %arg8[%get3A_4105, %get3A_4106] {strides = array<i32>} : memref<80x128xbf16, #tpu.memory_space<vmem>>, vector<32xbf16>,
      %get3A_4108 = arith.constant 67 : i32
      %get3A_4109 = arith.index_cast %get3A_4108 : i32 to index
      %get3A_4110 = arith.constant 32 : index
      %get3A_4111 = tpu.vector_load %arg8[%get3A_4109, %get3A_4110] {strides = array<i32>} : memref<80x128xbf16, #tpu.memory_space<vmem>>, vector<32xbf16>,
      %get3A_4112 = arith.constant 68 : i32
      %get3A_4113 = arith.index_cast %get3A_4112 : i32 to index
      %get3A_4114 = arith.constant 32 : index
      %get3A_4115 = tpu.vector_load %arg8[%get3A_4113, %get3A_4114] {strides = array<i32>} : memref<80x128xbf16, #tpu.memory_space<vmem>>, vector<32xbf16>,
      %get3A_4116 = arith.constant 69 : i32
      %get3A_4117 = arith.index_cast %get3A_4116 : i32 to index
      %get3A_4118 = arith.constant 32 : index
      %get3A_4119 = tpu.vector_load %arg8[%get3A_4117, %get3A_4118] {strides = array<i32>} : memref<80x128xbf16, #tpu.memory_space<vmem>>, vector<32xbf16>,
      %add3A_4120 = arith.addf %get3A_4083, %get3A_4087 : vector<32xbf16>
      %add3A_4121 = arith.addf %get3A_4091, %get3A_4095 : vector<32xbf16>
      %add3A_4122 = arith.addf %get3A_4099, %get3A_4103 : vector<32xbf16>
      %add3A_4123 = arith.addf %get3A_4107, %get3A_4111 : vector<32xbf16>
      %add3A_4124 = arith.addf %get3A_4115, %get3A_4119 : vector<32xbf16>
      %add3A_4125 = arith.addf %add3A_4120, %add3A_4121 : vector<32xbf16>
      %add3A_4126 = arith.addf %add3A_4122, %add3A_4123 : vector<32xbf16>
      %add3A_4127 = arith.addf %add3A_4125, %add3A_4126 : vector<32xbf16>
      %add3A_4128 = arith.addf %add3A_4127, %add3A_4124 : vector<32xbf16>
      %unpack3A_4129 = tpu.unpack_subelements %add3A_4128, 0 {pack_format = #tpu.pack_format<interleaved>} : vector<32xbf16> -> vector<16xf32>
      %unpack3A_4130 = tpu.unpack_subelements %add3A_4128, 1 {pack_format = #tpu.pack_format<interleaved>} : vector<32xbf16> -> vector<16xf32>
      %add3A_4131 = arith.constant 32 : i32
      %add3A_4132 = vector.broadcast %add3A_4131 : i32 to vector<16xi32>
      %add3A_4133 = arith.addi %mul3A_2, %add3A_4132 : vector<16xi32>
      %mul3A_4134 = vector.broadcast %squeeze3A : f32 to vector<16xf32>
      %mul3A_4135 = arith.mulf %unpack3A_4129, %mul3A_4134 : vector<16xf32>
      %scatter3A_4136 = arith.constant 6 : i32
      %scatter3A_4137 = arith.constant 0 : i32
      %scatter3A_4138 = tpu.memref_slice %arg10[%scatter3A_4136, %scatter3A_4137] : memref<8x128xf32, #tpu.memory_space<vmem>> -> memref<1x128xf32, #tpu.memory_space<vmem>>
      %scatter3A_4139 = tpu.memref_squeeze %scatter3A_4138 : memref<1x128xf32, #tpu.memory_space<vmem>> -> memref<128xf32, #tpu.memory_space<vmem>>
      tpu.vector_store_idx %scatter3A_4139[%add3A_4133], %mul3A_4135 : memref<128xf32, #tpu.memory_space<vmem>>[vector<16xi32>], vector<16xf32>,
      %add3A_4140 = arith.constant 33 : i32
      %add3A_4141 = vector.broadcast %add3A_4140 : i32 to vector<16xi32>
      %add3A_4142 = arith.addi %mul3A_2, %add3A_4141 : vector<16xi32>
      %mul3A_4143 = vector.broadcast %squeeze3A : f32 to vector<16xf32>
      %mul3A_4144 = arith.mulf %unpack3A_4130, %mul3A_4143 : vector<16xf32>
      %scatter3A_4145 = arith.constant 6 : i32
      %scatter3A_4146 = arith.constant 0 : i32
      %scatter3A_4147 = tpu.memref_slice %arg10[%scatter3A_4145, %scatter3A_4146] : memref<8x128xf32, #tpu.memory_space<vmem>> -> memref<1x128xf32, #tpu.memory_space<vmem>>
      %scatter3A_4148 = tpu.memref_squeeze %scatter3A_4147 : memref<1x128xf32, #tpu.memory_space<vmem>> -> memref<128xf32, #tpu.memory_space<vmem>>
      tpu.vector_store_idx %scatter3A_4148[%add3A_4142], %mul3A_4144 : memref<128xf32, #tpu.memory_space<vmem>>[vector<16xi32>], vector<16xf32>,
      %get3A_4149 = arith.constant 60 : i32
      %get3A_4150 = arith.index_cast %get3A_4149 : i32 to index
      %get3A_4151 = arith.constant 64 : index
      %get3A_4152 = tpu.vector_load %arg8[%get3A_4150, %get3A_4151] {strides = array<i32>} : memref<80x128xbf16, #tpu.memory_space<vmem>>, vector<32xbf16>,
      %get3A_4153 = arith.constant 61 : i32
      %get3A_4154 = arith.index_cast %get3A_4153 : i32 to index
      %get3A_4155 = arith.constant 64 : index
      %get3A_4156 = tpu.vector_load %arg8[%get3A_4154, %get3A_4155] {strides = array<i32>} : memref<80x128xbf16, #tpu.memory_space<vmem>>, vector<32xbf16>,
      %get3A_4157 = arith.constant 62 : i32
      %get3A_4158 = arith.index_cast %get3A_4157 : i32 to index
      %get3A_4159 = arith.constant 64 : index
      %get3A_4160 = tpu.vector_load %arg8[%get3A_4158, %get3A_4159] {strides = array<i32>} : memref<80x128xbf16, #tpu.memory_space<vmem>>, vector<32xbf16>,
      %get3A_4161 = arith.constant 63 : i32
      %get3A_4162 = arith.index_cast %get3A_4161 : i32 to index
      %get3A_4163 = arith.constant 64 : index
      %get3A_4164 = tpu.vector_load %arg8[%get3A_4162, %get3A_4163] {strides = array<i32>} : memref<80x128xbf16, #tpu.memory_space<vmem>>, vector<32xbf16>,
      %get3A_4165 = arith.constant 64 : i32
      %get3A_4166 = arith.index_cast %get3A_4165 : i32 to index
      %get3A_4167 = arith.constant 64 : index
      %get3A_4168 = tpu.vector_load %arg8[%get3A_4166, %get3A_4167] {strides = array<i32>} : memref<80x128xbf16, #tpu.memory_space<vmem>>, vector<32xbf16>,
      %get3A_4169 = arith.constant 65 : i32
      %get3A_4170 = arith.index_cast %get3A_4169 : i32 to index
      %get3A_4171 = arith.constant 64 : index
      %get3A_4172 = tpu.vector_load %arg8[%get3A_4170, %get3A_4171] {strides = array<i32>} : memref<80x128xbf16, #tpu.memory_space<vmem>>, vector<32xbf16>,
      %get3A_4173 = arith.constant 66 : i32
      %get3A_4174 = arith.index_cast %get3A_4173 : i32 to index
      %get3A_4175 = arith.constant 64 : index
      %get3A_4176 = tpu.vector_load %arg8[%get3A_4174, %get3A_4175] {strides = array<i32>} : memref<80x128xbf16, #tpu.memory_space<vmem>>, vector<32xbf16>,
      %get3A_4177 = arith.constant 67 : i32
      %get3A_4178 = arith.index_cast %get3A_4177 : i32 to index
      %get3A_4179 = arith.constant 64 : index
      %get3A_4180 = tpu.vector_load %arg8[%get3A_4178, %get3A_4179] {strides = array<i32>} : memref<80x128xbf16, #tpu.memory_space<vmem>>, vector<32xbf16>,
      %get3A_4181 = arith.constant 68 : i32
      %get3A_4182 = arith.index_cast %get3A_4181 : i32 to index
      %get3A_4183 = arith.constant 64 : index
      %get3A_4184 = tpu.vector_load %arg8[%get3A_4182, %get3A_4183] {strides = array<i32>} : memref<80x128xbf16, #tpu.memory_space<vmem>>, vector<32xbf16>,
      %get3A_4185 = arith.constant 69 : i32
      %get3A_4186 = arith.index_cast %get3A_4185 : i32 to index
      %get3A_4187 = arith.constant 64 : index
      %get3A_4188 = tpu.vector_load %arg8[%get3A_4186, %get3A_4187] {strides = array<i32>} : memref<80x128xbf16, #tpu.memory_space<vmem>>, vector<32xbf16>,
      %add3A_4189 = arith.addf %get3A_4152, %get3A_4156 : vector<32xbf16>
      %add3A_4190 = arith.addf %get3A_4160, %get3A_4164 : vector<32xbf16>
      %add3A_4191 = arith.addf %get3A_4168, %get3A_4172 : vector<32xbf16>
      %add3A_4192 = arith.addf %get3A_4176, %get3A_4180 : vector<32xbf16>
      %add3A_4193 = arith.addf %get3A_4184, %get3A_4188 : vector<32xbf16>
      %add3A_4194 = arith.addf %add3A_4189, %add3A_4190 : vector<32xbf16>
      %add3A_4195 = arith.addf %add3A_4191, %add3A_4192 : vector<32xbf16>
      %add3A_4196 = arith.addf %add3A_4194, %add3A_4195 : vector<32xbf16>
      %add3A_4197 = arith.addf %add3A_4196, %add3A_4193 : vector<32xbf16>
      %unpack3A_4198 = tpu.unpack_subelements %add3A_4197, 0 {pack_format = #tpu.pack_format<interleaved>} : vector<32xbf16> -> vector<16xf32>
      %unpack3A_4199 = tpu.unpack_subelements %add3A_4197, 1 {pack_format = #tpu.pack_format<interleaved>} : vector<32xbf16> -> vector<16xf32>
      %add3A_4200 = arith.constant 64 : i32
      %add3A_4201 = vector.broadcast %add3A_4200 : i32 to vector<16xi32>
      %add3A_4202 = arith.addi %mul3A_2, %add3A_4201 : vector<16xi32>
      %mul3A_4203 = vector.broadcast %squeeze3A : f32 to vector<16xf32>
      %mul3A_4204 = arith.mulf %unpack3A_4198, %mul3A_4203 : vector<16xf32>
      %scatter3A_4205 = arith.constant 6 : i32
      %scatter3A_4206 = arith.constant 0 : i32
      %scatter3A_4207 = tpu.memref_slice %arg10[%scatter3A_4205, %scatter3A_4206] : memref<8x128xf32, #tpu.memory_space<vmem>> -> memref<1x128xf32, #tpu.memory_space<vmem>>
      %scatter3A_4208 = tpu.memref_squeeze %scatter3A_4207 : memref<1x128xf32, #tpu.memory_space<vmem>> -> memref<128xf32, #tpu.memory_space<vmem>>
      tpu.vector_store_idx %scatter3A_4208[%add3A_4202], %mul3A_4204 : memref<128xf32, #tpu.memory_space<vmem>>[vector<16xi32>], vector<16xf32>,
      %add3A_4209 = arith.constant 65 : i32
      %add3A_4210 = vector.broadcast %add3A_4209 : i32 to vector<16xi32>
      %add3A_4211 = arith.addi %mul3A_2, %add3A_4210 : vector<16xi32>
      %mul3A_4212 = vector.broadcast %squeeze3A : f32 to vector<16xf32>
      %mul3A_4213 = arith.mulf %unpack3A_4199, %mul3A_4212 : vector<16xf32>
      %scatter3A_4214 = arith.constant 6 : i32
      %scatter3A_4215 = arith.constant 0 : i32
      %scatter3A_4216 = tpu.memref_slice %arg10[%scatter3A_4214, %scatter3A_4215] : memref<8x128xf32, #tpu.memory_space<vmem>> -> memref<1x128xf32, #tpu.memory_space<vmem>>
      %scatter3A_4217 = tpu.memref_squeeze %scatter3A_4216 : memref<1x128xf32, #tpu.memory_space<vmem>> -> memref<128xf32, #tpu.memory_space<vmem>>
      tpu.vector_store_idx %scatter3A_4217[%add3A_4211], %mul3A_4213 : memref<128xf32, #tpu.memory_space<vmem>>[vector<16xi32>], vector<16xf32>,
      %get3A_4218 = arith.constant 60 : i32
      %get3A_4219 = arith.index_cast %get3A_4218 : i32 to index
      %get3A_4220 = arith.constant 96 : index
      %get3A_4221 = tpu.vector_load %arg8[%get3A_4219, %get3A_4220] {strides = array<i32>} : memref<80x128xbf16, #tpu.memory_space<vmem>>, vector<32xbf16>,
      %get3A_4222 = arith.constant 61 : i32
      %get3A_4223 = arith.index_cast %get3A_4222 : i32 to index
      %get3A_4224 = arith.constant 96 : index
      %get3A_4225 = tpu.vector_load %arg8[%get3A_4223, %get3A_4224] {strides = array<i32>} : memref<80x128xbf16, #tpu.memory_space<vmem>>, vector<32xbf16>,
      %get3A_4226 = arith.constant 62 : i32
      %get3A_4227 = arith.index_cast %get3A_4226 : i32 to index
      %get3A_4228 = arith.constant 96 : index
      %get3A_4229 = tpu.vector_load %arg8[%get3A_4227, %get3A_4228] {strides = array<i32>} : memref<80x128xbf16, #tpu.memory_space<vmem>>, vector<32xbf16>,
      %get3A_4230 = arith.constant 63 : i32
      %get3A_4231 = arith.index_cast %get3A_4230 : i32 to index
      %get3A_4232 = arith.constant 96 : index
      %get3A_4233 = tpu.vector_load %arg8[%get3A_4231, %get3A_4232] {strides = array<i32>} : memref<80x128xbf16, #tpu.memory_space<vmem>>, vector<32xbf16>,
      %get3A_4234 = arith.constant 64 : i32
      %get3A_4235 = arith.index_cast %get3A_4234 : i32 to index
      %get3A_4236 = arith.constant 96 : index
      %get3A_4237 = tpu.vector_load %arg8[%get3A_4235, %get3A_4236] {strides = array<i32>} : memref<80x128xbf16, #tpu.memory_space<vmem>>, vector<32xbf16>,
      %get3A_4238 = arith.constant 65 : i32
      %get3A_4239 = arith.index_cast %get3A_4238 : i32 to index
      %get3A_4240 = arith.constant 96 : index
      %get3A_4241 = tpu.vector_load %arg8[%get3A_4239, %get3A_4240] {strides = array<i32>} : memref<80x128xbf16, #tpu.memory_space<vmem>>, vector<32xbf16>,
      %get3A_4242 = arith.constant 66 : i32
      %get3A_4243 = arith.index_cast %get3A_4242 : i32 to index
      %get3A_4244 = arith.constant 96 : index
      %get3A_4245 = tpu.vector_load %arg8[%get3A_4243, %get3A_4244] {strides = array<i32>} : memref<80x128xbf16, #tpu.memory_space<vmem>>, vector<32xbf16>,
      %get3A_4246 = arith.constant 67 : i32
      %get3A_4247 = arith.index_cast %get3A_4246 : i32 to index
      %get3A_4248 = arith.constant 96 : index
      %get3A_4249 = tpu.vector_load %arg8[%get3A_4247, %get3A_4248] {strides = array<i32>} : memref<80x128xbf16, #tpu.memory_space<vmem>>, vector<32xbf16>,
      %get3A_4250 = arith.constant 68 : i32
      %get3A_4251 = arith.index_cast %get3A_4250 : i32 to index
      %get3A_4252 = arith.constant 96 : index
      %get3A_4253 = tpu.vector_load %arg8[%get3A_4251, %get3A_4252] {strides = array<i32>} : memref<80x128xbf16, #tpu.memory_space<vmem>>, vector<32xbf16>,
      %get3A_4254 = arith.constant 69 : i32
      %get3A_4255 = arith.index_cast %get3A_4254 : i32 to index
      %get3A_4256 = arith.constant 96 : index
      %get3A_4257 = tpu.vector_load %arg8[%get3A_4255, %get3A_4256] {strides = array<i32>} : memref<80x128xbf16, #tpu.memory_space<vmem>>, vector<32xbf16>,
      %add3A_4258 = arith.addf %get3A_4221, %get3A_4225 : vector<32xbf16>
      %add3A_4259 = arith.addf %get3A_4229, %get3A_4233 : vector<32xbf16>
      %add3A_4260 = arith.addf %get3A_4237, %get3A_4241 : vector<32xbf16>
      %add3A_4261 = arith.addf %get3A_4245, %get3A_4249 : vector<32xbf16>
      %add3A_4262 = arith.addf %get3A_4253, %get3A_4257 : vector<32xbf16>
      %add3A_4263 = arith.addf %add3A_4258, %add3A_4259 : vector<32xbf16>
      %add3A_4264 = arith.addf %add3A_4260, %add3A_4261 : vector<32xbf16>
      %add3A_4265 = arith.addf %add3A_4263, %add3A_4264 : vector<32xbf16>
      %add3A_4266 = arith.addf %add3A_4265, %add3A_4262 : vector<32xbf16>
      %unpack3A_4267 = tpu.unpack_subelements %add3A_4266, 0 {pack_format = #tpu.pack_format<interleaved>} : vector<32xbf16> -> vector<16xf32>
      %unpack3A_4268 = tpu.unpack_subelements %add3A_4266, 1 {pack_format = #tpu.pack_format<interleaved>} : vector<32xbf16> -> vector<16xf32>
      %add3A_4269 = arith.constant 96 : i32
      %add3A_4270 = vector.broadcast %add3A_4269 : i32 to vector<16xi32>
      %add3A_4271 = arith.addi %mul3A_2, %add3A_4270 : vector<16xi32>
      %mul3A_4272 = vector.broadcast %squeeze3A : f32 to vector<16xf32>
      %mul3A_4273 = arith.mulf %unpack3A_4267, %mul3A_4272 : vector<16xf32>
      %scatter3A_4274 = arith.constant 6 : i32
      %scatter3A_4275 = arith.constant 0 : i32
      %scatter3A_4276 = tpu.memref_slice %arg10[%scatter3A_4274, %scatter3A_4275] : memref<8x128xf32, #tpu.memory_space<vmem>> -> memref<1x128xf32, #tpu.memory_space<vmem>>
      %scatter3A_4277 = tpu.memref_squeeze %scatter3A_4276 : memref<1x128xf32, #tpu.memory_space<vmem>> -> memref<128xf32, #tpu.memory_space<vmem>>
      tpu.vector_store_idx %scatter3A_4277[%add3A_4271], %mul3A_4273 : memref<128xf32, #tpu.memory_space<vmem>>[vector<16xi32>], vector<16xf32>,
      %add3A_4278 = arith.constant 97 : i32
      %add3A_4279 = vector.broadcast %add3A_4278 : i32 to vector<16xi32>
      %add3A_4280 = arith.addi %mul3A_2, %add3A_4279 : vector<16xi32>
      %mul3A_4281 = vector.broadcast %squeeze3A : f32 to vector<16xf32>
      %mul3A_4282 = arith.mulf %unpack3A_4268, %mul3A_4281 : vector<16xf32>
      %scatter3A_4283 = arith.constant 6 : i32
      %scatter3A_4284 = arith.constant 0 : i32
      %scatter3A_4285 = tpu.memref_slice %arg10[%scatter3A_4283, %scatter3A_4284] : memref<8x128xf32, #tpu.memory_space<vmem>> -> memref<1x128xf32, #tpu.memory_space<vmem>>
      %scatter3A_4286 = tpu.memref_squeeze %scatter3A_4285 : memref<1x128xf32, #tpu.memory_space<vmem>> -> memref<128xf32, #tpu.memory_space<vmem>>
      tpu.vector_store_idx %scatter3A_4286[%add3A_4280], %mul3A_4282 : memref<128xf32, #tpu.memory_space<vmem>>[vector<16xi32>], vector<16xf32>,
      %get3A_4287 = arith.constant 70 : i32
      %get3A_4288 = arith.index_cast %get3A_4287 : i32 to index
      %get3A_4289 = arith.constant 0 : index
      %get3A_4290 = tpu.vector_load %arg8[%get3A_4288, %get3A_4289] {strides = array<i32>} : memref<80x128xbf16, #tpu.memory_space<vmem>>, vector<32xbf16>,
      %get3A_4291 = arith.constant 71 : i32
      %get3A_4292 = arith.index_cast %get3A_4291 : i32 to index
      %get3A_4293 = arith.constant 0 : index
      %get3A_4294 = tpu.vector_load %arg8[%get3A_4292, %get3A_4293] {strides = array<i32>} : memref<80x128xbf16, #tpu.memory_space<vmem>>, vector<32xbf16>,
      %get3A_4295 = arith.constant 72 : i32
      %get3A_4296 = arith.index_cast %get3A_4295 : i32 to index
      %get3A_4297 = arith.constant 0 : index
      %get3A_4298 = tpu.vector_load %arg8[%get3A_4296, %get3A_4297] {strides = array<i32>} : memref<80x128xbf16, #tpu.memory_space<vmem>>, vector<32xbf16>,
      %get3A_4299 = arith.constant 73 : i32
      %get3A_4300 = arith.index_cast %get3A_4299 : i32 to index
      %get3A_4301 = arith.constant 0 : index
      %get3A_4302 = tpu.vector_load %arg8[%get3A_4300, %get3A_4301] {strides = array<i32>} : memref<80x128xbf16, #tpu.memory_space<vmem>>, vector<32xbf16>,
      %get3A_4303 = arith.constant 74 : i32
      %get3A_4304 = arith.index_cast %get3A_4303 : i32 to index
      %get3A_4305 = arith.constant 0 : index
      %get3A_4306 = tpu.vector_load %arg8[%get3A_4304, %get3A_4305] {strides = array<i32>} : memref<80x128xbf16, #tpu.memory_space<vmem>>, vector<32xbf16>,
      %get3A_4307 = arith.constant 75 : i32
      %get3A_4308 = arith.index_cast %get3A_4307 : i32 to index
      %get3A_4309 = arith.constant 0 : index
      %get3A_4310 = tpu.vector_load %arg8[%get3A_4308, %get3A_4309] {strides = array<i32>} : memref<80x128xbf16, #tpu.memory_space<vmem>>, vector<32xbf16>,
      %get3A_4311 = arith.constant 76 : i32
      %get3A_4312 = arith.index_cast %get3A_4311 : i32 to index
      %get3A_4313 = arith.constant 0 : index
      %get3A_4314 = tpu.vector_load %arg8[%get3A_4312, %get3A_4313] {strides = array<i32>} : memref<80x128xbf16, #tpu.memory_space<vmem>>, vector<32xbf16>,
      %get3A_4315 = arith.constant 77 : i32
      %get3A_4316 = arith.index_cast %get3A_4315 : i32 to index
      %get3A_4317 = arith.constant 0 : index
      %get3A_4318 = tpu.vector_load %arg8[%get3A_4316, %get3A_4317] {strides = array<i32>} : memref<80x128xbf16, #tpu.memory_space<vmem>>, vector<32xbf16>,
      %get3A_4319 = arith.constant 78 : i32
      %get3A_4320 = arith.index_cast %get3A_4319 : i32 to index
      %get3A_4321 = arith.constant 0 : index
      %get3A_4322 = tpu.vector_load %arg8[%get3A_4320, %get3A_4321] {strides = array<i32>} : memref<80x128xbf16, #tpu.memory_space<vmem>>, vector<32xbf16>,
      %get3A_4323 = arith.constant 79 : i32
      %get3A_4324 = arith.index_cast %get3A_4323 : i32 to index
      %get3A_4325 = arith.constant 0 : index
      %get3A_4326 = tpu.vector_load %arg8[%get3A_4324, %get3A_4325] {strides = array<i32>} : memref<80x128xbf16, #tpu.memory_space<vmem>>, vector<32xbf16>,
      %add3A_4327 = arith.addf %get3A_4290, %get3A_4294 : vector<32xbf16>
      %add3A_4328 = arith.addf %get3A_4298, %get3A_4302 : vector<32xbf16>
      %add3A_4329 = arith.addf %get3A_4306, %get3A_4310 : vector<32xbf16>
      %add3A_4330 = arith.addf %get3A_4314, %get3A_4318 : vector<32xbf16>
      %add3A_4331 = arith.addf %get3A_4322, %get3A_4326 : vector<32xbf16>
      %add3A_4332 = arith.addf %add3A_4327, %add3A_4328 : vector<32xbf16>
      %add3A_4333 = arith.addf %add3A_4329, %add3A_4330 : vector<32xbf16>
      %add3A_4334 = arith.addf %add3A_4332, %add3A_4333 : vector<32xbf16>
      %add3A_4335 = arith.addf %add3A_4334, %add3A_4331 : vector<32xbf16>
      %unpack3A_4336 = tpu.unpack_subelements %add3A_4335, 0 {pack_format = #tpu.pack_format<interleaved>} : vector<32xbf16> -> vector<16xf32>
      %unpack3A_4337 = tpu.unpack_subelements %add3A_4335, 1 {pack_format = #tpu.pack_format<interleaved>} : vector<32xbf16> -> vector<16xf32>
      %add3A_4338 = arith.constant 0 : i32
      %add3A_4339 = vector.broadcast %add3A_4338 : i32 to vector<16xi32>
      %add3A_4340 = arith.addi %mul3A_2, %add3A_4339 : vector<16xi32>
      %mul3A_4341 = vector.broadcast %squeeze3A : f32 to vector<16xf32>
      %mul3A_4342 = arith.mulf %unpack3A_4336, %mul3A_4341 : vector<16xf32>
      %scatter3A_4343 = arith.constant 7 : i32
      %scatter3A_4344 = arith.constant 0 : i32
      %scatter3A_4345 = tpu.memref_slice %arg10[%scatter3A_4343, %scatter3A_4344] : memref<8x128xf32, #tpu.memory_space<vmem>> -> memref<1x128xf32, #tpu.memory_space<vmem>>
      %scatter3A_4346 = tpu.memref_squeeze %scatter3A_4345 : memref<1x128xf32, #tpu.memory_space<vmem>> -> memref<128xf32, #tpu.memory_space<vmem>>
      tpu.vector_store_idx %scatter3A_4346[%add3A_4340], %mul3A_4342 : memref<128xf32, #tpu.memory_space<vmem>>[vector<16xi32>], vector<16xf32>,
      %add3A_4347 = arith.constant 1 : i32
      %add3A_4348 = vector.broadcast %add3A_4347 : i32 to vector<16xi32>
      %add3A_4349 = arith.addi %mul3A_2, %add3A_4348 : vector<16xi32>
      %mul3A_4350 = vector.broadcast %squeeze3A : f32 to vector<16xf32>
      %mul3A_4351 = arith.mulf %unpack3A_4337, %mul3A_4350 : vector<16xf32>
      %scatter3A_4352 = arith.constant 7 : i32
      %scatter3A_4353 = arith.constant 0 : i32
      %scatter3A_4354 = tpu.memref_slice %arg10[%scatter3A_4352, %scatter3A_4353] : memref<8x128xf32, #tpu.memory_space<vmem>> -> memref<1x128xf32, #tpu.memory_space<vmem>>
      %scatter3A_4355 = tpu.memref_squeeze %scatter3A_4354 : memref<1x128xf32, #tpu.memory_space<vmem>> -> memref<128xf32, #tpu.memory_space<vmem>>
      tpu.vector_store_idx %scatter3A_4355[%add3A_4349], %mul3A_4351 : memref<128xf32, #tpu.memory_space<vmem>>[vector<16xi32>], vector<16xf32>,
      %get3A_4356 = arith.constant 70 : i32
      %get3A_4357 = arith.index_cast %get3A_4356 : i32 to index
      %get3A_4358 = arith.constant 32 : index
      %get3A_4359 = tpu.vector_load %arg8[%get3A_4357, %get3A_4358] {strides = array<i32>} : memref<80x128xbf16, #tpu.memory_space<vmem>>, vector<32xbf16>,
      %get3A_4360 = arith.constant 71 : i32
      %get3A_4361 = arith.index_cast %get3A_4360 : i32 to index
      %get3A_4362 = arith.constant 32 : index
      %get3A_4363 = tpu.vector_load %arg8[%get3A_4361, %get3A_4362] {strides = array<i32>} : memref<80x128xbf16, #tpu.memory_space<vmem>>, vector<32xbf16>,
      %get3A_4364 = arith.constant 72 : i32
      %get3A_4365 = arith.index_cast %get3A_4364 : i32 to index
      %get3A_4366 = arith.constant 32 : index
      %get3A_4367 = tpu.vector_load %arg8[%get3A_4365, %get3A_4366] {strides = array<i32>} : memref<80x128xbf16, #tpu.memory_space<vmem>>, vector<32xbf16>,
      %get3A_4368 = arith.constant 73 : i32
      %get3A_4369 = arith.index_cast %get3A_4368 : i32 to index
      %get3A_4370 = arith.constant 32 : index
      %get3A_4371 = tpu.vector_load %arg8[%get3A_4369, %get3A_4370] {strides = array<i32>} : memref<80x128xbf16, #tpu.memory_space<vmem>>, vector<32xbf16>,
      %get3A_4372 = arith.constant 74 : i32
      %get3A_4373 = arith.index_cast %get3A_4372 : i32 to index
      %get3A_4374 = arith.constant 32 : index
      %get3A_4375 = tpu.vector_load %arg8[%get3A_4373, %get3A_4374] {strides = array<i32>} : memref<80x128xbf16, #tpu.memory_space<vmem>>, vector<32xbf16>,
      %get3A_4376 = arith.constant 75 : i32
      %get3A_4377 = arith.index_cast %get3A_4376 : i32 to index
      %get3A_4378 = arith.constant 32 : index
      %get3A_4379 = tpu.vector_load %arg8[%get3A_4377, %get3A_4378] {strides = array<i32>} : memref<80x128xbf16, #tpu.memory_space<vmem>>, vector<32xbf16>,
      %get3A_4380 = arith.constant 76 : i32
      %get3A_4381 = arith.index_cast %get3A_4380 : i32 to index
      %get3A_4382 = arith.constant 32 : index
      %get3A_4383 = tpu.vector_load %arg8[%get3A_4381, %get3A_4382] {strides = array<i32>} : memref<80x128xbf16, #tpu.memory_space<vmem>>, vector<32xbf16>,
      %get3A_4384 = arith.constant 77 : i32
      %get3A_4385 = arith.index_cast %get3A_4384 : i32 to index
      %get3A_4386 = arith.constant 32 : index
      %get3A_4387 = tpu.vector_load %arg8[%get3A_4385, %get3A_4386] {strides = array<i32>} : memref<80x128xbf16, #tpu.memory_space<vmem>>, vector<32xbf16>,
      %get3A_4388 = arith.constant 78 : i32
      %get3A_4389 = arith.index_cast %get3A_4388 : i32 to index
      %get3A_4390 = arith.constant 32 : index
      %get3A_4391 = tpu.vector_load %arg8[%get3A_4389, %get3A_4390] {strides = array<i32>} : memref<80x128xbf16, #tpu.memory_space<vmem>>, vector<32xbf16>,
      %get3A_4392 = arith.constant 79 : i32
      %get3A_4393 = arith.index_cast %get3A_4392 : i32 to index
      %get3A_4394 = arith.constant 32 : index
      %get3A_4395 = tpu.vector_load %arg8[%get3A_4393, %get3A_4394] {strides = array<i32>} : memref<80x128xbf16, #tpu.memory_space<vmem>>, vector<32xbf16>,
      %add3A_4396 = arith.addf %get3A_4359, %get3A_4363 : vector<32xbf16>
      %add3A_4397 = arith.addf %get3A_4367, %get3A_4371 : vector<32xbf16>
      %add3A_4398 = arith.addf %get3A_4375, %get3A_4379 : vector<32xbf16>
      %add3A_4399 = arith.addf %get3A_4383, %get3A_4387 : vector<32xbf16>
      %add3A_4400 = arith.addf %get3A_4391, %get3A_4395 : vector<32xbf16>
      %add3A_4401 = arith.addf %add3A_4396, %add3A_4397 : vector<32xbf16>
      %add3A_4402 = arith.addf %add3A_4398, %add3A_4399 : vector<32xbf16>
      %add3A_4403 = arith.addf %add3A_4401, %add3A_4402 : vector<32xbf16>
      %add3A_4404 = arith.addf %add3A_4403, %add3A_4400 : vector<32xbf16>
      %unpack3A_4405 = tpu.unpack_subelements %add3A_4404, 0 {pack_format = #tpu.pack_format<interleaved>} : vector<32xbf16> -> vector<16xf32>
      %unpack3A_4406 = tpu.unpack_subelements %add3A_4404, 1 {pack_format = #tpu.pack_format<interleaved>} : vector<32xbf16> -> vector<16xf32>
      %add3A_4407 = arith.constant 32 : i32
      %add3A_4408 = vector.broadcast %add3A_4407 : i32 to vector<16xi32>
      %add3A_4409 = arith.addi %mul3A_2, %add3A_4408 : vector<16xi32>
      %mul3A_4410 = vector.broadcast %squeeze3A : f32 to vector<16xf32>
      %mul3A_4411 = arith.mulf %unpack3A_4405, %mul3A_4410 : vector<16xf32>
      %scatter3A_4412 = arith.constant 7 : i32
      %scatter3A_4413 = arith.constant 0 : i32
      %scatter3A_4414 = tpu.memref_slice %arg10[%scatter3A_4412, %scatter3A_4413] : memref<8x128xf32, #tpu.memory_space<vmem>> -> memref<1x128xf32, #tpu.memory_space<vmem>>
      %scatter3A_4415 = tpu.memref_squeeze %scatter3A_4414 : memref<1x128xf32, #tpu.memory_space<vmem>> -> memref<128xf32, #tpu.memory_space<vmem>>
      tpu.vector_store_idx %scatter3A_4415[%add3A_4409], %mul3A_4411 : memref<128xf32, #tpu.memory_space<vmem>>[vector<16xi32>], vector<16xf32>,
      %add3A_4416 = arith.constant 33 : i32
      %add3A_4417 = vector.broadcast %add3A_4416 : i32 to vector<16xi32>
      %add3A_4418 = arith.addi %mul3A_2, %add3A_4417 : vector<16xi32>
      %mul3A_4419 = vector.broadcast %squeeze3A : f32 to vector<16xf32>
      %mul3A_4420 = arith.mulf %unpack3A_4406, %mul3A_4419 : vector<16xf32>
      %scatter3A_4421 = arith.constant 7 : i32
      %scatter3A_4422 = arith.constant 0 : i32
      %scatter3A_4423 = tpu.memref_slice %arg10[%scatter3A_4421, %scatter3A_4422] : memref<8x128xf32, #tpu.memory_space<vmem>> -> memref<1x128xf32, #tpu.memory_space<vmem>>
      %scatter3A_4424 = tpu.memref_squeeze %scatter3A_4423 : memref<1x128xf32, #tpu.memory_space<vmem>> -> memref<128xf32, #tpu.memory_space<vmem>>
      tpu.vector_store_idx %scatter3A_4424[%add3A_4418], %mul3A_4420 : memref<128xf32, #tpu.memory_space<vmem>>[vector<16xi32>], vector<16xf32>,
      %get3A_4425 = arith.constant 70 : i32
      %get3A_4426 = arith.index_cast %get3A_4425 : i32 to index
      %get3A_4427 = arith.constant 64 : index
      %get3A_4428 = tpu.vector_load %arg8[%get3A_4426, %get3A_4427] {strides = array<i32>} : memref<80x128xbf16, #tpu.memory_space<vmem>>, vector<32xbf16>,
      %get3A_4429 = arith.constant 71 : i32
      %get3A_4430 = arith.index_cast %get3A_4429 : i32 to index
      %get3A_4431 = arith.constant 64 : index
      %get3A_4432 = tpu.vector_load %arg8[%get3A_4430, %get3A_4431] {strides = array<i32>} : memref<80x128xbf16, #tpu.memory_space<vmem>>, vector<32xbf16>,
      %get3A_4433 = arith.constant 72 : i32
      %get3A_4434 = arith.index_cast %get3A_4433 : i32 to index
      %get3A_4435 = arith.constant 64 : index
      %get3A_4436 = tpu.vector_load %arg8[%get3A_4434, %get3A_4435] {strides = array<i32>} : memref<80x128xbf16, #tpu.memory_space<vmem>>, vector<32xbf16>,
      %get3A_4437 = arith.constant 73 : i32
      %get3A_4438 = arith.index_cast %get3A_4437 : i32 to index
      %get3A_4439 = arith.constant 64 : index
      %get3A_4440 = tpu.vector_load %arg8[%get3A_4438, %get3A_4439] {strides = array<i32>} : memref<80x128xbf16, #tpu.memory_space<vmem>>, vector<32xbf16>,
      %get3A_4441 = arith.constant 74 : i32
      %get3A_4442 = arith.index_cast %get3A_4441 : i32 to index
      %get3A_4443 = arith.constant 64 : index
      %get3A_4444 = tpu.vector_load %arg8[%get3A_4442, %get3A_4443] {strides = array<i32>} : memref<80x128xbf16, #tpu.memory_space<vmem>>, vector<32xbf16>,
      %get3A_4445 = arith.constant 75 : i32
      %get3A_4446 = arith.index_cast %get3A_4445 : i32 to index
      %get3A_4447 = arith.constant 64 : index
      %get3A_4448 = tpu.vector_load %arg8[%get3A_4446, %get3A_4447] {strides = array<i32>} : memref<80x128xbf16, #tpu.memory_space<vmem>>, vector<32xbf16>,
      %get3A_4449 = arith.constant 76 : i32
      %get3A_4450 = arith.index_cast %get3A_4449 : i32 to index
      %get3A_4451 = arith.constant 64 : index
      %get3A_4452 = tpu.vector_load %arg8[%get3A_4450, %get3A_4451] {strides = array<i32>} : memref<80x128xbf16, #tpu.memory_space<vmem>>, vector<32xbf16>,
      %get3A_4453 = arith.constant 77 : i32
      %get3A_4454 = arith.index_cast %get3A_4453 : i32 to index
      %get3A_4455 = arith.constant 64 : index
      %get3A_4456 = tpu.vector_load %arg8[%get3A_4454, %get3A_4455] {strides = array<i32>} : memref<80x128xbf16, #tpu.memory_space<vmem>>, vector<32xbf16>,
      %get3A_4457 = arith.constant 78 : i32
      %get3A_4458 = arith.index_cast %get3A_4457 : i32 to index
      %get3A_4459 = arith.constant 64 : index
      %get3A_4460 = tpu.vector_load %arg8[%get3A_4458, %get3A_4459] {strides = array<i32>} : memref<80x128xbf16, #tpu.memory_space<vmem>>, vector<32xbf16>,
      %get3A_4461 = arith.constant 79 : i32
      %get3A_4462 = arith.index_cast %get3A_4461 : i32 to index
      %get3A_4463 = arith.constant 64 : index
      %get3A_4464 = tpu.vector_load %arg8[%get3A_4462, %get3A_4463] {strides = array<i32>} : memref<80x128xbf16, #tpu.memory_space<vmem>>, vector<32xbf16>,
      %add3A_4465 = arith.addf %get3A_4428, %get3A_4432 : vector<32xbf16>
      %add3A_4466 = arith.addf %get3A_4436, %get3A_4440 : vector<32xbf16>
      %add3A_4467 = arith.addf %get3A_4444, %get3A_4448 : vector<32xbf16>
      %add3A_4468 = arith.addf %get3A_4452, %get3A_4456 : vector<32xbf16>
      %add3A_4469 = arith.addf %get3A_4460, %get3A_4464 : vector<32xbf16>
      %add3A_4470 = arith.addf %add3A_4465, %add3A_4466 : vector<32xbf16>
      %add3A_4471 = arith.addf %add3A_4467, %add3A_4468 : vector<32xbf16>
      %add3A_4472 = arith.addf %add3A_4470, %add3A_4471 : vector<32xbf16>
      %add3A_4473 = arith.addf %add3A_4472, %add3A_4469 : vector<32xbf16>
      %unpack3A_4474 = tpu.unpack_subelements %add3A_4473, 0 {pack_format = #tpu.pack_format<interleaved>} : vector<32xbf16> -> vector<16xf32>
      %unpack3A_4475 = tpu.unpack_subelements %add3A_4473, 1 {pack_format = #tpu.pack_format<interleaved>} : vector<32xbf16> -> vector<16xf32>
      %add3A_4476 = arith.constant 64 : i32
      %add3A_4477 = vector.broadcast %add3A_4476 : i32 to vector<16xi32>
      %add3A_4478 = arith.addi %mul3A_2, %add3A_4477 : vector<16xi32>
      %mul3A_4479 = vector.broadcast %squeeze3A : f32 to vector<16xf32>
      %mul3A_4480 = arith.mulf %unpack3A_4474, %mul3A_4479 : vector<16xf32>
      %scatter3A_4481 = arith.constant 7 : i32
      %scatter3A_4482 = arith.constant 0 : i32
      %scatter3A_4483 = tpu.memref_slice %arg10[%scatter3A_4481, %scatter3A_4482] : memref<8x128xf32, #tpu.memory_space<vmem>> -> memref<1x128xf32, #tpu.memory_space<vmem>>
      %scatter3A_4484 = tpu.memref_squeeze %scatter3A_4483 : memref<1x128xf32, #tpu.memory_space<vmem>> -> memref<128xf32, #tpu.memory_space<vmem>>
      tpu.vector_store_idx %scatter3A_4484[%add3A_4478], %mul3A_4480 : memref<128xf32, #tpu.memory_space<vmem>>[vector<16xi32>], vector<16xf32>,
      %add3A_4485 = arith.constant 65 : i32
      %add3A_4486 = vector.broadcast %add3A_4485 : i32 to vector<16xi32>
      %add3A_4487 = arith.addi %mul3A_2, %add3A_4486 : vector<16xi32>
      %mul3A_4488 = vector.broadcast %squeeze3A : f32 to vector<16xf32>
      %mul3A_4489 = arith.mulf %unpack3A_4475, %mul3A_4488 : vector<16xf32>
      %scatter3A_4490 = arith.constant 7 : i32
      %scatter3A_4491 = arith.constant 0 : i32
      %scatter3A_4492 = tpu.memref_slice %arg10[%scatter3A_4490, %scatter3A_4491] : memref<8x128xf32, #tpu.memory_space<vmem>> -> memref<1x128xf32, #tpu.memory_space<vmem>>
      %scatter3A_4493 = tpu.memref_squeeze %scatter3A_4492 : memref<1x128xf32, #tpu.memory_space<vmem>> -> memref<128xf32, #tpu.memory_space<vmem>>
      tpu.vector_store_idx %scatter3A_4493[%add3A_4487], %mul3A_4489 : memref<128xf32, #tpu.memory_space<vmem>>[vector<16xi32>], vector<16xf32>,
      %get3A_4494 = arith.constant 70 : i32
      %get3A_4495 = arith.index_cast %get3A_4494 : i32 to index
      %get3A_4496 = arith.constant 96 : index
      %get3A_4497 = tpu.vector_load %arg8[%get3A_4495, %get3A_4496] {strides = array<i32>} : memref<80x128xbf16, #tpu.memory_space<vmem>>, vector<32xbf16>,
      %get3A_4498 = arith.constant 71 : i32
      %get3A_4499 = arith.index_cast %get3A_4498 : i32 to index
      %get3A_4500 = arith.constant 96 : index
      %get3A_4501 = tpu.vector_load %arg8[%get3A_4499, %get3A_4500] {strides = array<i32>} : memref<80x128xbf16, #tpu.memory_space<vmem>>, vector<32xbf16>,
      %get3A_4502 = arith.constant 72 : i32
      %get3A_4503 = arith.index_cast %get3A_4502 : i32 to index
      %get3A_4504 = arith.constant 96 : index
      %get3A_4505 = tpu.vector_load %arg8[%get3A_4503, %get3A_4504] {strides = array<i32>} : memref<80x128xbf16, #tpu.memory_space<vmem>>, vector<32xbf16>,
      %get3A_4506 = arith.constant 73 : i32
      %get3A_4507 = arith.index_cast %get3A_4506 : i32 to index
      %get3A_4508 = arith.constant 96 : index
      %get3A_4509 = tpu.vector_load %arg8[%get3A_4507, %get3A_4508] {strides = array<i32>} : memref<80x128xbf16, #tpu.memory_space<vmem>>, vector<32xbf16>,
      %get3A_4510 = arith.constant 74 : i32
      %get3A_4511 = arith.index_cast %get3A_4510 : i32 to index
      %get3A_4512 = arith.constant 96 : index
      %get3A_4513 = tpu.vector_load %arg8[%get3A_4511, %get3A_4512] {strides = array<i32>} : memref<80x128xbf16, #tpu.memory_space<vmem>>, vector<32xbf16>,
      %get3A_4514 = arith.constant 75 : i32
      %get3A_4515 = arith.index_cast %get3A_4514 : i32 to index
      %get3A_4516 = arith.constant 96 : index
      %get3A_4517 = tpu.vector_load %arg8[%get3A_4515, %get3A_4516] {strides = array<i32>} : memref<80x128xbf16, #tpu.memory_space<vmem>>, vector<32xbf16>,
      %get3A_4518 = arith.constant 76 : i32
      %get3A_4519 = arith.index_cast %get3A_4518 : i32 to index
      %get3A_4520 = arith.constant 96 : index
      %get3A_4521 = tpu.vector_load %arg8[%get3A_4519, %get3A_4520] {strides = array<i32>} : memref<80x128xbf16, #tpu.memory_space<vmem>>, vector<32xbf16>,
      %get3A_4522 = arith.constant 77 : i32
      %get3A_4523 = arith.index_cast %get3A_4522 : i32 to index
      %get3A_4524 = arith.constant 96 : index
      %get3A_4525 = tpu.vector_load %arg8[%get3A_4523, %get3A_4524] {strides = array<i32>} : memref<80x128xbf16, #tpu.memory_space<vmem>>, vector<32xbf16>,
      %get3A_4526 = arith.constant 78 : i32
      %get3A_4527 = arith.index_cast %get3A_4526 : i32 to index
      %get3A_4528 = arith.constant 96 : index
      %get3A_4529 = tpu.vector_load %arg8[%get3A_4527, %get3A_4528] {strides = array<i32>} : memref<80x128xbf16, #tpu.memory_space<vmem>>, vector<32xbf16>,
      %get3A_4530 = arith.constant 79 : i32
      %get3A_4531 = arith.index_cast %get3A_4530 : i32 to index
      %get3A_4532 = arith.constant 96 : index
      %get3A_4533 = tpu.vector_load %arg8[%get3A_4531, %get3A_4532] {strides = array<i32>} : memref<80x128xbf16, #tpu.memory_space<vmem>>, vector<32xbf16>,
      %add3A_4534 = arith.addf %get3A_4497, %get3A_4501 : vector<32xbf16>
      %add3A_4535 = arith.addf %get3A_4505, %get3A_4509 : vector<32xbf16>
      %add3A_4536 = arith.addf %get3A_4513, %get3A_4517 : vector<32xbf16>
      %add3A_4537 = arith.addf %get3A_4521, %get3A_4525 : vector<32xbf16>
      %add3A_4538 = arith.addf %get3A_4529, %get3A_4533 : vector<32xbf16>
      %add3A_4539 = arith.addf %add3A_4534, %add3A_4535 : vector<32xbf16>
      %add3A_4540 = arith.addf %add3A_4536, %add3A_4537 : vector<32xbf16>
      %add3A_4541 = arith.addf %add3A_4539, %add3A_4540 : vector<32xbf16>
      %add3A_4542 = arith.addf %add3A_4541, %add3A_4538 : vector<32xbf16>
      %unpack3A_4543 = tpu.unpack_subelements %add3A_4542, 0 {pack_format = #tpu.pack_format<interleaved>} : vector<32xbf16> -> vector<16xf32>
      %unpack3A_4544 = tpu.unpack_subelements %add3A_4542, 1 {pack_format = #tpu.pack_format<interleaved>} : vector<32xbf16> -> vector<16xf32>
      %add3A_4545 = arith.constant 96 : i32
      %add3A_4546 = vector.broadcast %add3A_4545 : i32 to vector<16xi32>
      %add3A_4547 = arith.addi %mul3A_2, %add3A_4546 : vector<16xi32>
      %mul3A_4548 = vector.broadcast %squeeze3A : f32 to vector<16xf32>
      %mul3A_4549 = arith.mulf %unpack3A_4543, %mul3A_4548 : vector<16xf32>
      %scatter3A_4550 = arith.constant 7 : i32
      %scatter3A_4551 = arith.constant 0 : i32
      %scatter3A_4552 = tpu.memref_slice %arg10[%scatter3A_4550, %scatter3A_4551] : memref<8x128xf32, #tpu.memory_space<vmem>> -> memref<1x128xf32, #tpu.memory_space<vmem>>
      %scatter3A_4553 = tpu.memref_squeeze %scatter3A_4552 : memref<1x128xf32, #tpu.memory_space<vmem>> -> memref<128xf32, #tpu.memory_space<vmem>>
      tpu.vector_store_idx %scatter3A_4553[%add3A_4547], %mul3A_4549 : memref<128xf32, #tpu.memory_space<vmem>>[vector<16xi32>], vector<16xf32>,
      %add3A_4554 = arith.constant 97 : i32
      %add3A_4555 = vector.broadcast %add3A_4554 : i32 to vector<16xi32>
      %add3A_4556 = arith.addi %mul3A_2, %add3A_4555 : vector<16xi32>
      %mul3A_4557 = vector.broadcast %squeeze3A : f32 to vector<16xf32>
      %mul3A_4558 = arith.mulf %unpack3A_4544, %mul3A_4557 : vector<16xf32>
      %scatter3A_4559 = arith.constant 7 : i32
      %scatter3A_4560 = arith.constant 0 : i32
      %scatter3A_4561 = tpu.memref_slice %arg10[%scatter3A_4559, %scatter3A_4560] : memref<8x128xf32, #tpu.memory_space<vmem>> -> memref<1x128xf32, #tpu.memory_space<vmem>>
      %scatter3A_4562 = tpu.memref_squeeze %scatter3A_4561 : memref<1x128xf32, #tpu.memory_space<vmem>> -> memref<128xf32, #tpu.memory_space<vmem>>
      tpu.vector_store_idx %scatter3A_4562[%add3A_4556], %mul3A_4558 : memref<128xf32, #tpu.memory_space<vmem>>[vector<16xi32>], vector<16xf32>,
      %add3A_4563 = arith.addi %select_n3A, %min3A_2343 : i32
      %mul3A_4564 = arith.constant 8 : i32
      %mul3A_4565 = arith.muli %add3A_4563, %mul3A_4564 : i32
      %dma_start3A_4566 = arith.constant 0 : i32
      %dma_start3A_4567 = tpu.memref_slice %arg5[%mul3A_4565, %dma_start3A_4566] : memref<50000x128xf32, #tpu.memory_space<hbm>> -> memref<8x128xf32, #tpu.memory_space<hbm>>
      %dma_start3A_4568 = arith.constant 0 : i32
      %dma_start3A_4569 = tpu.memref_slice %arg5[%mul3A_4565, %dma_start3A_4568] : memref<50000x128xf32, #tpu.memory_space<hbm>> -> memref<8x128xf32, #tpu.memory_space<hbm>>
      tpu.enqueue_dma source(%arg10 : memref<8x128xf32, #tpu.memory_space<vmem>>) target(%dma_start3A_4569 : memref<8x128xf32, #tpu.memory_space<hbm>>) target_semaphore(%arg14 : memref<!tpu.dma_semaphore, #tpu.memory_space<semaphore_mem>>)
      %add3A_4570 = arith.constant 2 : i32
      %add3A_4571 = arith.addi %add3A_2342, %add3A_4570 : i32
      %min3A_4572 = arith.minsi %add3A_4571, %sub3A_53 : i32
      %mul3A_4573 = arith.constant 80 : i32
      %mul3A_4574 = arith.muli %min3A_4572, %mul3A_4573 : i32
      %dma_start3A_4575 = tpu.memref_slice %arg6[%mul3A_4574] : memref<15680xi32, #tpu.memory_space<vmem>> -> memref<80xi32, #tpu.memory_space<vmem>>
      %dma_start3A_4576 = arith.constant 0 : i32
      %dma_start3A_4577 = arith.constant 0 : i32
      %dma_start3A_4578 = tpu.memref_slice %arg3[%dma_start3A_4576, %dma_start3A_4577] : memref<100000x128xbf16, #tpu.memory_space<hbm>> -> memref<100000x128xbf16, #tpu.memory_space<hbm>>
      tpu.enqueue_indirect_dma source(%dma_start3A_4578 : memref<100000x128xbf16, #tpu.memory_space<hbm>>) target(%arg8 : memref<80x128xbf16, #tpu.memory_space<vmem>>) offsets(%dma_start3A_4575 : memref<80xi32, #tpu.memory_space<vmem>>) semaphore(%arg12 : memref<!tpu.dma_semaphore, #tpu.memory_space<semaphore_mem>>)
    }
    %scan3A_73 = arith.constant 98 : i32
    %mul3A_74 = arith.constant 80 : i32
    %mul3A_75 = arith.muli %sub3A_53, %mul3A_74 : i32
    %dma_wait3A = tpu.memref_slice %arg6[%mul3A_75] : memref<15680xi32, #tpu.memory_space<vmem>> -> memref<80xi32, #tpu.memory_space<vmem>>
    %dma_wait3A_76 = arith.constant 0 : i32
    %dma_wait3A_77 = arith.constant 0 : i32
    %dma_wait3A_78 = tpu.memref_slice %arg3[%dma_wait3A_76, %dma_wait3A_77] : memref<100000x128xbf16, #tpu.memory_space<hbm>> -> memref<100000x128xbf16, #tpu.memory_space<hbm>>
    tpu.wait_indirect_dma semaphore(%arg11 : memref<!tpu.dma_semaphore, #tpu.memory_space<semaphore_mem>>) src(%dma_wait3A_78 : memref<100000x128xbf16, #tpu.memory_space<hbm>>) dst(%arg7 : memref<80x128xbf16, #tpu.memory_space<vmem>>)
    %add3A_79 = arith.addi %select_n3A, %sub3A_53 : i32
    %mul3A_80 = arith.constant 8 : i32
    %mul3A_81 = arith.muli %add3A_79, %mul3A_80 : i32
    %dma_wait3A_82 = arith.constant 0 : i32
    %dma_wait3A_83 = tpu.memref_slice %arg5[%mul3A_81, %dma_wait3A_82] : memref<50000x128xf32, #tpu.memory_space<hbm>> -> memref<8x128xf32, #tpu.memory_space<hbm>>
    %dma_wait3A_84 = arith.constant 0 : i32
    %dma_wait3A_85 = tpu.memref_slice %arg5[%mul3A_81, %dma_wait3A_84] : memref<50000x128xf32, #tpu.memory_space<hbm>> -> memref<8x128xf32, #tpu.memory_space<hbm>>
    tpu.wait_dma2 semaphore(%arg13 : memref<!tpu.dma_semaphore, #tpu.memory_space<semaphore_mem>>) src(%arg9 : memref<8x128xf32, #tpu.memory_space<vmem>>) dst(%dma_wait3A_85 : memref<8x128xf32, #tpu.memory_space<hbm>>)
    %mul3A_86 = arith.constant 80 : i32
    %mul3A_87 = arith.muli %sub3A_53, %mul3A_86 : i32
    %dma_wait3A_88 = tpu.memref_slice %arg6[%mul3A_87] : memref<15680xi32, #tpu.memory_space<vmem>> -> memref<80xi32, #tpu.memory_space<vmem>>
    %dma_wait3A_89 = arith.constant 0 : i32
    %dma_wait3A_90 = arith.constant 0 : i32
    %dma_wait3A_91 = tpu.memref_slice %arg3[%dma_wait3A_89, %dma_wait3A_90] : memref<100000x128xbf16, #tpu.memory_space<hbm>> -> memref<100000x128xbf16, #tpu.memory_space<hbm>>
    tpu.wait_indirect_dma semaphore(%arg12 : memref<!tpu.dma_semaphore, #tpu.memory_space<semaphore_mem>>) src(%dma_wait3A_91 : memref<100000x128xbf16, #tpu.memory_space<hbm>>) dst(%arg8 : memref<80x128xbf16, #tpu.memory_space<vmem>>)
    %add3A_92 = arith.addi %select_n3A, %sub3A_53 : i32
    %mul3A_93 = arith.constant 8 : i32
    %mul3A_94 = arith.muli %add3A_92, %mul3A_93 : i32
    %dma_wait3A_95 = arith.constant 0 : i32
    %dma_wait3A_96 = tpu.memref_slice %arg5[%mul3A_94, %dma_wait3A_95] : memref<50000x128xf32, #tpu.memory_space<hbm>> -> memref<8x128xf32, #tpu.memory_space<hbm>>
    %dma_wait3A_97 = arith.constant 0 : i32
    %dma_wait3A_98 = tpu.memref_slice %arg5[%mul3A_94, %dma_wait3A_97] : memref<50000x128xf32, #tpu.memory_space<hbm>> -> memref<8x128xf32, #tpu.memory_space<hbm>>
    tpu.wait_dma2 semaphore(%arg14 : memref<!tpu.dma_semaphore, #tpu.memory_space<semaphore_mem>>) src(%arg10 : memref<8x128xf32, #tpu.memory_space<vmem>>) dst(%dma_wait3A_98 : memref<8x128xf32, #tpu.memory_space<hbm>>)
    return
  }
}

</mosaic_0001>

<sc_bundles>
// kernel: _sc_mean_gather.3.cloned.1.call-start
scs
__scs_entry_jumppad:
0x0: {  	(pc) =	sbr.rel $0x88, $3  }
0x1: {  	(tag) =	ssettag $0x0;
	lr =	simm.s32 $0x1  }
0x2: {  	[smem:$0x3F9F] =	sst lr;
	_ =	strace $0xD0000000  }
0x3: {  	_ = 	snop  }
0x4: {  	_ = 	snop  }
0x5: {  	_ = 	snop  }
0x6: {  	_ = 	snop  }
0x7: {  	_ = 	snop  }
__scs_overlays_trampoline_lowered:
0x8: {  	[smem:$0x3FAE] =	sst s0  }
0x9: {  	[smem:$0x3FAF] =	sst s1  }
0xa: {  	[smem:$0x3FB0] =	sst s2  }
0xb: {  	[smem:$0x3FB1] =	sst s3  }
0xc: {  	[smem:$0x3FB2] =	sst s4  }
0xd: {  	[smem:$0x3FB3] =	sst s5  }
0xe: {  	[smem:$0x3FB4] =	sst s6  }
0xf: {  	[smem:$0x3FB5] =	sst s7  }
0x10: {  	[smem:$0x3FB6] =	sst s8  }
0x11: {  	[smem:$0x3FB7] =	sst s9;
	s0 =	simm.s32 @!p0 $0x0  }
0x12: {  	s1 =	sld [smem:$0x3F9D];
	s0 =	simm.s32 @p0 $0x1  }
0x13: {  	[smem:$0x3FB8] =	sst s0;
	s0 =	simm.s32 @!p1 $0x0  }
0x14: {  	s2 =	sld [smem:$0x3F9C];
	s0 =	simm.s32 @p1 $0x1  }
0x15: {  	[smem:$0x3FB9] =	sst s0;
	s0 =	simm.s32 @!p2 $0x0  }
0x16: {  	s3 =	sld [smem:$0x3FDB];
	s0 =	simm.s32 @p2 $0x1  }
0x17: {  	s4 =	simm.s32 $0x1BF5;
	[smem:$0x3FBB] =	sst s0  }
0x18: {  	s0 =	sld [smem:$0x3F9E];
	_ =	swait.ge [sflag:s4], $0x0  }
0x19: {  	s7 =	sld [smem:$0x3F9F]  }
0x1a: {  	s8 =	sadd.s32 $0xFFFFE003, lr  }
0x1b: {  	s9 =	sadd.s32 $0xFFFFFEF7, lr;
	s5 =	simm.s32 $0xFFFFFFFF;
	p2 =	slt.u32 s8, $0xFFFFF086  }
0x1c: {  	p1 =	slt.u32 s9, $0xF7A;
	s5 =	simm.s32 @!p2 $0x0  }
0x1d: {  	s5 =	simm.s32 @p1 $0x1;
	p0 =	seq.s32 s7, s2  }
0x1e: {  	s7 =	smul.u32 @!p0 $0xF7A, s2;
	p2 =	seq.s32 @!p0 s5, $0x0  }
0x1f: {  	s9 =	smul.u32 $0xF7A, s1;
	s8 =	simm.s32 @!p0 $0x1BF5;
	p2 =	por !p2, p0  }
0x20: {  	[sflag:s8] =	ssyncset.s32 @!p0 $0xFFFFF086;
	s6 =	sadd.s32 @!p0 s3, s7;
	s7 =	simm.s32 @!p0 $0x108  }
0x21: {  	s3 =	sadd.s32 s3, s9;
	s6 =	sadd.s32 @!p0 $0x88, s6;
	s7 =	simm.s32 @p2 $0x1082  }
0x22: {  	[simem:s7], [sflag:s8] =	dma.local @!p0 [hbm:s6], $0xF7A  }
0x23: {  	s9 =	sor.u32 $0xD0000000, s2;
	s6 =	simm.s32 $0x108;
	_ =	swait.ge @!p0 [sflag:s8], $0x0  }
0x24: {  	s3 =	sadd.s32 $0x88, s3;
	s6 =	simm.s32 @!p1 $0x1082;
	[sflag:s4] =	ssyncset.s32 $0xFFFFF086  }
0x25: {  	[simem:s6], [sflag:s4] =	dma.local [hbm:s3], $0xF7A  }
0x26: {  	[smem:$0x3F9F] =	sst s1;
	(tag) =	ssettag s2;
	_ =	strace s9  }
0x27: {  	s1 =	sld [smem:$0x3FAF]  }
0x28: {  	s2 =	sld [smem:$0x3FB0]  }
0x29: {  	s4 =	sld [smem:$0x3FB2]  }
0x2a: {  	p0 =	seq.s32 s5, $0x0;
	s5 =	sld [smem:$0x3FB3]  }
0x2b: {  	s6 =	sld [smem:$0x3FB4]  }
0x2c: {  	s7 =	sld [smem:$0x3FB5]  }
0x2d: {  	s3 =	simm.s32 $0x108;
	s8 =	sld [smem:$0x3FB6]  }
0x2e: {  	s3 =	simm.s32 @!p0 $0x1082;
	s9 =	sld [smem:$0x3FB7]  }
0x2f: {  	lr =	sadd.s32 s0, s3;
	s0 =	sld [smem:$0x3FAE]  }
0x30: {  	s3 =	sld [smem:$0x3FB1]  }
0x31: {  	[smem:$0x3FBA] =	sst s10  }
0x32: {  	s10 =	sld [smem:$0x3FB8];
	_ =	sdelay $0x3  }
0x33: {  	p0 =	seq.s32 s10, $0x1;
	s10 =	sld [smem:$0x3FBA];
	_ =	sdelay $0x3  }
0x34: {  	[smem:$0x3FBA] =	sst s10  }
0x35: {  	s10 =	sld [smem:$0x3FB9];
	_ =	sdelay $0x3  }
0x36: {  	p1 =	seq.s32 s10, $0x1;
	s10 =	sld [smem:$0x3FBA];
	_ =	sdelay $0x3  }
0x37: {  	[smem:$0x3FBA] =	sst s10  }
0x38: {  	s10 =	sld [smem:$0x3FBB]  }
0x39: {  	_ = 	snop;
	(pc) =	sbr.ind lr, $3  }
0x3a: {  	_ = 	snop  }
0x3b: {  	_ = 	snop  }
0x3c: {  	p2 =	seq.s32 s10, $0x1;
	s10 =	sld [smem:$0x3FBA]  }
0x3d: {  	_ =	shalt  }
0x3e: {  	_ =	shalt  }
0x3f: {  	_ =	shalt  }
0x40: {  	_ =	shalt  }
0x41: {  	_ =	shalt  }
0x42: {  	_ =	shalt  }
0x43: {  	_ =	shalt  }
0x44: {  	_ =	shalt  }
0x45: {  	_ =	shalt  }
0x46: {  	_ =	shalt  }
0x47: {  	_ =	shalt  }
0x48: {  	_ =	shalt  }
0x49: {  	_ =	shalt  }
0x4a: {  	_ =	shalt  }
0x4b: {  	_ =	shalt  }
0x4c: {  	_ =	shalt  }
0x4d: {  	_ =	shalt  }
0x4e: {  	_ =	shalt  }
0x4f: {  	_ =	shalt  }
0x50: {  	_ =	shalt  }
0x51: {  	_ =	shalt  }
0x52: {  	_ =	shalt  }
0x53: {  	_ =	shalt  }
0x54: {  	_ =	shalt  }
0x55: {  	_ =	shalt  }
0x56: {  	_ =	shalt  }
0x57: {  	_ =	shalt  }
0x58: {  	_ =	shalt  }
0x59: {  	_ =	shalt  }
0x5a: {  	_ =	shalt  }
0x5b: {  	_ =	shalt  }
0x5c: {  	_ =	shalt  }
0x5d: {  	_ =	shalt  }
0x5e: {  	_ =	shalt  }
0x5f: {  	_ =	shalt  }
0x60: {  	_ =	shalt  }
0x61: {  	_ =	shalt  }
0x62: {  	_ =	shalt  }
0x63: {  	_ =	shalt  }
0x64: {  	_ =	shalt  }
0x65: {  	_ =	shalt  }
0x66: {  	_ =	shalt  }
0x67: {  	_ =	shalt  }
0x68: {  	_ =	shalt  }
0x69: {  	_ =	shalt  }
0x6a: {  	_ =	shalt  }
0x6b: {  	_ =	shalt  }
0x6c: {  	_ =	shalt  }
0x6d: {  	_ =	shalt  }
0x6e: {  	_ =	shalt  }
0x6f: {  	_ =	shalt  }
0x70: {  	_ =	shalt  }
0x71: {  	_ =	shalt  }
0x72: {  	_ =	shalt  }
0x73: {  	_ =	shalt  }
0x74: {  	_ =	shalt  }
0x75: {  	_ =	shalt  }
0x76: {  	_ =	shalt  }
0x77: {  	_ =	shalt  }
0x78: {  	_ =	shalt  }
0x79: {  	_ =	shalt  }
0x7a: {  	_ =	shalt  }
0x7b: {  	_ =	shalt  }
0x7c: {  	_ =	shalt  }
0x7d: {  	_ =	shalt  }
0x7e: {  	_ =	shalt  }
0x7f: {  	_ =	shalt  }
0x80: {  	_ =	shalt  }
0x81: {  	_ =	shalt  }
0x82: {  	_ =	shalt  }
0x83: {  	_ =	shalt  }
0x84: {  	_ =	shalt  }
0x85: {  	_ =	shalt  }
0x86: {  	_ =	shalt  }
0x87: {  	_ =	shalt  }
.Lfunc_end0:
.L_simem_size_0:
called_computation_lowered:
.L_overlay_start_0:
0x88: {  	s2 =	sld [smem:$0x3FD9]  }
0x89: {  	s3 =	sld [smem:$0x3FFE];
	_ =	sdelay $0x1  }
0x8a: {  	s1 =	srdreg.scid  }
0x8b: {  	s0 =	sand.u32 $0x1, s1  }
0x8c: {  	s17 =	sshll.u32 s0, $0xA;
	s2 =	sadd.s32 s3, s2  }
0x8d: {  	s2 =	sadd.s32 s2, s17  }
0x8e: {  	[smem:$0x3FC6] =	sst s2  }
0x8f: {  	_ = 	snop  }
0x90: {  	s2 =	sld [smem:$0x3FC9]  }
0x91: {  	s18 =	sld [smem:$0x3FD0];
	(tm) =	ssettm $0x1  }
0x92: {  	s4 =	sld [smem:$0x3FFB];
	_ =	sdelay $0x3  }
0x93: {  	_ =	strace s4  }
0x94: {  	s4 =	sld [smem:$0x3FFC];
	_ =	sdelay $0x3  }
0x95: {  	_ =	strace s4  }
0x96: {  	s4 =	sld [smem:$0x3FFD];
	_ =	sdelay $0x3  }
0x97: {  	_ =	strace s4  }
0x98: {  	_ =	strace $0x8FFFFFFF  }
0x99: {  	s19 =	sld [smem:$0x3FDB];
	_ =	sdelay $0x1  }
0x9a: {  	s5 =	simm.s32 $_scs_section_size  }
0x9b: {  	s6 =	simm.s32 $_size__tile_overlayer_lowered;
	s7 =	simm.s32 $_tile_overlayer_lowered  }
0x9c: {  	s22 =	simm.s32 $0x1BFF;
	s21 =	sshll.u32 s7, $0x1;
	s4 =	sadd.s32 s5, s19  }
0x9d: {  	s8 =	simm.s32 $0x0;
	s20 =	sshll.u32 s6, $0x1;
	s6 =	sadd.s32 s21, s4  }
0x9e: {  	[timem:s8], [sflag:s22] =	dma.local [hbm:s6], s20  }
0x9f: {  	_ =	swait.ge [sflag:s22], s20  }
0xa0: {  	s5 =	ssub.s32 $0x0, s20;
	[sflag:s22] =	ssyncset.done $0x0  }
0xa1: {  	[sflag:s22] =	ssyncadd.s32 s5;
	_ =	sdelay $0x1  }
0xa2: {  	s23 =	simm.s32 $0x1B8B  }
0xa3: {  	_ =	swait.ge [sflag:s23], $0x1  }
0xa4: {  	[sflag:s23] =	ssyncset.done $0x0  }
0xa5: {  	s25 =	simm.s32 $0x1B8E;
	s24 =	sld [smem:$0x3FFE];
	[sflag:s23] =	ssyncadd.s32 $0xFFFFFFFF  }
0xa6: {  	s26 =	simm.s32 $execute0_lowered;
	[smem:$0x3FD2] =	sst s25  }
0xa7: {  	s6 =	sshll.u32 s26, $0x1;
	_ =	strace $0x80000046;
	[dreg:$0x1] =	wrdreg $0xFFFFFFFF  }
0xa8: {  	s28 =	simm.s32 $_size_execute0_lowered;
	s4 =	sadd.s32 s4, s6;
	[dreg:$0x0] =	wrdreg $0x0  }
0xa9: {  	s6 =	sshll.u32 s28, $0x1;
	[dreg:$0x2] =	wrdreg s4  }
0xaa: {  	[dreg:$0x3] =	wrdreg s6  }
0xab: {  	[dreg:$0x4] =	wrdreg $0xC0  }
0xac: {  	_ =	task [dreg:s8], $0x5FFFF  }
0xad: {  	[dreg:$0x1] =	wrdreg $0xFFFFFFFF  }
0xae: {  	[dreg:$0x0] =	wrdreg $0x60  }
0xaf: {  	[dreg:$0x2] =	wrdreg s2  }
0xb0: {  	[dreg:$0x3] =	wrdreg s24  }
0xb1: {  	[dreg:$0x4] =	wrdreg s18  }
0xb2: {  	[dreg:$0x5] =	wrdreg $0x9  }
0xb3: {  	_ =	task.clear_ibuf [dreg:s8], $0x6FFFF;
	_ =	strace $0x90000046  }
0xb4: {  	s29 =	simm.s32 $0x9;
	_ =	strace $0x80000048  }
0xb5: {  	_ =	swait.ge [sflag:s29], $0x1  }
0xb6: {  	[sflag:s29] =	ssyncadd.s32 $0xFFFFFFFF  }
0xb7: {  	_ =	strace $0x90000048  }
0xb8: {  	_ =	sfence  }
0xb9: {  	s30 =	sld [smem:$0x0];
	_ =	sdelay $0x2  }
0xba: {  	s31 =	sshll.u32 s1, $0xD;
	s1 =	sshrl.u32 s1, $0x2  }
0xbb: {  	s3 =	sand.u32 $0x4000, s31;
	s1 =	sadd.s32 s1, s30  }
0xbc: {  	s0 =	sor.u32 s3, s0;
	s1 =	sshll.u32 s1, $0x11  }
0xbd: {  	s0 =	sor.u32 s1, s0  }
0xbe: {  	s0 =	sadd.s32 $0x8F2B, s0  }
0xbf: {  	[sflag:s0] =	ssyncadd.remote.s32 $0x1  }
0xc0: {  	_ =	sfence.sel $0xFFFF  }
0xc1: {  	[dreg:$0x0] =	wrdreg $0xFFFFFFFF;
	(pc) =	sbr.abs _section_cstart, $3  }
0xc2: {  	[dreg:$0x1] =	wrdreg $0xFFFFFFFF  }
0xc3: {  	_ =	task.clear_ibuf [dreg:s8], $0x2FFFF;
	_ =	strace $0x9FFFFFFF  }
0xc4: {  	(tm) =	ssettm $0x7FFFFFFF  }
0xc5: {  	_ =	shalt  }
tec
execute0_lowered:
.L_overlay_start_1:
0x0: {  	(tag) =	ssettag $0x1  }
0x1: {  	s0 =	srdreg.scid;
	s7 =	rddreg [dreg:$0x0]  }
0x2: {  	s2 =	stileid.u32;
	s8 =	rddreg [dreg:$0x1]  }
0x3: {  	s3 =	rddreg [dreg:$0x2];
	s4 =	simm.s32 $0x0;
	s14 =	simm.s32 $0x50  }
0x4: {  	s15 =	simm.s32 $0x3D40;
	s16 =	simm.s32 $0x5140;
	s17 =	simm.s32 $0x1  }
0x5: {  	s18 =	simm.s32 $0x6540;
	s19 =	simm.s32 $0x65C0;
	s20 =	simm.s32 $0x6640  }
0x6: {  	s21 =	simm.s32 $0x66C0;
	s22 =	simm.s32 $0x6740;
	s23 =	simm.s32 $0x67C0  }
0x7: {  	s28 =	simm.s32 $0x6940;
	s29 =	simm.s32 $0x69C0;
	s0 =	sand.u32 $0x1, s0  }
0x8: {  	s30 =	simm.s32 $0x6A40;
	s31 =	simm.s32 $0x6AC0;
	s1 =	sshll.u32 s0, $0x4  }
0x9: {  	s12 =	simm.s32 $0x6C40;
	[smem:$0x7FF] =	sst s4;
	s1 =	sor.u32 s2, s1  }
0xa: {  	s13 =	sadd.s32 $0x400, s8;
	s24 =	sadd.s32 $0xC3A00, s8;
	s1 =	smul.u32 $0x186A, s1  }
0xb: {  	s0 =	ssub.s32 $0x2, s0;
	_ =	strace $0x80000047;
	[dreg:$0x4] =	wrdreg s24  }
0xc: {  	s24 =	simm.s32 $0x6840;
	s2 =	sshrl.u32 s1, $0x5;
	s1 =	sadd.s32 $0x186A, s1  }
0xd: {  	s10 =	sshrl.u32 s0, $0x1;
	s1 =	sshrl.u32 s1, $0x5;
	s5 =	sxor.u32 $0xFFFFFFFF, s2  }
0xe: {  	s0 =	ssub.s32 s0, s10;
	s10 =	simm.s32 $0x0;
	s6 =	sadd.s32 s5, s1  }
0xf: {  	s0 =	smax.u32 s0, $0x1;
	s9 =	smul.u32 $0xA, s2;
	s1 =	sshra.s32 s6, $0x1F  }
0x10: {  	v0 =	vlaneseq.u32;
	p0 =	slt.s32 s6, $0x1;
	s5 =	smov.u32 s6;
	s1 =	sand.u32 s1, s6  }
0x11: {  	v0 =	vmul.u32 $0x2, v0;
	[dreg:$0x8] =	wrdreg s0;
	s5 =	simm.s32 @!p0 $0x1;
	s1 =	smul.u32 $0x140, s1  }
0x12: {  	s0 =	simm.s32 $0x6BC0;
	s25 =	sadd.s32 s7, s9;
	s11 =	smul.u32 $0x140, s5  }
0x13: {  	v1 =	vor.u32 $0x1, v0;
	s7 =	simm.s32 $0x6CC0;
	[dreg:$0x5] =	wrdreg s25;
	s1 =	sshra.s32 s1, $0x2  }
0x14: {  	v2 =	vor.u32 $0x20, v0;
	v3 =	vor.u32 $0x21, v0;
	v4 =	vor.u32 $0x40, v0;
	s25 =	simm.s32 $0x68C0;
	s26 =	sshra.s32 s11, $0x2;
	[dreg:$0x6] =	wrdreg s1  }
0x15: {  	v5 =	vor.u32 $0x41, v0;
	v6 =	vor.u32 $0x60, v0;
	v7 =	vor.u32 $0x61, v0;
	[dreg:$0x7] =	wrdreg s26;
	s26 =	simm.s32 $0x2;
	s1 =	simm.s32 $0x6B40  }
.LBB2_1:
0x16: {  	s5 =	rddreg [dreg:$0x4];
	s8 =	simm.s32 $0x6D40;
	s9 =	simm.s32 $0x5  }
0x17: {  	[tilespmem:s8], [sflag:$0x5] =	stream.linear.gather [hbm4b:s5+s4], $0x1, $0x38;
	[tilespmem:$0x6D50] =	vst v63  }
0x18: {  	_ =	swait.ge [sflag:s9], $0x1  }
0x19: {  	[sflag:s9] =	ssyncset.done $0x0  }
0x1a: {  	s11 =	rddreg [dreg:$0x5];
	[sflag:s9] =	ssyncadd.s32 $0xFFFFFFFF  }
0x1b: {  	v8 =	vld.msk [tilespmem:$0x6D40 ss:$0x0], $0xffff;
	[tilespmem:s4], [sflag:$0x5] =	stream.linear.gather [hbm4b:s11+s4], $0x3D40, $0x38  }
0x1c: {  	_ =	swait.ge [sflag:s9], $0x3D40  }
0x1d: {  	[sflag:s9] =	ssyncset.done $0x0  }
0x1e: {  	[sflag:s9] =	ssyncadd.s32 $0xFFFFC2C0;
	s9 =	rddreg [dreg:$0x6]  }
0x1f: {  	[tilespmem:s15], [sflag:$0x1] =	stream.indirect.gather [hbm4b:s13+s14], $0x40, s9, s14, $0xb8;
	[tilespmem:$0x6D50] =	vst v63  }
0x20: {  	s8 =	simm.s32 $0x0;
	s11 =	rddreg [dreg:$0x7]  }
0x21: {  	[tilespmem:s16], [sflag:$0x2] =	stream.indirect.gather [hbm4b:s13+s14], $0x40, s11, s14, $0xb8;
	[tilespmem:$0x6D50] =	vst v63  }
.LBB2_2:
0x22: {  	_ =	swait.ge [sflag:s17], $0x1400  }
0x23: {  	p0 =	seq.s32 s8, $0x0;
	[sflag:s17] =	ssyncset.done $0x0  }
0x24: {  	s11 =	simm.s32 @!p0 $0x3;
	[sflag:s17] =	ssyncadd.s32 $0xFFFFEC00  }
0x25: {  	_ =	swait.ge @!p0 [sflag:s11], $0x400  }
0x26: {  	[sflag:s11] =	ssyncset.done @!p0 $0x0  }
0x27: {  	[sflag:s11] =	ssyncadd.s32 @!p0 $0xFFFFFC00  }
0x28: {  	v9 =	vld [tilespmem:$0x3D40]  }
0x29: {  	v10 =	vld [tilespmem:$0x3D80]  }
0x2a: {  	v11 =	vld [tilespmem:$0x3DC0]  }
0x2b: {  	v12 =	vld [tilespmem:$0x3E00]  }
0x2c: {  	v13 =	vld [tilespmem:$0x3E40]  }
0x2d: {  	v14 =	vld [tilespmem:$0x3E80]  }
0x2e: {  	v15 =	vld [tilespmem:$0x3EC0]  }
0x2f: {  	v16 =	vld [tilespmem:$0x3F00];
	_ =	sdelay $0x2  }
0x30: {  	v17 =	vld [tilespmem:$0x3F40]  }
0x31: {  	v18 =	vld [tilespmem:$0x3F80];
	v9 =	vadd.bf16 v10, v9;
	v10 =	vadd.bf16 v12, v11  }
0x32: {  	v11 =	vadd.bf16 v14, v13;
	v33 =	vadd.bf16 v16, v15;
	_ =	sdelay $0x1  }
0x33: {  	v9 =	vadd.bf16 v10, v9;
	v10 =	vadd.bf16 v33, v11;
	_ =	sdelay $0x1  }
0x34: {  	v11 =	vadd.bf16 v18, v17;
	v9 =	vadd.bf16 v10, v9;
	_ =	sdelay $0x1  }
0x35: {  	v9 =	vadd.bf16 v11, v9;
	_ =	sdelay $0x1  }
0x36: {  	v10 =	vunpack.i.l.bf16.f32 v9  }
0x37: {  	v9 =	vunpack.i.u.bf16.f32 v9;
	v10 =	vmul.f32 v10, v8  }
0x38: {  	v9 =	vmul.f32 v9, v8  }
0x39: {  	[tilespmem:v0+s18+$0x0] =	vst.idx.msk $0xffff, v10  }
0x3a: {  	[tilespmem:v1+s18+$0x0] =	vst.idx.msk $0xffff, v9  }
0x3b: {  	v9 =	vld [tilespmem:$0x3D50]  }
0x3c: {  	v10 =	vld [tilespmem:$0x3D90]  }
0x3d: {  	v11 =	vld [tilespmem:$0x3DD0]  }
0x3e: {  	v34 =	vld [tilespmem:$0x3E10]  }
0x3f: {  	v35 =	vld [tilespmem:$0x3E50]  }
0x40: {  	v36 =	vld [tilespmem:$0x3E90]  }
0x41: {  	v37 =	vld [tilespmem:$0x3ED0]  }
0x42: {  	v38 =	vld [tilespmem:$0x3F10];
	_ =	sdelay $0x2  }
0x43: {  	v39 =	vld [tilespmem:$0x3F50]  }
0x44: {  	v40 =	vld [tilespmem:$0x3F90];
	v9 =	vadd.bf16 v10, v9;
	v10 =	vadd.bf16 v34, v11  }
0x45: {  	v11 =	vadd.bf16 v36, v35;
	v41 =	vadd.bf16 v38, v37;
	_ =	sdelay $0x1  }
0x46: {  	v9 =	vadd.bf16 v10, v9;
	v10 =	vadd.bf16 v41, v11;
	_ =	sdelay $0x1  }
0x47: {  	v11 =	vadd.bf16 v40, v39;
	v9 =	vadd.bf16 v10, v9;
	_ =	sdelay $0x1  }
0x48: {  	v9 =	vadd.bf16 v11, v9;
	_ =	sdelay $0x1  }
0x49: {  	v10 =	vunpack.i.l.bf16.f32 v9  }
0x4a: {  	v9 =	vunpack.i.u.bf16.f32 v9;
	v10 =	vmul.f32 v10, v8  }
0x4b: {  	v9 =	vmul.f32 v9, v8  }
0x4c: {  	[tilespmem:v2+s18+$0x0] =	vst.idx.msk $0xffff, v10  }
0x4d: {  	[tilespmem:v3+s18+$0x0] =	vst.idx.msk $0xffff, v9  }
0x4e: {  	v9 =	vld [tilespmem:$0x3D60]  }
0x4f: {  	v10 =	vld [tilespmem:$0x3DA0]  }
0x50: {  	v11 =	vld [tilespmem:$0x3DE0]  }
0x51: {  	v42 =	vld [tilespmem:$0x3E20]  }
0x52: {  	v43 =	vld [tilespmem:$0x3E60]  }
0x53: {  	v44 =	vld [tilespmem:$0x3EA0]  }
0x54: {  	v45 =	vld [tilespmem:$0x3EE0]  }
0x55: {  	v46 =	vld [tilespmem:$0x3F20];
	_ =	sdelay $0x2  }
0x56: {  	v47 =	vld [tilespmem:$0x3F60]  }
0x57: {  	v48 =	vld [tilespmem:$0x3FA0];
	v9 =	vadd.bf16 v10, v9;
	v10 =	vadd.bf16 v42, v11  }
0x58: {  	v11 =	vadd.bf16 v44, v43;
	v49 =	vadd.bf16 v46, v45;
	_ =	sdelay $0x1  }
0x59: {  	v9 =	vadd.bf16 v10, v9;
	v10 =	vadd.bf16 v49, v11;
	_ =	sdelay $0x1  }
0x5a: {  	v11 =	vadd.bf16 v48, v47;
	v9 =	vadd.bf16 v10, v9;
	_ =	sdelay $0x1  }
0x5b: {  	v9 =	vadd.bf16 v11, v9;
	_ =	sdelay $0x1  }
0x5c: {  	v10 =	vunpack.i.l.bf16.f32 v9  }
0x5d: {  	v9 =	vunpack.i.u.bf16.f32 v9;
	v10 =	vmul.f32 v10, v8  }
0x5e: {  	v9 =	vmul.f32 v9, v8  }
0x5f: {  	[tilespmem:v4+s18+$0x0] =	vst.idx.msk $0xffff, v10  }
0x60: {  	[tilespmem:v5+s18+$0x0] =	vst.idx.msk $0xffff, v9  }
0x61: {  	v9 =	vld [tilespmem:$0x3D70]  }
0x62: {  	v10 =	vld [tilespmem:$0x3DB0]  }
0x63: {  	v11 =	vld [tilespmem:$0x3DF0]  }
0x64: {  	v50 =	vld [tilespmem:$0x3E30]  }
0x65: {  	v51 =	vld [tilespmem:$0x3E70]  }
0x66: {  	v52 =	vld [tilespmem:$0x3EB0]  }
0x67: {  	v53 =	vld [tilespmem:$0x3EF0]  }
0x68: {  	v54 =	vld [tilespmem:$0x3F30];
	_ =	sdelay $0x2  }
0x69: {  	v55 =	vld [tilespmem:$0x3F70]  }
0x6a: {  	v56 =	vld [tilespmem:$0x3FB0];
	v9 =	vadd.bf16 v10, v9;
	v10 =	vadd.bf16 v50, v11  }
0x6b: {  	v11 =	vadd.bf16 v52, v51;
	v57 =	vadd.bf16 v54, v53;
	_ =	sdelay $0x1  }
0x6c: {  	v9 =	vadd.bf16 v10, v9;
	v10 =	vadd.bf16 v57, v11;
	_ =	sdelay $0x1  }
0x6d: {  	v11 =	vadd.bf16 v56, v55;
	v9 =	vadd.bf16 v10, v9;
	_ =	sdelay $0x1  }
0x6e: {  	v9 =	vadd.bf16 v11, v9;
	_ =	sdelay $0x1  }
0x6f: {  	v10 =	vunpack.i.l.bf16.f32 v9  }
0x70: {  	v9 =	vunpack.i.u.bf16.f32 v9;
	v10 =	vmul.f32 v10, v8  }
0x71: {  	v9 =	vmul.f32 v9, v8  }
0x72: {  	[tilespmem:v6+s18+$0x0] =	vst.idx.msk $0xffff, v10  }
0x73: {  	[tilespmem:v7+s18+$0x0] =	vst.idx.msk $0xffff, v9  }
0x74: {  	v9 =	vld [tilespmem:$0x3FC0]  }
0x75: {  	v10 =	vld [tilespmem:$0x4000]  }
0x76: {  	v11 =	vld [tilespmem:$0x4040]  }
0x77: {  	v58 =	vld [tilespmem:$0x4080]  }
0x78: {  	v59 =	vld [tilespmem:$0x40C0]  }
0x79: {  	v60 =	vld [tilespmem:$0x4100]  }
0x7a: {  	v61 =	vld [tilespmem:$0x4140]  }
0x7b: {  	v62 =	vld [tilespmem:$0x4180];
	_ =	sdelay $0x2  }
0x7c: {  	v63 =	vld [tilespmem:$0x41C0]  }
0x7d: {  	v21 =	vld [tilespmem:$0x4200];
	v9 =	vadd.bf16 v10, v9;
	v10 =	vadd.bf16 v58, v11  }
0x7e: {  	v11 =	vadd.bf16 v60, v59;
	v22 =	vadd.bf16 v62, v61;
	_ =	sdelay $0x1  }
0x7f: {  	v9 =	vadd.bf16 v10, v9;
	v10 =	vadd.bf16 v22, v11;
	_ =	sdelay $0x1  }
0x80: {  	v11 =	vadd.bf16 v21, v63;
	v9 =	vadd.bf16 v10, v9;
	_ =	sdelay $0x1  }
0x81: {  	v9 =	vadd.bf16 v11, v9;
	_ =	sdelay $0x1  }
0x82: {  	v10 =	vunpack.i.l.bf16.f32 v9  }
0x83: {  	v9 =	vunpack.i.u.bf16.f32 v9;
	v10 =	vmul.f32 v10, v8  }
0x84: {  	v9 =	vmul.f32 v9, v8  }
0x85: {  	[tilespmem:v0+s19+$0x0] =	vst.idx.msk $0xffff, v10  }
0x86: {  	[tilespmem:v1+s19+$0x0] =	vst.idx.msk $0xffff, v9  }
0x87: {  	v9 =	vld [tilespmem:$0x3FD0]  }
0x88: {  	v10 =	vld [tilespmem:$0x4010]  }
0x89: {  	v11 =	vld [tilespmem:$0x4050]  }
0x8a: {  	v23 =	vld [tilespmem:$0x4090]  }
0x8b: {  	v24 =	vld [tilespmem:$0x40D0]  }
0x8c: {  	v25 =	vld [tilespmem:$0x4110]  }
0x8d: {  	v26 =	vld [tilespmem:$0x4150]  }
0x8e: {  	v27 =	vld [tilespmem:$0x4190];
	_ =	sdelay $0x2  }
0x8f: {  	v28 =	vld [tilespmem:$0x41D0]  }
0x90: {  	v29 =	vld [tilespmem:$0x4210];
	v9 =	vadd.bf16 v10, v9;
	v10 =	vadd.bf16 v23, v11  }
0x91: {  	v11 =	vadd.bf16 v25, v24;
	v30 =	vadd.bf16 v27, v26;
	_ =	sdelay $0x1  }
0x92: {  	v9 =	vadd.bf16 v10, v9;
	v10 =	vadd.bf16 v30, v11;
	_ =	sdelay $0x1  }
0x93: {  	v11 =	vadd.bf16 v29, v28;
	v9 =	vadd.bf16 v10, v9;
	_ =	sdelay $0x1  }
0x94: {  	v9 =	vadd.bf16 v11, v9;
	_ =	sdelay $0x1  }
0x95: {  	v10 =	vunpack.i.l.bf16.f32 v9  }
0x96: {  	v9 =	vunpack.i.u.bf16.f32 v9;
	v10 =	vmul.f32 v10, v8  }
0x97: {  	v9 =	vmul.f32 v9, v8  }
0x98: {  	[tilespmem:v2+s19+$0x0] =	vst.idx.msk $0xffff, v10  }
0x99: {  	[tilespmem:v3+s19+$0x0] =	vst.idx.msk $0xffff, v9  }
0x9a: {  	v9 =	vld [tilespmem:$0x3FE0]  }
0x9b: {  	v10 =	vld [tilespmem:$0x4020]  }
0x9c: {  	v11 =	vld [tilespmem:$0x4060]  }
0x9d: {  	v31 =	vld [tilespmem:$0x40A0]  }
0x9e: {  	v32 =	vld [tilespmem:$0x40E0]  }
0x9f: {  	v33 =	vld [tilespmem:$0x4120]  }
0xa0: {  	v34 =	vld [tilespmem:$0x4160]  }
0xa1: {  	v35 =	vld [tilespmem:$0x41A0];
	_ =	sdelay $0x2  }
0xa2: {  	v36 =	vld [tilespmem:$0x41E0]  }
0xa3: {  	v37 =	vld [tilespmem:$0x4220];
	v9 =	vadd.bf16 v10, v9;
	v10 =	vadd.bf16 v31, v11  }
0xa4: {  	v11 =	vadd.bf16 v33, v32;
	v38 =	vadd.bf16 v35, v34;
	_ =	sdelay $0x1  }
0xa5: {  	v9 =	vadd.bf16 v10, v9;
	v10 =	vadd.bf16 v38, v11;
	_ =	sdelay $0x1  }
0xa6: {  	v11 =	vadd.bf16 v37, v36;
	v9 =	vadd.bf16 v10, v9;
	_ =	sdelay $0x1  }
0xa7: {  	v9 =	vadd.bf16 v11, v9;
	_ =	sdelay $0x1  }
0xa8: {  	v10 =	vunpack.i.l.bf16.f32 v9  }
0xa9: {  	v9 =	vunpack.i.u.bf16.f32 v9;
	v10 =	vmul.f32 v10, v8  }
0xaa: {  	v9 =	vmul.f32 v9, v8  }
0xab: {  	[tilespmem:v4+s19+$0x0] =	vst.idx.msk $0xffff, v10  }
0xac: {  	[tilespmem:v5+s19+$0x0] =	vst.idx.msk $0xffff, v9  }
0xad: {  	v9 =	vld [tilespmem:$0x3FF0]  }
0xae: {  	v10 =	vld [tilespmem:$0x4030]  }
0xaf: {  	v11 =	vld [tilespmem:$0x4070]  }
0xb0: {  	v39 =	vld [tilespmem:$0x40B0]  }
0xb1: {  	v40 =	vld [tilespmem:$0x40F0]  }
0xb2: {  	v41 =	vld [tilespmem:$0x4130]  }
0xb3: {  	v42 =	vld [tilespmem:$0x4170]  }
0xb4: {  	v43 =	vld [tilespmem:$0x41B0];
	_ =	sdelay $0x2  }
0xb5: {  	v44 =	vld [tilespmem:$0x41F0]  }
0xb6: {  	v45 =	vld [tilespmem:$0x4230];
	v9 =	vadd.bf16 v10, v9;
	v10 =	vadd.bf16 v39, v11  }
0xb7: {  	v11 =	vadd.bf16 v41, v40;
	v46 =	vadd.bf16 v43, v42;
	_ =	sdelay $0x1  }
0xb8: {  	v9 =	vadd.bf16 v10, v9;
	v10 =	vadd.bf16 v46, v11;
	_ =	sdelay $0x1  }
0xb9: {  	v11 =	vadd.bf16 v45, v44;
	v9 =	vadd.bf16 v10, v9;
	_ =	sdelay $0x1  }
0xba: {  	v9 =	vadd.bf16 v11, v9;
	_ =	sdelay $0x1  }
0xbb: {  	v10 =	vunpack.i.l.bf16.f32 v9  }
0xbc: {  	v9 =	vunpack.i.u.bf16.f32 v9;
	v10 =	vmul.f32 v10, v8  }
0xbd: {  	v9 =	vmul.f32 v9, v8  }
0xbe: {  	[tilespmem:v6+s19+$0x0] =	vst.idx.msk $0xffff, v10  }
0xbf: {  	[tilespmem:v7+s19+$0x0] =	vst.idx.msk $0xffff, v9  }
0xc0: {  	v9 =	vld [tilespmem:$0x4240]  }
0xc1: {  	v10 =	vld [tilespmem:$0x4280]  }
0xc2: {  	v11 =	vld [tilespmem:$0x42C0]  }
0xc3: {  	v47 =	vld [tilespmem:$0x4300]  }
0xc4: {  	v48 =	vld [tilespmem:$0x4340]  }
0xc5: {  	v49 =	vld [tilespmem:$0x4380]  }
0xc6: {  	v50 =	vld [tilespmem:$0x43C0]  }
0xc7: {  	v51 =	vld [tilespmem:$0x4400];
	_ =	sdelay $0x2  }
0xc8: {  	v52 =	vld [tilespmem:$0x4440]  }
0xc9: {  	v53 =	vld [tilespmem:$0x4480];
	v9 =	vadd.bf16 v10, v9;
	v10 =	vadd.bf16 v47, v11  }
0xca: {  	v11 =	vadd.bf16 v49, v48;
	v54 =	vadd.bf16 v51, v50;
	_ =	sdelay $0x1  }
0xcb: {  	v9 =	vadd.bf16 v10, v9;
	v10 =	vadd.bf16 v54, v11;
	_ =	sdelay $0x1  }
0xcc: {  	v11 =	vadd.bf16 v53, v52;
	v9 =	vadd.bf16 v10, v9;
	_ =	sdelay $0x1  }
0xcd: {  	v9 =	vadd.bf16 v11, v9;
	_ =	sdelay $0x1  }
0xce: {  	v10 =	vunpack.i.l.bf16.f32 v9  }
0xcf: {  	v9 =	vunpack.i.u.bf16.f32 v9;
	v10 =	vmul.f32 v10, v8  }
0xd0: {  	v9 =	vmul.f32 v9, v8  }
0xd1: {  	[tilespmem:v0+s20+$0x0] =	vst.idx.msk $0xffff, v10  }
0xd2: {  	[tilespmem:v1+s20+$0x0] =	vst.idx.msk $0xffff, v9  }
0xd3: {  	v9 =	vld [tilespmem:$0x4250]  }
0xd4: {  	v10 =	vld [tilespmem:$0x4290]  }
0xd5: {  	v11 =	vld [tilespmem:$0x42D0]  }
0xd6: {  	v55 =	vld [tilespmem:$0x4310]  }
0xd7: {  	v56 =	vld [tilespmem:$0x4350]  }
0xd8: {  	v57 =	vld [tilespmem:$0x4390]  }
0xd9: {  	v58 =	vld [tilespmem:$0x43D0]  }
0xda: {  	v59 =	vld [tilespmem:$0x4410];
	_ =	sdelay $0x2  }
0xdb: {  	v60 =	vld [tilespmem:$0x4450]  }
0xdc: {  	v61 =	vld [tilespmem:$0x4490];
	v9 =	vadd.bf16 v10, v9;
	v10 =	vadd.bf16 v55, v11  }
0xdd: {  	v11 =	vadd.bf16 v57, v56;
	v62 =	vadd.bf16 v59, v58;
	_ =	sdelay $0x1  }
0xde: {  	v9 =	vadd.bf16 v10, v9;
	v10 =	vadd.bf16 v62, v11;
	_ =	sdelay $0x1  }
0xdf: {  	v11 =	vadd.bf16 v61, v60;
	v9 =	vadd.bf16 v10, v9;
	_ =	sdelay $0x1  }
0xe0: {  	v9 =	vadd.bf16 v11, v9;
	_ =	sdelay $0x1  }
0xe1: {  	v10 =	vunpack.i.l.bf16.f32 v9  }
0xe2: {  	v9 =	vunpack.i.u.bf16.f32 v9;
	v10 =	vmul.f32 v10, v8  }
0xe3: {  	v9 =	vmul.f32 v9, v8  }
0xe4: {  	[tilespmem:v2+s20+$0x0] =	vst.idx.msk $0xffff, v10  }
0xe5: {  	[tilespmem:v3+s20+$0x0] =	vst.idx.msk $0xffff, v9  }
0xe6: {  	v9 =	vld [tilespmem:$0x4260]  }
0xe7: {  	v10 =	vld [tilespmem:$0x42A0]  }
0xe8: {  	v11 =	vld [tilespmem:$0x42E0]  }
0xe9: {  	v63 =	vld [tilespmem:$0x4320]  }
0xea: {  	v21 =	vld [tilespmem:$0x4360]  }
0xeb: {  	v22 =	vld [tilespmem:$0x43A0]  }
0xec: {  	v23 =	vld [tilespmem:$0x43E0]  }
0xed: {  	v24 =	vld [tilespmem:$0x4420];
	_ =	sdelay $0x2  }
0xee: {  	v25 =	vld [tilespmem:$0x4460]  }
0xef: {  	v26 =	vld [tilespmem:$0x44A0];
	v9 =	vadd.bf16 v10, v9;
	v10 =	vadd.bf16 v63, v11  }
0xf0: {  	v11 =	vadd.bf16 v22, v21;
	v27 =	vadd.bf16 v24, v23;
	_ =	sdelay $0x1  }
0xf1: {  	v9 =	vadd.bf16 v10, v9;
	v10 =	vadd.bf16 v27, v11;
	_ =	sdelay $0x1  }
0xf2: {  	v11 =	vadd.bf16 v26, v25;
	v9 =	vadd.bf16 v10, v9;
	_ =	sdelay $0x1  }
0xf3: {  	v9 =	vadd.bf16 v11, v9;
	_ =	sdelay $0x1  }
0xf4: {  	v10 =	vunpack.i.l.bf16.f32 v9  }
0xf5: {  	v9 =	vunpack.i.u.bf16.f32 v9;
	v10 =	vmul.f32 v10, v8  }
0xf6: {  	v9 =	vmul.f32 v9, v8  }
0xf7: {  	[tilespmem:v4+s20+$0x0] =	vst.idx.msk $0xffff, v10  }
0xf8: {  	[tilespmem:v5+s20+$0x0] =	vst.idx.msk $0xffff, v9  }
0xf9: {  	v9 =	vld [tilespmem:$0x4270]  }
0xfa: {  	v10 =	vld [tilespmem:$0x42B0]  }
0xfb: {  	v11 =	vld [tilespmem:$0x42F0]  }
0xfc: {  	v28 =	vld [tilespmem:$0x4330]  }
0xfd: {  	v29 =	vld [tilespmem:$0x4370]  }
0xfe: {  	v30 =	vld [tilespmem:$0x43B0]  }
0xff: {  	v31 =	vld [tilespmem:$0x43F0]  }
0x100: {  	v32 =	vld [tilespmem:$0x4430];
	_ =	sdelay $0x2  }
0x101: {  	v33 =	vld [tilespmem:$0x4470]  }
0x102: {  	v34 =	vld [tilespmem:$0x44B0];
	v9 =	vadd.bf16 v10, v9;
	v10 =	vadd.bf16 v28, v11  }
0x103: {  	v11 =	vadd.bf16 v30, v29;
	v35 =	vadd.bf16 v32, v31;
	_ =	sdelay $0x1  }
0x104: {  	v9 =	vadd.bf16 v10, v9;
	v10 =	vadd.bf16 v35, v11;
	_ =	sdelay $0x1  }
0x105: {  	v11 =	vadd.bf16 v34, v33;
	v9 =	vadd.bf16 v10, v9;
	_ =	sdelay $0x1  }
0x106: {  	v9 =	vadd.bf16 v11, v9;
	_ =	sdelay $0x1  }
0x107: {  	v10 =	vunpack.i.l.bf16.f32 v9  }
0x108: {  	v9 =	vunpack.i.u.bf16.f32 v9;
	v10 =	vmul.f32 v10, v8  }
0x109: {  	v9 =	vmul.f32 v9, v8  }
0x10a: {  	[tilespmem:v6+s20+$0x0] =	vst.idx.msk $0xffff, v10  }
0x10b: {  	[tilespmem:v7+s20+$0x0] =	vst.idx.msk $0xffff, v9  }
0x10c: {  	v9 =	vld [tilespmem:$0x44C0]  }
0x10d: {  	v10 =	vld [tilespmem:$0x4500]  }
0x10e: {  	v11 =	vld [tilespmem:$0x4540]  }
0x10f: {  	v36 =	vld [tilespmem:$0x4580]  }
0x110: {  	v37 =	vld [tilespmem:$0x45C0]  }
0x111: {  	v38 =	vld [tilespmem:$0x4600]  }
0x112: {  	v39 =	vld [tilespmem:$0x4640]  }
0x113: {  	v40 =	vld [tilespmem:$0x4680];
	_ =	sdelay $0x2  }
0x114: {  	v41 =	vld [tilespmem:$0x46C0]  }
0x115: {  	v42 =	vld [tilespmem:$0x4700];
	v9 =	vadd.bf16 v10, v9;
	v10 =	vadd.bf16 v36, v11  }
0x116: {  	v11 =	vadd.bf16 v38, v37;
	v43 =	vadd.bf16 v40, v39;
	_ =	sdelay $0x1  }
0x117: {  	v9 =	vadd.bf16 v10, v9;
	v10 =	vadd.bf16 v43, v11;
	_ =	sdelay $0x1  }
0x118: {  	v11 =	vadd.bf16 v42, v41;
	v9 =	vadd.bf16 v10, v9;
	_ =	sdelay $0x1  }
0x119: {  	v9 =	vadd.bf16 v11, v9;
	_ =	sdelay $0x1  }
0x11a: {  	v10 =	vunpack.i.l.bf16.f32 v9  }
0x11b: {  	v9 =	vunpack.i.u.bf16.f32 v9;
	v10 =	vmul.f32 v10, v8  }
0x11c: {  	v9 =	vmul.f32 v9, v8  }
0x11d: {  	[tilespmem:v0+s21+$0x0] =	vst.idx.msk $0xffff, v10  }
0x11e: {  	[tilespmem:v1+s21+$0x0] =	vst.idx.msk $0xffff, v9  }
0x11f: {  	v9 =	vld [tilespmem:$0x44D0]  }
0x120: {  	v10 =	vld [tilespmem:$0x4510]  }
0x121: {  	v11 =	vld [tilespmem:$0x4550]  }
0x122: {  	v44 =	vld [tilespmem:$0x4590]  }
0x123: {  	v45 =	vld [tilespmem:$0x45D0]  }
0x124: {  	v46 =	vld [tilespmem:$0x4610]  }
0x125: {  	v47 =	vld [tilespmem:$0x4650]  }
0x126: {  	v48 =	vld [tilespmem:$0x4690];
	_ =	sdelay $0x2  }
0x127: {  	v49 =	vld [tilespmem:$0x46D0]  }
0x128: {  	v50 =	vld [tilespmem:$0x4710];
	v9 =	vadd.bf16 v10, v9;
	v10 =	vadd.bf16 v44, v11  }
0x129: {  	v11 =	vadd.bf16 v46, v45;
	v51 =	vadd.bf16 v48, v47;
	_ =	sdelay $0x1  }
0x12a: {  	v9 =	vadd.bf16 v10, v9;
	v10 =	vadd.bf16 v51, v11;
	_ =	sdelay $0x1  }
0x12b: {  	v11 =	vadd.bf16 v50, v49;
	v9 =	vadd.bf16 v10, v9;
	_ =	sdelay $0x1  }
0x12c: {  	v9 =	vadd.bf16 v11, v9;
	_ =	sdelay $0x1  }
0x12d: {  	v10 =	vunpack.i.l.bf16.f32 v9  }
0x12e: {  	v9 =	vunpack.i.u.bf16.f32 v9;
	v10 =	vmul.f32 v10, v8  }
0x12f: {  	v9 =	vmul.f32 v9, v8  }
0x130: {  	[tilespmem:v2+s21+$0x0] =	vst.idx.msk $0xffff, v10  }
0x131: {  	[tilespmem:v3+s21+$0x0] =	vst.idx.msk $0xffff, v9  }
0x132: {  	v9 =	vld [tilespmem:$0x44E0]  }
0x133: {  	v10 =	vld [tilespmem:$0x4520]  }
0x134: {  	v11 =	vld [tilespmem:$0x4560]  }
0x135: {  	v52 =	vld [tilespmem:$0x45A0]  }
0x136: {  	v53 =	vld [tilespmem:$0x45E0]  }
0x137: {  	v54 =	vld [tilespmem:$0x4620]  }
0x138: {  	v55 =	vld [tilespmem:$0x4660]  }
0x139: {  	v56 =	vld [tilespmem:$0x46A0];
	_ =	sdelay $0x2  }
0x13a: {  	v57 =	vld [tilespmem:$0x46E0]  }
0x13b: {  	v58 =	vld [tilespmem:$0x4720];
	v9 =	vadd.bf16 v10, v9;
	v10 =	vadd.bf16 v52, v11  }
0x13c: {  	v11 =	vadd.bf16 v54, v53;
	v59 =	vadd.bf16 v56, v55;
	_ =	sdelay $0x1  }
0x13d: {  	v9 =	vadd.bf16 v10, v9;
	v10 =	vadd.bf16 v59, v11;
	_ =	sdelay $0x1  }
0x13e: {  	v11 =	vadd.bf16 v58, v57;
	v9 =	vadd.bf16 v10, v9;
	_ =	sdelay $0x1  }
0x13f: {  	v9 =	vadd.bf16 v11, v9;
	_ =	sdelay $0x1  }
0x140: {  	v10 =	vunpack.i.l.bf16.f32 v9  }
0x141: {  	v9 =	vunpack.i.u.bf16.f32 v9;
	v10 =	vmul.f32 v10, v8  }
0x142: {  	v9 =	vmul.f32 v9, v8  }
0x143: {  	[tilespmem:v4+s21+$0x0] =	vst.idx.msk $0xffff, v10  }
0x144: {  	[tilespmem:v5+s21+$0x0] =	vst.idx.msk $0xffff, v9  }
0x145: {  	v9 =	vld [tilespmem:$0x44F0]  }
0x146: {  	v10 =	vld [tilespmem:$0x4530]  }
0x147: {  	v11 =	vld [tilespmem:$0x4570]  }
0x148: {  	v60 =	vld [tilespmem:$0x45B0]  }
0x149: {  	v61 =	vld [tilespmem:$0x45F0]  }
0x14a: {  	v62 =	vld [tilespmem:$0x4630]  }
0x14b: {  	v63 =	vld [tilespmem:$0x4670]  }
0x14c: {  	v21 =	vld [tilespmem:$0x46B0];
	_ =	sdelay $0x2  }
0x14d: {  	v22 =	vld [tilespmem:$0x46F0]  }
0x14e: {  	v23 =	vld [tilespmem:$0x4730];
	v9 =	vadd.bf16 v10, v9;
	v10 =	vadd.bf16 v60, v11  }
0x14f: {  	v11 =	vadd.bf16 v62, v61;
	v24 =	vadd.bf16 v21, v63;
	_ =	sdelay $0x1  }
0x150: {  	v9 =	vadd.bf16 v10, v9;
	v10 =	vadd.bf16 v24, v11;
	_ =	sdelay $0x1  }
0x151: {  	v11 =	vadd.bf16 v23, v22;
	v9 =	vadd.bf16 v10, v9;
	_ =	sdelay $0x1  }
0x152: {  	v9 =	vadd.bf16 v11, v9;
	_ =	sdelay $0x1  }
0x153: {  	v10 =	vunpack.i.l.bf16.f32 v9  }
0x154: {  	v9 =	vunpack.i.u.bf16.f32 v9;
	v10 =	vmul.f32 v10, v8  }
0x155: {  	v9 =	vmul.f32 v9, v8  }
0x156: {  	[tilespmem:v6+s21+$0x0] =	vst.idx.msk $0xffff, v10  }
0x157: {  	[tilespmem:v7+s21+$0x0] =	vst.idx.msk $0xffff, v9  }
0x158: {  	v9 =	vld [tilespmem:$0x4740]  }
0x159: {  	v10 =	vld [tilespmem:$0x4780]  }
0x15a: {  	v11 =	vld [tilespmem:$0x47C0]  }
0x15b: {  	v25 =	vld [tilespmem:$0x4800]  }
0x15c: {  	v26 =	vld [tilespmem:$0x4840]  }
0x15d: {  	v27 =	vld [tilespmem:$0x4880]  }
0x15e: {  	v28 =	vld [tilespmem:$0x48C0]  }
0x15f: {  	v29 =	vld [tilespmem:$0x4900];
	_ =	sdelay $0x2  }
0x160: {  	v30 =	vld [tilespmem:$0x4940]  }
0x161: {  	v31 =	vld [tilespmem:$0x4980];
	v9 =	vadd.bf16 v10, v9;
	v10 =	vadd.bf16 v25, v11  }
0x162: {  	v11 =	vadd.bf16 v27, v26;
	v32 =	vadd.bf16 v29, v28;
	_ =	sdelay $0x1  }
0x163: {  	v9 =	vadd.bf16 v10, v9;
	v10 =	vadd.bf16 v32, v11;
	_ =	sdelay $0x1  }
0x164: {  	v11 =	vadd.bf16 v31, v30;
	v9 =	vadd.bf16 v10, v9;
	_ =	sdelay $0x1  }
0x165: {  	v9 =	vadd.bf16 v11, v9;
	_ =	sdelay $0x1  }
0x166: {  	v10 =	vunpack.i.l.bf16.f32 v9  }
0x167: {  	v9 =	vunpack.i.u.bf16.f32 v9;
	v10 =	vmul.f32 v10, v8  }
0x168: {  	v9 =	vmul.f32 v9, v8  }
0x169: {  	[tilespmem:v0+s22+$0x0] =	vst.idx.msk $0xffff, v10  }
0x16a: {  	[tilespmem:v1+s22+$0x0] =	vst.idx.msk $0xffff, v9  }
0x16b: {  	v9 =	vld [tilespmem:$0x4750]  }
0x16c: {  	v10 =	vld [tilespmem:$0x4790]  }
0x16d: {  	v11 =	vld [tilespmem:$0x47D0]  }
0x16e: {  	v33 =	vld [tilespmem:$0x4810]  }
0x16f: {  	v34 =	vld [tilespmem:$0x4850]  }
0x170: {  	v35 =	vld [tilespmem:$0x4890]  }
0x171: {  	v36 =	vld [tilespmem:$0x48D0]  }
0x172: {  	v37 =	vld [tilespmem:$0x4910];
	_ =	sdelay $0x2  }
0x173: {  	v38 =	vld [tilespmem:$0x4950]  }
0x174: {  	v39 =	vld [tilespmem:$0x4990];
	v9 =	vadd.bf16 v10, v9;
	v10 =	vadd.bf16 v33, v11  }
0x175: {  	v11 =	vadd.bf16 v35, v34;
	v40 =	vadd.bf16 v37, v36;
	_ =	sdelay $0x1  }
0x176: {  	v9 =	vadd.bf16 v10, v9;
	v10 =	vadd.bf16 v40, v11;
	_ =	sdelay $0x1  }
0x177: {  	v11 =	vadd.bf16 v39, v38;
	v9 =	vadd.bf16 v10, v9;
	_ =	sdelay $0x1  }
0x178: {  	v9 =	vadd.bf16 v11, v9;
	_ =	sdelay $0x1  }
0x179: {  	v10 =	vunpack.i.l.bf16.f32 v9  }
0x17a: {  	v9 =	vunpack.i.u.bf16.f32 v9;
	v10 =	vmul.f32 v10, v8  }
0x17b: {  	v9 =	vmul.f32 v9, v8  }
0x17c: {  	[tilespmem:v2+s22+$0x0] =	vst.idx.msk $0xffff, v10  }
0x17d: {  	[tilespmem:v3+s22+$0x0] =	vst.idx.msk $0xffff, v9  }
0x17e: {  	v9 =	vld [tilespmem:$0x4760]  }
0x17f: {  	v10 =	vld [tilespmem:$0x47A0]  }
0x180: {  	v11 =	vld [tilespmem:$0x47E0]  }
0x181: {  	v41 =	vld [tilespmem:$0x4820]  }
0x182: {  	v42 =	vld [tilespmem:$0x4860]  }
0x183: {  	v43 =	vld [tilespmem:$0x48A0]  }
0x184: {  	v44 =	vld [tilespmem:$0x48E0]  }
0x185: {  	v45 =	vld [tilespmem:$0x4920];
	_ =	sdelay $0x2  }
0x186: {  	v46 =	vld [tilespmem:$0x4960]  }
0x187: {  	v47 =	vld [tilespmem:$0x49A0];
	v9 =	vadd.bf16 v10, v9;
	v10 =	vadd.bf16 v41, v11  }
0x188: {  	v11 =	vadd.bf16 v43, v42;
	v48 =	vadd.bf16 v45, v44;
	_ =	sdelay $0x1  }
0x189: {  	v9 =	vadd.bf16 v10, v9;
	v10 =	vadd.bf16 v48, v11;
	_ =	sdelay $0x1  }
0x18a: {  	v11 =	vadd.bf16 v47, v46;
	v9 =	vadd.bf16 v10, v9;
	_ =	sdelay $0x1  }
0x18b: {  	v9 =	vadd.bf16 v11, v9;
	_ =	sdelay $0x1  }
0x18c: {  	v10 =	vunpack.i.l.bf16.f32 v9  }
0x18d: {  	v9 =	vunpack.i.u.bf16.f32 v9;
	v10 =	vmul.f32 v10, v8  }
0x18e: {  	v9 =	vmul.f32 v9, v8  }
0x18f: {  	[tilespmem:v4+s22+$0x0] =	vst.idx.msk $0xffff, v10  }
0x190: {  	[tilespmem:v5+s22+$0x0] =	vst.idx.msk $0xffff, v9  }
0x191: {  	v9 =	vld [tilespmem:$0x4770]  }
0x192: {  	v10 =	vld [tilespmem:$0x47B0]  }
0x193: {  	v11 =	vld [tilespmem:$0x47F0]  }
0x194: {  	v49 =	vld [tilespmem:$0x4830]  }
0x195: {  	v50 =	vld [tilespmem:$0x4870]  }
0x196: {  	v51 =	vld [tilespmem:$0x48B0]  }
0x197: {  	v52 =	vld [tilespmem:$0x48F0]  }
0x198: {  	v53 =	vld [tilespmem:$0x4930];
	_ =	sdelay $0x2  }
0x199: {  	v54 =	vld [tilespmem:$0x4970]  }
0x19a: {  	v55 =	vld [tilespmem:$0x49B0];
	v9 =	vadd.bf16 v10, v9;
	v10 =	vadd.bf16 v49, v11  }
0x19b: {  	v11 =	vadd.bf16 v51, v50;
	v56 =	vadd.bf16 v53, v52;
	_ =	sdelay $0x1  }
0x19c: {  	v9 =	vadd.bf16 v10, v9;
	v10 =	vadd.bf16 v56, v11;
	_ =	sdelay $0x1  }
0x19d: {  	v11 =	vadd.bf16 v55, v54;
	v9 =	vadd.bf16 v10, v9;
	_ =	sdelay $0x1  }
0x19e: {  	v9 =	vadd.bf16 v11, v9;
	_ =	sdelay $0x1  }
0x19f: {  	v10 =	vunpack.i.l.bf16.f32 v9  }
0x1a0: {  	v9 =	vunpack.i.u.bf16.f32 v9;
	v10 =	vmul.f32 v10, v8  }
0x1a1: {  	v9 =	vmul.f32 v9, v8  }
0x1a2: {  	[tilespmem:v6+s22+$0x0] =	vst.idx.msk $0xffff, v10  }
0x1a3: {  	[tilespmem:v7+s22+$0x0] =	vst.idx.msk $0xffff, v9  }
0x1a4: {  	v9 =	vld [tilespmem:$0x49C0]  }
0x1a5: {  	v10 =	vld [tilespmem:$0x4A00]  }
0x1a6: {  	v11 =	vld [tilespmem:$0x4A40]  }
0x1a7: {  	v57 =	vld [tilespmem:$0x4A80]  }
0x1a8: {  	v58 =	vld [tilespmem:$0x4AC0]  }
0x1a9: {  	v59 =	vld [tilespmem:$0x4B00]  }
0x1aa: {  	v60 =	vld [tilespmem:$0x4B40]  }
0x1ab: {  	v61 =	vld [tilespmem:$0x4B80];
	_ =	sdelay $0x2  }
0x1ac: {  	v62 =	vld [tilespmem:$0x4BC0]  }
0x1ad: {  	v63 =	vld [tilespmem:$0x4C00];
	v9 =	vadd.bf16 v10, v9;
	v10 =	vadd.bf16 v57, v11  }
0x1ae: {  	v11 =	vadd.bf16 v59, v58;
	v20 =	vadd.bf16 v61, v60;
	_ =	sdelay $0x1  }
0x1af: {  	v9 =	vadd.bf16 v10, v9;
	v10 =	vadd.bf16 v20, v11;
	_ =	sdelay $0x1  }
0x1b0: {  	v11 =	vadd.bf16 v63, v62;
	v9 =	vadd.bf16 v10, v9;
	_ =	sdelay $0x1  }
0x1b1: {  	v9 =	vadd.bf16 v11, v9;
	_ =	sdelay $0x1  }
0x1b2: {  	v10 =	vunpack.i.l.bf16.f32 v9  }
0x1b3: {  	v9 =	vunpack.i.u.bf16.f32 v9;
	v10 =	vmul.f32 v10, v8  }
0x1b4: {  	v9 =	vmul.f32 v9, v8  }
0x1b5: {  	[tilespmem:v0+s23+$0x0] =	vst.idx.msk $0xffff, v10  }
0x1b6: {  	[tilespmem:v1+s23+$0x0] =	vst.idx.msk $0xffff, v9  }
0x1b7: {  	v9 =	vld [tilespmem:$0x49D0]  }
0x1b8: {  	v10 =	vld [tilespmem:$0x4A10]  }
0x1b9: {  	v11 =	vld [tilespmem:$0x4A50]  }
0x1ba: {  	v21 =	vld [tilespmem:$0x4A90]  }
0x1bb: {  	v22 =	vld [tilespmem:$0x4AD0]  }
0x1bc: {  	v23 =	vld [tilespmem:$0x4B10]  }
0x1bd: {  	v24 =	vld [tilespmem:$0x4B50]  }
0x1be: {  	v25 =	vld [tilespmem:$0x4B90];
	_ =	sdelay $0x2  }
0x1bf: {  	v26 =	vld [tilespmem:$0x4BD0]  }
0x1c0: {  	v27 =	vld [tilespmem:$0x4C10];
	v9 =	vadd.bf16 v10, v9;
	v10 =	vadd.bf16 v21, v11  }
0x1c1: {  	v11 =	vadd.bf16 v23, v22;
	v28 =	vadd.bf16 v25, v24;
	_ =	sdelay $0x1  }
0x1c2: {  	v9 =	vadd.bf16 v10, v9;
	v10 =	vadd.bf16 v28, v11;
	_ =	sdelay $0x1  }
0x1c3: {  	v11 =	vadd.bf16 v27, v26;
	v9 =	vadd.bf16 v10, v9;
	_ =	sdelay $0x1  }
0x1c4: {  	v9 =	vadd.bf16 v11, v9;
	_ =	sdelay $0x1  }
0x1c5: {  	v10 =	vunpack.i.l.bf16.f32 v9  }
0x1c6: {  	v9 =	vunpack.i.u.bf16.f32 v9;
	v10 =	vmul.f32 v10, v8  }
0x1c7: {  	v9 =	vmul.f32 v9, v8  }
0x1c8: {  	[tilespmem:v2+s23+$0x0] =	vst.idx.msk $0xffff, v10  }
0x1c9: {  	[tilespmem:v3+s23+$0x0] =	vst.idx.msk $0xffff, v9  }
0x1ca: {  	v9 =	vld [tilespmem:$0x49E0]  }
0x1cb: {  	v10 =	vld [tilespmem:$0x4A20]  }
0x1cc: {  	v11 =	vld [tilespmem:$0x4A60]  }
0x1cd: {  	v29 =	vld [tilespmem:$0x4AA0]  }
0x1ce: {  	v30 =	vld [tilespmem:$0x4AE0]  }
0x1cf: {  	v31 =	vld [tilespmem:$0x4B20]  }
0x1d0: {  	v32 =	vld [tilespmem:$0x4B60]  }
0x1d1: {  	v33 =	vld [tilespmem:$0x4BA0];
	_ =	sdelay $0x2  }
0x1d2: {  	v34 =	vld [tilespmem:$0x4BE0]  }
0x1d3: {  	v35 =	vld [tilespmem:$0x4C20];
	v9 =	vadd.bf16 v10, v9;
	v10 =	vadd.bf16 v29, v11  }
0x1d4: {  	v11 =	vadd.bf16 v31, v30;
	v36 =	vadd.bf16 v33, v32;
	_ =	sdelay $0x1  }
0x1d5: {  	v9 =	vadd.bf16 v10, v9;
	v10 =	vadd.bf16 v36, v11;
	_ =	sdelay $0x1  }
0x1d6: {  	v11 =	vadd.bf16 v35, v34;
	v9 =	vadd.bf16 v10, v9;
	_ =	sdelay $0x1  }
0x1d7: {  	v9 =	vadd.bf16 v11, v9;
	_ =	sdelay $0x1  }
0x1d8: {  	v10 =	vunpack.i.l.bf16.f32 v9  }
0x1d9: {  	v9 =	vunpack.i.u.bf16.f32 v9;
	v10 =	vmul.f32 v10, v8  }
0x1da: {  	v9 =	vmul.f32 v9, v8  }
0x1db: {  	[tilespmem:v4+s23+$0x0] =	vst.idx.msk $0xffff, v10  }
0x1dc: {  	[tilespmem:v5+s23+$0x0] =	vst.idx.msk $0xffff, v9  }
0x1dd: {  	v9 =	vld [tilespmem:$0x49F0]  }
0x1de: {  	v10 =	vld [tilespmem:$0x4A30]  }
0x1df: {  	v11 =	vld [tilespmem:$0x4A70]  }
0x1e0: {  	v37 =	vld [tilespmem:$0x4AB0]  }
0x1e1: {  	v38 =	vld [tilespmem:$0x4AF0]  }
0x1e2: {  	v39 =	vld [tilespmem:$0x4B30]  }
0x1e3: {  	v40 =	vld [tilespmem:$0x4B70]  }
0x1e4: {  	v41 =	vld [tilespmem:$0x4BB0];
	_ =	sdelay $0x2  }
0x1e5: {  	v42 =	vld [tilespmem:$0x4BF0]  }
0x1e6: {  	v43 =	vld [tilespmem:$0x4C30];
	v9 =	vadd.bf16 v10, v9;
	v10 =	vadd.bf16 v37, v11  }
0x1e7: {  	v11 =	vadd.bf16 v39, v38;
	v44 =	vadd.bf16 v41, v40;
	_ =	sdelay $0x1  }
0x1e8: {  	v9 =	vadd.bf16 v10, v9;
	v10 =	vadd.bf16 v44, v11;
	_ =	sdelay $0x1  }
0x1e9: {  	v11 =	vadd.bf16 v43, v42;
	v9 =	vadd.bf16 v10, v9;
	_ =	sdelay $0x1  }
0x1ea: {  	v9 =	vadd.bf16 v11, v9;
	_ =	sdelay $0x1  }
0x1eb: {  	v10 =	vunpack.i.l.bf16.f32 v9  }
0x1ec: {  	v9 =	vunpack.i.u.bf16.f32 v9;
	v10 =	vmul.f32 v10, v8  }
0x1ed: {  	v9 =	vmul.f32 v9, v8  }
0x1ee: {  	[tilespmem:v6+s23+$0x0] =	vst.idx.msk $0xffff, v10  }
0x1ef: {  	[tilespmem:v7+s23+$0x0] =	vst.idx.msk $0xffff, v9  }
0x1f0: {  	v9 =	vld [tilespmem:$0x4C40]  }
0x1f1: {  	v10 =	vld [tilespmem:$0x4C80]  }
0x1f2: {  	v11 =	vld [tilespmem:$0x4CC0]  }
0x1f3: {  	v45 =	vld [tilespmem:$0x4D00]  }
0x1f4: {  	v46 =	vld [tilespmem:$0x4D40]  }
0x1f5: {  	v47 =	vld [tilespmem:$0x4D80]  }
0x1f6: {  	v48 =	vld [tilespmem:$0x4DC0]  }
0x1f7: {  	v49 =	vld [tilespmem:$0x4E00];
	_ =	sdelay $0x2  }
0x1f8: {  	v50 =	vld [tilespmem:$0x4E40]  }
0x1f9: {  	v51 =	vld [tilespmem:$0x4E80];
	v9 =	vadd.bf16 v10, v9;
	v10 =	vadd.bf16 v45, v11  }
0x1fa: {  	v11 =	vadd.bf16 v47, v46;
	v52 =	vadd.bf16 v49, v48;
	_ =	sdelay $0x1  }
0x1fb: {  	v9 =	vadd.bf16 v10, v9;
	v10 =	vadd.bf16 v52, v11;
	_ =	sdelay $0x1  }
0x1fc: {  	v11 =	vadd.bf16 v51, v50;
	v9 =	vadd.bf16 v10, v9;
	_ =	sdelay $0x1  }
0x1fd: {  	v9 =	vadd.bf16 v11, v9;
	_ =	sdelay $0x1  }
0x1fe: {  	v10 =	vunpack.i.l.bf16.f32 v9  }
0x1ff: {  	v9 =	vunpack.i.u.bf16.f32 v9;
	v10 =	vmul.f32 v10, v8  }
0x200: {  	v9 =	vmul.f32 v9, v8  }
0x201: {  	[tilespmem:v0+s24+$0x0] =	vst.idx.msk $0xffff, v10  }
0x202: {  	[tilespmem:v1+s24+$0x0] =	vst.idx.msk $0xffff, v9  }
0x203: {  	v9 =	vld [tilespmem:$0x4C50]  }
0x204: {  	v10 =	vld [tilespmem:$0x4C90]  }
0x205: {  	v11 =	vld [tilespmem:$0x4CD0]  }
0x206: {  	v53 =	vld [tilespmem:$0x4D10]  }
0x207: {  	v54 =	vld [tilespmem:$0x4D50]  }
0x208: {  	v55 =	vld [tilespmem:$0x4D90]  }
0x209: {  	v56 =	vld [tilespmem:$0x4DD0]  }
0x20a: {  	v57 =	vld [tilespmem:$0x4E10];
	_ =	sdelay $0x2  }
0x20b: {  	v58 =	vld [tilespmem:$0x4E50]  }
0x20c: {  	v59 =	vld [tilespmem:$0x4E90];
	v9 =	vadd.bf16 v10, v9;
	v10 =	vadd.bf16 v53, v11  }
0x20d: {  	v11 =	vadd.bf16 v55, v54;
	v60 =	vadd.bf16 v57, v56;
	_ =	sdelay $0x1  }
0x20e: {  	v9 =	vadd.bf16 v10, v9;
	v10 =	vadd.bf16 v60, v11;
	_ =	sdelay $0x1  }
0x20f: {  	v11 =	vadd.bf16 v59, v58;
	v9 =	vadd.bf16 v10, v9;
	_ =	sdelay $0x1  }
0x210: {  	v9 =	vadd.bf16 v11, v9;
	_ =	sdelay $0x1  }
0x211: {  	v10 =	vunpack.i.l.bf16.f32 v9  }
0x212: {  	v9 =	vunpack.i.u.bf16.f32 v9;
	v10 =	vmul.f32 v10, v8  }
0x213: {  	v9 =	vmul.f32 v9, v8  }
0x214: {  	[tilespmem:v2+s24+$0x0] =	vst.idx.msk $0xffff, v10  }
0x215: {  	[tilespmem:v3+s24+$0x0] =	vst.idx.msk $0xffff, v9  }
0x216: {  	v9 =	vld [tilespmem:$0x4C60]  }
0x217: {  	v10 =	vld [tilespmem:$0x4CA0]  }
0x218: {  	v11 =	vld [tilespmem:$0x4CE0]  }
0x219: {  	v61 =	vld [tilespmem:$0x4D20]  }
0x21a: {  	v62 =	vld [tilespmem:$0x4D60]  }
0x21b: {  	v63 =	vld [tilespmem:$0x4DA0]  }
0x21c: {  	v21 =	vld [tilespmem:$0x4DE0]  }
0x21d: {  	v22 =	vld [tilespmem:$0x4E20];
	_ =	sdelay $0x2  }
0x21e: {  	v23 =	vld [tilespmem:$0x4E60]  }
0x21f: {  	v24 =	vld [tilespmem:$0x4EA0];
	v9 =	vadd.bf16 v10, v9;
	v10 =	vadd.bf16 v61, v11  }
0x220: {  	v11 =	vadd.bf16 v63, v62;
	v25 =	vadd.bf16 v22, v21;
	_ =	sdelay $0x1  }
0x221: {  	v9 =	vadd.bf16 v10, v9;
	v10 =	vadd.bf16 v25, v11;
	_ =	sdelay $0x1  }
0x222: {  	v11 =	vadd.bf16 v24, v23;
	v9 =	vadd.bf16 v10, v9;
	_ =	sdelay $0x1  }
0x223: {  	v9 =	vadd.bf16 v11, v9;
	_ =	sdelay $0x1  }
0x224: {  	v10 =	vunpack.i.l.bf16.f32 v9  }
0x225: {  	v9 =	vunpack.i.u.bf16.f32 v9;
	v10 =	vmul.f32 v10, v8  }
0x226: {  	v9 =	vmul.f32 v9, v8  }
0x227: {  	[tilespmem:v4+s24+$0x0] =	vst.idx.msk $0xffff, v10  }
0x228: {  	[tilespmem:v5+s24+$0x0] =	vst.idx.msk $0xffff, v9  }
0x229: {  	v9 =	vld [tilespmem:$0x4C70]  }
0x22a: {  	v10 =	vld [tilespmem:$0x4CB0]  }
0x22b: {  	v11 =	vld [tilespmem:$0x4CF0]  }
0x22c: {  	v26 =	vld [tilespmem:$0x4D30]  }
0x22d: {  	v27 =	vld [tilespmem:$0x4D70]  }
0x22e: {  	v28 =	vld [tilespmem:$0x4DB0]  }
0x22f: {  	v29 =	vld [tilespmem:$0x4DF0]  }
0x230: {  	v30 =	vld [tilespmem:$0x4E30];
	_ =	sdelay $0x2  }
0x231: {  	v31 =	vld [tilespmem:$0x4E70]  }
0x232: {  	v32 =	vld [tilespmem:$0x4EB0];
	v9 =	vadd.bf16 v10, v9;
	v10 =	vadd.bf16 v26, v11  }
0x233: {  	v11 =	vadd.bf16 v28, v27;
	v33 =	vadd.bf16 v30, v29;
	_ =	sdelay $0x1  }
0x234: {  	v9 =	vadd.bf16 v10, v9;
	v10 =	vadd.bf16 v33, v11;
	_ =	sdelay $0x1  }
0x235: {  	v11 =	vadd.bf16 v32, v31;
	v9 =	vadd.bf16 v10, v9;
	_ =	sdelay $0x1  }
0x236: {  	v9 =	vadd.bf16 v11, v9;
	_ =	sdelay $0x1  }
0x237: {  	v10 =	vunpack.i.l.bf16.f32 v9  }
0x238: {  	v9 =	vunpack.i.u.bf16.f32 v9;
	v10 =	vmul.f32 v10, v8  }
0x239: {  	v9 =	vmul.f32 v9, v8  }
0x23a: {  	[tilespmem:v6+s24+$0x0] =	vst.idx.msk $0xffff, v10  }
0x23b: {  	[tilespmem:v7+s24+$0x0] =	vst.idx.msk $0xffff, v9  }
0x23c: {  	v9 =	vld [tilespmem:$0x4EC0]  }
0x23d: {  	v10 =	vld [tilespmem:$0x4F00]  }
0x23e: {  	v11 =	vld [tilespmem:$0x4F40]  }
0x23f: {  	v34 =	vld [tilespmem:$0x4F80]  }
0x240: {  	v35 =	vld [tilespmem:$0x4FC0]  }
0x241: {  	v36 =	vld [tilespmem:$0x5000]  }
0x242: {  	v37 =	vld [tilespmem:$0x5040]  }
0x243: {  	v38 =	vld [tilespmem:$0x5080];
	_ =	sdelay $0x2  }
0x244: {  	v39 =	vld [tilespmem:$0x50C0]  }
0x245: {  	v40 =	vld [tilespmem:$0x5100];
	v9 =	vadd.bf16 v10, v9;
	v10 =	vadd.bf16 v34, v11  }
0x246: {  	v11 =	vadd.bf16 v36, v35;
	v41 =	vadd.bf16 v38, v37;
	_ =	sdelay $0x1  }
0x247: {  	v9 =	vadd.bf16 v10, v9;
	v10 =	vadd.bf16 v41, v11;
	_ =	sdelay $0x1  }
0x248: {  	v11 =	vadd.bf16 v40, v39;
	v9 =	vadd.bf16 v10, v9;
	_ =	sdelay $0x1  }
0x249: {  	v9 =	vadd.bf16 v11, v9;
	_ =	sdelay $0x1  }
0x24a: {  	v10 =	vunpack.i.l.bf16.f32 v9  }
0x24b: {  	v9 =	vunpack.i.u.bf16.f32 v9;
	v10 =	vmul.f32 v10, v8  }
0x24c: {  	v9 =	vmul.f32 v9, v8  }
0x24d: {  	[tilespmem:v0+s25+$0x0] =	vst.idx.msk $0xffff, v10  }
0x24e: {  	[tilespmem:v1+s25+$0x0] =	vst.idx.msk $0xffff, v9  }
0x24f: {  	v9 =	vld [tilespmem:$0x4ED0]  }
0x250: {  	v10 =	vld [tilespmem:$0x4F10]  }
0x251: {  	v11 =	vld [tilespmem:$0x4F50]  }
0x252: {  	v42 =	vld [tilespmem:$0x4F90]  }
0x253: {  	v43 =	vld [tilespmem:$0x4FD0]  }
0x254: {  	v44 =	vld [tilespmem:$0x5010]  }
0x255: {  	v45 =	vld [tilespmem:$0x5050]  }
0x256: {  	v46 =	vld [tilespmem:$0x5090];
	_ =	sdelay $0x2  }
0x257: {  	v47 =	vld [tilespmem:$0x50D0]  }
0x258: {  	v48 =	vld [tilespmem:$0x5110];
	v9 =	vadd.bf16 v10, v9;
	v10 =	vadd.bf16 v42, v11  }
0x259: {  	v11 =	vadd.bf16 v44, v43;
	v49 =	vadd.bf16 v46, v45;
	_ =	sdelay $0x1  }
0x25a: {  	v9 =	vadd.bf16 v10, v9;
	v10 =	vadd.bf16 v49, v11;
	_ =	sdelay $0x1  }
0x25b: {  	v11 =	vadd.bf16 v48, v47;
	v9 =	vadd.bf16 v10, v9;
	_ =	sdelay $0x1  }
0x25c: {  	v9 =	vadd.bf16 v11, v9;
	_ =	sdelay $0x1  }
0x25d: {  	v10 =	vunpack.i.l.bf16.f32 v9  }
0x25e: {  	v9 =	vunpack.i.u.bf16.f32 v9;
	v10 =	vmul.f32 v10, v8  }
0x25f: {  	v9 =	vmul.f32 v9, v8  }
0x260: {  	[tilespmem:v2+s25+$0x0] =	vst.idx.msk $0xffff, v10  }
0x261: {  	[tilespmem:v3+s25+$0x0] =	vst.idx.msk $0xffff, v9  }
0x262: {  	v9 =	vld [tilespmem:$0x4EE0]  }
0x263: {  	v10 =	vld [tilespmem:$0x4F20]  }
0x264: {  	v11 =	vld [tilespmem:$0x4F60]  }
0x265: {  	v50 =	vld [tilespmem:$0x4FA0]  }
0x266: {  	v51 =	vld [tilespmem:$0x4FE0]  }
0x267: {  	v52 =	vld [tilespmem:$0x5020]  }
0x268: {  	v53 =	vld [tilespmem:$0x5060]  }
0x269: {  	v54 =	vld [tilespmem:$0x50A0];
	_ =	sdelay $0x2  }
0x26a: {  	v55 =	vld [tilespmem:$0x50E0]  }
0x26b: {  	v56 =	vld [tilespmem:$0x5120];
	v9 =	vadd.bf16 v10, v9;
	v10 =	vadd.bf16 v50, v11  }
0x26c: {  	v11 =	vadd.bf16 v52, v51;
	v57 =	vadd.bf16 v54, v53;
	_ =	sdelay $0x1  }
0x26d: {  	v9 =	vadd.bf16 v10, v9;
	v10 =	vadd.bf16 v57, v11;
	_ =	sdelay $0x1  }
0x26e: {  	v11 =	vadd.bf16 v56, v55;
	v9 =	vadd.bf16 v10, v9;
	_ =	sdelay $0x1  }
0x26f: {  	v9 =	vadd.bf16 v11, v9;
	_ =	sdelay $0x1  }
0x270: {  	v10 =	vunpack.i.l.bf16.f32 v9  }
0x271: {  	v9 =	vunpack.i.u.bf16.f32 v9;
	v10 =	vmul.f32 v10, v8  }
0x272: {  	v9 =	vmul.f32 v9, v8  }
0x273: {  	[tilespmem:v4+s25+$0x0] =	vst.idx.msk $0xffff, v10  }
0x274: {  	[tilespmem:v5+s25+$0x0] =	vst.idx.msk $0xffff, v9  }
0x275: {  	v9 =	vld [tilespmem:$0x4EF0]  }
0x276: {  	v10 =	vld [tilespmem:$0x4F30]  }
0x277: {  	v11 =	vld [tilespmem:$0x4F70]  }
0x278: {  	v58 =	vld [tilespmem:$0x4FB0]  }
0x279: {  	v59 =	vld [tilespmem:$0x4FF0]  }
0x27a: {  	v60 =	vld [tilespmem:$0x5030]  }
0x27b: {  	v61 =	vld [tilespmem:$0x5070]  }
0x27c: {  	v62 =	vld [tilespmem:$0x50B0];
	_ =	sdelay $0x2  }
0x27d: {  	v63 =	vld [tilespmem:$0x50F0]  }
0x27e: {  	v21 =	vld [tilespmem:$0x5130];
	v9 =	vadd.bf16 v10, v9;
	v10 =	vadd.bf16 v58, v11  }
0x27f: {  	v11 =	vadd.bf16 v60, v59;
	v22 =	vadd.bf16 v62, v61;
	_ =	sdelay $0x1  }
0x280: {  	v9 =	vadd.bf16 v10, v9;
	v10 =	vadd.bf16 v22, v11;
	_ =	sdelay $0x1  }
0x281: {  	v11 =	vadd.bf16 v21, v63;
	v9 =	vadd.bf16 v10, v9;
	_ =	sdelay $0x1  }
0x282: {  	v9 =	vadd.bf16 v11, v9  }
0x283: {  	p1 =	slt.s32 s8, s6;
	s11 =	smov.u32 s6  }
0x284: {  	s11 =	smov.u32 @p1 s8;
	v10 =	vunpack.i.l.bf16.f32 v9  }
0x285: {  	s9 =	sadd.s32 s2, s11;
	s11 =	sadd.s32 $0x2, s8;
	v9 =	vunpack.i.u.bf16.f32 v9;
	v10 =	vmul.f32 v10, v8  }
0x286: {  	s5 =	smov.u32 s6;
	s9 =	sshll.u32 s9, $0x7;
	p1 =	slt.s32 s11, s6;
	v9 =	vmul.f32 v9, v8  }
0x287: {  	s9 =	sand.u32 $0x1FFFFF80, s9;
	s5 =	smov.u32 @p1 s11;
	[tilespmem:v6+s25+$0x0] =	vst.idx.msk $0xffff, v10  }
0x288: {  	s9 =	sadd.s32 s3, s9;
	s5 =	smul.u32 $0x140, s5;
	[tilespmem:v7+s25+$0x0] =	vst.idx.msk $0xffff, v9  }
0x289: {  	[hbm4b:s9+s4] =	stream.linear.scatter [tilespmem:s18], [sflag:$0x3], $0x400, $0x38;
	[tilespmem:$0x6D50] =	vst v63  }
0x28a: {  	s5 =	sshra.s32 s5, $0x2  }
0x28b: {  	[tilespmem:s15], [sflag:$0x1] =	stream.indirect.gather [hbm4b:s13+s14], $0x40, s5, s14, $0xb8;
	[tilespmem:$0x6D50] =	vst v63  }
0x28c: {  	_ =	swait.ge [sflag:s26], $0x1400  }
0x28d: {  	[sflag:s26] =	ssyncset.done $0x0  }
0x28e: {  	s5 =	simm.s32 @!p0 $0x4;
	[sflag:s26] =	ssyncadd.s32 $0xFFFFEC00  }
0x28f: {  	_ =	swait.ge @!p0 [sflag:s5], $0x400  }
0x290: {  	[sflag:s5] =	ssyncset.done @!p0 $0x0  }
0x291: {  	[sflag:s5] =	ssyncadd.s32 @!p0 $0xFFFFFC00  }
0x292: {  	v9 =	vld [tilespmem:$0x5140]  }
0x293: {  	v10 =	vld [tilespmem:$0x5180]  }
0x294: {  	v11 =	vld [tilespmem:$0x51C0]  }
0x295: {  	v23 =	vld [tilespmem:$0x5200]  }
0x296: {  	v24 =	vld [tilespmem:$0x5240]  }
0x297: {  	v25 =	vld [tilespmem:$0x5280]  }
0x298: {  	v26 =	vld [tilespmem:$0x52C0]  }
0x299: {  	v27 =	vld [tilespmem:$0x5300];
	_ =	sdelay $0x2  }
0x29a: {  	v28 =	vld [tilespmem:$0x5340]  }
0x29b: {  	v29 =	vld [tilespmem:$0x5380];
	v9 =	vadd.bf16 v10, v9;
	v10 =	vadd.bf16 v23, v11  }
0x29c: {  	v11 =	vadd.bf16 v25, v24;
	v30 =	vadd.bf16 v27, v26;
	_ =	sdelay $0x1  }
0x29d: {  	v9 =	vadd.bf16 v10, v9;
	v10 =	vadd.bf16 v30, v11;
	_ =	sdelay $0x1  }
0x29e: {  	v11 =	vadd.bf16 v29, v28;
	v9 =	vadd.bf16 v10, v9;
	_ =	sdelay $0x1  }
0x29f: {  	v9 =	vadd.bf16 v11, v9;
	_ =	sdelay $0x1  }
0x2a0: {  	v10 =	vunpack.i.l.bf16.f32 v9  }
0x2a1: {  	v9 =	vunpack.i.u.bf16.f32 v9;
	v10 =	vmul.f32 v10, v8  }
0x2a2: {  	v9 =	vmul.f32 v9, v8  }
0x2a3: {  	[tilespmem:v0+s28+$0x0] =	vst.idx.msk $0xffff, v10  }
0x2a4: {  	[tilespmem:v1+s28+$0x0] =	vst.idx.msk $0xffff, v9  }
0x2a5: {  	v9 =	vld [tilespmem:$0x5150]  }
0x2a6: {  	v10 =	vld [tilespmem:$0x5190]  }
0x2a7: {  	v11 =	vld [tilespmem:$0x51D0]  }
0x2a8: {  	v31 =	vld [tilespmem:$0x5210]  }
0x2a9: {  	v32 =	vld [tilespmem:$0x5250]  }
0x2aa: {  	v33 =	vld [tilespmem:$0x5290]  }
0x2ab: {  	v34 =	vld [tilespmem:$0x52D0]  }
0x2ac: {  	v35 =	vld [tilespmem:$0x5310];
	_ =	sdelay $0x2  }
0x2ad: {  	v36 =	vld [tilespmem:$0x5350]  }
0x2ae: {  	v37 =	vld [tilespmem:$0x5390];
	v9 =	vadd.bf16 v10, v9;
	v10 =	vadd.bf16 v31, v11  }
0x2af: {  	v11 =	vadd.bf16 v33, v32;
	v38 =	vadd.bf16 v35, v34;
	_ =	sdelay $0x1  }
0x2b0: {  	v9 =	vadd.bf16 v10, v9;
	v10 =	vadd.bf16 v38, v11;
	_ =	sdelay $0x1  }
0x2b1: {  	v11 =	vadd.bf16 v37, v36;
	v9 =	vadd.bf16 v10, v9;
	_ =	sdelay $0x1  }
0x2b2: {  	v9 =	vadd.bf16 v11, v9;
	_ =	sdelay $0x1  }
0x2b3: {  	v10 =	vunpack.i.l.bf16.f32 v9  }
0x2b4: {  	v9 =	vunpack.i.u.bf16.f32 v9;
	v10 =	vmul.f32 v10, v8  }
0x2b5: {  	v9 =	vmul.f32 v9, v8  }
0x2b6: {  	[tilespmem:v2+s28+$0x0] =	vst.idx.msk $0xffff, v10  }
0x2b7: {  	[tilespmem:v3+s28+$0x0] =	vst.idx.msk $0xffff, v9  }
0x2b8: {  	v9 =	vld [tilespmem:$0x5160]  }
0x2b9: {  	v10 =	vld [tilespmem:$0x51A0]  }
0x2ba: {  	v11 =	vld [tilespmem:$0x51E0]  }
0x2bb: {  	v39 =	vld [tilespmem:$0x5220]  }
0x2bc: {  	v40 =	vld [tilespmem:$0x5260]  }
0x2bd: {  	v41 =	vld [tilespmem:$0x52A0]  }
0x2be: {  	v42 =	vld [tilespmem:$0x52E0]  }
0x2bf: {  	v43 =	vld [tilespmem:$0x5320];
	_ =	sdelay $0x2  }
0x2c0: {  	v44 =	vld [tilespmem:$0x5360]  }
0x2c1: {  	v45 =	vld [tilespmem:$0x53A0];
	v9 =	vadd.bf16 v10, v9;
	v10 =	vadd.bf16 v39, v11  }
0x2c2: {  	v11 =	vadd.bf16 v41, v40;
	v46 =	vadd.bf16 v43, v42;
	_ =	sdelay $0x1  }
0x2c3: {  	v9 =	vadd.bf16 v10, v9;
	v10 =	vadd.bf16 v46, v11;
	_ =	sdelay $0x1  }
0x2c4: {  	v11 =	vadd.bf16 v45, v44;
	v9 =	vadd.bf16 v10, v9;
	_ =	sdelay $0x1  }
0x2c5: {  	v9 =	vadd.bf16 v11, v9;
	_ =	sdelay $0x1  }
0x2c6: {  	v10 =	vunpack.i.l.bf16.f32 v9  }
0x2c7: {  	v9 =	vunpack.i.u.bf16.f32 v9;
	v10 =	vmul.f32 v10, v8  }
0x2c8: {  	v9 =	vmul.f32 v9, v8  }
0x2c9: {  	[tilespmem:v4+s28+$0x0] =	vst.idx.msk $0xffff, v10  }
0x2ca: {  	[tilespmem:v5+s28+$0x0] =	vst.idx.msk $0xffff, v9  }
0x2cb: {  	v9 =	vld [tilespmem:$0x5170]  }
0x2cc: {  	v10 =	vld [tilespmem:$0x51B0]  }
0x2cd: {  	v11 =	vld [tilespmem:$0x51F0]  }
0x2ce: {  	v47 =	vld [tilespmem:$0x5230]  }
0x2cf: {  	v48 =	vld [tilespmem:$0x5270]  }
0x2d0: {  	v49 =	vld [tilespmem:$0x52B0]  }
0x2d1: {  	v50 =	vld [tilespmem:$0x52F0]  }
0x2d2: {  	v51 =	vld [tilespmem:$0x5330];
	_ =	sdelay $0x2  }
0x2d3: {  	v52 =	vld [tilespmem:$0x5370]  }
0x2d4: {  	v53 =	vld [tilespmem:$0x53B0];
	v9 =	vadd.bf16 v10, v9;
	v10 =	vadd.bf16 v47, v11  }
0x2d5: {  	v11 =	vadd.bf16 v49, v48;
	v54 =	vadd.bf16 v51, v50;
	_ =	sdelay $0x1  }
0x2d6: {  	v9 =	vadd.bf16 v10, v9;
	v10 =	vadd.bf16 v54, v11;
	_ =	sdelay $0x1  }
0x2d7: {  	v11 =	vadd.bf16 v53, v52;
	v9 =	vadd.bf16 v10, v9;
	_ =	sdelay $0x1  }
0x2d8: {  	v9 =	vadd.bf16 v11, v9;
	_ =	sdelay $0x1  }
0x2d9: {  	v10 =	vunpack.i.l.bf16.f32 v9  }
0x2da: {  	v9 =	vunpack.i.u.bf16.f32 v9;
	v10 =	vmul.f32 v10, v8  }
0x2db: {  	v9 =	vmul.f32 v9, v8  }
0x2dc: {  	[tilespmem:v6+s28+$0x0] =	vst.idx.msk $0xffff, v10  }
0x2dd: {  	[tilespmem:v7+s28+$0x0] =	vst.idx.msk $0xffff, v9  }
0x2de: {  	v9 =	vld [tilespmem:$0x53C0]  }
0x2df: {  	v10 =	vld [tilespmem:$0x5400]  }
0x2e0: {  	v11 =	vld [tilespmem:$0x5440]  }
0x2e1: {  	v55 =	vld [tilespmem:$0x5480]  }
0x2e2: {  	v56 =	vld [tilespmem:$0x54C0]  }
0x2e3: {  	v57 =	vld [tilespmem:$0x5500]  }
0x2e4: {  	v58 =	vld [tilespmem:$0x5540]  }
0x2e5: {  	v59 =	vld [tilespmem:$0x5580];
	_ =	sdelay $0x2  }
0x2e6: {  	v60 =	vld [tilespmem:$0x55C0]  }
0x2e7: {  	v61 =	vld [tilespmem:$0x5600];
	v9 =	vadd.bf16 v10, v9;
	v10 =	vadd.bf16 v55, v11  }
0x2e8: {  	v11 =	vadd.bf16 v57, v56;
	v62 =	vadd.bf16 v59, v58;
	_ =	sdelay $0x1  }
0x2e9: {  	v9 =	vadd.bf16 v10, v9;
	v10 =	vadd.bf16 v62, v11;
	_ =	sdelay $0x1  }
0x2ea: {  	v11 =	vadd.bf16 v61, v60;
	v9 =	vadd.bf16 v10, v9;
	_ =	sdelay $0x1  }
0x2eb: {  	v9 =	vadd.bf16 v11, v9;
	_ =	sdelay $0x1  }
0x2ec: {  	v10 =	vunpack.i.l.bf16.f32 v9  }
0x2ed: {  	v9 =	vunpack.i.u.bf16.f32 v9;
	v10 =	vmul.f32 v10, v8  }
0x2ee: {  	v9 =	vmul.f32 v9, v8  }
0x2ef: {  	[tilespmem:v0+s29+$0x0] =	vst.idx.msk $0xffff, v10  }
0x2f0: {  	[tilespmem:v1+s29+$0x0] =	vst.idx.msk $0xffff, v9  }
0x2f1: {  	v9 =	vld [tilespmem:$0x53D0]  }
0x2f2: {  	v10 =	vld [tilespmem:$0x5410]  }
0x2f3: {  	v11 =	vld [tilespmem:$0x5450]  }
0x2f4: {  	v63 =	vld [tilespmem:$0x5490]  }
0x2f5: {  	v21 =	vld [tilespmem:$0x54D0]  }
0x2f6: {  	v22 =	vld [tilespmem:$0x5510]  }
0x2f7: {  	v23 =	vld [tilespmem:$0x5550]  }
0x2f8: {  	v24 =	vld [tilespmem:$0x5590];
	_ =	sdelay $0x2  }
0x2f9: {  	v25 =	vld [tilespmem:$0x55D0]  }
0x2fa: {  	v26 =	vld [tilespmem:$0x5610];
	v9 =	vadd.bf16 v10, v9;
	v10 =	vadd.bf16 v63, v11  }
0x2fb: {  	v11 =	vadd.bf16 v22, v21;
	v27 =	vadd.bf16 v24, v23;
	_ =	sdelay $0x1  }
0x2fc: {  	v9 =	vadd.bf16 v10, v9;
	v10 =	vadd.bf16 v27, v11;
	_ =	sdelay $0x1  }
0x2fd: {  	v11 =	vadd.bf16 v26, v25;
	v9 =	vadd.bf16 v10, v9;
	_ =	sdelay $0x1  }
0x2fe: {  	v9 =	vadd.bf16 v11, v9;
	_ =	sdelay $0x1  }
0x2ff: {  	v10 =	vunpack.i.l.bf16.f32 v9  }
0x300: {  	v9 =	vunpack.i.u.bf16.f32 v9;
	v10 =	vmul.f32 v10, v8  }
0x301: {  	v9 =	vmul.f32 v9, v8  }
0x302: {  	[tilespmem:v2+s29+$0x0] =	vst.idx.msk $0xffff, v10  }
0x303: {  	[tilespmem:v3+s29+$0x0] =	vst.idx.msk $0xffff, v9  }
0x304: {  	v9 =	vld [tilespmem:$0x53E0]  }
0x305: {  	v10 =	vld [tilespmem:$0x5420]  }
0x306: {  	v11 =	vld [tilespmem:$0x5460]  }
0x307: {  	v28 =	vld [tilespmem:$0x54A0]  }
0x308: {  	v29 =	vld [tilespmem:$0x54E0]  }
0x309: {  	v30 =	vld [tilespmem:$0x5520]  }
0x30a: {  	v31 =	vld [tilespmem:$0x5560]  }
0x30b: {  	v32 =	vld [tilespmem:$0x55A0];
	_ =	sdelay $0x2  }
0x30c: {  	v33 =	vld [tilespmem:$0x55E0]  }
0x30d: {  	v34 =	vld [tilespmem:$0x5620];
	v9 =	vadd.bf16 v10, v9;
	v10 =	vadd.bf16 v28, v11  }
0x30e: {  	v11 =	vadd.bf16 v30, v29;
	v35 =	vadd.bf16 v32, v31;
	_ =	sdelay $0x1  }
0x30f: {  	v9 =	vadd.bf16 v10, v9;
	v10 =	vadd.bf16 v35, v11;
	_ =	sdelay $0x1  }
0x310: {  	v11 =	vadd.bf16 v34, v33;
	v9 =	vadd.bf16 v10, v9;
	_ =	sdelay $0x1  }
0x311: {  	v9 =	vadd.bf16 v11, v9;
	_ =	sdelay $0x1  }
0x312: {  	v10 =	vunpack.i.l.bf16.f32 v9  }
0x313: {  	v9 =	vunpack.i.u.bf16.f32 v9;
	v10 =	vmul.f32 v10, v8  }
0x314: {  	v9 =	vmul.f32 v9, v8  }
0x315: {  	[tilespmem:v4+s29+$0x0] =	vst.idx.msk $0xffff, v10  }
0x316: {  	[tilespmem:v5+s29+$0x0] =	vst.idx.msk $0xffff, v9  }
0x317: {  	v9 =	vld [tilespmem:$0x53F0]  }
0x318: {  	v10 =	vld [tilespmem:$0x5430]  }
0x319: {  	v11 =	vld [tilespmem:$0x5470]  }
0x31a: {  	v36 =	vld [tilespmem:$0x54B0]  }
0x31b: {  	v37 =	vld [tilespmem:$0x54F0]  }
0x31c: {  	v38 =	vld [tilespmem:$0x5530]  }
0x31d: {  	v39 =	vld [tilespmem:$0x5570]  }
0x31e: {  	v40 =	vld [tilespmem:$0x55B0];
	_ =	sdelay $0x2  }
0x31f: {  	v41 =	vld [tilespmem:$0x55F0]  }
0x320: {  	v42 =	vld [tilespmem:$0x5630];
	v9 =	vadd.bf16 v10, v9;
	v10 =	vadd.bf16 v36, v11  }
0x321: {  	v11 =	vadd.bf16 v38, v37;
	v43 =	vadd.bf16 v40, v39;
	_ =	sdelay $0x1  }
0x322: {  	v9 =	vadd.bf16 v10, v9;
	v10 =	vadd.bf16 v43, v11;
	_ =	sdelay $0x1  }
0x323: {  	v11 =	vadd.bf16 v42, v41;
	v9 =	vadd.bf16 v10, v9;
	_ =	sdelay $0x1  }
0x324: {  	v9 =	vadd.bf16 v11, v9;
	_ =	sdelay $0x1  }
0x325: {  	v10 =	vunpack.i.l.bf16.f32 v9  }
0x326: {  	v9 =	vunpack.i.u.bf16.f32 v9;
	v10 =	vmul.f32 v10, v8  }
0x327: {  	v9 =	vmul.f32 v9, v8  }
0x328: {  	[tilespmem:v6+s29+$0x0] =	vst.idx.msk $0xffff, v10  }
0x329: {  	[tilespmem:v7+s29+$0x0] =	vst.idx.msk $0xffff, v9  }
0x32a: {  	v9 =	vld [tilespmem:$0x5640]  }
0x32b: {  	v10 =	vld [tilespmem:$0x5680]  }
0x32c: {  	v11 =	vld [tilespmem:$0x56C0]  }
0x32d: {  	v44 =	vld [tilespmem:$0x5700]  }
0x32e: {  	v45 =	vld [tilespmem:$0x5740]  }
0x32f: {  	v46 =	vld [tilespmem:$0x5780]  }
0x330: {  	v47 =	vld [tilespmem:$0x57C0]  }
0x331: {  	v48 =	vld [tilespmem:$0x5800];
	_ =	sdelay $0x2  }
0x332: {  	v49 =	vld [tilespmem:$0x5840]  }
0x333: {  	v50 =	vld [tilespmem:$0x5880];
	v9 =	vadd.bf16 v10, v9;
	v10 =	vadd.bf16 v44, v11  }
0x334: {  	v11 =	vadd.bf16 v46, v45;
	v51 =	vadd.bf16 v48, v47;
	_ =	sdelay $0x1  }
0x335: {  	v9 =	vadd.bf16 v10, v9;
	v10 =	vadd.bf16 v51, v11;
	_ =	sdelay $0x1  }
0x336: {  	v11 =	vadd.bf16 v50, v49;
	v9 =	vadd.bf16 v10, v9;
	_ =	sdelay $0x1  }
0x337: {  	v9 =	vadd.bf16 v11, v9;
	_ =	sdelay $0x1  }
0x338: {  	v10 =	vunpack.i.l.bf16.f32 v9  }
0x339: {  	v9 =	vunpack.i.u.bf16.f32 v9;
	v10 =	vmul.f32 v10, v8  }
0x33a: {  	v9 =	vmul.f32 v9, v8  }
0x33b: {  	[tilespmem:v0+s30+$0x0] =	vst.idx.msk $0xffff, v10  }
0x33c: {  	[tilespmem:v1+s30+$0x0] =	vst.idx.msk $0xffff, v9  }
0x33d: {  	v9 =	vld [tilespmem:$0x5650]  }
0x33e: {  	v10 =	vld [tilespmem:$0x5690]  }
0x33f: {  	v11 =	vld [tilespmem:$0x56D0]  }
0x340: {  	v52 =	vld [tilespmem:$0x5710]  }
0x341: {  	v53 =	vld [tilespmem:$0x5750]  }
0x342: {  	v54 =	vld [tilespmem:$0x5790]  }
0x343: {  	v55 =	vld [tilespmem:$0x57D0]  }
0x344: {  	v56 =	vld [tilespmem:$0x5810];
	_ =	sdelay $0x2  }
0x345: {  	v57 =	vld [tilespmem:$0x5850]  }
0x346: {  	v58 =	vld [tilespmem:$0x5890];
	v9 =	vadd.bf16 v10, v9;
	v10 =	vadd.bf16 v52, v11  }
0x347: {  	v11 =	vadd.bf16 v54, v53;
	v59 =	vadd.bf16 v56, v55;
	_ =	sdelay $0x1  }
0x348: {  	v9 =	vadd.bf16 v10, v9;
	v10 =	vadd.bf16 v59, v11;
	_ =	sdelay $0x1  }
0x349: {  	v11 =	vadd.bf16 v58, v57;
	v9 =	vadd.bf16 v10, v9;
	_ =	sdelay $0x1  }
0x34a: {  	v9 =	vadd.bf16 v11, v9;
	_ =	sdelay $0x1  }
0x34b: {  	v10 =	vunpack.i.l.bf16.f32 v9  }
0x34c: {  	v9 =	vunpack.i.u.bf16.f32 v9;
	v10 =	vmul.f32 v10, v8  }
0x34d: {  	v9 =	vmul.f32 v9, v8  }
0x34e: {  	[tilespmem:v2+s30+$0x0] =	vst.idx.msk $0xffff, v10  }
0x34f: {  	[tilespmem:v3+s30+$0x0] =	vst.idx.msk $0xffff, v9  }
0x350: {  	v9 =	vld [tilespmem:$0x5660]  }
0x351: {  	v10 =	vld [tilespmem:$0x56A0]  }
0x352: {  	v11 =	vld [tilespmem:$0x56E0]  }
0x353: {  	v60 =	vld [tilespmem:$0x5720]  }
0x354: {  	v61 =	vld [tilespmem:$0x5760]  }
0x355: {  	v62 =	vld [tilespmem:$0x57A0]  }
0x356: {  	v63 =	vld [tilespmem:$0x57E0]  }
0x357: {  	v21 =	vld [tilespmem:$0x5820];
	_ =	sdelay $0x2  }
0x358: {  	v22 =	vld [tilespmem:$0x5860]  }
0x359: {  	v23 =	vld [tilespmem:$0x58A0];
	v9 =	vadd.bf16 v10, v9;
	v10 =	vadd.bf16 v60, v11  }
0x35a: {  	v11 =	vadd.bf16 v62, v61;
	v24 =	vadd.bf16 v21, v63;
	_ =	sdelay $0x1  }
0x35b: {  	v9 =	vadd.bf16 v10, v9;
	v10 =	vadd.bf16 v24, v11;
	_ =	sdelay $0x1  }
0x35c: {  	v11 =	vadd.bf16 v23, v22;
	v9 =	vadd.bf16 v10, v9;
	_ =	sdelay $0x1  }
0x35d: {  	v9 =	vadd.bf16 v11, v9;
	_ =	sdelay $0x1  }
0x35e: {  	v10 =	vunpack.i.l.bf16.f32 v9  }
0x35f: {  	v9 =	vunpack.i.u.bf16.f32 v9;
	v10 =	vmul.f32 v10, v8  }
0x360: {  	v9 =	vmul.f32 v9, v8  }
0x361: {  	[tilespmem:v4+s30+$0x0] =	vst.idx.msk $0xffff, v10  }
0x362: {  	[tilespmem:v5+s30+$0x0] =	vst.idx.msk $0xffff, v9  }
0x363: {  	v9 =	vld [tilespmem:$0x5670]  }
0x364: {  	v10 =	vld [tilespmem:$0x56B0]  }
0x365: {  	v11 =	vld [tilespmem:$0x56F0]  }
0x366: {  	v25 =	vld [tilespmem:$0x5730]  }
0x367: {  	v26 =	vld [tilespmem:$0x5770]  }
0x368: {  	v27 =	vld [tilespmem:$0x57B0]  }
0x369: {  	v28 =	vld [tilespmem:$0x57F0]  }
0x36a: {  	v29 =	vld [tilespmem:$0x5830];
	_ =	sdelay $0x2  }
0x36b: {  	v30 =	vld [tilespmem:$0x5870]  }
0x36c: {  	v31 =	vld [tilespmem:$0x58B0];
	v9 =	vadd.bf16 v10, v9;
	v10 =	vadd.bf16 v25, v11  }
0x36d: {  	v11 =	vadd.bf16 v27, v26;
	v32 =	vadd.bf16 v29, v28;
	_ =	sdelay $0x1  }
0x36e: {  	v9 =	vadd.bf16 v10, v9;
	v10 =	vadd.bf16 v32, v11;
	_ =	sdelay $0x1  }
0x36f: {  	v11 =	vadd.bf16 v31, v30;
	v9 =	vadd.bf16 v10, v9;
	_ =	sdelay $0x1  }
0x370: {  	v9 =	vadd.bf16 v11, v9;
	_ =	sdelay $0x1  }
0x371: {  	v10 =	vunpack.i.l.bf16.f32 v9  }
0x372: {  	v9 =	vunpack.i.u.bf16.f32 v9;
	v10 =	vmul.f32 v10, v8  }
0x373: {  	v9 =	vmul.f32 v9, v8  }
0x374: {  	[tilespmem:v6+s30+$0x0] =	vst.idx.msk $0xffff, v10  }
0x375: {  	[tilespmem:v7+s30+$0x0] =	vst.idx.msk $0xffff, v9  }
0x376: {  	v9 =	vld [tilespmem:$0x58C0]  }
0x377: {  	v10 =	vld [tilespmem:$0x5900]  }
0x378: {  	v11 =	vld [tilespmem:$0x5940]  }
0x379: {  	v33 =	vld [tilespmem:$0x5980]  }
0x37a: {  	v34 =	vld [tilespmem:$0x59C0]  }
0x37b: {  	v35 =	vld [tilespmem:$0x5A00]  }
0x37c: {  	v36 =	vld [tilespmem:$0x5A40]  }
0x37d: {  	v37 =	vld [tilespmem:$0x5A80];
	_ =	sdelay $0x2  }
0x37e: {  	v38 =	vld [tilespmem:$0x5AC0]  }
0x37f: {  	v39 =	vld [tilespmem:$0x5B00];
	v9 =	vadd.bf16 v10, v9;
	v10 =	vadd.bf16 v33, v11  }
0x380: {  	v11 =	vadd.bf16 v35, v34;
	v40 =	vadd.bf16 v37, v36;
	_ =	sdelay $0x1  }
0x381: {  	v9 =	vadd.bf16 v10, v9;
	v10 =	vadd.bf16 v40, v11;
	_ =	sdelay $0x1  }
0x382: {  	v11 =	vadd.bf16 v39, v38;
	v9 =	vadd.bf16 v10, v9;
	_ =	sdelay $0x1  }
0x383: {  	v9 =	vadd.bf16 v11, v9;
	_ =	sdelay $0x1  }
0x384: {  	v10 =	vunpack.i.l.bf16.f32 v9  }
0x385: {  	v9 =	vunpack.i.u.bf16.f32 v9;
	v10 =	vmul.f32 v10, v8  }
0x386: {  	v9 =	vmul.f32 v9, v8  }
0x387: {  	[tilespmem:v0+s31+$0x0] =	vst.idx.msk $0xffff, v10  }
0x388: {  	[tilespmem:v1+s31+$0x0] =	vst.idx.msk $0xffff, v9  }
0x389: {  	v9 =	vld [tilespmem:$0x58D0]  }
0x38a: {  	v10 =	vld [tilespmem:$0x5910]  }
0x38b: {  	v11 =	vld [tilespmem:$0x5950]  }
0x38c: {  	v41 =	vld [tilespmem:$0x5990]  }
0x38d: {  	v42 =	vld [tilespmem:$0x59D0]  }
0x38e: {  	v43 =	vld [tilespmem:$0x5A10]  }
0x38f: {  	v44 =	vld [tilespmem:$0x5A50]  }
0x390: {  	v45 =	vld [tilespmem:$0x5A90];
	_ =	sdelay $0x2  }
0x391: {  	v46 =	vld [tilespmem:$0x5AD0]  }
0x392: {  	v47 =	vld [tilespmem:$0x5B10];
	v9 =	vadd.bf16 v10, v9;
	v10 =	vadd.bf16 v41, v11  }
0x393: {  	v11 =	vadd.bf16 v43, v42;
	v48 =	vadd.bf16 v45, v44;
	_ =	sdelay $0x1  }
0x394: {  	v9 =	vadd.bf16 v10, v9;
	v10 =	vadd.bf16 v48, v11;
	_ =	sdelay $0x1  }
0x395: {  	v11 =	vadd.bf16 v47, v46;
	v9 =	vadd.bf16 v10, v9;
	_ =	sdelay $0x1  }
0x396: {  	v9 =	vadd.bf16 v11, v9;
	_ =	sdelay $0x1  }
0x397: {  	v10 =	vunpack.i.l.bf16.f32 v9  }
0x398: {  	v9 =	vunpack.i.u.bf16.f32 v9;
	v10 =	vmul.f32 v10, v8  }
0x399: {  	v9 =	vmul.f32 v9, v8  }
0x39a: {  	[tilespmem:v2+s31+$0x0] =	vst.idx.msk $0xffff, v10  }
0x39b: {  	[tilespmem:v3+s31+$0x0] =	vst.idx.msk $0xffff, v9  }
0x39c: {  	v9 =	vld [tilespmem:$0x58E0]  }
0x39d: {  	v10 =	vld [tilespmem:$0x5920]  }
0x39e: {  	v11 =	vld [tilespmem:$0x5960]  }
0x39f: {  	v49 =	vld [tilespmem:$0x59A0]  }
0x3a0: {  	v50 =	vld [tilespmem:$0x59E0]  }
0x3a1: {  	v51 =	vld [tilespmem:$0x5A20]  }
0x3a2: {  	v52 =	vld [tilespmem:$0x5A60]  }
0x3a3: {  	v53 =	vld [tilespmem:$0x5AA0];
	_ =	sdelay $0x2  }
0x3a4: {  	v54 =	vld [tilespmem:$0x5AE0]  }
0x3a5: {  	v55 =	vld [tilespmem:$0x5B20];
	v9 =	vadd.bf16 v10, v9;
	v10 =	vadd.bf16 v49, v11  }
0x3a6: {  	v11 =	vadd.bf16 v51, v50;
	v56 =	vadd.bf16 v53, v52;
	_ =	sdelay $0x1  }
0x3a7: {  	v9 =	vadd.bf16 v10, v9;
	v10 =	vadd.bf16 v56, v11;
	_ =	sdelay $0x1  }
0x3a8: {  	v11 =	vadd.bf16 v55, v54;
	v9 =	vadd.bf16 v10, v9;
	_ =	sdelay $0x1  }
0x3a9: {  	v9 =	vadd.bf16 v11, v9;
	_ =	sdelay $0x1  }
0x3aa: {  	v10 =	vunpack.i.l.bf16.f32 v9  }
0x3ab: {  	v9 =	vunpack.i.u.bf16.f32 v9;
	v10 =	vmul.f32 v10, v8  }
0x3ac: {  	v9 =	vmul.f32 v9, v8  }
0x3ad: {  	[tilespmem:v4+s31+$0x0] =	vst.idx.msk $0xffff, v10  }
0x3ae: {  	[tilespmem:v5+s31+$0x0] =	vst.idx.msk $0xffff, v9  }
0x3af: {  	v9 =	vld [tilespmem:$0x58F0]  }
0x3b0: {  	v10 =	vld [tilespmem:$0x5930]  }
0x3b1: {  	v11 =	vld [tilespmem:$0x5970]  }
0x3b2: {  	v57 =	vld [tilespmem:$0x59B0]  }
0x3b3: {  	v58 =	vld [tilespmem:$0x59F0]  }
0x3b4: {  	v59 =	vld [tilespmem:$0x5A30]  }
0x3b5: {  	v60 =	vld [tilespmem:$0x5A70]  }
0x3b6: {  	v61 =	vld [tilespmem:$0x5AB0];
	_ =	sdelay $0x2  }
0x3b7: {  	v62 =	vld [tilespmem:$0x5AF0]  }
0x3b8: {  	v63 =	vld [tilespmem:$0x5B30];
	v9 =	vadd.bf16 v10, v9;
	v10 =	vadd.bf16 v57, v11  }
0x3b9: {  	v11 =	vadd.bf16 v59, v58;
	v21 =	vadd.bf16 v61, v60;
	_ =	sdelay $0x1  }
0x3ba: {  	v9 =	vadd.bf16 v10, v9;
	v10 =	vadd.bf16 v21, v11;
	_ =	sdelay $0x1  }
0x3bb: {  	v11 =	vadd.bf16 v63, v62;
	v9 =	vadd.bf16 v10, v9;
	_ =	sdelay $0x1  }
0x3bc: {  	v9 =	vadd.bf16 v11, v9;
	_ =	sdelay $0x1  }
0x3bd: {  	v10 =	vunpack.i.l.bf16.f32 v9  }
0x3be: {  	v9 =	vunpack.i.u.bf16.f32 v9;
	v10 =	vmul.f32 v10, v8  }
0x3bf: {  	v9 =	vmul.f32 v9, v8  }
0x3c0: {  	[tilespmem:v6+s31+$0x0] =	vst.idx.msk $0xffff, v10  }
0x3c1: {  	[tilespmem:v7+s31+$0x0] =	vst.idx.msk $0xffff, v9  }
0x3c2: {  	v9 =	vld [tilespmem:$0x5B40]  }
0x3c3: {  	v10 =	vld [tilespmem:$0x5B80]  }
0x3c4: {  	v11 =	vld [tilespmem:$0x5BC0]  }
0x3c5: {  	v22 =	vld [tilespmem:$0x5C00]  }
0x3c6: {  	v23 =	vld [tilespmem:$0x5C40]  }
0x3c7: {  	v24 =	vld [tilespmem:$0x5C80]  }
0x3c8: {  	v25 =	vld [tilespmem:$0x5CC0]  }
0x3c9: {  	v26 =	vld [tilespmem:$0x5D00];
	_ =	sdelay $0x2  }
0x3ca: {  	v27 =	vld [tilespmem:$0x5D40]  }
0x3cb: {  	v28 =	vld [tilespmem:$0x5D80];
	v9 =	vadd.bf16 v10, v9;
	v10 =	vadd.bf16 v22, v11  }
0x3cc: {  	v11 =	vadd.bf16 v24, v23;
	v29 =	vadd.bf16 v26, v25;
	_ =	sdelay $0x1  }
0x3cd: {  	v9 =	vadd.bf16 v10, v9;
	v10 =	vadd.bf16 v29, v11;
	_ =	sdelay $0x1  }
0x3ce: {  	v11 =	vadd.bf16 v28, v27;
	v9 =	vadd.bf16 v10, v9;
	_ =	sdelay $0x1  }
0x3cf: {  	v9 =	vadd.bf16 v11, v9;
	_ =	sdelay $0x1  }
0x3d0: {  	v10 =	vunpack.i.l.bf16.f32 v9  }
0x3d1: {  	v9 =	vunpack.i.u.bf16.f32 v9;
	v10 =	vmul.f32 v10, v8  }
0x3d2: {  	v9 =	vmul.f32 v9, v8  }
0x3d3: {  	[tilespmem:v0+s1+$0x0] =	vst.idx.msk $0xffff, v10  }
0x3d4: {  	[tilespmem:v1+s1+$0x0] =	vst.idx.msk $0xffff, v9  }
0x3d5: {  	v9 =	vld [tilespmem:$0x5B50]  }
0x3d6: {  	v10 =	vld [tilespmem:$0x5B90]  }
0x3d7: {  	v11 =	vld [tilespmem:$0x5BD0]  }
0x3d8: {  	v30 =	vld [tilespmem:$0x5C10]  }
0x3d9: {  	v31 =	vld [tilespmem:$0x5C50]  }
0x3da: {  	v32 =	vld [tilespmem:$0x5C90]  }
0x3db: {  	v33 =	vld [tilespmem:$0x5CD0]  }
0x3dc: {  	v34 =	vld [tilespmem:$0x5D10];
	_ =	sdelay $0x2  }
0x3dd: {  	v35 =	vld [tilespmem:$0x5D50]  }
0x3de: {  	v36 =	vld [tilespmem:$0x5D90];
	v9 =	vadd.bf16 v10, v9;
	v10 =	vadd.bf16 v30, v11  }
0x3df: {  	v11 =	vadd.bf16 v32, v31;
	v37 =	vadd.bf16 v34, v33;
	_ =	sdelay $0x1  }
0x3e0: {  	v9 =	vadd.bf16 v10, v9;
	v10 =	vadd.bf16 v37, v11;
	_ =	sdelay $0x1  }
0x3e1: {  	v11 =	vadd.bf16 v36, v35;
	v9 =	vadd.bf16 v10, v9;
	_ =	sdelay $0x1  }
0x3e2: {  	v9 =	vadd.bf16 v11, v9;
	_ =	sdelay $0x1  }
0x3e3: {  	v10 =	vunpack.i.l.bf16.f32 v9  }
0x3e4: {  	v9 =	vunpack.i.u.bf16.f32 v9;
	v10 =	vmul.f32 v10, v8  }
0x3e5: {  	v9 =	vmul.f32 v9, v8  }
0x3e6: {  	[tilespmem:v2+s1+$0x0] =	vst.idx.msk $0xffff, v10  }
0x3e7: {  	[tilespmem:v3+s1+$0x0] =	vst.idx.msk $0xffff, v9  }
0x3e8: {  	v9 =	vld [tilespmem:$0x5B60]  }
0x3e9: {  	v10 =	vld [tilespmem:$0x5BA0]  }
0x3ea: {  	v11 =	vld [tilespmem:$0x5BE0]  }
0x3eb: {  	v38 =	vld [tilespmem:$0x5C20]  }
0x3ec: {  	v39 =	vld [tilespmem:$0x5C60]  }
0x3ed: {  	v40 =	vld [tilespmem:$0x5CA0]  }
0x3ee: {  	v41 =	vld [tilespmem:$0x5CE0]  }
0x3ef: {  	v42 =	vld [tilespmem:$0x5D20];
	_ =	sdelay $0x2  }
0x3f0: {  	v43 =	vld [tilespmem:$0x5D60]  }
0x3f1: {  	v44 =	vld [tilespmem:$0x5DA0];
	v9 =	vadd.bf16 v10, v9;
	v10 =	vadd.bf16 v38, v11  }
0x3f2: {  	v11 =	vadd.bf16 v40, v39;
	v45 =	vadd.bf16 v42, v41;
	_ =	sdelay $0x1  }
0x3f3: {  	v9 =	vadd.bf16 v10, v9;
	v10 =	vadd.bf16 v45, v11;
	_ =	sdelay $0x1  }
0x3f4: {  	v11 =	vadd.bf16 v44, v43;
	v9 =	vadd.bf16 v10, v9;
	_ =	sdelay $0x1  }
0x3f5: {  	v9 =	vadd.bf16 v11, v9;
	_ =	sdelay $0x1  }
0x3f6: {  	v10 =	vunpack.i.l.bf16.f32 v9  }
0x3f7: {  	v9 =	vunpack.i.u.bf16.f32 v9;
	v10 =	vmul.f32 v10, v8  }
0x3f8: {  	v9 =	vmul.f32 v9, v8  }
0x3f9: {  	[tilespmem:v4+s1+$0x0] =	vst.idx.msk $0xffff, v10  }
0x3fa: {  	[tilespmem:v5+s1+$0x0] =	vst.idx.msk $0xffff, v9  }
0x3fb: {  	v9 =	vld [tilespmem:$0x5B70]  }
0x3fc: {  	v10 =	vld [tilespmem:$0x5BB0]  }
0x3fd: {  	v11 =	vld [tilespmem:$0x5BF0]  }
0x3fe: {  	v46 =	vld [tilespmem:$0x5C30]  }
0x3ff: {  	v47 =	vld [tilespmem:$0x5C70]  }
0x400: {  	v48 =	vld [tilespmem:$0x5CB0]  }
0x401: {  	v49 =	vld [tilespmem:$0x5CF0]  }
0x402: {  	v50 =	vld [tilespmem:$0x5D30];
	_ =	sdelay $0x2  }
0x403: {  	v51 =	vld [tilespmem:$0x5D70]  }
0x404: {  	v52 =	vld [tilespmem:$0x5DB0];
	v9 =	vadd.bf16 v10, v9;
	v10 =	vadd.bf16 v46, v11  }
0x405: {  	v11 =	vadd.bf16 v48, v47;
	v53 =	vadd.bf16 v50, v49;
	_ =	sdelay $0x1  }
0x406: {  	v9 =	vadd.bf16 v10, v9;
	v10 =	vadd.bf16 v53, v11;
	_ =	sdelay $0x1  }
0x407: {  	v11 =	vadd.bf16 v52, v51;
	v9 =	vadd.bf16 v10, v9;
	_ =	sdelay $0x1  }
0x408: {  	v9 =	vadd.bf16 v11, v9;
	_ =	sdelay $0x1  }
0x409: {  	v10 =	vunpack.i.l.bf16.f32 v9  }
0x40a: {  	v9 =	vunpack.i.u.bf16.f32 v9;
	v10 =	vmul.f32 v10, v8  }
0x40b: {  	v9 =	vmul.f32 v9, v8  }
0x40c: {  	[tilespmem:v6+s1+$0x0] =	vst.idx.msk $0xffff, v10  }
0x40d: {  	[tilespmem:v7+s1+$0x0] =	vst.idx.msk $0xffff, v9  }
0x40e: {  	v9 =	vld [tilespmem:$0x5DC0]  }
0x40f: {  	v10 =	vld [tilespmem:$0x5E00]  }
0x410: {  	v11 =	vld [tilespmem:$0x5E40]  }
0x411: {  	v54 =	vld [tilespmem:$0x5E80]  }
0x412: {  	v55 =	vld [tilespmem:$0x5EC0]  }
0x413: {  	v56 =	vld [tilespmem:$0x5F00]  }
0x414: {  	v57 =	vld [tilespmem:$0x5F40]  }
0x415: {  	v58 =	vld [tilespmem:$0x5F80];
	_ =	sdelay $0x2  }
0x416: {  	v59 =	vld [tilespmem:$0x5FC0]  }
0x417: {  	v60 =	vld [tilespmem:$0x6000];
	v9 =	vadd.bf16 v10, v9;
	v10 =	vadd.bf16 v54, v11  }
0x418: {  	v11 =	vadd.bf16 v56, v55;
	v61 =	vadd.bf16 v58, v57;
	_ =	sdelay $0x1  }
0x419: {  	v9 =	vadd.bf16 v10, v9;
	v10 =	vadd.bf16 v61, v11;
	_ =	sdelay $0x1  }
0x41a: {  	v11 =	vadd.bf16 v60, v59;
	v9 =	vadd.bf16 v10, v9;
	_ =	sdelay $0x1  }
0x41b: {  	v9 =	vadd.bf16 v11, v9;
	_ =	sdelay $0x1  }
0x41c: {  	v10 =	vunpack.i.l.bf16.f32 v9  }
0x41d: {  	v9 =	vunpack.i.u.bf16.f32 v9;
	v10 =	vmul.f32 v10, v8  }
0x41e: {  	v9 =	vmul.f32 v9, v8  }
0x41f: {  	[tilespmem:v0+s0+$0x0] =	vst.idx.msk $0xffff, v10  }
0x420: {  	[tilespmem:v1+s0+$0x0] =	vst.idx.msk $0xffff, v9  }
0x421: {  	v9 =	vld [tilespmem:$0x5DD0]  }
0x422: {  	v10 =	vld [tilespmem:$0x5E10]  }
0x423: {  	v11 =	vld [tilespmem:$0x5E50]  }
0x424: {  	v62 =	vld [tilespmem:$0x5E90]  }
0x425: {  	v63 =	vld [tilespmem:$0x5ED0]  }
0x426: {  	v21 =	vld [tilespmem:$0x5F10]  }
0x427: {  	v22 =	vld [tilespmem:$0x5F50]  }
0x428: {  	v23 =	vld [tilespmem:$0x5F90];
	_ =	sdelay $0x2  }
0x429: {  	v24 =	vld [tilespmem:$0x5FD0]  }
0x42a: {  	v25 =	vld [tilespmem:$0x6010];
	v9 =	vadd.bf16 v10, v9;
	v10 =	vadd.bf16 v62, v11  }
0x42b: {  	v11 =	vadd.bf16 v21, v63;
	v26 =	vadd.bf16 v23, v22;
	_ =	sdelay $0x1  }
0x42c: {  	v9 =	vadd.bf16 v10, v9;
	v10 =	vadd.bf16 v26, v11;
	_ =	sdelay $0x1  }
0x42d: {  	v11 =	vadd.bf16 v25, v24;
	v9 =	vadd.bf16 v10, v9;
	_ =	sdelay $0x1  }
0x42e: {  	v9 =	vadd.bf16 v11, v9;
	_ =	sdelay $0x1  }
0x42f: {  	v10 =	vunpack.i.l.bf16.f32 v9  }
0x430: {  	v9 =	vunpack.i.u.bf16.f32 v9;
	v10 =	vmul.f32 v10, v8  }
0x431: {  	v9 =	vmul.f32 v9, v8  }
0x432: {  	[tilespmem:v2+s0+$0x0] =	vst.idx.msk $0xffff, v10  }
0x433: {  	[tilespmem:v3+s0+$0x0] =	vst.idx.msk $0xffff, v9  }
0x434: {  	v9 =	vld [tilespmem:$0x5DE0]  }
0x435: {  	v10 =	vld [tilespmem:$0x5E20]  }
0x436: {  	v11 =	vld [tilespmem:$0x5E60]  }
0x437: {  	v27 =	vld [tilespmem:$0x5EA0]  }
0x438: {  	v28 =	vld [tilespmem:$0x5EE0]  }
0x439: {  	v29 =	vld [tilespmem:$0x5F20]  }
0x43a: {  	v30 =	vld [tilespmem:$0x5F60]  }
0x43b: {  	v31 =	vld [tilespmem:$0x5FA0];
	_ =	sdelay $0x2  }
0x43c: {  	v32 =	vld [tilespmem:$0x5FE0]  }
0x43d: {  	v33 =	vld [tilespmem:$0x6020];
	v9 =	vadd.bf16 v10, v9;
	v10 =	vadd.bf16 v27, v11  }
0x43e: {  	v11 =	vadd.bf16 v29, v28;
	v34 =	vadd.bf16 v31, v30;
	_ =	sdelay $0x1  }
0x43f: {  	v9 =	vadd.bf16 v10, v9;
	v10 =	vadd.bf16 v34, v11;
	_ =	sdelay $0x1  }
0x440: {  	v11 =	vadd.bf16 v33, v32;
	v9 =	vadd.bf16 v10, v9;
	_ =	sdelay $0x1  }
0x441: {  	v9 =	vadd.bf16 v11, v9;
	_ =	sdelay $0x1  }
0x442: {  	v10 =	vunpack.i.l.bf16.f32 v9  }
0x443: {  	v9 =	vunpack.i.u.bf16.f32 v9;
	v10 =	vmul.f32 v10, v8  }
0x444: {  	v9 =	vmul.f32 v9, v8  }
0x445: {  	[tilespmem:v4+s0+$0x0] =	vst.idx.msk $0xffff, v10  }
0x446: {  	[tilespmem:v5+s0+$0x0] =	vst.idx.msk $0xffff, v9  }
0x447: {  	v9 =	vld [tilespmem:$0x5DF0]  }
0x448: {  	v10 =	vld [tilespmem:$0x5E30]  }
0x449: {  	v11 =	vld [tilespmem:$0x5E70]  }
0x44a: {  	v35 =	vld [tilespmem:$0x5EB0]  }
0x44b: {  	v36 =	vld [tilespmem:$0x5EF0]  }
0x44c: {  	v37 =	vld [tilespmem:$0x5F30]  }
0x44d: {  	v38 =	vld [tilespmem:$0x5F70]  }
0x44e: {  	v39 =	vld [tilespmem:$0x5FB0];
	_ =	sdelay $0x2  }
0x44f: {  	v40 =	vld [tilespmem:$0x5FF0]  }
0x450: {  	v41 =	vld [tilespmem:$0x6030];
	v9 =	vadd.bf16 v10, v9;
	v10 =	vadd.bf16 v35, v11  }
0x451: {  	v11 =	vadd.bf16 v37, v36;
	v42 =	vadd.bf16 v39, v38;
	_ =	sdelay $0x1  }
0x452: {  	v9 =	vadd.bf16 v10, v9;
	v10 =	vadd.bf16 v42, v11;
	_ =	sdelay $0x1  }
0x453: {  	v11 =	vadd.bf16 v41, v40;
	v9 =	vadd.bf16 v10, v9;
	_ =	sdelay $0x1  }
0x454: {  	v9 =	vadd.bf16 v11, v9;
	_ =	sdelay $0x1  }
0x455: {  	v10 =	vunpack.i.l.bf16.f32 v9  }
0x456: {  	v9 =	vunpack.i.u.bf16.f32 v9;
	v10 =	vmul.f32 v10, v8  }
0x457: {  	v9 =	vmul.f32 v9, v8  }
0x458: {  	[tilespmem:v6+s0+$0x0] =	vst.idx.msk $0xffff, v10  }
0x459: {  	[tilespmem:v7+s0+$0x0] =	vst.idx.msk $0xffff, v9  }
0x45a: {  	v9 =	vld [tilespmem:$0x6040]  }
0x45b: {  	v10 =	vld [tilespmem:$0x6080]  }
0x45c: {  	v11 =	vld [tilespmem:$0x60C0]  }
0x45d: {  	v43 =	vld [tilespmem:$0x6100]  }
0x45e: {  	v44 =	vld [tilespmem:$0x6140]  }
0x45f: {  	v45 =	vld [tilespmem:$0x6180]  }
0x460: {  	v46 =	vld [tilespmem:$0x61C0]  }
0x461: {  	v47 =	vld [tilespmem:$0x6200];
	_ =	sdelay $0x2  }
0x462: {  	v48 =	vld [tilespmem:$0x6240]  }
0x463: {  	v49 =	vld [tilespmem:$0x6280];
	v9 =	vadd.bf16 v10, v9;
	v10 =	vadd.bf16 v43, v11  }
0x464: {  	v11 =	vadd.bf16 v45, v44;
	v50 =	vadd.bf16 v47, v46;
	_ =	sdelay $0x1  }
0x465: {  	v9 =	vadd.bf16 v10, v9;
	v10 =	vadd.bf16 v50, v11;
	_ =	sdelay $0x1  }
0x466: {  	v11 =	vadd.bf16 v49, v48;
	v9 =	vadd.bf16 v10, v9;
	_ =	sdelay $0x1  }
0x467: {  	v9 =	vadd.bf16 v11, v9;
	_ =	sdelay $0x1  }
0x468: {  	v10 =	vunpack.i.l.bf16.f32 v9  }
0x469: {  	v9 =	vunpack.i.u.bf16.f32 v9;
	v10 =	vmul.f32 v10, v8  }
0x46a: {  	v9 =	vmul.f32 v9, v8  }
0x46b: {  	[tilespmem:v0+s12+$0x0] =	vst.idx.msk $0xffff, v10  }
0x46c: {  	[tilespmem:v1+s12+$0x0] =	vst.idx.msk $0xffff, v9  }
0x46d: {  	v9 =	vld [tilespmem:$0x6050]  }
0x46e: {  	v10 =	vld [tilespmem:$0x6090]  }
0x46f: {  	v11 =	vld [tilespmem:$0x60D0]  }
0x470: {  	v51 =	vld [tilespmem:$0x6110]  }
0x471: {  	v52 =	vld [tilespmem:$0x6150]  }
0x472: {  	v53 =	vld [tilespmem:$0x6190]  }
0x473: {  	v54 =	vld [tilespmem:$0x61D0]  }
0x474: {  	v55 =	vld [tilespmem:$0x6210];
	_ =	sdelay $0x2  }
0x475: {  	v56 =	vld [tilespmem:$0x6250]  }
0x476: {  	v57 =	vld [tilespmem:$0x6290];
	v9 =	vadd.bf16 v10, v9;
	v10 =	vadd.bf16 v51, v11  }
0x477: {  	v11 =	vadd.bf16 v53, v52;
	v58 =	vadd.bf16 v55, v54;
	_ =	sdelay $0x1  }
0x478: {  	v9 =	vadd.bf16 v10, v9;
	v10 =	vadd.bf16 v58, v11;
	_ =	sdelay $0x1  }
0x479: {  	v11 =	vadd.bf16 v57, v56;
	v9 =	vadd.bf16 v10, v9;
	_ =	sdelay $0x1  }
0x47a: {  	v9 =	vadd.bf16 v11, v9;
	_ =	sdelay $0x1  }
0x47b: {  	v10 =	vunpack.i.l.bf16.f32 v9  }
0x47c: {  	v9 =	vunpack.i.u.bf16.f32 v9;
	v10 =	vmul.f32 v10, v8  }
0x47d: {  	v9 =	vmul.f32 v9, v8  }
0x47e: {  	[tilespmem:v2+s12+$0x0] =	vst.idx.msk $0xffff, v10  }
0x47f: {  	[tilespmem:v3+s12+$0x0] =	vst.idx.msk $0xffff, v9  }
0x480: {  	v9 =	vld [tilespmem:$0x6060]  }
0x481: {  	v10 =	vld [tilespmem:$0x60A0]  }
0x482: {  	v11 =	vld [tilespmem:$0x60E0]  }
0x483: {  	v59 =	vld [tilespmem:$0x6120]  }
0x484: {  	v60 =	vld [tilespmem:$0x6160]  }
0x485: {  	v61 =	vld [tilespmem:$0x61A0]  }
0x486: {  	v62 =	vld [tilespmem:$0x61E0]  }
0x487: {  	v63 =	vld [tilespmem:$0x6220];
	_ =	sdelay $0x2  }
0x488: {  	v21 =	vld [tilespmem:$0x6260]  }
0x489: {  	v22 =	vld [tilespmem:$0x62A0];
	v9 =	vadd.bf16 v10, v9;
	v10 =	vadd.bf16 v59, v11  }
0x48a: {  	v11 =	vadd.bf16 v61, v60;
	v23 =	vadd.bf16 v63, v62;
	_ =	sdelay $0x1  }
0x48b: {  	v9 =	vadd.bf16 v10, v9;
	v10 =	vadd.bf16 v23, v11;
	_ =	sdelay $0x1  }
0x48c: {  	v11 =	vadd.bf16 v22, v21;
	v9 =	vadd.bf16 v10, v9;
	_ =	sdelay $0x1  }
0x48d: {  	v9 =	vadd.bf16 v11, v9;
	_ =	sdelay $0x1  }
0x48e: {  	v10 =	vunpack.i.l.bf16.f32 v9  }
0x48f: {  	v9 =	vunpack.i.u.bf16.f32 v9;
	v10 =	vmul.f32 v10, v8  }
0x490: {  	v9 =	vmul.f32 v9, v8  }
0x491: {  	[tilespmem:v4+s12+$0x0] =	vst.idx.msk $0xffff, v10  }
0x492: {  	[tilespmem:v5+s12+$0x0] =	vst.idx.msk $0xffff, v9  }
0x493: {  	v9 =	vld [tilespmem:$0x6070]  }
0x494: {  	v10 =	vld [tilespmem:$0x60B0]  }
0x495: {  	v11 =	vld [tilespmem:$0x60F0]  }
0x496: {  	v24 =	vld [tilespmem:$0x6130]  }
0x497: {  	v25 =	vld [tilespmem:$0x6170]  }
0x498: {  	v26 =	vld [tilespmem:$0x61B0]  }
0x499: {  	v27 =	vld [tilespmem:$0x61F0]  }
0x49a: {  	v28 =	vld [tilespmem:$0x6230];
	_ =	sdelay $0x2  }
0x49b: {  	v29 =	vld [tilespmem:$0x6270]  }
0x49c: {  	v30 =	vld [tilespmem:$0x62B0];
	v9 =	vadd.bf16 v10, v9;
	v10 =	vadd.bf16 v24, v11  }
0x49d: {  	v11 =	vadd.bf16 v26, v25;
	v31 =	vadd.bf16 v28, v27;
	_ =	sdelay $0x1  }
0x49e: {  	v9 =	vadd.bf16 v10, v9;
	v10 =	vadd.bf16 v31, v11;
	_ =	sdelay $0x1  }
0x49f: {  	v11 =	vadd.bf16 v30, v29;
	v9 =	vadd.bf16 v10, v9;
	_ =	sdelay $0x1  }
0x4a0: {  	v9 =	vadd.bf16 v11, v9;
	_ =	sdelay $0x1  }
0x4a1: {  	v10 =	vunpack.i.l.bf16.f32 v9  }
0x4a2: {  	v9 =	vunpack.i.u.bf16.f32 v9;
	v10 =	vmul.f32 v10, v8  }
0x4a3: {  	v9 =	vmul.f32 v9, v8  }
0x4a4: {  	[tilespmem:v6+s12+$0x0] =	vst.idx.msk $0xffff, v10  }
0x4a5: {  	[tilespmem:v7+s12+$0x0] =	vst.idx.msk $0xffff, v9  }
0x4a6: {  	v9 =	vld [tilespmem:$0x62C0]  }
0x4a7: {  	v10 =	vld [tilespmem:$0x6300]  }
0x4a8: {  	v11 =	vld [tilespmem:$0x6340]  }
0x4a9: {  	v32 =	vld [tilespmem:$0x6380]  }
0x4aa: {  	v33 =	vld [tilespmem:$0x63C0]  }
0x4ab: {  	v34 =	vld [tilespmem:$0x6400]  }
0x4ac: {  	v35 =	vld [tilespmem:$0x6440]  }
0x4ad: {  	v36 =	vld [tilespmem:$0x6480];
	_ =	sdelay $0x2  }
0x4ae: {  	v37 =	vld [tilespmem:$0x64C0]  }
0x4af: {  	v38 =	vld [tilespmem:$0x6500];
	v9 =	vadd.bf16 v10, v9;
	v10 =	vadd.bf16 v32, v11  }
0x4b0: {  	v11 =	vadd.bf16 v34, v33;
	v39 =	vadd.bf16 v36, v35;
	_ =	sdelay $0x1  }
0x4b1: {  	v9 =	vadd.bf16 v10, v9;
	v10 =	vadd.bf16 v39, v11;
	_ =	sdelay $0x1  }
0x4b2: {  	v11 =	vadd.bf16 v38, v37;
	v9 =	vadd.bf16 v10, v9;
	_ =	sdelay $0x1  }
0x4b3: {  	v9 =	vadd.bf16 v11, v9;
	_ =	sdelay $0x1  }
0x4b4: {  	v10 =	vunpack.i.l.bf16.f32 v9  }
0x4b5: {  	v9 =	vunpack.i.u.bf16.f32 v9;
	v10 =	vmul.f32 v10, v8  }
0x4b6: {  	v9 =	vmul.f32 v9, v8  }
0x4b7: {  	[tilespmem:v0+s7+$0x0] =	vst.idx.msk $0xffff, v10  }
0x4b8: {  	[tilespmem:v1+s7+$0x0] =	vst.idx.msk $0xffff, v9  }
0x4b9: {  	v9 =	vld [tilespmem:$0x62D0]  }
0x4ba: {  	v10 =	vld [tilespmem:$0x6310]  }
0x4bb: {  	v11 =	vld [tilespmem:$0x6350]  }
0x4bc: {  	v40 =	vld [tilespmem:$0x6390]  }
0x4bd: {  	v41 =	vld [tilespmem:$0x63D0]  }
0x4be: {  	v42 =	vld [tilespmem:$0x6410]  }
0x4bf: {  	v43 =	vld [tilespmem:$0x6450]  }
0x4c0: {  	v44 =	vld [tilespmem:$0x6490];
	_ =	sdelay $0x2  }
0x4c1: {  	v45 =	vld [tilespmem:$0x64D0]  }
0x4c2: {  	v46 =	vld [tilespmem:$0x6510];
	v9 =	vadd.bf16 v10, v9;
	v10 =	vadd.bf16 v40, v11  }
0x4c3: {  	v11 =	vadd.bf16 v42, v41;
	v47 =	vadd.bf16 v44, v43;
	_ =	sdelay $0x1  }
0x4c4: {  	v9 =	vadd.bf16 v10, v9;
	v10 =	vadd.bf16 v47, v11;
	_ =	sdelay $0x1  }
0x4c5: {  	v11 =	vadd.bf16 v46, v45;
	v9 =	vadd.bf16 v10, v9;
	_ =	sdelay $0x1  }
0x4c6: {  	v9 =	vadd.bf16 v11, v9;
	_ =	sdelay $0x1  }
0x4c7: {  	v10 =	vunpack.i.l.bf16.f32 v9  }
0x4c8: {  	v9 =	vunpack.i.u.bf16.f32 v9;
	v10 =	vmul.f32 v10, v8  }
0x4c9: {  	v9 =	vmul.f32 v9, v8  }
0x4ca: {  	[tilespmem:v2+s7+$0x0] =	vst.idx.msk $0xffff, v10  }
0x4cb: {  	[tilespmem:v3+s7+$0x0] =	vst.idx.msk $0xffff, v9  }
0x4cc: {  	v9 =	vld [tilespmem:$0x62E0]  }
0x4cd: {  	v10 =	vld [tilespmem:$0x6320]  }
0x4ce: {  	v11 =	vld [tilespmem:$0x6360]  }
0x4cf: {  	v48 =	vld [tilespmem:$0x63A0]  }
0x4d0: {  	v49 =	vld [tilespmem:$0x63E0]  }
0x4d1: {  	v50 =	vld [tilespmem:$0x6420]  }
0x4d2: {  	v51 =	vld [tilespmem:$0x6460]  }
0x4d3: {  	v52 =	vld [tilespmem:$0x64A0];
	_ =	sdelay $0x2  }
0x4d4: {  	v53 =	vld [tilespmem:$0x64E0]  }
0x4d5: {  	v54 =	vld [tilespmem:$0x6520];
	v9 =	vadd.bf16 v10, v9;
	v10 =	vadd.bf16 v48, v11  }
0x4d6: {  	v11 =	vadd.bf16 v50, v49;
	v55 =	vadd.bf16 v52, v51;
	_ =	sdelay $0x1  }
0x4d7: {  	v9 =	vadd.bf16 v10, v9;
	v10 =	vadd.bf16 v55, v11;
	_ =	sdelay $0x1  }
0x4d8: {  	v11 =	vadd.bf16 v54, v53;
	v9 =	vadd.bf16 v10, v9;
	_ =	sdelay $0x1  }
0x4d9: {  	v9 =	vadd.bf16 v11, v9;
	_ =	sdelay $0x1  }
0x4da: {  	v10 =	vunpack.i.l.bf16.f32 v9  }
0x4db: {  	v9 =	vunpack.i.u.bf16.f32 v9;
	v10 =	vmul.f32 v10, v8  }
0x4dc: {  	v9 =	vmul.f32 v9, v8  }
0x4dd: {  	[tilespmem:v4+s7+$0x0] =	vst.idx.msk $0xffff, v10  }
0x4de: {  	[tilespmem:v5+s7+$0x0] =	vst.idx.msk $0xffff, v9  }
0x4df: {  	v9 =	vld [tilespmem:$0x62F0]  }
0x4e0: {  	v10 =	vld [tilespmem:$0x6330]  }
0x4e1: {  	v11 =	vld [tilespmem:$0x6370]  }
0x4e2: {  	v56 =	vld [tilespmem:$0x63B0]  }
0x4e3: {  	v57 =	vld [tilespmem:$0x63F0]  }
0x4e4: {  	v58 =	vld [tilespmem:$0x6430]  }
0x4e5: {  	v59 =	vld [tilespmem:$0x6470]  }
0x4e6: {  	v60 =	vld [tilespmem:$0x64B0];
	_ =	sdelay $0x2  }
0x4e7: {  	v61 =	vld [tilespmem:$0x64F0]  }
0x4e8: {  	v62 =	vld [tilespmem:$0x6530];
	v9 =	vadd.bf16 v10, v9;
	v10 =	vadd.bf16 v56, v11  }
0x4e9: {  	v11 =	vadd.bf16 v58, v57;
	v63 =	vadd.bf16 v60, v59;
	_ =	sdelay $0x1  }
0x4ea: {  	v9 =	vadd.bf16 v10, v9;
	v10 =	vadd.bf16 v63, v11;
	_ =	sdelay $0x1  }
0x4eb: {  	v11 =	vadd.bf16 v62, v61;
	v9 =	vadd.bf16 v10, v9;
	_ =	sdelay $0x1  }
0x4ec: {  	s5 =	sadd.s32 $0x1, s8;
	v9 =	vadd.bf16 v11, v9  }
0x4ed: {  	s9 =	smov.u32 s6;
	p0 =	slt.s32 s5, s6  }
0x4ee: {  	s8 =	sadd.s32 $0x3, s8;
	s9 =	smov.u32 @p0 s5;
	v10 =	vunpack.i.l.bf16.f32 v9  }
0x4ef: {  	p0 =	slt.s32 s8, s6;
	s5 =	sadd.s32 s2, s9;
	s9 =	smov.u32 s6;
	v9 =	vunpack.i.u.bf16.f32 v9;
	v10 =	vmul.f32 v10, v8  }
0x4f0: {  	s5 =	sshll.u32 s5, $0x7;
	s9 =	smov.u32 @p0 s8;
	p0 =	sne.s32 s11, $0xC4;
	v9 =	vmul.f32 v9, v8  }
.Ltmp0:
0x4f1: {  	s5 =	sand.u32 $0x1FFFFF80, s5;
	[tilespmem:v6+s7+$0x0] =	vst.idx.msk $0xffff, v10;
	(pc) =	sbr.rel @p0 .LBB2_2-.Ltmp0, $4  }
0x4f2: {  	s8 =	smul.u32 $0x140, s9;
	s5 =	sadd.s32 s3, s5;
	[tilespmem:v7+s7+$0x0] =	vst.idx.msk $0xffff, v9  }
0x4f3: {  	[hbm4b:s5+s4] =	stream.linear.scatter [tilespmem:s28], [sflag:$0x4], $0x400, $0x38;
	[tilespmem:$0x6D50] =	vst v63  }
0x4f4: {  	s9 =	sshra.s32 s8, $0x2;
	s8 =	smov.u32 s11  }
0x4f5: {  	[tilespmem:s16], [sflag:$0x2] =	stream.indirect.gather [hbm4b:s13+s14], $0x40, s9, s14, $0xb8;
	[tilespmem:$0x6D50] =	vst v63  }
0x4f6: {  	_ =	swait.ge [sflag:s17], $0x1400  }
0x4f7: {  	[sflag:s17] =	ssyncset.done $0x0  }
0x4f8: {  	s5 =	simm.s32 $0x3;
	[sflag:s17] =	ssyncadd.s32 $0xFFFFEC00  }
0x4f9: {  	_ =	swait.ge [sflag:s5], $0x400  }
0x4fa: {  	[sflag:s5] =	ssyncset.done $0x0  }
0x4fb: {  	[sflag:s5] =	ssyncadd.s32 $0xFFFFFC00  }
0x4fc: {  	_ =	swait.ge [sflag:s26], $0x1400  }
0x4fd: {  	[sflag:s26] =	ssyncset.done $0x0  }
0x4fe: {  	s8 =	simm.s32 $0x4;
	[sflag:s26] =	ssyncadd.s32 $0xFFFFEC00  }
0x4ff: {  	_ =	swait.ge [sflag:s8], $0x400  }
0x500: {  	s10 =	sadd.s32 $0x1, s10;
	s11 =	rddreg [dreg:$0x8]  }
0x501: {  	p0 =	sne.s32 s10, s11  }
.Ltmp1:
0x502: {  	_ = 	snop;
	(pc) =	sbr.rel @p0 .LBB2_1-.Ltmp1, $3  }
0x503: {  	_ =	sdelay $0x1  }
0x504: {  	[sflag:s8] =	ssyncset.done $0x0  }
0x505: {  	[sflag:s8] =	ssyncadd.s32 $0xFFFFFC00  }
0x506: {  	_ =	sfence.sel $0x180000  }
0x507: {  	[bflag:$0x0] =	sbarrier.arrive $0xFFFF  }
0x508: {  	_ =	strace $0x90000047  }
0x509: {  	s0 =	stileid.u32;
	[bflag:$0x2] =	sbarrier.arrive $0xFFFF  }
0x50a: {  	p0 =	sne.s32 s0, $0x0;
	s0 =	rddreg [dreg:$0x3]  }
0x50b: {  	s0 =	sadd.s32 @!p0 $0x100000, s0  }
0x50c: {  	[sflag:s0] =	ssyncadd.tile.s32 @!p0 $0x1;
	_ =	shalt  }
.Lfunc_end2:
_tile_overlayer_lowered:
.L_overlay_start_2:
0x50d: {  	(tag) =	ssettag $0x2  }
0x50e: {  	s0 =	rddreg [dreg:$0x0];
	s2 =	stileid.u32  }
0x50f: {  	s1 =	rddreg [dreg:$0x1];
	p0 =	sne.s32 s2, $0x0  }
0x510: {  	s3 =	rddreg [dreg:$0x2];
	[bflag:$0x3] =	sbarrier.arrive $0xFFFF;
	s2 =	simm.s32 @!p0 $0x1C05  }
0x511: {  	[timem:s3], [sflag:s2] =	dma.local @!p0 [hbm:s0], s1  }
0x512: {  	s0 =	simm.s32 @!p0 $0x5  }
0x513: {  	_ =	swait.ge @!p0 [sflag:s0], s1  }
0x514: {  	s1 =	ssub.s32 @!p0 $0x0, s1;
	[sflag:s0] =	ssyncset.done @!p0 $0x0  }
0x515: {  	[sflag:s0] =	ssyncadd.s32 @!p0 s1  }
0x516: {  	[bflag:$0x3] =	sbarrier.arrive $0xFFFF  }
0x517: {  	_ =	shalt  }

</sc_bundles>
